<compile_context>
chip_gen: v7x
topology: tpu7x:2x2x1
jax: 0.10.2.dev20260603
libtpu: 0.0.44.dev20260713+nightly
codegen_flags: <defaults>
</compile_context>

<pallas_src>
import functools
import math

import jax
import jax.numpy as jnp
import numpy as np
from jax import lax
from jax.experimental import pallas as pl
from jax.experimental.pallas import tpu as pltpu
from jax.experimental.pallas import tpu_sc as plsc

_VOCAB = 100000
_D = 64
_B = 4096
_L = 200
_SPE1 = 3
_SPE2 = 4
_N = _B * _L
_NC = 2
_NS = 16
_NW = _NC * _NS
_PER_W = _N // _NW
_C = 256
_G = _PER_W // _C
_SCALE = math.sqrt(_D)


def _positional_encoding_np():
    pos = np.arange(_L, dtype=np.float32)[:, None]
    div = np.exp(np.arange(0, _D, 2, dtype=np.float32) * (-math.log(10000.0) / _D))
    pe = np.zeros((_L, _D), dtype=np.float32)
    pe[:, 0::2] = np.sin(pos * div)
    pe[:, 1::2] = np.cos(pos * div)
    return pe


_PE = _positional_encoding_np()

_mesh = plsc.VectorSubcoreMesh(core_axis_name="c", subcore_axis_name="s")


@functools.partial(
    pl.kernel,
    out_type=jax.ShapeDtypeStruct((_N // 2, 2 * _D), jnp.float32),
    mesh=_mesh,
    compiler_params=pltpu.CompilerParams(use_tc_tiling_on_sc=False),
    scratch_types=[
        pltpu.VMEM_SHARED((3 * _L, _D), jnp.float32),
        pltpu.VMEM((2, _C, _D), jnp.float32),
        pltpu.VMEM((2, _C, _D), jnp.float32),
        pltpu.VMEM((2, _C // 2, 2 * _D), jnp.float32),
        pltpu.VMEM((2, _C), jnp.int32),
        pltpu.VMEM((2, _C), jnp.int32),
        pltpu.VMEM((2, _C), jnp.int32),
        pltpu.VMEM((72, _D), jnp.float32),
        pltpu.VMEM((2, _D), jnp.float32),
        pltpu.SemaphoreType.DMA,
        pltpu.SemaphoreType.DMA,
        pltpu.SemaphoreType.DMA,
        pltpu.SemaphoreType.DMA,
    ],
)
def _sc_kernel(ctx_hbm, seg_hbm, pidx_hbm, table_hbm, pe_hbm, out_hbm,
               comb_sp, dest, cbuf, obuf, idxb, segb, kbuf, prow, ps,
               isem, gsem, csem, osem):
    cid = lax.axis_index("c")
    sid = lax.axis_index("s")
    wid = sid * _NC + cid

    @pl.when(sid == 0)
    def _build_comb():
        pe_st = dest.at[0, pl.ds(0, _L)]
        t_st = dest.at[1, pl.ds(0, _L)]
        pltpu.sync_copy(pe_hbm, pe_st)
        pltpu.sync_copy(pe_st, comb_sp.at[pl.ds(0, _L)])
        for p in range(2):
            pltpu.sync_copy(pidx_hbm.at[pl.ds(p * 72, 72)],
                            idxb.at[0, pl.ds(0, 72)])
            pltpu.async_copy(table_hbm.at[idxb.at[0, pl.ds(0, 72)]],
                             prow.at[pl.ds(0, 72)], gsem).wait()
            for j in range(4):
                def _acc_body(i, a, j=j):
                    return a + prow[i, pl.ds(j * 16, 16)]
                acc = lax.fori_loop(0, 70, _acc_body,
                                    jnp.zeros((16,), jnp.float32))
                ps[p, pl.ds(j * 16, 16)] = acc
        for p in range(2):
            def _sec_body(l, _, p=p):
                for j in range(4):
                    t_st[l, pl.ds(j * 16, 16)] = (
                        pe_st[l, pl.ds(j * 16, 16)]
                        + ps[p, pl.ds(j * 16, 16)])
                return 0
            lax.fori_loop(0, _L, _sec_body, 0)
            pltpu.sync_copy(t_st, comb_sp.at[pl.ds((1 + p) * _L, _L)])
    plsc.subcore_barrier()

    base_w = wid * _PER_W

    def _fire_idx(q, slot):
        base = base_w + q * _C
        pltpu.async_copy(ctx_hbm.at[pl.ds(base, _C)], idxb.at[slot], isem)
        pltpu.async_copy(seg_hbm.at[pl.ds(base, _C)], segb.at[slot], isem)

    def _wait_idx(slot):
        pltpu.make_async_copy(ctx_hbm.at[pl.ds(0, _C)], idxb.at[slot],
                              isem).wait()
        pltpu.make_async_copy(seg_hbm.at[pl.ds(0, _C)], segb.at[slot],
                              isem).wait()

    def _kpass(q, slot):
        base = base_w + q * _C
        sb = segb.at[slot]
        kb = kbuf.at[slot]

        def _kgrp(t, _):
            r0 = t * 16
            sv = sb[pl.ds(r0, 16)]
            lv = lax.rem(base + r0 + lax.iota(jnp.int32, 16), _L)
            kb[pl.ds(r0, 16)] = lv + jnp.where(
                sv == _SPE1, _L, jnp.where(sv == _SPE2, 2 * _L, 0))
            return 0
        lax.fori_loop(0, _C // 16, _kgrp, 0)

    def _fire_gathers(q, slot):
        for j in range(_C // 128):
            pltpu.async_copy(
                table_hbm.at[idxb.at[slot, pl.ds(j * 128, 128)]],
                dest.at[slot, pl.ds(j * 128, 128)], gsem)
            pltpu.async_copy(
                comb_sp.at[kbuf.at[slot, pl.ds(j * 128, 128)]],
                cbuf.at[slot, pl.ds(j * 128, 128)], csem)

    def _wait_gathers(slot):
        pltpu.make_async_copy(table_hbm.at[pl.ds(0, _C)], dest.at[slot],
                              gsem).wait()
        pltpu.make_async_copy(table_hbm.at[pl.ds(0, _C)], cbuf.at[slot],
                              csem).wait()

    def _fire_out(q, slot):
        base2 = (base_w + q * _C) // 2
        pltpu.async_copy(obuf.at[slot], out_hbm.at[pl.ds(base2, _C // 2)],
                         osem)

    def _wait_out():
        pltpu.make_async_copy(obuf.at[0], out_hbm.at[pl.ds(0, _C // 2)],
                              osem).wait()

    def _compute(slot):
        db = dest.at[slot]
        cb = cbuf.at[slot]
        ob = obuf.at[slot]

        def _cgrp(t, _):
            r0 = t * 8
            r2 = t * 4
            for i in range(8):
                for j in range(4):
                    ob[r2 + i // 2, pl.ds((i % 2) * _D + j * 16, 16)] = (
                        db[r0 + i, pl.ds(j * 16, 16)] * _SCALE
                        + cb[r0 + i, pl.ds(j * 16, 16)])
            return 0
        lax.fori_loop(0, _C // 8, _cgrp, 0)

    def _iter(q, b):
        nb = 1 - b

        @pl.when(q < _G - 1)
        def _():
            _wait_idx(nb)
            _kpass(q + 1, nb)
            _fire_gathers(q + 1, nb)

        _wait_gathers(b)

        @pl.when(q >= 2)
        def _():
            _wait_out()

        _compute(b)

        @pl.when(q < _G - 2)
        def _():
            _fire_idx(q + 2, b)

        _fire_out(q, b)

    pltpu.sync_copy(ctx_hbm.at[pl.ds(base_w, _C)], idxb.at[0])
    pltpu.sync_copy(seg_hbm.at[pl.ds(base_w, _C)], segb.at[0])
    _kpass(0, 0)
    _fire_gathers(0, 0)
    _fire_idx(1, 1)

    def _pair_body(p, _):
        _iter(2 * p, 0)
        _iter(2 * p + 1, 1)
        return 0
    lax.fori_loop(0, _G // 2, _pair_body, 0)
    _wait_out()
    _wait_out()


def kernel(context, segs, personas_no_tag, tags, table):
    pe = jnp.asarray(_PE)
    pnt = personas_no_tag.astype(jnp.int32)
    tg = tags.astype(jnp.int32)
    z2 = jnp.zeros((2,), jnp.int32)
    pidx = jnp.concatenate([pnt[0], tg[0], z2, pnt[1], tg[1], z2])
    out = _sc_kernel(
        context.reshape(-1).astype(jnp.int32),
        segs.reshape(-1).astype(jnp.int32),
        pidx,
        table.astype(jnp.float32),
        pe,
    )
    return out.reshape(_B, _L, _D)

# --- scband reference (transcript-rebuilt; emitter-appended) ---
"""Pipeline reference for scband-context-emb-56040733278552 (READ-ONLY COPY).

The authoritative reference and input builder live on the scoring server;
editing this copy changes nothing except your own understanding.
"""

import math
import jax, jax.numpy as jnp
import numpy as np

VOCAB = 100000
D = 64
B = 4096
L = 200
LP = 50
LT = 20
SPE1 = 3
SPE2 = 4
PAD = 0


def positional_encoding(length, d):
    pos = np.arange(length, dtype=np.float32)[:, None]
    div = np.exp(np.arange(0, d, 2, dtype=np.float32) * (-math.log(10000.0) / d))
    pe = np.zeros((length, d), dtype=np.float32)
    pe[:, 0::2] = np.sin(pos * div)
    pe[:, 1::2] = np.cos(pos * div)
    return jnp.asarray(pe)


def setup_inputs(seed: int = 0) -> dict:
    key = jax.random.key(seed)
    k1, k2, k3, k4, k5 = jax.random.split(key, 5)
    context = jax.random.randint(k1, (B, L), 0, VOCAB)
    segs = jax.random.randint(k2, (B, L), 0, 5)
    personas_no_tag = jax.random.randint(k3, (2, LP), 0, VOCAB)
    tags = jax.random.randint(k4, (2, LT), 0, VOCAB)
    table = jax.random.normal(k5, (VOCAB, D), dtype=jnp.float32) * 0.02
    table = table.at[PAD].set(0.0)
    return {"context": context, "segs": segs, "personas_no_tag": personas_no_tag, "tags": tags, "table": table}


def reference(context, segs, personas_no_tag, tags, table):
    # emb = self.emb(feature.context) * sqrt(emb_dim)
    emb = jnp.take(table, context, axis=0) * math.sqrt(D)
    # segs_emb computed in original forward (embedding lookup), not used downstream
    segs_emb = jnp.take(table, segs, axis=0)
    personas_emb = jnp.take(table, personas_no_tag, axis=0)  # [2, LP, D]
    tags_emb = jnpp_take = jnp.take(table, tags, axis=0)  # [2, LT, D]
    personas_sum = jnp.concatenate([personas_emb, tags_emb], axis=1).sum(axis=1)  # [2, D]
    # fn: where(segs == idx, emb + personas_sum[i], emb)
    m1 = (segs == SPE1)[:, :, None]
    emb = jnp.where(jnp.broadcast_to(m1, emb.shape), emb + personas_sum[0], emb)
    m2 = (segs == SPE2)[:, :, None]
    emb = jnp.where(jnp.broadcast_to(m2, emb.shape), emb + personas_sum[1], emb)
    # emb = emb + pos_encoder(emb); dropout in eval mode = identity
    pe = positional_encoding(L, D)
    emb = emb + pe[None, :, :]
    return emb

if __name__ == "__main__":
    import jax
    _d = setup_inputs()
    print(jax.jit(kernel)(*tuple(_d.values())))

</pallas_src>

<mosaic_0001>
#map = affine_map<(d0, d1) -> (0)>
#map1 = affine_map<(d0, d1) -> (0, 0)>
module attributes {stable_mosaic.version = 14 : i64} {
  func.func @_sc_kernel(%arg0: i32, %arg1: i32, %arg2: memref<819200xi32, #tpu.memory_space<hbm>>, %arg3: memref<819200xi32, #tpu.memory_space<hbm>>, %arg4: memref<144xi32, #tpu.memory_space<hbm>>, %arg5: memref<100000x64xf32, #tpu.memory_space<hbm>>, %arg6: memref<200x64xf32, #tpu.memory_space<hbm>>, %arg7: memref<409600x128xf32, #tpu.memory_space<hbm>>, %arg8: memref<600x64xf32, #tpu.memory_space<vmem_shared>>, %arg9: memref<2x256x64xf32, #tpu.memory_space<vmem>>, %arg10: memref<2x256x64xf32, #tpu.memory_space<vmem>>, %arg11: memref<2x128x128xf32, #tpu.memory_space<vmem>>, %arg12: memref<2x256xi32, #tpu.memory_space<vmem>>, %arg13: memref<2x256xi32, #tpu.memory_space<vmem>>, %arg14: memref<2x256xi32, #tpu.memory_space<vmem>>, %arg15: memref<72x64xf32, #tpu.memory_space<vmem>>, %arg16: memref<2x64xf32, #tpu.memory_space<vmem>>, %arg17: memref<!tpu.dma_semaphore, #tpu.memory_space<semaphore_mem>>, %arg18: memref<!tpu.dma_semaphore, #tpu.memory_space<semaphore_mem>>, %arg19: memref<!tpu.dma_semaphore, #tpu.memory_space<semaphore_mem>>, %arg20: memref<!tpu.dma_semaphore, #tpu.memory_space<semaphore_mem>>) attributes {dimension_semantics = [#tpu.dimension_semantics<core_parallel>, #tpu.dimension_semantics<subcore_parallel>], iteration_bounds = array<i64: 2, 16>, scalar_prefetch = 0 : i64, scratch_operands = 13 : i64, tpu.core_type = #tpu.core_type<sc_vector_subcore>, window_params = [{transform_indices = #map}, {transform_indices = #map}, {transform_indices = #map}, {transform_indices = #map1}, {transform_indices = #map1}, {transform_indices = #map1}]} {
    %mul3A = arith.constant 2 : i32
    %mul3A_0 = arith.muli %arg1, %mul3A : i32
    %add3A = arith.addi %mul3A_0, %arg0 : i32
    %eq3A = arith.constant 0 : i32
    %eq3A_1 = arith.cmpi eq, %arg1, %eq3A : i32
    %convert_element_type3A = arith.extui %eq3A_1 : i1 to i32
    %cond3A = arith.constant 0 : i32
    %cond3A_2 = arith.cmpi ne, %convert_element_type3A, %cond3A : i32
    scf.if %cond3A_2 {
      %run_scoped3A_119 = arith.constant 0 : i32
      "tpu.region"() ({
        %run_scoped3A_293 = tpu.sem_alloc : memref<!tpu.dma_semaphore, #tpu.memory_space<semaphore_mem>>
        %dma_start3A_294 = arith.constant 0 : i32
        %dma_start3A_295 = arith.constant 0 : i32
        %dma_start3A_296 = tpu.memref_slice %arg9[%run_scoped3A_119, %dma_start3A_294, %dma_start3A_295] : memref<2x256x64xf32, #tpu.memory_space<vmem>> -> memref<1x200x64xf32, #tpu.memory_space<vmem>>
        %dma_start3A_297 = tpu.memref_squeeze %dma_start3A_296 : memref<1x200x64xf32, #tpu.memory_space<vmem>> -> memref<200x64xf32, #tpu.memory_space<vmem>>
        %dma_start3A_298 = arith.constant 0 : i32
        %dma_start3A_299 = arith.constant 0 : i32
        %dma_start3A_300 = tpu.memref_slice %arg9[%run_scoped3A_119, %dma_start3A_298, %dma_start3A_299] : memref<2x256x64xf32, #tpu.memory_space<vmem>> -> memref<1x200x64xf32, #tpu.memory_space<vmem>>
        %dma_start3A_301 = tpu.memref_squeeze %dma_start3A_300 : memref<1x200x64xf32, #tpu.memory_space<vmem>> -> memref<200x64xf32, #tpu.memory_space<vmem>>
        tpu.enqueue_dma source(%arg6 : memref<200x64xf32, #tpu.memory_space<hbm>>) target(%dma_start3A_301 : memref<200x64xf32, #tpu.memory_space<vmem>>) target_semaphore(%run_scoped3A_293 : memref<!tpu.dma_semaphore, #tpu.memory_space<semaphore_mem>>)
        %dma_wait3A_302 = arith.constant 0 : i32
        %dma_wait3A_303 = arith.constant 0 : i32
        %dma_wait3A_304 = tpu.memref_slice %arg9[%run_scoped3A_119, %dma_wait3A_302, %dma_wait3A_303] : memref<2x256x64xf32, #tpu.memory_space<vmem>> -> memref<1x200x64xf32, #tpu.memory_space<vmem>>
        %dma_wait3A_305 = tpu.memref_squeeze %dma_wait3A_304 : memref<1x200x64xf32, #tpu.memory_space<vmem>> -> memref<200x64xf32, #tpu.memory_space<vmem>>
        %dma_wait3A_306 = arith.constant 0 : i32
        %dma_wait3A_307 = arith.constant 0 : i32
        %dma_wait3A_308 = tpu.memref_slice %arg9[%run_scoped3A_119, %dma_wait3A_306, %dma_wait3A_307] : memref<2x256x64xf32, #tpu.memory_space<vmem>> -> memref<1x200x64xf32, #tpu.memory_space<vmem>>
        %dma_wait3A_309 = tpu.memref_squeeze %dma_wait3A_308 : memref<1x200x64xf32, #tpu.memory_space<vmem>> -> memref<200x64xf32, #tpu.memory_space<vmem>>
        tpu.wait_dma2 semaphore(%run_scoped3A_293 : memref<!tpu.dma_semaphore, #tpu.memory_space<semaphore_mem>>) src(%arg6 : memref<200x64xf32, #tpu.memory_space<hbm>>) dst(%dma_wait3A_309 : memref<200x64xf32, #tpu.memory_space<vmem>>)
        tpu.yield
      }) : () -> ()
      %run_scoped3A_120 = arith.constant 0 : i32
      "tpu.region"() ({
        %run_scoped3A_293 = tpu.sem_alloc : memref<!tpu.dma_semaphore, #tpu.memory_space<semaphore_mem>>
        %dma_start3A_294 = arith.constant 0 : i32
        %dma_start3A_295 = arith.constant 0 : i32
        %dma_start3A_296 = tpu.memref_slice %arg9[%run_scoped3A_120, %dma_start3A_294, %dma_start3A_295] : memref<2x256x64xf32, #tpu.memory_space<vmem>> -> memref<1x200x64xf32, #tpu.memory_space<vmem>>
        %dma_start3A_297 = tpu.memref_squeeze %dma_start3A_296 : memref<1x200x64xf32, #tpu.memory_space<vmem>> -> memref<200x64xf32, #tpu.memory_space<vmem>>
        %dma_start3A_298 = arith.constant 0 : i32
        %dma_start3A_299 = arith.constant 0 : i32
        %dma_start3A_300 = tpu.memref_slice %arg8[%dma_start3A_298, %dma_start3A_299] : memref<600x64xf32, #tpu.memory_space<vmem_shared>> -> memref<200x64xf32, #tpu.memory_space<vmem_shared>>
        %dma_start3A_301 = arith.constant 0 : i32
        %dma_start3A_302 = arith.constant 0 : i32
        %dma_start3A_303 = tpu.memref_slice %arg8[%dma_start3A_301, %dma_start3A_302] : memref<600x64xf32, #tpu.memory_space<vmem_shared>> -> memref<200x64xf32, #tpu.memory_space<vmem_shared>>
        %dma_start3A_304 = arith.constant 0 : i32
        %dma_start3A_305 = arith.constant 0 : i32
        %dma_start3A_306 = tpu.memref_slice %arg9[%run_scoped3A_120, %dma_start3A_304, %dma_start3A_305] : memref<2x256x64xf32, #tpu.memory_space<vmem>> -> memref<1x200x64xf32, #tpu.memory_space<vmem>>
        %dma_start3A_307 = tpu.memref_squeeze %dma_start3A_306 : memref<1x200x64xf32, #tpu.memory_space<vmem>> -> memref<200x64xf32, #tpu.memory_space<vmem>>
        tpu.enqueue_dma source(%dma_start3A_307 : memref<200x64xf32, #tpu.memory_space<vmem>>) target(%dma_start3A_303 : memref<200x64xf32, #tpu.memory_space<vmem_shared>>) target_semaphore(%run_scoped3A_293 : memref<!tpu.dma_semaphore, #tpu.memory_space<semaphore_mem>>)
        %dma_wait3A_308 = arith.constant 0 : i32
        %dma_wait3A_309 = arith.constant 0 : i32
        %dma_wait3A_310 = tpu.memref_slice %arg9[%run_scoped3A_120, %dma_wait3A_308, %dma_wait3A_309] : memref<2x256x64xf32, #tpu.memory_space<vmem>> -> memref<1x200x64xf32, #tpu.memory_space<vmem>>
        %dma_wait3A_311 = tpu.memref_squeeze %dma_wait3A_310 : memref<1x200x64xf32, #tpu.memory_space<vmem>> -> memref<200x64xf32, #tpu.memory_space<vmem>>
        %dma_wait3A_312 = arith.constant 0 : i32
        %dma_wait3A_313 = arith.constant 0 : i32
        %dma_wait3A_314 = tpu.memref_slice %arg8[%dma_wait3A_312, %dma_wait3A_313] : memref<600x64xf32, #tpu.memory_space<vmem_shared>> -> memref<200x64xf32, #tpu.memory_space<vmem_shared>>
        %dma_wait3A_315 = arith.constant 0 : i32
        %dma_wait3A_316 = arith.constant 0 : i32
        %dma_wait3A_317 = tpu.memref_slice %arg8[%dma_wait3A_315, %dma_wait3A_316] : memref<600x64xf32, #tpu.memory_space<vmem_shared>> -> memref<200x64xf32, #tpu.memory_space<vmem_shared>>
        %dma_wait3A_318 = arith.constant 0 : i32
        %dma_wait3A_319 = arith.constant 0 : i32
        %dma_wait3A_320 = tpu.memref_slice %arg9[%run_scoped3A_120, %dma_wait3A_318, %dma_wait3A_319] : memref<2x256x64xf32, #tpu.memory_space<vmem>> -> memref<1x200x64xf32, #tpu.memory_space<vmem>>
        %dma_wait3A_321 = tpu.memref_squeeze %dma_wait3A_320 : memref<1x200x64xf32, #tpu.memory_space<vmem>> -> memref<200x64xf32, #tpu.memory_space<vmem>>
        tpu.wait_dma2 semaphore(%run_scoped3A_293 : memref<!tpu.dma_semaphore, #tpu.memory_space<semaphore_mem>>) src(%dma_wait3A_321 : memref<200x64xf32, #tpu.memory_space<vmem>>) dst(%dma_wait3A_317 : memref<200x64xf32, #tpu.memory_space<vmem_shared>>)
        tpu.yield
      }) : () -> ()
      %run_scoped3A_121 = arith.constant 0 : i32
      "tpu.region"() ({
        %run_scoped3A_293 = tpu.sem_alloc : memref<!tpu.dma_semaphore, #tpu.memory_space<semaphore_mem>>
        %dma_start3A_294 = arith.constant 0 : i32
        %dma_start3A_295 = tpu.memref_slice %arg12[%run_scoped3A_121, %dma_start3A_294] : memref<2x256xi32, #tpu.memory_space<vmem>> -> memref<1x72xi32, #tpu.memory_space<vmem>>
        %dma_start3A_296 = tpu.memref_squeeze %dma_start3A_295 : memref<1x72xi32, #tpu.memory_space<vmem>> -> memref<72xi32, #tpu.memory_space<vmem>>
        %dma_start3A_297 = arith.constant 0 : i32
        %dma_start3A_298 = tpu.memref_slice %arg4[%dma_start3A_297] : memref<144xi32, #tpu.memory_space<hbm>> -> memref<72xi32, #tpu.memory_space<hbm>>
        %dma_start3A_299 = arith.constant 0 : i32
        %dma_start3A_300 = tpu.memref_slice %arg12[%run_scoped3A_121, %dma_start3A_299] : memref<2x256xi32, #tpu.memory_space<vmem>> -> memref<1x72xi32, #tpu.memory_space<vmem>>
        %dma_start3A_301 = tpu.memref_squeeze %dma_start3A_300 : memref<1x72xi32, #tpu.memory_space<vmem>> -> memref<72xi32, #tpu.memory_space<vmem>>
        %dma_start3A_302 = arith.constant 0 : i32
        %dma_start3A_303 = tpu.memref_slice %arg4[%dma_start3A_302] : memref<144xi32, #tpu.memory_space<hbm>> -> memref<72xi32, #tpu.memory_space<hbm>>
        tpu.enqueue_dma source(%dma_start3A_303 : memref<72xi32, #tpu.memory_space<hbm>>) target(%dma_start3A_301 : memref<72xi32, #tpu.memory_space<vmem>>) target_semaphore(%run_scoped3A_293 : memref<!tpu.dma_semaphore, #tpu.memory_space<semaphore_mem>>)
        %dma_wait3A_304 = arith.constant 0 : i32
        %dma_wait3A_305 = tpu.memref_slice %arg12[%run_scoped3A_121, %dma_wait3A_304] : memref<2x256xi32, #tpu.memory_space<vmem>> -> memref<1x72xi32, #tpu.memory_space<vmem>>
        %dma_wait3A_306 = tpu.memref_squeeze %dma_wait3A_305 : memref<1x72xi32, #tpu.memory_space<vmem>> -> memref<72xi32, #tpu.memory_space<vmem>>
        %dma_wait3A_307 = arith.constant 0 : i32
        %dma_wait3A_308 = tpu.memref_slice %arg4[%dma_wait3A_307] : memref<144xi32, #tpu.memory_space<hbm>> -> memref<72xi32, #tpu.memory_space<hbm>>
        %dma_wait3A_309 = arith.constant 0 : i32
        %dma_wait3A_310 = tpu.memref_slice %arg12[%run_scoped3A_121, %dma_wait3A_309] : memref<2x256xi32, #tpu.memory_space<vmem>> -> memref<1x72xi32, #tpu.memory_space<vmem>>
        %dma_wait3A_311 = tpu.memref_squeeze %dma_wait3A_310 : memref<1x72xi32, #tpu.memory_space<vmem>> -> memref<72xi32, #tpu.memory_space<vmem>>
        %dma_wait3A_312 = arith.constant 0 : i32
        %dma_wait3A_313 = tpu.memref_slice %arg4[%dma_wait3A_312] : memref<144xi32, #tpu.memory_space<hbm>> -> memref<72xi32, #tpu.memory_space<hbm>>
        tpu.wait_dma2 semaphore(%run_scoped3A_293 : memref<!tpu.dma_semaphore, #tpu.memory_space<semaphore_mem>>) src(%dma_wait3A_313 : memref<72xi32, #tpu.memory_space<hbm>>) dst(%dma_wait3A_311 : memref<72xi32, #tpu.memory_space<vmem>>)
        tpu.yield
      }) : () -> ()
      %dma_start3A_122 = arith.constant 0 : i32
      %dma_start3A_123 = arith.constant 0 : i32
      %dma_start3A_124 = arith.constant 0 : i32
      %dma_start3A_125 = tpu.memref_slice %arg15[%dma_start3A_123, %dma_start3A_124] : memref<72x64xf32, #tpu.memory_space<vmem>> -> memref<72x64xf32, #tpu.memory_space<vmem>>
      %dma_start3A_126 = arith.constant 0 : i32
      %dma_start3A_127 = tpu.memref_slice %arg12[%dma_start3A_122, %dma_start3A_126] : memref<2x256xi32, #tpu.memory_space<vmem>> -> memref<1x72xi32, #tpu.memory_space<vmem>>
      %dma_start3A_128 = tpu.memref_squeeze %dma_start3A_127 : memref<1x72xi32, #tpu.memory_space<vmem>> -> memref<72xi32, #tpu.memory_space<vmem>>
      %dma_start3A_129 = arith.constant 0 : i32
      %dma_start3A_130 = arith.constant 0 : i32
      %dma_start3A_131 = tpu.memref_slice %arg5[%dma_start3A_129, %dma_start3A_130] : memref<100000x64xf32, #tpu.memory_space<hbm>> -> memref<100000x64xf32, #tpu.memory_space<hbm>>
      tpu.enqueue_indirect_dma source(%dma_start3A_131 : memref<100000x64xf32, #tpu.memory_space<hbm>>) target(%dma_start3A_125 : memref<72x64xf32, #tpu.memory_space<vmem>>) offsets(%dma_start3A_128 : memref<72xi32, #tpu.memory_space<vmem>>) semaphore(%arg18 : memref<!tpu.dma_semaphore, #tpu.memory_space<semaphore_mem>>)
      %dma_wait3A_132 = arith.constant 0 : i32
      %dma_wait3A_133 = arith.constant 0 : i32
      %dma_wait3A_134 = arith.constant 0 : i32
      %dma_wait3A_135 = tpu.memref_slice %arg15[%dma_wait3A_133, %dma_wait3A_134] : memref<72x64xf32, #tpu.memory_space<vmem>> -> memref<72x64xf32, #tpu.memory_space<vmem>>
      %dma_wait3A_136 = arith.constant 0 : i32
      %dma_wait3A_137 = tpu.memref_slice %arg12[%dma_wait3A_132, %dma_wait3A_136] : memref<2x256xi32, #tpu.memory_space<vmem>> -> memref<1x72xi32, #tpu.memory_space<vmem>>
      %dma_wait3A_138 = tpu.memref_squeeze %dma_wait3A_137 : memref<1x72xi32, #tpu.memory_space<vmem>> -> memref<72xi32, #tpu.memory_space<vmem>>
      %dma_wait3A_139 = arith.constant 0 : i32
      %dma_wait3A_140 = arith.constant 0 : i32
      %dma_wait3A_141 = tpu.memref_slice %arg5[%dma_wait3A_139, %dma_wait3A_140] : memref<100000x64xf32, #tpu.memory_space<hbm>> -> memref<100000x64xf32, #tpu.memory_space<hbm>>
      tpu.wait_indirect_dma semaphore(%arg18 : memref<!tpu.dma_semaphore, #tpu.memory_space<semaphore_mem>>) src(%dma_wait3A_141 : memref<100000x64xf32, #tpu.memory_space<hbm>>) dst(%dma_wait3A_135 : memref<72x64xf32, #tpu.memory_space<vmem>>)
      %broadcast_in_dim3A = arith.constant 0.000000e+00 : f32
      %broadcast_in_dim3A_142 = vector.broadcast %broadcast_in_dim3A : f32 to vector<16xf32>
      %scan3A_143 = arith.constant 0 : i32
      %scan3A_144 = arith.constant 70 : i32
      %scan3A_145 = arith.addi %scan3A_143, %scan3A_144 : i32
      %scan3A_146 = arith.constant 1 : i32
      %scan3A_147 = scf.for %scan3A_293 = %scan3A_143 to %scan3A_145 step %scan3A_146 iter_args(%scan3A_294 = %broadcast_in_dim3A_142) -> (vector<16xf32>)  : i32 {
        %get3A = arith.index_cast %scan3A_293 : i32 to index
        %get3A_295 = arith.constant 0 : index
        %get3A_296 = tpu.vector_load %arg15[%get3A, %get3A_295] {strides = array<i32>} : memref<72x64xf32, #tpu.memory_space<vmem>>, vector<1x16xf32>,
        %get3A_297 = vector.shape_cast %get3A_296 : vector<1x16xf32> to vector<16xf32>
        %add3A_298 = arith.addf %scan3A_294, %get3A_297 : vector<16xf32>
        scf.yield %add3A_298 : vector<16xf32>
      }
      %scan3A_148 = arith.constant 70 : i32
      %swap3A = arith.constant 0 : i32
      %swap3A_149 = arith.index_cast %swap3A : i32 to index
      %swap3A_150 = arith.constant 0 : index
      %swap3A_151 = tpu.vector_load %arg16[%swap3A_149, %swap3A_150] {strides = array<i32>} : memref<2x64xf32, #tpu.memory_space<vmem>>, vector<1x16xf32>,
      %swap3A_152 = vector.shape_cast %swap3A_151 : vector<1x16xf32> to vector<16xf32>
      %swap3A_153 = vector.shape_cast %scan3A_147 : vector<16xf32> to vector<1x16xf32>
      tpu.vector_store %arg16[%swap3A_149, %swap3A_150], %swap3A_153 {strides = array<i32>} : memref<2x64xf32, #tpu.memory_space<vmem>>, vector<1x16xf32>,
      %broadcast_in_dim3A_154 = arith.constant 0.000000e+00 : f32
      %broadcast_in_dim3A_155 = vector.broadcast %broadcast_in_dim3A_154 : f32 to vector<16xf32>
      %scan3A_156 = arith.constant 0 : i32
      %scan3A_157 = arith.constant 70 : i32
      %scan3A_158 = arith.addi %scan3A_156, %scan3A_157 : i32
      %scan3A_159 = arith.constant 1 : i32
      %scan3A_160 = scf.for %scan3A_293 = %scan3A_156 to %scan3A_158 step %scan3A_159 iter_args(%scan3A_294 = %broadcast_in_dim3A_155) -> (vector<16xf32>)  : i32 {
        %get3A = arith.index_cast %scan3A_293 : i32 to index
        %get3A_295 = arith.constant 16 : index
        %get3A_296 = tpu.vector_load %arg15[%get3A, %get3A_295] {strides = array<i32>} : memref<72x64xf32, #tpu.memory_space<vmem>>, vector<1x16xf32>,
        %get3A_297 = vector.shape_cast %get3A_296 : vector<1x16xf32> to vector<16xf32>
        %add3A_298 = arith.addf %scan3A_294, %get3A_297 : vector<16xf32>
        scf.yield %add3A_298 : vector<16xf32>
      }
      %scan3A_161 = arith.constant 70 : i32
      %swap3A_162 = arith.constant 0 : i32
      %swap3A_163 = arith.index_cast %swap3A_162 : i32 to index
      %swap3A_164 = arith.constant 16 : index
      %swap3A_165 = tpu.vector_load %arg16[%swap3A_163, %swap3A_164] {strides = array<i32>} : memref<2x64xf32, #tpu.memory_space<vmem>>, vector<1x16xf32>,
      %swap3A_166 = vector.shape_cast %swap3A_165 : vector<1x16xf32> to vector<16xf32>
      %swap3A_167 = vector.shape_cast %scan3A_160 : vector<16xf32> to vector<1x16xf32>
      tpu.vector_store %arg16[%swap3A_163, %swap3A_164], %swap3A_167 {strides = array<i32>} : memref<2x64xf32, #tpu.memory_space<vmem>>, vector<1x16xf32>,
      %broadcast_in_dim3A_168 = arith.constant 0.000000e+00 : f32
      %broadcast_in_dim3A_169 = vector.broadcast %broadcast_in_dim3A_168 : f32 to vector<16xf32>
      %scan3A_170 = arith.constant 0 : i32
      %scan3A_171 = arith.constant 70 : i32
      %scan3A_172 = arith.addi %scan3A_170, %scan3A_171 : i32
      %scan3A_173 = arith.constant 1 : i32
      %scan3A_174 = scf.for %scan3A_293 = %scan3A_170 to %scan3A_172 step %scan3A_173 iter_args(%scan3A_294 = %broadcast_in_dim3A_169) -> (vector<16xf32>)  : i32 {
        %get3A = arith.index_cast %scan3A_293 : i32 to index
        %get3A_295 = arith.constant 32 : index
        %get3A_296 = tpu.vector_load %arg15[%get3A, %get3A_295] {strides = array<i32>} : memref<72x64xf32, #tpu.memory_space<vmem>>, vector<1x16xf32>,
        %get3A_297 = vector.shape_cast %get3A_296 : vector<1x16xf32> to vector<16xf32>
        %add3A_298 = arith.addf %scan3A_294, %get3A_297 : vector<16xf32>
        scf.yield %add3A_298 : vector<16xf32>
      }
      %scan3A_175 = arith.constant 70 : i32
      %swap3A_176 = arith.constant 0 : i32
      %swap3A_177 = arith.index_cast %swap3A_176 : i32 to index
      %swap3A_178 = arith.constant 32 : index
      %swap3A_179 = tpu.vector_load %arg16[%swap3A_177, %swap3A_178] {strides = array<i32>} : memref<2x64xf32, #tpu.memory_space<vmem>>, vector<1x16xf32>,
      %swap3A_180 = vector.shape_cast %swap3A_179 : vector<1x16xf32> to vector<16xf32>
      %swap3A_181 = vector.shape_cast %scan3A_174 : vector<16xf32> to vector<1x16xf32>
      tpu.vector_store %arg16[%swap3A_177, %swap3A_178], %swap3A_181 {strides = array<i32>} : memref<2x64xf32, #tpu.memory_space<vmem>>, vector<1x16xf32>,
      %broadcast_in_dim3A_182 = arith.constant 0.000000e+00 : f32
      %broadcast_in_dim3A_183 = vector.broadcast %broadcast_in_dim3A_182 : f32 to vector<16xf32>
      %scan3A_184 = arith.constant 0 : i32
      %scan3A_185 = arith.constant 70 : i32
      %scan3A_186 = arith.addi %scan3A_184, %scan3A_185 : i32
      %scan3A_187 = arith.constant 1 : i32
      %scan3A_188 = scf.for %scan3A_293 = %scan3A_184 to %scan3A_186 step %scan3A_187 iter_args(%scan3A_294 = %broadcast_in_dim3A_183) -> (vector<16xf32>)  : i32 {
        %get3A = arith.index_cast %scan3A_293 : i32 to index
        %get3A_295 = arith.constant 48 : index
        %get3A_296 = tpu.vector_load %arg15[%get3A, %get3A_295] {strides = array<i32>} : memref<72x64xf32, #tpu.memory_space<vmem>>, vector<1x16xf32>,
        %get3A_297 = vector.shape_cast %get3A_296 : vector<1x16xf32> to vector<16xf32>
        %add3A_298 = arith.addf %scan3A_294, %get3A_297 : vector<16xf32>
        scf.yield %add3A_298 : vector<16xf32>
      }
      %scan3A_189 = arith.constant 70 : i32
      %swap3A_190 = arith.constant 0 : i32
      %swap3A_191 = arith.index_cast %swap3A_190 : i32 to index
      %swap3A_192 = arith.constant 48 : index
      %swap3A_193 = tpu.vector_load %arg16[%swap3A_191, %swap3A_192] {strides = array<i32>} : memref<2x64xf32, #tpu.memory_space<vmem>>, vector<1x16xf32>,
      %swap3A_194 = vector.shape_cast %swap3A_193 : vector<1x16xf32> to vector<16xf32>
      %swap3A_195 = vector.shape_cast %scan3A_188 : vector<16xf32> to vector<1x16xf32>
      tpu.vector_store %arg16[%swap3A_191, %swap3A_192], %swap3A_195 {strides = array<i32>} : memref<2x64xf32, #tpu.memory_space<vmem>>, vector<1x16xf32>,
      %run_scoped3A_196 = arith.constant 0 : i32
      "tpu.region"() ({
        %run_scoped3A_293 = tpu.sem_alloc : memref<!tpu.dma_semaphore, #tpu.memory_space<semaphore_mem>>
        %dma_start3A_294 = arith.constant 0 : i32
        %dma_start3A_295 = tpu.memref_slice %arg12[%run_scoped3A_196, %dma_start3A_294] : memref<2x256xi32, #tpu.memory_space<vmem>> -> memref<1x72xi32, #tpu.memory_space<vmem>>
        %dma_start3A_296 = tpu.memref_squeeze %dma_start3A_295 : memref<1x72xi32, #tpu.memory_space<vmem>> -> memref<72xi32, #tpu.memory_space<vmem>>
        %dma_start3A_297 = arith.constant 72 : i32
        %dma_start3A_298 = tpu.memref_slice %arg4[%dma_start3A_297] : memref<144xi32, #tpu.memory_space<hbm>> -> memref<72xi32, #tpu.memory_space<hbm>>
        %dma_start3A_299 = arith.constant 0 : i32
        %dma_start3A_300 = tpu.memref_slice %arg12[%run_scoped3A_196, %dma_start3A_299] : memref<2x256xi32, #tpu.memory_space<vmem>> -> memref<1x72xi32, #tpu.memory_space<vmem>>
        %dma_start3A_301 = tpu.memref_squeeze %dma_start3A_300 : memref<1x72xi32, #tpu.memory_space<vmem>> -> memref<72xi32, #tpu.memory_space<vmem>>
        %dma_start3A_302 = arith.constant 72 : i32
        %dma_start3A_303 = tpu.memref_slice %arg4[%dma_start3A_302] : memref<144xi32, #tpu.memory_space<hbm>> -> memref<72xi32, #tpu.memory_space<hbm>>
        tpu.enqueue_dma source(%dma_start3A_303 : memref<72xi32, #tpu.memory_space<hbm>>) target(%dma_start3A_301 : memref<72xi32, #tpu.memory_space<vmem>>) target_semaphore(%run_scoped3A_293 : memref<!tpu.dma_semaphore, #tpu.memory_space<semaphore_mem>>)
        %dma_wait3A_304 = arith.constant 0 : i32
        %dma_wait3A_305 = tpu.memref_slice %arg12[%run_scoped3A_196, %dma_wait3A_304] : memref<2x256xi32, #tpu.memory_space<vmem>> -> memref<1x72xi32, #tpu.memory_space<vmem>>
        %dma_wait3A_306 = tpu.memref_squeeze %dma_wait3A_305 : memref<1x72xi32, #tpu.memory_space<vmem>> -> memref<72xi32, #tpu.memory_space<vmem>>
        %dma_wait3A_307 = arith.constant 72 : i32
        %dma_wait3A_308 = tpu.memref_slice %arg4[%dma_wait3A_307] : memref<144xi32, #tpu.memory_space<hbm>> -> memref<72xi32, #tpu.memory_space<hbm>>
        %dma_wait3A_309 = arith.constant 0 : i32
        %dma_wait3A_310 = tpu.memref_slice %arg12[%run_scoped3A_196, %dma_wait3A_309] : memref<2x256xi32, #tpu.memory_space<vmem>> -> memref<1x72xi32, #tpu.memory_space<vmem>>
        %dma_wait3A_311 = tpu.memref_squeeze %dma_wait3A_310 : memref<1x72xi32, #tpu.memory_space<vmem>> -> memref<72xi32, #tpu.memory_space<vmem>>
        %dma_wait3A_312 = arith.constant 72 : i32
        %dma_wait3A_313 = tpu.memref_slice %arg4[%dma_wait3A_312] : memref<144xi32, #tpu.memory_space<hbm>> -> memref<72xi32, #tpu.memory_space<hbm>>
        tpu.wait_dma2 semaphore(%run_scoped3A_293 : memref<!tpu.dma_semaphore, #tpu.memory_space<semaphore_mem>>) src(%dma_wait3A_313 : memref<72xi32, #tpu.memory_space<hbm>>) dst(%dma_wait3A_311 : memref<72xi32, #tpu.memory_space<vmem>>)
        tpu.yield
      }) : () -> ()
      %dma_start3A_197 = arith.constant 0 : i32
      %dma_start3A_198 = arith.constant 0 : i32
      %dma_start3A_199 = arith.constant 0 : i32
      %dma_start3A_200 = tpu.memref_slice %arg15[%dma_start3A_198, %dma_start3A_199] : memref<72x64xf32, #tpu.memory_space<vmem>> -> memref<72x64xf32, #tpu.memory_space<vmem>>
      %dma_start3A_201 = arith.constant 0 : i32
      %dma_start3A_202 = tpu.memref_slice %arg12[%dma_start3A_197, %dma_start3A_201] : memref<2x256xi32, #tpu.memory_space<vmem>> -> memref<1x72xi32, #tpu.memory_space<vmem>>
      %dma_start3A_203 = tpu.memref_squeeze %dma_start3A_202 : memref<1x72xi32, #tpu.memory_space<vmem>> -> memref<72xi32, #tpu.memory_space<vmem>>
      %dma_start3A_204 = arith.constant 0 : i32
      %dma_start3A_205 = arith.constant 0 : i32
      %dma_start3A_206 = tpu.memref_slice %arg5[%dma_start3A_204, %dma_start3A_205] : memref<100000x64xf32, #tpu.memory_space<hbm>> -> memref<100000x64xf32, #tpu.memory_space<hbm>>
      tpu.enqueue_indirect_dma source(%dma_start3A_206 : memref<100000x64xf32, #tpu.memory_space<hbm>>) target(%dma_start3A_200 : memref<72x64xf32, #tpu.memory_space<vmem>>) offsets(%dma_start3A_203 : memref<72xi32, #tpu.memory_space<vmem>>) semaphore(%arg18 : memref<!tpu.dma_semaphore, #tpu.memory_space<semaphore_mem>>)
      %dma_wait3A_207 = arith.constant 0 : i32
      %dma_wait3A_208 = arith.constant 0 : i32
      %dma_wait3A_209 = arith.constant 0 : i32
      %dma_wait3A_210 = tpu.memref_slice %arg15[%dma_wait3A_208, %dma_wait3A_209] : memref<72x64xf32, #tpu.memory_space<vmem>> -> memref<72x64xf32, #tpu.memory_space<vmem>>
      %dma_wait3A_211 = arith.constant 0 : i32
      %dma_wait3A_212 = tpu.memref_slice %arg12[%dma_wait3A_207, %dma_wait3A_211] : memref<2x256xi32, #tpu.memory_space<vmem>> -> memref<1x72xi32, #tpu.memory_space<vmem>>
      %dma_wait3A_213 = tpu.memref_squeeze %dma_wait3A_212 : memref<1x72xi32, #tpu.memory_space<vmem>> -> memref<72xi32, #tpu.memory_space<vmem>>
      %dma_wait3A_214 = arith.constant 0 : i32
      %dma_wait3A_215 = arith.constant 0 : i32
      %dma_wait3A_216 = tpu.memref_slice %arg5[%dma_wait3A_214, %dma_wait3A_215] : memref<100000x64xf32, #tpu.memory_space<hbm>> -> memref<100000x64xf32, #tpu.memory_space<hbm>>
      tpu.wait_indirect_dma semaphore(%arg18 : memref<!tpu.dma_semaphore, #tpu.memory_space<semaphore_mem>>) src(%dma_wait3A_216 : memref<100000x64xf32, #tpu.memory_space<hbm>>) dst(%dma_wait3A_210 : memref<72x64xf32, #tpu.memory_space<vmem>>)
      %broadcast_in_dim3A_217 = arith.constant 0.000000e+00 : f32
      %broadcast_in_dim3A_218 = vector.broadcast %broadcast_in_dim3A_217 : f32 to vector<16xf32>
      %scan3A_219 = arith.constant 0 : i32
      %scan3A_220 = arith.constant 70 : i32
      %scan3A_221 = arith.addi %scan3A_219, %scan3A_220 : i32
      %scan3A_222 = arith.constant 1 : i32
      %scan3A_223 = scf.for %scan3A_293 = %scan3A_219 to %scan3A_221 step %scan3A_222 iter_args(%scan3A_294 = %broadcast_in_dim3A_218) -> (vector<16xf32>)  : i32 {
        %get3A = arith.index_cast %scan3A_293 : i32 to index
        %get3A_295 = arith.constant 0 : index
        %get3A_296 = tpu.vector_load %arg15[%get3A, %get3A_295] {strides = array<i32>} : memref<72x64xf32, #tpu.memory_space<vmem>>, vector<1x16xf32>,
        %get3A_297 = vector.shape_cast %get3A_296 : vector<1x16xf32> to vector<16xf32>
        %add3A_298 = arith.addf %scan3A_294, %get3A_297 : vector<16xf32>
        scf.yield %add3A_298 : vector<16xf32>
      }
      %scan3A_224 = arith.constant 70 : i32
      %swap3A_225 = arith.constant 1 : i32
      %swap3A_226 = arith.index_cast %swap3A_225 : i32 to index
      %swap3A_227 = arith.constant 0 : index
      %swap3A_228 = tpu.vector_load %arg16[%swap3A_226, %swap3A_227] {strides = array<i32>} : memref<2x64xf32, #tpu.memory_space<vmem>>, vector<1x16xf32>,
      %swap3A_229 = vector.shape_cast %swap3A_228 : vector<1x16xf32> to vector<16xf32>
      %swap3A_230 = vector.shape_cast %scan3A_223 : vector<16xf32> to vector<1x16xf32>
      tpu.vector_store %arg16[%swap3A_226, %swap3A_227], %swap3A_230 {strides = array<i32>} : memref<2x64xf32, #tpu.memory_space<vmem>>, vector<1x16xf32>,
      %broadcast_in_dim3A_231 = arith.constant 0.000000e+00 : f32
      %broadcast_in_dim3A_232 = vector.broadcast %broadcast_in_dim3A_231 : f32 to vector<16xf32>
      %scan3A_233 = arith.constant 0 : i32
      %scan3A_234 = arith.constant 70 : i32
      %scan3A_235 = arith.addi %scan3A_233, %scan3A_234 : i32
      %scan3A_236 = arith.constant 1 : i32
      %scan3A_237 = scf.for %scan3A_293 = %scan3A_233 to %scan3A_235 step %scan3A_236 iter_args(%scan3A_294 = %broadcast_in_dim3A_232) -> (vector<16xf32>)  : i32 {
        %get3A = arith.index_cast %scan3A_293 : i32 to index
        %get3A_295 = arith.constant 16 : index
        %get3A_296 = tpu.vector_load %arg15[%get3A, %get3A_295] {strides = array<i32>} : memref<72x64xf32, #tpu.memory_space<vmem>>, vector<1x16xf32>,
        %get3A_297 = vector.shape_cast %get3A_296 : vector<1x16xf32> to vector<16xf32>
        %add3A_298 = arith.addf %scan3A_294, %get3A_297 : vector<16xf32>
        scf.yield %add3A_298 : vector<16xf32>
      }
      %scan3A_238 = arith.constant 70 : i32
      %swap3A_239 = arith.constant 1 : i32
      %swap3A_240 = arith.index_cast %swap3A_239 : i32 to index
      %swap3A_241 = arith.constant 16 : index
      %swap3A_242 = tpu.vector_load %arg16[%swap3A_240, %swap3A_241] {strides = array<i32>} : memref<2x64xf32, #tpu.memory_space<vmem>>, vector<1x16xf32>,
      %swap3A_243 = vector.shape_cast %swap3A_242 : vector<1x16xf32> to vector<16xf32>
      %swap3A_244 = vector.shape_cast %scan3A_237 : vector<16xf32> to vector<1x16xf32>
      tpu.vector_store %arg16[%swap3A_240, %swap3A_241], %swap3A_244 {strides = array<i32>} : memref<2x64xf32, #tpu.memory_space<vmem>>, vector<1x16xf32>,
      %broadcast_in_dim3A_245 = arith.constant 0.000000e+00 : f32
      %broadcast_in_dim3A_246 = vector.broadcast %broadcast_in_dim3A_245 : f32 to vector<16xf32>
      %scan3A_247 = arith.constant 0 : i32
      %scan3A_248 = arith.constant 70 : i32
      %scan3A_249 = arith.addi %scan3A_247, %scan3A_248 : i32
      %scan3A_250 = arith.constant 1 : i32
      %scan3A_251 = scf.for %scan3A_293 = %scan3A_247 to %scan3A_249 step %scan3A_250 iter_args(%scan3A_294 = %broadcast_in_dim3A_246) -> (vector<16xf32>)  : i32 {
        %get3A = arith.index_cast %scan3A_293 : i32 to index
        %get3A_295 = arith.constant 32 : index
        %get3A_296 = tpu.vector_load %arg15[%get3A, %get3A_295] {strides = array<i32>} : memref<72x64xf32, #tpu.memory_space<vmem>>, vector<1x16xf32>,
        %get3A_297 = vector.shape_cast %get3A_296 : vector<1x16xf32> to vector<16xf32>
        %add3A_298 = arith.addf %scan3A_294, %get3A_297 : vector<16xf32>
        scf.yield %add3A_298 : vector<16xf32>
      }
      %scan3A_252 = arith.constant 70 : i32
      %swap3A_253 = arith.constant 1 : i32
      %swap3A_254 = arith.index_cast %swap3A_253 : i32 to index
      %swap3A_255 = arith.constant 32 : index
      %swap3A_256 = tpu.vector_load %arg16[%swap3A_254, %swap3A_255] {strides = array<i32>} : memref<2x64xf32, #tpu.memory_space<vmem>>, vector<1x16xf32>,
      %swap3A_257 = vector.shape_cast %swap3A_256 : vector<1x16xf32> to vector<16xf32>
      %swap3A_258 = vector.shape_cast %scan3A_251 : vector<16xf32> to vector<1x16xf32>
      tpu.vector_store %arg16[%swap3A_254, %swap3A_255], %swap3A_258 {strides = array<i32>} : memref<2x64xf32, #tpu.memory_space<vmem>>, vector<1x16xf32>,
      %broadcast_in_dim3A_259 = arith.constant 0.000000e+00 : f32
      %broadcast_in_dim3A_260 = vector.broadcast %broadcast_in_dim3A_259 : f32 to vector<16xf32>
      %scan3A_261 = arith.constant 0 : i32
      %scan3A_262 = arith.constant 70 : i32
      %scan3A_263 = arith.addi %scan3A_261, %scan3A_262 : i32
      %scan3A_264 = arith.constant 1 : i32
      %scan3A_265 = scf.for %scan3A_293 = %scan3A_261 to %scan3A_263 step %scan3A_264 iter_args(%scan3A_294 = %broadcast_in_dim3A_260) -> (vector<16xf32>)  : i32 {
        %get3A = arith.index_cast %scan3A_293 : i32 to index
        %get3A_295 = arith.constant 48 : index
        %get3A_296 = tpu.vector_load %arg15[%get3A, %get3A_295] {strides = array<i32>} : memref<72x64xf32, #tpu.memory_space<vmem>>, vector<1x16xf32>,
        %get3A_297 = vector.shape_cast %get3A_296 : vector<1x16xf32> to vector<16xf32>
        %add3A_298 = arith.addf %scan3A_294, %get3A_297 : vector<16xf32>
        scf.yield %add3A_298 : vector<16xf32>
      }
      %scan3A_266 = arith.constant 70 : i32
      %swap3A_267 = arith.constant 1 : i32
      %swap3A_268 = arith.index_cast %swap3A_267 : i32 to index
      %swap3A_269 = arith.constant 48 : index
      %swap3A_270 = tpu.vector_load %arg16[%swap3A_268, %swap3A_269] {strides = array<i32>} : memref<2x64xf32, #tpu.memory_space<vmem>>, vector<1x16xf32>,
      %swap3A_271 = vector.shape_cast %swap3A_270 : vector<1x16xf32> to vector<16xf32>
      %swap3A_272 = vector.shape_cast %scan3A_265 : vector<16xf32> to vector<1x16xf32>
      tpu.vector_store %arg16[%swap3A_268, %swap3A_269], %swap3A_272 {strides = array<i32>} : memref<2x64xf32, #tpu.memory_space<vmem>>, vector<1x16xf32>,
      %scan3A_273 = arith.constant 0 : i32
      %scan3A_274 = arith.constant 1 : i32
      %scan3A_275 = arith.constant 0 : i32
      %scan3A_276 = arith.constant 0 : i32
      %scan3A_277 = arith.constant 200 : i32
      %scan3A_278 = arith.addi %scan3A_276, %scan3A_277 : i32
      %scan3A_279 = arith.constant 1 : i32
      %scan3A_280 = scf.for %scan3A_293 = %scan3A_276 to %scan3A_278 step %scan3A_279 iter_args(%scan3A_294 = %scan3A_275) -> (i32)  : i32 {
        %get3A = arith.constant 0 : i32
        %get3A_295 = arith.constant 0 : i32
        %get3A_296 = tpu.memref_slice %arg9[%scan3A_273, %get3A, %get3A_295] : memref<2x256x64xf32, #tpu.memory_space<vmem>> -> memref<1x200x64xf32, #tpu.memory_space<vmem>>
        %get3A_297 = tpu.memref_squeeze %get3A_296 : memref<1x200x64xf32, #tpu.memory_space<vmem>> -> memref<200x64xf32, #tpu.memory_space<vmem>>
        %get3A_298 = arith.index_cast %scan3A_293 : i32 to index
        %get3A_299 = arith.constant 0 : index
        %get3A_300 = tpu.vector_load %get3A_297[%get3A_298, %get3A_299] {strides = array<i32>} : memref<200x64xf32, #tpu.memory_space<vmem>>, vector<1x16xf32>,
        %get3A_301 = vector.shape_cast %get3A_300 : vector<1x16xf32> to vector<16xf32>
        %get3A_302 = arith.constant 0 : i32
        %get3A_303 = arith.index_cast %get3A_302 : i32 to index
        %get3A_304 = arith.constant 0 : index
        %get3A_305 = tpu.vector_load %arg16[%get3A_303, %get3A_304] {strides = array<i32>} : memref<2x64xf32, #tpu.memory_space<vmem>>, vector<1x16xf32>,
        %get3A_306 = vector.shape_cast %get3A_305 : vector<1x16xf32> to vector<16xf32>
        %add3A_307 = arith.addf %get3A_301, %get3A_306 : vector<16xf32>
        %swap3A_308 = arith.constant 0 : i32
        %swap3A_309 = arith.constant 0 : i32
        %swap3A_310 = tpu.memref_slice %arg9[%scan3A_274, %swap3A_308, %swap3A_309] : memref<2x256x64xf32, #tpu.memory_space<vmem>> -> memref<1x200x64xf32, #tpu.memory_space<vmem>>
        %swap3A_311 = tpu.memref_squeeze %swap3A_310 : memref<1x200x64xf32, #tpu.memory_space<vmem>> -> memref<200x64xf32, #tpu.memory_space<vmem>>
        %swap3A_312 = arith.index_cast %scan3A_293 : i32 to index
        %swap3A_313 = arith.constant 0 : index
        %swap3A_314 = tpu.vector_load %swap3A_311[%swap3A_312, %swap3A_313] {strides = array<i32>} : memref<200x64xf32, #tpu.memory_space<vmem>>, vector<1x16xf32>,
        %swap3A_315 = vector.shape_cast %swap3A_314 : vector<1x16xf32> to vector<16xf32>
        %swap3A_316 = vector.shape_cast %add3A_307 : vector<16xf32> to vector<1x16xf32>
        tpu.vector_store %swap3A_311[%swap3A_312, %swap3A_313], %swap3A_316 {strides = array<i32>} : memref<200x64xf32, #tpu.memory_space<vmem>>, vector<1x16xf32>,
        %get3A_317 = arith.constant 0 : i32
        %get3A_318 = arith.constant 0 : i32
        %get3A_319 = tpu.memref_slice %arg9[%scan3A_273, %get3A_317, %get3A_318] : memref<2x256x64xf32, #tpu.memory_space<vmem>> -> memref<1x200x64xf32, #tpu.memory_space<vmem>>
        %get3A_320 = tpu.memref_squeeze %get3A_319 : memref<1x200x64xf32, #tpu.memory_space<vmem>> -> memref<200x64xf32, #tpu.memory_space<vmem>>
        %get3A_321 = arith.index_cast %scan3A_293 : i32 to index
        %get3A_322 = arith.constant 16 : index
        %get3A_323 = tpu.vector_load %get3A_320[%get3A_321, %get3A_322] {strides = array<i32>} : memref<200x64xf32, #tpu.memory_space<vmem>>, vector<1x16xf32>,
        %get3A_324 = vector.shape_cast %get3A_323 : vector<1x16xf32> to vector<16xf32>
        %get3A_325 = arith.constant 0 : i32
        %get3A_326 = arith.index_cast %get3A_325 : i32 to index
        %get3A_327 = arith.constant 16 : index
        %get3A_328 = tpu.vector_load %arg16[%get3A_326, %get3A_327] {strides = array<i32>} : memref<2x64xf32, #tpu.memory_space<vmem>>, vector<1x16xf32>,
        %get3A_329 = vector.shape_cast %get3A_328 : vector<1x16xf32> to vector<16xf32>
        %add3A_330 = arith.addf %get3A_324, %get3A_329 : vector<16xf32>
        %swap3A_331 = arith.constant 0 : i32
        %swap3A_332 = arith.constant 0 : i32
        %swap3A_333 = tpu.memref_slice %arg9[%scan3A_274, %swap3A_331, %swap3A_332] : memref<2x256x64xf32, #tpu.memory_space<vmem>> -> memref<1x200x64xf32, #tpu.memory_space<vmem>>
        %swap3A_334 = tpu.memref_squeeze %swap3A_333 : memref<1x200x64xf32, #tpu.memory_space<vmem>> -> memref<200x64xf32, #tpu.memory_space<vmem>>
        %swap3A_335 = arith.index_cast %scan3A_293 : i32 to index
        %swap3A_336 = arith.constant 16 : index
        %swap3A_337 = tpu.vector_load %swap3A_334[%swap3A_335, %swap3A_336] {strides = array<i32>} : memref<200x64xf32, #tpu.memory_space<vmem>>, vector<1x16xf32>,
        %swap3A_338 = vector.shape_cast %swap3A_337 : vector<1x16xf32> to vector<16xf32>
        %swap3A_339 = vector.shape_cast %add3A_330 : vector<16xf32> to vector<1x16xf32>
        tpu.vector_store %swap3A_334[%swap3A_335, %swap3A_336], %swap3A_339 {strides = array<i32>} : memref<200x64xf32, #tpu.memory_space<vmem>>, vector<1x16xf32>,
        %get3A_340 = arith.constant 0 : i32
        %get3A_341 = arith.constant 0 : i32
        %get3A_342 = tpu.memref_slice %arg9[%scan3A_273, %get3A_340, %get3A_341] : memref<2x256x64xf32, #tpu.memory_space<vmem>> -> memref<1x200x64xf32, #tpu.memory_space<vmem>>
        %get3A_343 = tpu.memref_squeeze %get3A_342 : memref<1x200x64xf32, #tpu.memory_space<vmem>> -> memref<200x64xf32, #tpu.memory_space<vmem>>
        %get3A_344 = arith.index_cast %scan3A_293 : i32 to index
        %get3A_345 = arith.constant 32 : index
        %get3A_346 = tpu.vector_load %get3A_343[%get3A_344, %get3A_345] {strides = array<i32>} : memref<200x64xf32, #tpu.memory_space<vmem>>, vector<1x16xf32>,
        %get3A_347 = vector.shape_cast %get3A_346 : vector<1x16xf32> to vector<16xf32>
        %get3A_348 = arith.constant 0 : i32
        %get3A_349 = arith.index_cast %get3A_348 : i32 to index
        %get3A_350 = arith.constant 32 : index
        %get3A_351 = tpu.vector_load %arg16[%get3A_349, %get3A_350] {strides = array<i32>} : memref<2x64xf32, #tpu.memory_space<vmem>>, vector<1x16xf32>,
        %get3A_352 = vector.shape_cast %get3A_351 : vector<1x16xf32> to vector<16xf32>
        %add3A_353 = arith.addf %get3A_347, %get3A_352 : vector<16xf32>
        %swap3A_354 = arith.constant 0 : i32
        %swap3A_355 = arith.constant 0 : i32
        %swap3A_356 = tpu.memref_slice %arg9[%scan3A_274, %swap3A_354, %swap3A_355] : memref<2x256x64xf32, #tpu.memory_space<vmem>> -> memref<1x200x64xf32, #tpu.memory_space<vmem>>
        %swap3A_357 = tpu.memref_squeeze %swap3A_356 : memref<1x200x64xf32, #tpu.memory_space<vmem>> -> memref<200x64xf32, #tpu.memory_space<vmem>>
        %swap3A_358 = arith.index_cast %scan3A_293 : i32 to index
        %swap3A_359 = arith.constant 32 : index
        %swap3A_360 = tpu.vector_load %swap3A_357[%swap3A_358, %swap3A_359] {strides = array<i32>} : memref<200x64xf32, #tpu.memory_space<vmem>>, vector<1x16xf32>,
        %swap3A_361 = vector.shape_cast %swap3A_360 : vector<1x16xf32> to vector<16xf32>
        %swap3A_362 = vector.shape_cast %add3A_353 : vector<16xf32> to vector<1x16xf32>
        tpu.vector_store %swap3A_357[%swap3A_358, %swap3A_359], %swap3A_362 {strides = array<i32>} : memref<200x64xf32, #tpu.memory_space<vmem>>, vector<1x16xf32>,
        %get3A_363 = arith.constant 0 : i32
        %get3A_364 = arith.constant 0 : i32
        %get3A_365 = tpu.memref_slice %arg9[%scan3A_273, %get3A_363, %get3A_364] : memref<2x256x64xf32, #tpu.memory_space<vmem>> -> memref<1x200x64xf32, #tpu.memory_space<vmem>>
        %get3A_366 = tpu.memref_squeeze %get3A_365 : memref<1x200x64xf32, #tpu.memory_space<vmem>> -> memref<200x64xf32, #tpu.memory_space<vmem>>
        %get3A_367 = arith.index_cast %scan3A_293 : i32 to index
        %get3A_368 = arith.constant 48 : index
        %get3A_369 = tpu.vector_load %get3A_366[%get3A_367, %get3A_368] {strides = array<i32>} : memref<200x64xf32, #tpu.memory_space<vmem>>, vector<1x16xf32>,
        %get3A_370 = vector.shape_cast %get3A_369 : vector<1x16xf32> to vector<16xf32>
        %get3A_371 = arith.constant 0 : i32
        %get3A_372 = arith.index_cast %get3A_371 : i32 to index
        %get3A_373 = arith.constant 48 : index
        %get3A_374 = tpu.vector_load %arg16[%get3A_372, %get3A_373] {strides = array<i32>} : memref<2x64xf32, #tpu.memory_space<vmem>>, vector<1x16xf32>,
        %get3A_375 = vector.shape_cast %get3A_374 : vector<1x16xf32> to vector<16xf32>
        %add3A_376 = arith.addf %get3A_370, %get3A_375 : vector<16xf32>
        %swap3A_377 = arith.constant 0 : i32
        %swap3A_378 = arith.constant 0 : i32
        %swap3A_379 = tpu.memref_slice %arg9[%scan3A_274, %swap3A_377, %swap3A_378] : memref<2x256x64xf32, #tpu.memory_space<vmem>> -> memref<1x200x64xf32, #tpu.memory_space<vmem>>
        %swap3A_380 = tpu.memref_squeeze %swap3A_379 : memref<1x200x64xf32, #tpu.memory_space<vmem>> -> memref<200x64xf32, #tpu.memory_space<vmem>>
        %swap3A_381 = arith.index_cast %scan3A_293 : i32 to index
        %swap3A_382 = arith.constant 48 : index
        %swap3A_383 = tpu.vector_load %swap3A_380[%swap3A_381, %swap3A_382] {strides = array<i32>} : memref<200x64xf32, #tpu.memory_space<vmem>>, vector<1x16xf32>,
        %swap3A_384 = vector.shape_cast %swap3A_383 : vector<1x16xf32> to vector<16xf32>
        %swap3A_385 = vector.shape_cast %add3A_376 : vector<16xf32> to vector<1x16xf32>
        tpu.vector_store %swap3A_380[%swap3A_381, %swap3A_382], %swap3A_385 {strides = array<i32>} : memref<200x64xf32, #tpu.memory_space<vmem>>, vector<1x16xf32>,
        %scan3A_386 = arith.constant 0 : i32
        scf.yield %scan3A_386 : i32
      }
      %scan3A_281 = arith.constant 200 : i32
      %run_scoped3A_282 = arith.constant 1 : i32
      "tpu.region"() ({
        %run_scoped3A_293 = tpu.sem_alloc : memref<!tpu.dma_semaphore, #tpu.memory_space<semaphore_mem>>
        %dma_start3A_294 = arith.constant 0 : i32
        %dma_start3A_295 = arith.constant 0 : i32
        %dma_start3A_296 = tpu.memref_slice %arg9[%run_scoped3A_282, %dma_start3A_294, %dma_start3A_295] : memref<2x256x64xf32, #tpu.memory_space<vmem>> -> memref<1x200x64xf32, #tpu.memory_space<vmem>>
        %dma_start3A_297 = tpu.memref_squeeze %dma_start3A_296 : memref<1x200x64xf32, #tpu.memory_space<vmem>> -> memref<200x64xf32, #tpu.memory_space<vmem>>
        %dma_start3A_298 = arith.constant 200 : i32
        %dma_start3A_299 = arith.constant 0 : i32
        %dma_start3A_300 = tpu.memref_slice %arg8[%dma_start3A_298, %dma_start3A_299] : memref<600x64xf32, #tpu.memory_space<vmem_shared>> -> memref<200x64xf32, #tpu.memory_space<vmem_shared>>
        %dma_start3A_301 = arith.constant 200 : i32
        %dma_start3A_302 = arith.constant 0 : i32
        %dma_start3A_303 = tpu.memref_slice %arg8[%dma_start3A_301, %dma_start3A_302] : memref<600x64xf32, #tpu.memory_space<vmem_shared>> -> memref<200x64xf32, #tpu.memory_space<vmem_shared>>
        %dma_start3A_304 = arith.constant 0 : i32
        %dma_start3A_305 = arith.constant 0 : i32
        %dma_start3A_306 = tpu.memref_slice %arg9[%run_scoped3A_282, %dma_start3A_304, %dma_start3A_305] : memref<2x256x64xf32, #tpu.memory_space<vmem>> -> memref<1x200x64xf32, #tpu.memory_space<vmem>>
        %dma_start3A_307 = tpu.memref_squeeze %dma_start3A_306 : memref<1x200x64xf32, #tpu.memory_space<vmem>> -> memref<200x64xf32, #tpu.memory_space<vmem>>
        tpu.enqueue_dma source(%dma_start3A_307 : memref<200x64xf32, #tpu.memory_space<vmem>>) target(%dma_start3A_303 : memref<200x64xf32, #tpu.memory_space<vmem_shared>>) target_semaphore(%run_scoped3A_293 : memref<!tpu.dma_semaphore, #tpu.memory_space<semaphore_mem>>)
        %dma_wait3A_308 = arith.constant 0 : i32
        %dma_wait3A_309 = arith.constant 0 : i32
        %dma_wait3A_310 = tpu.memref_slice %arg9[%run_scoped3A_282, %dma_wait3A_308, %dma_wait3A_309] : memref<2x256x64xf32, #tpu.memory_space<vmem>> -> memref<1x200x64xf32, #tpu.memory_space<vmem>>
        %dma_wait3A_311 = tpu.memref_squeeze %dma_wait3A_310 : memref<1x200x64xf32, #tpu.memory_space<vmem>> -> memref<200x64xf32, #tpu.memory_space<vmem>>
        %dma_wait3A_312 = arith.constant 200 : i32
        %dma_wait3A_313 = arith.constant 0 : i32
        %dma_wait3A_314 = tpu.memref_slice %arg8[%dma_wait3A_312, %dma_wait3A_313] : memref<600x64xf32, #tpu.memory_space<vmem_shared>> -> memref<200x64xf32, #tpu.memory_space<vmem_shared>>
        %dma_wait3A_315 = arith.constant 200 : i32
        %dma_wait3A_316 = arith.constant 0 : i32
        %dma_wait3A_317 = tpu.memref_slice %arg8[%dma_wait3A_315, %dma_wait3A_316] : memref<600x64xf32, #tpu.memory_space<vmem_shared>> -> memref<200x64xf32, #tpu.memory_space<vmem_shared>>
        %dma_wait3A_318 = arith.constant 0 : i32
        %dma_wait3A_319 = arith.constant 0 : i32
        %dma_wait3A_320 = tpu.memref_slice %arg9[%run_scoped3A_282, %dma_wait3A_318, %dma_wait3A_319] : memref<2x256x64xf32, #tpu.memory_space<vmem>> -> memref<1x200x64xf32, #tpu.memory_space<vmem>>
        %dma_wait3A_321 = tpu.memref_squeeze %dma_wait3A_320 : memref<1x200x64xf32, #tpu.memory_space<vmem>> -> memref<200x64xf32, #tpu.memory_space<vmem>>
        tpu.wait_dma2 semaphore(%run_scoped3A_293 : memref<!tpu.dma_semaphore, #tpu.memory_space<semaphore_mem>>) src(%dma_wait3A_321 : memref<200x64xf32, #tpu.memory_space<vmem>>) dst(%dma_wait3A_317 : memref<200x64xf32, #tpu.memory_space<vmem_shared>>)
        tpu.yield
      }) : () -> ()
      %scan3A_283 = arith.constant 0 : i32
      %scan3A_284 = arith.constant 1 : i32
      %scan3A_285 = arith.constant 0 : i32
      %scan3A_286 = arith.constant 0 : i32
      %scan3A_287 = arith.constant 200 : i32
      %scan3A_288 = arith.addi %scan3A_286, %scan3A_287 : i32
      %scan3A_289 = arith.constant 1 : i32
      %scan3A_290 = scf.for %scan3A_293 = %scan3A_286 to %scan3A_288 step %scan3A_289 iter_args(%scan3A_294 = %scan3A_285) -> (i32)  : i32 {
        %get3A = arith.constant 0 : i32
        %get3A_295 = arith.constant 0 : i32
        %get3A_296 = tpu.memref_slice %arg9[%scan3A_283, %get3A, %get3A_295] : memref<2x256x64xf32, #tpu.memory_space<vmem>> -> memref<1x200x64xf32, #tpu.memory_space<vmem>>
        %get3A_297 = tpu.memref_squeeze %get3A_296 : memref<1x200x64xf32, #tpu.memory_space<vmem>> -> memref<200x64xf32, #tpu.memory_space<vmem>>
        %get3A_298 = arith.index_cast %scan3A_293 : i32 to index
        %get3A_299 = arith.constant 0 : index
        %get3A_300 = tpu.vector_load %get3A_297[%get3A_298, %get3A_299] {strides = array<i32>} : memref<200x64xf32, #tpu.memory_space<vmem>>, vector<1x16xf32>,
        %get3A_301 = vector.shape_cast %get3A_300 : vector<1x16xf32> to vector<16xf32>
        %get3A_302 = arith.constant 1 : i32
        %get3A_303 = arith.index_cast %get3A_302 : i32 to index
        %get3A_304 = arith.constant 0 : index
        %get3A_305 = tpu.vector_load %arg16[%get3A_303, %get3A_304] {strides = array<i32>} : memref<2x64xf32, #tpu.memory_space<vmem>>, vector<1x16xf32>,
        %get3A_306 = vector.shape_cast %get3A_305 : vector<1x16xf32> to vector<16xf32>
        %add3A_307 = arith.addf %get3A_301, %get3A_306 : vector<16xf32>
        %swap3A_308 = arith.constant 0 : i32
        %swap3A_309 = arith.constant 0 : i32
        %swap3A_310 = tpu.memref_slice %arg9[%scan3A_284, %swap3A_308, %swap3A_309] : memref<2x256x64xf32, #tpu.memory_space<vmem>> -> memref<1x200x64xf32, #tpu.memory_space<vmem>>
        %swap3A_311 = tpu.memref_squeeze %swap3A_310 : memref<1x200x64xf32, #tpu.memory_space<vmem>> -> memref<200x64xf32, #tpu.memory_space<vmem>>
        %swap3A_312 = arith.index_cast %scan3A_293 : i32 to index
        %swap3A_313 = arith.constant 0 : index
        %swap3A_314 = tpu.vector_load %swap3A_311[%swap3A_312, %swap3A_313] {strides = array<i32>} : memref<200x64xf32, #tpu.memory_space<vmem>>, vector<1x16xf32>,
        %swap3A_315 = vector.shape_cast %swap3A_314 : vector<1x16xf32> to vector<16xf32>
        %swap3A_316 = vector.shape_cast %add3A_307 : vector<16xf32> to vector<1x16xf32>
        tpu.vector_store %swap3A_311[%swap3A_312, %swap3A_313], %swap3A_316 {strides = array<i32>} : memref<200x64xf32, #tpu.memory_space<vmem>>, vector<1x16xf32>,
        %get3A_317 = arith.constant 0 : i32
        %get3A_318 = arith.constant 0 : i32
        %get3A_319 = tpu.memref_slice %arg9[%scan3A_283, %get3A_317, %get3A_318] : memref<2x256x64xf32, #tpu.memory_space<vmem>> -> memref<1x200x64xf32, #tpu.memory_space<vmem>>
        %get3A_320 = tpu.memref_squeeze %get3A_319 : memref<1x200x64xf32, #tpu.memory_space<vmem>> -> memref<200x64xf32, #tpu.memory_space<vmem>>
        %get3A_321 = arith.index_cast %scan3A_293 : i32 to index
        %get3A_322 = arith.constant 16 : index
        %get3A_323 = tpu.vector_load %get3A_320[%get3A_321, %get3A_322] {strides = array<i32>} : memref<200x64xf32, #tpu.memory_space<vmem>>, vector<1x16xf32>,
        %get3A_324 = vector.shape_cast %get3A_323 : vector<1x16xf32> to vector<16xf32>
        %get3A_325 = arith.constant 1 : i32
        %get3A_326 = arith.index_cast %get3A_325 : i32 to index
        %get3A_327 = arith.constant 16 : index
        %get3A_328 = tpu.vector_load %arg16[%get3A_326, %get3A_327] {strides = array<i32>} : memref<2x64xf32, #tpu.memory_space<vmem>>, vector<1x16xf32>,
        %get3A_329 = vector.shape_cast %get3A_328 : vector<1x16xf32> to vector<16xf32>
        %add3A_330 = arith.addf %get3A_324, %get3A_329 : vector<16xf32>
        %swap3A_331 = arith.constant 0 : i32
        %swap3A_332 = arith.constant 0 : i32
        %swap3A_333 = tpu.memref_slice %arg9[%scan3A_284, %swap3A_331, %swap3A_332] : memref<2x256x64xf32, #tpu.memory_space<vmem>> -> memref<1x200x64xf32, #tpu.memory_space<vmem>>
        %swap3A_334 = tpu.memref_squeeze %swap3A_333 : memref<1x200x64xf32, #tpu.memory_space<vmem>> -> memref<200x64xf32, #tpu.memory_space<vmem>>
        %swap3A_335 = arith.index_cast %scan3A_293 : i32 to index
        %swap3A_336 = arith.constant 16 : index
        %swap3A_337 = tpu.vector_load %swap3A_334[%swap3A_335, %swap3A_336] {strides = array<i32>} : memref<200x64xf32, #tpu.memory_space<vmem>>, vector<1x16xf32>,
        %swap3A_338 = vector.shape_cast %swap3A_337 : vector<1x16xf32> to vector<16xf32>
        %swap3A_339 = vector.shape_cast %add3A_330 : vector<16xf32> to vector<1x16xf32>
        tpu.vector_store %swap3A_334[%swap3A_335, %swap3A_336], %swap3A_339 {strides = array<i32>} : memref<200x64xf32, #tpu.memory_space<vmem>>, vector<1x16xf32>,
        %get3A_340 = arith.constant 0 : i32
        %get3A_341 = arith.constant 0 : i32
        %get3A_342 = tpu.memref_slice %arg9[%scan3A_283, %get3A_340, %get3A_341] : memref<2x256x64xf32, #tpu.memory_space<vmem>> -> memref<1x200x64xf32, #tpu.memory_space<vmem>>
        %get3A_343 = tpu.memref_squeeze %get3A_342 : memref<1x200x64xf32, #tpu.memory_space<vmem>> -> memref<200x64xf32, #tpu.memory_space<vmem>>
        %get3A_344 = arith.index_cast %scan3A_293 : i32 to index
        %get3A_345 = arith.constant 32 : index
        %get3A_346 = tpu.vector_load %get3A_343[%get3A_344, %get3A_345] {strides = array<i32>} : memref<200x64xf32, #tpu.memory_space<vmem>>, vector<1x16xf32>,
        %get3A_347 = vector.shape_cast %get3A_346 : vector<1x16xf32> to vector<16xf32>
        %get3A_348 = arith.constant 1 : i32
        %get3A_349 = arith.index_cast %get3A_348 : i32 to index
        %get3A_350 = arith.constant 32 : index
        %get3A_351 = tpu.vector_load %arg16[%get3A_349, %get3A_350] {strides = array<i32>} : memref<2x64xf32, #tpu.memory_space<vmem>>, vector<1x16xf32>,
        %get3A_352 = vector.shape_cast %get3A_351 : vector<1x16xf32> to vector<16xf32>
        %add3A_353 = arith.addf %get3A_347, %get3A_352 : vector<16xf32>
        %swap3A_354 = arith.constant 0 : i32
        %swap3A_355 = arith.constant 0 : i32
        %swap3A_356 = tpu.memref_slice %arg9[%scan3A_284, %swap3A_354, %swap3A_355] : memref<2x256x64xf32, #tpu.memory_space<vmem>> -> memref<1x200x64xf32, #tpu.memory_space<vmem>>
        %swap3A_357 = tpu.memref_squeeze %swap3A_356 : memref<1x200x64xf32, #tpu.memory_space<vmem>> -> memref<200x64xf32, #tpu.memory_space<vmem>>
        %swap3A_358 = arith.index_cast %scan3A_293 : i32 to index
        %swap3A_359 = arith.constant 32 : index
        %swap3A_360 = tpu.vector_load %swap3A_357[%swap3A_358, %swap3A_359] {strides = array<i32>} : memref<200x64xf32, #tpu.memory_space<vmem>>, vector<1x16xf32>,
        %swap3A_361 = vector.shape_cast %swap3A_360 : vector<1x16xf32> to vector<16xf32>
        %swap3A_362 = vector.shape_cast %add3A_353 : vector<16xf32> to vector<1x16xf32>
        tpu.vector_store %swap3A_357[%swap3A_358, %swap3A_359], %swap3A_362 {strides = array<i32>} : memref<200x64xf32, #tpu.memory_space<vmem>>, vector<1x16xf32>,
        %get3A_363 = arith.constant 0 : i32
        %get3A_364 = arith.constant 0 : i32
        %get3A_365 = tpu.memref_slice %arg9[%scan3A_283, %get3A_363, %get3A_364] : memref<2x256x64xf32, #tpu.memory_space<vmem>> -> memref<1x200x64xf32, #tpu.memory_space<vmem>>
        %get3A_366 = tpu.memref_squeeze %get3A_365 : memref<1x200x64xf32, #tpu.memory_space<vmem>> -> memref<200x64xf32, #tpu.memory_space<vmem>>
        %get3A_367 = arith.index_cast %scan3A_293 : i32 to index
        %get3A_368 = arith.constant 48 : index
        %get3A_369 = tpu.vector_load %get3A_366[%get3A_367, %get3A_368] {strides = array<i32>} : memref<200x64xf32, #tpu.memory_space<vmem>>, vector<1x16xf32>,
        %get3A_370 = vector.shape_cast %get3A_369 : vector<1x16xf32> to vector<16xf32>
        %get3A_371 = arith.constant 1 : i32
        %get3A_372 = arith.index_cast %get3A_371 : i32 to index
        %get3A_373 = arith.constant 48 : index
        %get3A_374 = tpu.vector_load %arg16[%get3A_372, %get3A_373] {strides = array<i32>} : memref<2x64xf32, #tpu.memory_space<vmem>>, vector<1x16xf32>,
        %get3A_375 = vector.shape_cast %get3A_374 : vector<1x16xf32> to vector<16xf32>
        %add3A_376 = arith.addf %get3A_370, %get3A_375 : vector<16xf32>
        %swap3A_377 = arith.constant 0 : i32
        %swap3A_378 = arith.constant 0 : i32
        %swap3A_379 = tpu.memref_slice %arg9[%scan3A_284, %swap3A_377, %swap3A_378] : memref<2x256x64xf32, #tpu.memory_space<vmem>> -> memref<1x200x64xf32, #tpu.memory_space<vmem>>
        %swap3A_380 = tpu.memref_squeeze %swap3A_379 : memref<1x200x64xf32, #tpu.memory_space<vmem>> -> memref<200x64xf32, #tpu.memory_space<vmem>>
        %swap3A_381 = arith.index_cast %scan3A_293 : i32 to index
        %swap3A_382 = arith.constant 48 : index
        %swap3A_383 = tpu.vector_load %swap3A_380[%swap3A_381, %swap3A_382] {strides = array<i32>} : memref<200x64xf32, #tpu.memory_space<vmem>>, vector<1x16xf32>,
        %swap3A_384 = vector.shape_cast %swap3A_383 : vector<1x16xf32> to vector<16xf32>
        %swap3A_385 = vector.shape_cast %add3A_376 : vector<16xf32> to vector<1x16xf32>
        tpu.vector_store %swap3A_380[%swap3A_381, %swap3A_382], %swap3A_385 {strides = array<i32>} : memref<200x64xf32, #tpu.memory_space<vmem>>, vector<1x16xf32>,
        %scan3A_386 = arith.constant 0 : i32
        scf.yield %scan3A_386 : i32
      }
      %scan3A_291 = arith.constant 200 : i32
      %run_scoped3A_292 = arith.constant 1 : i32
      "tpu.region"() ({
        %run_scoped3A_293 = tpu.sem_alloc : memref<!tpu.dma_semaphore, #tpu.memory_space<semaphore_mem>>
        %dma_start3A_294 = arith.constant 0 : i32
        %dma_start3A_295 = arith.constant 0 : i32
        %dma_start3A_296 = tpu.memref_slice %arg9[%run_scoped3A_292, %dma_start3A_294, %dma_start3A_295] : memref<2x256x64xf32, #tpu.memory_space<vmem>> -> memref<1x200x64xf32, #tpu.memory_space<vmem>>
        %dma_start3A_297 = tpu.memref_squeeze %dma_start3A_296 : memref<1x200x64xf32, #tpu.memory_space<vmem>> -> memref<200x64xf32, #tpu.memory_space<vmem>>
        %dma_start3A_298 = arith.constant 400 : i32
        %dma_start3A_299 = arith.constant 0 : i32
        %dma_start3A_300 = tpu.memref_slice %arg8[%dma_start3A_298, %dma_start3A_299] : memref<600x64xf32, #tpu.memory_space<vmem_shared>> -> memref<200x64xf32, #tpu.memory_space<vmem_shared>>
        %dma_start3A_301 = arith.constant 400 : i32
        %dma_start3A_302 = arith.constant 0 : i32
        %dma_start3A_303 = tpu.memref_slice %arg8[%dma_start3A_301, %dma_start3A_302] : memref<600x64xf32, #tpu.memory_space<vmem_shared>> -> memref<200x64xf32, #tpu.memory_space<vmem_shared>>
        %dma_start3A_304 = arith.constant 0 : i32
        %dma_start3A_305 = arith.constant 0 : i32
        %dma_start3A_306 = tpu.memref_slice %arg9[%run_scoped3A_292, %dma_start3A_304, %dma_start3A_305] : memref<2x256x64xf32, #tpu.memory_space<vmem>> -> memref<1x200x64xf32, #tpu.memory_space<vmem>>
        %dma_start3A_307 = tpu.memref_squeeze %dma_start3A_306 : memref<1x200x64xf32, #tpu.memory_space<vmem>> -> memref<200x64xf32, #tpu.memory_space<vmem>>
        tpu.enqueue_dma source(%dma_start3A_307 : memref<200x64xf32, #tpu.memory_space<vmem>>) target(%dma_start3A_303 : memref<200x64xf32, #tpu.memory_space<vmem_shared>>) target_semaphore(%run_scoped3A_293 : memref<!tpu.dma_semaphore, #tpu.memory_space<semaphore_mem>>)
        %dma_wait3A_308 = arith.constant 0 : i32
        %dma_wait3A_309 = arith.constant 0 : i32
        %dma_wait3A_310 = tpu.memref_slice %arg9[%run_scoped3A_292, %dma_wait3A_308, %dma_wait3A_309] : memref<2x256x64xf32, #tpu.memory_space<vmem>> -> memref<1x200x64xf32, #tpu.memory_space<vmem>>
        %dma_wait3A_311 = tpu.memref_squeeze %dma_wait3A_310 : memref<1x200x64xf32, #tpu.memory_space<vmem>> -> memref<200x64xf32, #tpu.memory_space<vmem>>
        %dma_wait3A_312 = arith.constant 400 : i32
        %dma_wait3A_313 = arith.constant 0 : i32
        %dma_wait3A_314 = tpu.memref_slice %arg8[%dma_wait3A_312, %dma_wait3A_313] : memref<600x64xf32, #tpu.memory_space<vmem_shared>> -> memref<200x64xf32, #tpu.memory_space<vmem_shared>>
        %dma_wait3A_315 = arith.constant 400 : i32
        %dma_wait3A_316 = arith.constant 0 : i32
        %dma_wait3A_317 = tpu.memref_slice %arg8[%dma_wait3A_315, %dma_wait3A_316] : memref<600x64xf32, #tpu.memory_space<vmem_shared>> -> memref<200x64xf32, #tpu.memory_space<vmem_shared>>
        %dma_wait3A_318 = arith.constant 0 : i32
        %dma_wait3A_319 = arith.constant 0 : i32
        %dma_wait3A_320 = tpu.memref_slice %arg9[%run_scoped3A_292, %dma_wait3A_318, %dma_wait3A_319] : memref<2x256x64xf32, #tpu.memory_space<vmem>> -> memref<1x200x64xf32, #tpu.memory_space<vmem>>
        %dma_wait3A_321 = tpu.memref_squeeze %dma_wait3A_320 : memref<1x200x64xf32, #tpu.memory_space<vmem>> -> memref<200x64xf32, #tpu.memory_space<vmem>>
        tpu.wait_dma2 semaphore(%run_scoped3A_293 : memref<!tpu.dma_semaphore, #tpu.memory_space<semaphore_mem>>) src(%dma_wait3A_321 : memref<200x64xf32, #tpu.memory_space<vmem>>) dst(%dma_wait3A_317 : memref<200x64xf32, #tpu.memory_space<vmem_shared>>)
        tpu.yield
      }) : () -> ()
    } else {
    }
    %barrier3A = arith.constant 0 : index
    tpu.barrier barrier_id(%barrier3A)
    %mul3A_3 = arith.constant 25600 : i32
    %mul3A_4 = arith.muli %add3A, %mul3A_3 : i32
    %run_scoped3A = arith.constant 0 : i32
    "tpu.region"() ({
      %run_scoped3A_119 = tpu.sem_alloc : memref<!tpu.dma_semaphore, #tpu.memory_space<semaphore_mem>>
      %dma_start3A_120 = arith.constant 0 : i32
      %dma_start3A_121 = tpu.memref_slice %arg12[%run_scoped3A, %dma_start3A_120] : memref<2x256xi32, #tpu.memory_space<vmem>> -> memref<1x256xi32, #tpu.memory_space<vmem>>
      %dma_start3A_122 = tpu.memref_squeeze %dma_start3A_121 : memref<1x256xi32, #tpu.memory_space<vmem>> -> memref<256xi32, #tpu.memory_space<vmem>>
      %dma_start3A_123 = tpu.memref_slice %arg2[%mul3A_4] : memref<819200xi32, #tpu.memory_space<hbm>> -> memref<256xi32, #tpu.memory_space<hbm>>
      %dma_start3A_124 = arith.constant 0 : i32
      %dma_start3A_125 = tpu.memref_slice %arg12[%run_scoped3A, %dma_start3A_124] : memref<2x256xi32, #tpu.memory_space<vmem>> -> memref<1x256xi32, #tpu.memory_space<vmem>>
      %dma_start3A_126 = tpu.memref_squeeze %dma_start3A_125 : memref<1x256xi32, #tpu.memory_space<vmem>> -> memref<256xi32, #tpu.memory_space<vmem>>
      %dma_start3A_127 = tpu.memref_slice %arg2[%mul3A_4] : memref<819200xi32, #tpu.memory_space<hbm>> -> memref<256xi32, #tpu.memory_space<hbm>>
      tpu.enqueue_dma source(%dma_start3A_127 : memref<256xi32, #tpu.memory_space<hbm>>) target(%dma_start3A_126 : memref<256xi32, #tpu.memory_space<vmem>>) target_semaphore(%run_scoped3A_119 : memref<!tpu.dma_semaphore, #tpu.memory_space<semaphore_mem>>)
      %dma_wait3A_128 = arith.constant 0 : i32
      %dma_wait3A_129 = tpu.memref_slice %arg12[%run_scoped3A, %dma_wait3A_128] : memref<2x256xi32, #tpu.memory_space<vmem>> -> memref<1x256xi32, #tpu.memory_space<vmem>>
      %dma_wait3A_130 = tpu.memref_squeeze %dma_wait3A_129 : memref<1x256xi32, #tpu.memory_space<vmem>> -> memref<256xi32, #tpu.memory_space<vmem>>
      %dma_wait3A_131 = tpu.memref_slice %arg2[%mul3A_4] : memref<819200xi32, #tpu.memory_space<hbm>> -> memref<256xi32, #tpu.memory_space<hbm>>
      %dma_wait3A_132 = arith.constant 0 : i32
      %dma_wait3A_133 = tpu.memref_slice %arg12[%run_scoped3A, %dma_wait3A_132] : memref<2x256xi32, #tpu.memory_space<vmem>> -> memref<1x256xi32, #tpu.memory_space<vmem>>
      %dma_wait3A_134 = tpu.memref_squeeze %dma_wait3A_133 : memref<1x256xi32, #tpu.memory_space<vmem>> -> memref<256xi32, #tpu.memory_space<vmem>>
      %dma_wait3A_135 = tpu.memref_slice %arg2[%mul3A_4] : memref<819200xi32, #tpu.memory_space<hbm>> -> memref<256xi32, #tpu.memory_space<hbm>>
      tpu.wait_dma2 semaphore(%run_scoped3A_119 : memref<!tpu.dma_semaphore, #tpu.memory_space<semaphore_mem>>) src(%dma_wait3A_135 : memref<256xi32, #tpu.memory_space<hbm>>) dst(%dma_wait3A_134 : memref<256xi32, #tpu.memory_space<vmem>>)
      tpu.yield
    }) : () -> ()
    %run_scoped3A_5 = arith.constant 0 : i32
    "tpu.region"() ({
      %run_scoped3A_119 = tpu.sem_alloc : memref<!tpu.dma_semaphore, #tpu.memory_space<semaphore_mem>>
      %dma_start3A_120 = arith.constant 0 : i32
      %dma_start3A_121 = tpu.memref_slice %arg13[%run_scoped3A_5, %dma_start3A_120] : memref<2x256xi32, #tpu.memory_space<vmem>> -> memref<1x256xi32, #tpu.memory_space<vmem>>
      %dma_start3A_122 = tpu.memref_squeeze %dma_start3A_121 : memref<1x256xi32, #tpu.memory_space<vmem>> -> memref<256xi32, #tpu.memory_space<vmem>>
      %dma_start3A_123 = tpu.memref_slice %arg3[%mul3A_4] : memref<819200xi32, #tpu.memory_space<hbm>> -> memref<256xi32, #tpu.memory_space<hbm>>
      %dma_start3A_124 = arith.constant 0 : i32
      %dma_start3A_125 = tpu.memref_slice %arg13[%run_scoped3A_5, %dma_start3A_124] : memref<2x256xi32, #tpu.memory_space<vmem>> -> memref<1x256xi32, #tpu.memory_space<vmem>>
      %dma_start3A_126 = tpu.memref_squeeze %dma_start3A_125 : memref<1x256xi32, #tpu.memory_space<vmem>> -> memref<256xi32, #tpu.memory_space<vmem>>
      %dma_start3A_127 = tpu.memref_slice %arg3[%mul3A_4] : memref<819200xi32, #tpu.memory_space<hbm>> -> memref<256xi32, #tpu.memory_space<hbm>>
      tpu.enqueue_dma source(%dma_start3A_127 : memref<256xi32, #tpu.memory_space<hbm>>) target(%dma_start3A_126 : memref<256xi32, #tpu.memory_space<vmem>>) target_semaphore(%run_scoped3A_119 : memref<!tpu.dma_semaphore, #tpu.memory_space<semaphore_mem>>)
      %dma_wait3A_128 = arith.constant 0 : i32
      %dma_wait3A_129 = tpu.memref_slice %arg13[%run_scoped3A_5, %dma_wait3A_128] : memref<2x256xi32, #tpu.memory_space<vmem>> -> memref<1x256xi32, #tpu.memory_space<vmem>>
      %dma_wait3A_130 = tpu.memref_squeeze %dma_wait3A_129 : memref<1x256xi32, #tpu.memory_space<vmem>> -> memref<256xi32, #tpu.memory_space<vmem>>
      %dma_wait3A_131 = tpu.memref_slice %arg3[%mul3A_4] : memref<819200xi32, #tpu.memory_space<hbm>> -> memref<256xi32, #tpu.memory_space<hbm>>
      %dma_wait3A_132 = arith.constant 0 : i32
      %dma_wait3A_133 = tpu.memref_slice %arg13[%run_scoped3A_5, %dma_wait3A_132] : memref<2x256xi32, #tpu.memory_space<vmem>> -> memref<1x256xi32, #tpu.memory_space<vmem>>
      %dma_wait3A_134 = tpu.memref_squeeze %dma_wait3A_133 : memref<1x256xi32, #tpu.memory_space<vmem>> -> memref<256xi32, #tpu.memory_space<vmem>>
      %dma_wait3A_135 = tpu.memref_slice %arg3[%mul3A_4] : memref<819200xi32, #tpu.memory_space<hbm>> -> memref<256xi32, #tpu.memory_space<hbm>>
      tpu.wait_dma2 semaphore(%run_scoped3A_119 : memref<!tpu.dma_semaphore, #tpu.memory_space<semaphore_mem>>) src(%dma_wait3A_135 : memref<256xi32, #tpu.memory_space<hbm>>) dst(%dma_wait3A_134 : memref<256xi32, #tpu.memory_space<vmem>>)
      tpu.yield
    }) : () -> ()
    %add3A_6 = arith.constant 0 : i32
    %add3A_7 = arith.addi %mul3A_4, %add3A_6 : i32
    %scan3A = arith.constant 0 : i32
    %scan3A_8 = arith.constant 0 : i32
    %scan3A_9 = arith.constant 0 : i32
    %scan3A_10 = arith.constant 0 : i32
    %scan3A_11 = arith.constant 16 : i32
    %scan3A_12 = arith.addi %scan3A_10, %scan3A_11 : i32
    %scan3A_13 = arith.constant 1 : i32
    %scan3A_14 = scf.for %scan3A_119 = %scan3A_10 to %scan3A_12 step %scan3A_13 iter_args(%scan3A_120 = %scan3A_9) -> (i32)  : i32 {
      %mul3A_121 = arith.constant 16 : i32
      %mul3A_122 = arith.muli %scan3A_119, %mul3A_121 : i32
      %get3A = arith.constant 0 : i32
      %get3A_123 = tpu.memref_slice %arg13[%scan3A, %get3A] : memref<2x256xi32, #tpu.memory_space<vmem>> -> memref<1x256xi32, #tpu.memory_space<vmem>>
      %get3A_124 = tpu.memref_squeeze %get3A_123 : memref<1x256xi32, #tpu.memory_space<vmem>> -> memref<256xi32, #tpu.memory_space<vmem>>
      %get3A_125 = arith.index_cast %mul3A_122 : i32 to index
      %get3A_126 = tpu.vector_load %get3A_124[%get3A_125] {strides = array<i32>} : memref<256xi32, #tpu.memory_space<vmem>>, vector<16xi32>,
      %get3A_127 = vector.shape_cast %get3A_126 : vector<16xi32> to vector<16xi32>
      %add3A_128 = arith.addi %add3A_7, %mul3A_122 : i32
      %iota3A = tpu.iota {dimensions = array<i32: 0>} : vector<16xi32>
      %add3A_129 = vector.broadcast %add3A_128 : i32 to vector<16xi32>
      %add3A_130 = arith.addi %add3A_129, %iota3A : vector<16xi32>
      %rem3A = arith.constant 200 : i32
      %rem3A_131 = vector.broadcast %rem3A : i32 to vector<16xi32>
      %rem3A_132 = arith.remsi %add3A_130, %rem3A_131 : vector<16xi32>
      %eq3A_133 = arith.constant 3 : i32
      %eq3A_134 = vector.broadcast %eq3A_133 : i32 to vector<16xi32>
      %eq3A_135 = arith.cmpi eq, %get3A_127, %eq3A_134 : vector<16xi32>
      %eq3A_136 = arith.constant 4 : i32
      %eq3A_137 = vector.broadcast %eq3A_136 : i32 to vector<16xi32>
      %eq3A_138 = arith.cmpi eq, %get3A_127, %eq3A_137 : vector<16xi32>
      %jit3A = arith.constant 400 : i32
      %jit3A_139 = arith.constant 0 : i32
      %broadcast_in_dim3A = vector.broadcast %jit3A : i32 to vector<16xi32>
      %broadcast_in_dim3A_140 = vector.broadcast %jit3A_139 : i32 to vector<16xi32>
      %select_n3A = arith.select %eq3A_138, %broadcast_in_dim3A, %broadcast_in_dim3A_140 : vector<16xi1>, vector<16xi32>
      %jit3A_141 = arith.constant 200 : i32
      %broadcast_in_dim3A_142 = vector.broadcast %jit3A_141 : i32 to vector<16xi32>
      %select_n3A_143 = arith.select %eq3A_135, %broadcast_in_dim3A_142, %select_n3A : vector<16xi1>, vector<16xi32>
      %add3A_144 = arith.addi %rem3A_132, %select_n3A_143 : vector<16xi32>
      %swap3A = arith.constant 0 : i32
      %swap3A_145 = tpu.memref_slice %arg14[%scan3A_8, %swap3A] : memref<2x256xi32, #tpu.memory_space<vmem>> -> memref<1x256xi32, #tpu.memory_space<vmem>>
      %swap3A_146 = tpu.memref_squeeze %swap3A_145 : memref<1x256xi32, #tpu.memory_space<vmem>> -> memref<256xi32, #tpu.memory_space<vmem>>
      %swap3A_147 = arith.index_cast %mul3A_122 : i32 to index
      %swap3A_148 = tpu.vector_load %swap3A_146[%swap3A_147] {strides = array<i32>} : memref<256xi32, #tpu.memory_space<vmem>>, vector<16xi32>,
      %swap3A_149 = vector.shape_cast %swap3A_148 : vector<16xi32> to vector<16xi32>
      %swap3A_150 = vector.shape_cast %add3A_144 : vector<16xi32> to vector<16xi32>
      tpu.vector_store %swap3A_146[%swap3A_147], %swap3A_150 {strides = array<i32>} : memref<256xi32, #tpu.memory_space<vmem>>, vector<16xi32>,
      %scan3A_151 = arith.constant 0 : i32
      scf.yield %scan3A_151 : i32
    }
    %scan3A_15 = arith.constant 16 : i32
    %dma_start3A = arith.constant 0 : i32
    %dma_start3A_16 = arith.constant 0 : i32
    %dma_start3A_17 = arith.constant 0 : i32
    %dma_start3A_18 = arith.constant 0 : i32
    %dma_start3A_19 = tpu.memref_slice %arg9[%dma_start3A_16, %dma_start3A_17, %dma_start3A_18] : memref<2x256x64xf32, #tpu.memory_space<vmem>> -> memref<1x128x64xf32, #tpu.memory_space<vmem>>
    %dma_start3A_20 = tpu.memref_squeeze %dma_start3A_19 : memref<1x128x64xf32, #tpu.memory_space<vmem>> -> memref<128x64xf32, #tpu.memory_space<vmem>>
    %dma_start3A_21 = arith.constant 0 : i32
    %dma_start3A_22 = tpu.memref_slice %arg12[%dma_start3A, %dma_start3A_21] : memref<2x256xi32, #tpu.memory_space<vmem>> -> memref<1x128xi32, #tpu.memory_space<vmem>>
    %dma_start3A_23 = tpu.memref_squeeze %dma_start3A_22 : memref<1x128xi32, #tpu.memory_space<vmem>> -> memref<128xi32, #tpu.memory_space<vmem>>
    %dma_start3A_24 = arith.constant 0 : i32
    %dma_start3A_25 = arith.constant 0 : i32
    %dma_start3A_26 = tpu.memref_slice %arg5[%dma_start3A_24, %dma_start3A_25] : memref<100000x64xf32, #tpu.memory_space<hbm>> -> memref<100000x64xf32, #tpu.memory_space<hbm>>
    tpu.enqueue_indirect_dma source(%dma_start3A_26 : memref<100000x64xf32, #tpu.memory_space<hbm>>) target(%dma_start3A_20 : memref<128x64xf32, #tpu.memory_space<vmem>>) offsets(%dma_start3A_23 : memref<128xi32, #tpu.memory_space<vmem>>) semaphore(%arg18 : memref<!tpu.dma_semaphore, #tpu.memory_space<semaphore_mem>>)
    %dma_start3A_27 = arith.constant 0 : i32
    %dma_start3A_28 = arith.constant 0 : i32
    %dma_start3A_29 = arith.constant 0 : i32
    %dma_start3A_30 = arith.constant 0 : i32
    %dma_start3A_31 = tpu.memref_slice %arg10[%dma_start3A_28, %dma_start3A_29, %dma_start3A_30] : memref<2x256x64xf32, #tpu.memory_space<vmem>> -> memref<1x128x64xf32, #tpu.memory_space<vmem>>
    %dma_start3A_32 = tpu.memref_squeeze %dma_start3A_31 : memref<1x128x64xf32, #tpu.memory_space<vmem>> -> memref<128x64xf32, #tpu.memory_space<vmem>>
    %dma_start3A_33 = arith.constant 0 : i32
    %dma_start3A_34 = tpu.memref_slice %arg14[%dma_start3A_27, %dma_start3A_33] : memref<2x256xi32, #tpu.memory_space<vmem>> -> memref<1x128xi32, #tpu.memory_space<vmem>>
    %dma_start3A_35 = tpu.memref_squeeze %dma_start3A_34 : memref<1x128xi32, #tpu.memory_space<vmem>> -> memref<128xi32, #tpu.memory_space<vmem>>
    %dma_start3A_36 = arith.constant 0 : i32
    %dma_start3A_37 = arith.constant 0 : i32
    %dma_start3A_38 = tpu.memref_slice %arg8[%dma_start3A_36, %dma_start3A_37] : memref<600x64xf32, #tpu.memory_space<vmem_shared>> -> memref<600x64xf32, #tpu.memory_space<vmem_shared>>
    tpu.enqueue_indirect_dma source(%dma_start3A_38 : memref<600x64xf32, #tpu.memory_space<vmem_shared>>) target(%dma_start3A_32 : memref<128x64xf32, #tpu.memory_space<vmem>>) offsets(%dma_start3A_35 : memref<128xi32, #tpu.memory_space<vmem>>) semaphore(%arg19 : memref<!tpu.dma_semaphore, #tpu.memory_space<semaphore_mem>>)
    %dma_start3A_39 = arith.constant 0 : i32
    %dma_start3A_40 = arith.constant 0 : i32
    %dma_start3A_41 = arith.constant 128 : i32
    %dma_start3A_42 = arith.constant 0 : i32
    %dma_start3A_43 = tpu.memref_slice %arg9[%dma_start3A_40, %dma_start3A_41, %dma_start3A_42] : memref<2x256x64xf32, #tpu.memory_space<vmem>> -> memref<1x128x64xf32, #tpu.memory_space<vmem>>
    %dma_start3A_44 = tpu.memref_squeeze %dma_start3A_43 : memref<1x128x64xf32, #tpu.memory_space<vmem>> -> memref<128x64xf32, #tpu.memory_space<vmem>>
    %dma_start3A_45 = arith.constant 128 : i32
    %dma_start3A_46 = tpu.memref_slice %arg12[%dma_start3A_39, %dma_start3A_45] : memref<2x256xi32, #tpu.memory_space<vmem>> -> memref<1x128xi32, #tpu.memory_space<vmem>>
    %dma_start3A_47 = tpu.memref_squeeze %dma_start3A_46 : memref<1x128xi32, #tpu.memory_space<vmem>> -> memref<128xi32, #tpu.memory_space<vmem>>
    %dma_start3A_48 = arith.constant 0 : i32
    %dma_start3A_49 = arith.constant 0 : i32
    %dma_start3A_50 = tpu.memref_slice %arg5[%dma_start3A_48, %dma_start3A_49] : memref<100000x64xf32, #tpu.memory_space<hbm>> -> memref<100000x64xf32, #tpu.memory_space<hbm>>
    tpu.enqueue_indirect_dma source(%dma_start3A_50 : memref<100000x64xf32, #tpu.memory_space<hbm>>) target(%dma_start3A_44 : memref<128x64xf32, #tpu.memory_space<vmem>>) offsets(%dma_start3A_47 : memref<128xi32, #tpu.memory_space<vmem>>) semaphore(%arg18 : memref<!tpu.dma_semaphore, #tpu.memory_space<semaphore_mem>>)
    %dma_start3A_51 = arith.constant 0 : i32
    %dma_start3A_52 = arith.constant 0 : i32
    %dma_start3A_53 = arith.constant 128 : i32
    %dma_start3A_54 = arith.constant 0 : i32
    %dma_start3A_55 = tpu.memref_slice %arg10[%dma_start3A_52, %dma_start3A_53, %dma_start3A_54] : memref<2x256x64xf32, #tpu.memory_space<vmem>> -> memref<1x128x64xf32, #tpu.memory_space<vmem>>
    %dma_start3A_56 = tpu.memref_squeeze %dma_start3A_55 : memref<1x128x64xf32, #tpu.memory_space<vmem>> -> memref<128x64xf32, #tpu.memory_space<vmem>>
    %dma_start3A_57 = arith.constant 128 : i32
    %dma_start3A_58 = tpu.memref_slice %arg14[%dma_start3A_51, %dma_start3A_57] : memref<2x256xi32, #tpu.memory_space<vmem>> -> memref<1x128xi32, #tpu.memory_space<vmem>>
    %dma_start3A_59 = tpu.memref_squeeze %dma_start3A_58 : memref<1x128xi32, #tpu.memory_space<vmem>> -> memref<128xi32, #tpu.memory_space<vmem>>
    %dma_start3A_60 = arith.constant 0 : i32
    %dma_start3A_61 = arith.constant 0 : i32
    %dma_start3A_62 = tpu.memref_slice %arg8[%dma_start3A_60, %dma_start3A_61] : memref<600x64xf32, #tpu.memory_space<vmem_shared>> -> memref<600x64xf32, #tpu.memory_space<vmem_shared>>
    tpu.enqueue_indirect_dma source(%dma_start3A_62 : memref<600x64xf32, #tpu.memory_space<vmem_shared>>) target(%dma_start3A_56 : memref<128x64xf32, #tpu.memory_space<vmem>>) offsets(%dma_start3A_59 : memref<128xi32, #tpu.memory_space<vmem>>) semaphore(%arg19 : memref<!tpu.dma_semaphore, #tpu.memory_space<semaphore_mem>>)
    %add3A_63 = arith.constant 256 : i32
    %add3A_64 = arith.addi %mul3A_4, %add3A_63 : i32
    %dma_start3A_65 = arith.constant 1 : i32
    %dma_start3A_66 = arith.constant 0 : i32
    %dma_start3A_67 = tpu.memref_slice %arg12[%dma_start3A_65, %dma_start3A_66] : memref<2x256xi32, #tpu.memory_space<vmem>> -> memref<1x256xi32, #tpu.memory_space<vmem>>
    %dma_start3A_68 = tpu.memref_squeeze %dma_start3A_67 : memref<1x256xi32, #tpu.memory_space<vmem>> -> memref<256xi32, #tpu.memory_space<vmem>>
    %dma_start3A_69 = tpu.memref_slice %arg2[%add3A_64] : memref<819200xi32, #tpu.memory_space<hbm>> -> memref<256xi32, #tpu.memory_space<hbm>>
    %dma_start3A_70 = arith.constant 0 : i32
    %dma_start3A_71 = tpu.memref_slice %arg12[%dma_start3A_65, %dma_start3A_70] : memref<2x256xi32, #tpu.memory_space<vmem>> -> memref<1x256xi32, #tpu.memory_space<vmem>>
    %dma_start3A_72 = tpu.memref_squeeze %dma_start3A_71 : memref<1x256xi32, #tpu.memory_space<vmem>> -> memref<256xi32, #tpu.memory_space<vmem>>
    %dma_start3A_73 = tpu.memref_slice %arg2[%add3A_64] : memref<819200xi32, #tpu.memory_space<hbm>> -> memref<256xi32, #tpu.memory_space<hbm>>
    tpu.enqueue_dma source(%dma_start3A_73 : memref<256xi32, #tpu.memory_space<hbm>>) target(%dma_start3A_72 : memref<256xi32, #tpu.memory_space<vmem>>) target_semaphore(%arg17 : memref<!tpu.dma_semaphore, #tpu.memory_space<semaphore_mem>>)
    %dma_start3A_74 = arith.constant 1 : i32
    %dma_start3A_75 = arith.constant 0 : i32
    %dma_start3A_76 = tpu.memref_slice %arg13[%dma_start3A_74, %dma_start3A_75] : memref<2x256xi32, #tpu.memory_space<vmem>> -> memref<1x256xi32, #tpu.memory_space<vmem>>
    %dma_start3A_77 = tpu.memref_squeeze %dma_start3A_76 : memref<1x256xi32, #tpu.memory_space<vmem>> -> memref<256xi32, #tpu.memory_space<vmem>>
    %dma_start3A_78 = tpu.memref_slice %arg3[%add3A_64] : memref<819200xi32, #tpu.memory_space<hbm>> -> memref<256xi32, #tpu.memory_space<hbm>>
    %dma_start3A_79 = arith.constant 0 : i32
    %dma_start3A_80 = tpu.memref_slice %arg13[%dma_start3A_74, %dma_start3A_79] : memref<2x256xi32, #tpu.memory_space<vmem>> -> memref<1x256xi32, #tpu.memory_space<vmem>>
    %dma_start3A_81 = tpu.memref_squeeze %dma_start3A_80 : memref<1x256xi32, #tpu.memory_space<vmem>> -> memref<256xi32, #tpu.memory_space<vmem>>
    %dma_start3A_82 = tpu.memref_slice %arg3[%add3A_64] : memref<819200xi32, #tpu.memory_space<hbm>> -> memref<256xi32, #tpu.memory_space<hbm>>
    tpu.enqueue_dma source(%dma_start3A_82 : memref<256xi32, #tpu.memory_space<hbm>>) target(%dma_start3A_81 : memref<256xi32, #tpu.memory_space<vmem>>) target_semaphore(%arg17 : memref<!tpu.dma_semaphore, #tpu.memory_space<semaphore_mem>>)
    %scan3A_83 = arith.constant 0 : i32
    %scan3A_84 = arith.constant 0 : i32
    %scan3A_85 = arith.constant 50 : i32
    %scan3A_86 = arith.addi %scan3A_84, %scan3A_85 : i32
    %scan3A_87 = arith.constant 1 : i32
    %scan3A_88 = scf.for %scan3A_119 = %scan3A_84 to %scan3A_86 step %scan3A_87 iter_args(%scan3A_120 = %scan3A_83) -> (i32)  : i32 {
      %mul3A_121 = arith.constant 2 : i32
      %mul3A_122 = arith.muli %mul3A_121, %scan3A_119 : i32
      %lt3A = arith.constant 99 : i32
      %lt3A_123 = arith.cmpi slt, %mul3A_122, %lt3A : i32
      %convert_element_type3A_124 = arith.extui %lt3A_123 : i1 to i32
      %cond3A_125 = arith.constant 0 : i32
      %cond3A_126 = arith.cmpi ne, %convert_element_type3A_124, %cond3A_125 : i32
      scf.if %cond3A_126 {
        %dma_wait3A_308 = arith.constant 1 : i32
        %dma_wait3A_309 = arith.constant 0 : i32
        %dma_wait3A_310 = tpu.memref_slice %arg12[%dma_wait3A_308, %dma_wait3A_309] : memref<2x256xi32, #tpu.memory_space<vmem>> -> memref<1x256xi32, #tpu.memory_space<vmem>>
        %dma_wait3A_311 = tpu.memref_squeeze %dma_wait3A_310 : memref<1x256xi32, #tpu.memory_space<vmem>> -> memref<256xi32, #tpu.memory_space<vmem>>
        %dma_wait3A_312 = arith.constant 0 : i32
        %dma_wait3A_313 = tpu.memref_slice %arg2[%dma_wait3A_312] : memref<819200xi32, #tpu.memory_space<hbm>> -> memref<256xi32, #tpu.memory_space<hbm>>
        %dma_wait3A_314 = arith.constant 0 : i32
        %dma_wait3A_315 = tpu.memref_slice %arg12[%dma_wait3A_308, %dma_wait3A_314] : memref<2x256xi32, #tpu.memory_space<vmem>> -> memref<1x256xi32, #tpu.memory_space<vmem>>
        %dma_wait3A_316 = tpu.memref_squeeze %dma_wait3A_315 : memref<1x256xi32, #tpu.memory_space<vmem>> -> memref<256xi32, #tpu.memory_space<vmem>>
        %dma_wait3A_317 = arith.constant 0 : i32
        %dma_wait3A_318 = tpu.memref_slice %arg2[%dma_wait3A_317] : memref<819200xi32, #tpu.memory_space<hbm>> -> memref<256xi32, #tpu.memory_space<hbm>>
        tpu.wait_dma2 semaphore(%arg17 : memref<!tpu.dma_semaphore, #tpu.memory_space<semaphore_mem>>) src(%dma_wait3A_318 : memref<256xi32, #tpu.memory_space<hbm>>) dst(%dma_wait3A_316 : memref<256xi32, #tpu.memory_space<vmem>>)
        %dma_wait3A_319 = arith.constant 1 : i32
        %dma_wait3A_320 = arith.constant 0 : i32
        %dma_wait3A_321 = tpu.memref_slice %arg13[%dma_wait3A_319, %dma_wait3A_320] : memref<2x256xi32, #tpu.memory_space<vmem>> -> memref<1x256xi32, #tpu.memory_space<vmem>>
        %dma_wait3A_322 = tpu.memref_squeeze %dma_wait3A_321 : memref<1x256xi32, #tpu.memory_space<vmem>> -> memref<256xi32, #tpu.memory_space<vmem>>
        %dma_wait3A_323 = arith.constant 0 : i32
        %dma_wait3A_324 = tpu.memref_slice %arg3[%dma_wait3A_323] : memref<819200xi32, #tpu.memory_space<hbm>> -> memref<256xi32, #tpu.memory_space<hbm>>
        %dma_wait3A_325 = arith.constant 0 : i32
        %dma_wait3A_326 = tpu.memref_slice %arg13[%dma_wait3A_319, %dma_wait3A_325] : memref<2x256xi32, #tpu.memory_space<vmem>> -> memref<1x256xi32, #tpu.memory_space<vmem>>
        %dma_wait3A_327 = tpu.memref_squeeze %dma_wait3A_326 : memref<1x256xi32, #tpu.memory_space<vmem>> -> memref<256xi32, #tpu.memory_space<vmem>>
        %dma_wait3A_328 = arith.constant 0 : i32
        %dma_wait3A_329 = tpu.memref_slice %arg3[%dma_wait3A_328] : memref<819200xi32, #tpu.memory_space<hbm>> -> memref<256xi32, #tpu.memory_space<hbm>>
        tpu.wait_dma2 semaphore(%arg17 : memref<!tpu.dma_semaphore, #tpu.memory_space<semaphore_mem>>) src(%dma_wait3A_329 : memref<256xi32, #tpu.memory_space<hbm>>) dst(%dma_wait3A_327 : memref<256xi32, #tpu.memory_space<vmem>>)
        %add3A_330 = arith.constant 1 : i32
        %add3A_331 = arith.addi %mul3A_122, %add3A_330 : i32
        %mul3A_332 = arith.constant 256 : i32
        %mul3A_333 = arith.muli %add3A_331, %mul3A_332 : i32
        %add3A_334 = arith.addi %mul3A_4, %mul3A_333 : i32
        %scan3A_335 = arith.constant 1 : i32
        %scan3A_336 = arith.constant 1 : i32
        %scan3A_337 = arith.constant 0 : i32
        %scan3A_338 = arith.constant 0 : i32
        %scan3A_339 = arith.constant 16 : i32
        %scan3A_340 = arith.addi %scan3A_338, %scan3A_339 : i32
        %scan3A_341 = arith.constant 1 : i32
        %scan3A_342 = scf.for %scan3A_394 = %scan3A_338 to %scan3A_340 step %scan3A_341 iter_args(%scan3A_395 = %scan3A_337) -> (i32)  : i32 {
          %mul3A_396 = arith.constant 16 : i32
          %mul3A_397 = arith.muli %scan3A_394, %mul3A_396 : i32
          %get3A = arith.constant 0 : i32
          %get3A_398 = tpu.memref_slice %arg13[%scan3A_335, %get3A] : memref<2x256xi32, #tpu.memory_space<vmem>> -> memref<1x256xi32, #tpu.memory_space<vmem>>
          %get3A_399 = tpu.memref_squeeze %get3A_398 : memref<1x256xi32, #tpu.memory_space<vmem>> -> memref<256xi32, #tpu.memory_space<vmem>>
          %get3A_400 = arith.index_cast %mul3A_397 : i32 to index
          %get3A_401 = tpu.vector_load %get3A_399[%get3A_400] {strides = array<i32>} : memref<256xi32, #tpu.memory_space<vmem>>, vector<16xi32>,
          %get3A_402 = vector.shape_cast %get3A_401 : vector<16xi32> to vector<16xi32>
          %add3A_403 = arith.addi %add3A_334, %mul3A_397 : i32
          %iota3A = tpu.iota {dimensions = array<i32: 0>} : vector<16xi32>
          %add3A_404 = vector.broadcast %add3A_403 : i32 to vector<16xi32>
          %add3A_405 = arith.addi %add3A_404, %iota3A : vector<16xi32>
          %rem3A_406 = arith.constant 200 : i32
          %rem3A_407 = vector.broadcast %rem3A_406 : i32 to vector<16xi32>
          %rem3A_408 = arith.remsi %add3A_405, %rem3A_407 : vector<16xi32>
          %eq3A_409 = arith.constant 3 : i32
          %eq3A_410 = vector.broadcast %eq3A_409 : i32 to vector<16xi32>
          %eq3A_411 = arith.cmpi eq, %get3A_402, %eq3A_410 : vector<16xi32>
          %eq3A_412 = arith.constant 4 : i32
          %eq3A_413 = vector.broadcast %eq3A_412 : i32 to vector<16xi32>
          %eq3A_414 = arith.cmpi eq, %get3A_402, %eq3A_413 : vector<16xi32>
          %jit3A_415 = arith.constant 400 : i32
          %jit3A_416 = arith.constant 0 : i32
          %broadcast_in_dim3A = vector.broadcast %jit3A_415 : i32 to vector<16xi32>
          %broadcast_in_dim3A_417 = vector.broadcast %jit3A_416 : i32 to vector<16xi32>
          %select_n3A_418 = arith.select %eq3A_414, %broadcast_in_dim3A, %broadcast_in_dim3A_417 : vector<16xi1>, vector<16xi32>
          %jit3A_419 = arith.constant 200 : i32
          %broadcast_in_dim3A_420 = vector.broadcast %jit3A_419 : i32 to vector<16xi32>
          %select_n3A_421 = arith.select %eq3A_411, %broadcast_in_dim3A_420, %select_n3A_418 : vector<16xi1>, vector<16xi32>
          %add3A_422 = arith.addi %rem3A_408, %select_n3A_421 : vector<16xi32>
          %swap3A = arith.constant 0 : i32
          %swap3A_423 = tpu.memref_slice %arg14[%scan3A_336, %swap3A] : memref<2x256xi32, #tpu.memory_space<vmem>> -> memref<1x256xi32, #tpu.memory_space<vmem>>
          %swap3A_424 = tpu.memref_squeeze %swap3A_423 : memref<1x256xi32, #tpu.memory_space<vmem>> -> memref<256xi32, #tpu.memory_space<vmem>>
          %swap3A_425 = arith.index_cast %mul3A_397 : i32 to index
          %swap3A_426 = tpu.vector_load %swap3A_424[%swap3A_425] {strides = array<i32>} : memref<256xi32, #tpu.memory_space<vmem>>, vector<16xi32>,
          %swap3A_427 = vector.shape_cast %swap3A_426 : vector<16xi32> to vector<16xi32>
          %swap3A_428 = vector.shape_cast %add3A_422 : vector<16xi32> to vector<16xi32>
          tpu.vector_store %swap3A_424[%swap3A_425], %swap3A_428 {strides = array<i32>} : memref<256xi32, #tpu.memory_space<vmem>>, vector<16xi32>,
          %scan3A_429 = arith.constant 0 : i32
          scf.yield %scan3A_429 : i32
        }
        %scan3A_343 = arith.constant 16 : i32
        %add3A_344 = arith.constant 1 : i32
        %add3A_345 = arith.addi %mul3A_122, %add3A_344 : i32
        %dma_start3A_346 = arith.constant 1 : i32
        %dma_start3A_347 = arith.constant 1 : i32
        %dma_start3A_348 = arith.constant 0 : i32
        %dma_start3A_349 = arith.constant 0 : i32
        %dma_start3A_350 = tpu.memref_slice %arg9[%dma_start3A_347, %dma_start3A_348, %dma_start3A_349] : memref<2x256x64xf32, #tpu.memory_space<vmem>> -> memref<1x128x64xf32, #tpu.memory_space<vmem>>
        %dma_start3A_351 = tpu.memref_squeeze %dma_start3A_350 : memref<1x128x64xf32, #tpu.memory_space<vmem>> -> memref<128x64xf32, #tpu.memory_space<vmem>>
        %dma_start3A_352 = arith.constant 0 : i32
        %dma_start3A_353 = tpu.memref_slice %arg12[%dma_start3A_346, %dma_start3A_352] : memref<2x256xi32, #tpu.memory_space<vmem>> -> memref<1x128xi32, #tpu.memory_space<vmem>>
        %dma_start3A_354 = tpu.memref_squeeze %dma_start3A_353 : memref<1x128xi32, #tpu.memory_space<vmem>> -> memref<128xi32, #tpu.memory_space<vmem>>
        %dma_start3A_355 = arith.constant 0 : i32
        %dma_start3A_356 = arith.constant 0 : i32
        %dma_start3A_357 = tpu.memref_slice %arg5[%dma_start3A_355, %dma_start3A_356] : memref<100000x64xf32, #tpu.memory_space<hbm>> -> memref<100000x64xf32, #tpu.memory_space<hbm>>
        tpu.enqueue_indirect_dma source(%dma_start3A_357 : memref<100000x64xf32, #tpu.memory_space<hbm>>) target(%dma_start3A_351 : memref<128x64xf32, #tpu.memory_space<vmem>>) offsets(%dma_start3A_354 : memref<128xi32, #tpu.memory_space<vmem>>) semaphore(%arg18 : memref<!tpu.dma_semaphore, #tpu.memory_space<semaphore_mem>>)
        %dma_start3A_358 = arith.constant 1 : i32
        %dma_start3A_359 = arith.constant 1 : i32
        %dma_start3A_360 = arith.constant 0 : i32
        %dma_start3A_361 = arith.constant 0 : i32
        %dma_start3A_362 = tpu.memref_slice %arg10[%dma_start3A_359, %dma_start3A_360, %dma_start3A_361] : memref<2x256x64xf32, #tpu.memory_space<vmem>> -> memref<1x128x64xf32, #tpu.memory_space<vmem>>
        %dma_start3A_363 = tpu.memref_squeeze %dma_start3A_362 : memref<1x128x64xf32, #tpu.memory_space<vmem>> -> memref<128x64xf32, #tpu.memory_space<vmem>>
        %dma_start3A_364 = arith.constant 0 : i32
        %dma_start3A_365 = tpu.memref_slice %arg14[%dma_start3A_358, %dma_start3A_364] : memref<2x256xi32, #tpu.memory_space<vmem>> -> memref<1x128xi32, #tpu.memory_space<vmem>>
        %dma_start3A_366 = tpu.memref_squeeze %dma_start3A_365 : memref<1x128xi32, #tpu.memory_space<vmem>> -> memref<128xi32, #tpu.memory_space<vmem>>
        %dma_start3A_367 = arith.constant 0 : i32
        %dma_start3A_368 = arith.constant 0 : i32
        %dma_start3A_369 = tpu.memref_slice %arg8[%dma_start3A_367, %dma_start3A_368] : memref<600x64xf32, #tpu.memory_space<vmem_shared>> -> memref<600x64xf32, #tpu.memory_space<vmem_shared>>
        tpu.enqueue_indirect_dma source(%dma_start3A_369 : memref<600x64xf32, #tpu.memory_space<vmem_shared>>) target(%dma_start3A_363 : memref<128x64xf32, #tpu.memory_space<vmem>>) offsets(%dma_start3A_366 : memref<128xi32, #tpu.memory_space<vmem>>) semaphore(%arg19 : memref<!tpu.dma_semaphore, #tpu.memory_space<semaphore_mem>>)
        %dma_start3A_370 = arith.constant 1 : i32
        %dma_start3A_371 = arith.constant 1 : i32
        %dma_start3A_372 = arith.constant 128 : i32
        %dma_start3A_373 = arith.constant 0 : i32
        %dma_start3A_374 = tpu.memref_slice %arg9[%dma_start3A_371, %dma_start3A_372, %dma_start3A_373] : memref<2x256x64xf32, #tpu.memory_space<vmem>> -> memref<1x128x64xf32, #tpu.memory_space<vmem>>
        %dma_start3A_375 = tpu.memref_squeeze %dma_start3A_374 : memref<1x128x64xf32, #tpu.memory_space<vmem>> -> memref<128x64xf32, #tpu.memory_space<vmem>>
        %dma_start3A_376 = arith.constant 128 : i32
        %dma_start3A_377 = tpu.memref_slice %arg12[%dma_start3A_370, %dma_start3A_376] : memref<2x256xi32, #tpu.memory_space<vmem>> -> memref<1x128xi32, #tpu.memory_space<vmem>>
        %dma_start3A_378 = tpu.memref_squeeze %dma_start3A_377 : memref<1x128xi32, #tpu.memory_space<vmem>> -> memref<128xi32, #tpu.memory_space<vmem>>
        %dma_start3A_379 = arith.constant 0 : i32
        %dma_start3A_380 = arith.constant 0 : i32
        %dma_start3A_381 = tpu.memref_slice %arg5[%dma_start3A_379, %dma_start3A_380] : memref<100000x64xf32, #tpu.memory_space<hbm>> -> memref<100000x64xf32, #tpu.memory_space<hbm>>
        tpu.enqueue_indirect_dma source(%dma_start3A_381 : memref<100000x64xf32, #tpu.memory_space<hbm>>) target(%dma_start3A_375 : memref<128x64xf32, #tpu.memory_space<vmem>>) offsets(%dma_start3A_378 : memref<128xi32, #tpu.memory_space<vmem>>) semaphore(%arg18 : memref<!tpu.dma_semaphore, #tpu.memory_space<semaphore_mem>>)
        %dma_start3A_382 = arith.constant 1 : i32
        %dma_start3A_383 = arith.constant 1 : i32
        %dma_start3A_384 = arith.constant 128 : i32
        %dma_start3A_385 = arith.constant 0 : i32
        %dma_start3A_386 = tpu.memref_slice %arg10[%dma_start3A_383, %dma_start3A_384, %dma_start3A_385] : memref<2x256x64xf32, #tpu.memory_space<vmem>> -> memref<1x128x64xf32, #tpu.memory_space<vmem>>
        %dma_start3A_387 = tpu.memref_squeeze %dma_start3A_386 : memref<1x128x64xf32, #tpu.memory_space<vmem>> -> memref<128x64xf32, #tpu.memory_space<vmem>>
        %dma_start3A_388 = arith.constant 128 : i32
        %dma_start3A_389 = tpu.memref_slice %arg14[%dma_start3A_382, %dma_start3A_388] : memref<2x256xi32, #tpu.memory_space<vmem>> -> memref<1x128xi32, #tpu.memory_space<vmem>>
        %dma_start3A_390 = tpu.memref_squeeze %dma_start3A_389 : memref<1x128xi32, #tpu.memory_space<vmem>> -> memref<128xi32, #tpu.memory_space<vmem>>
        %dma_start3A_391 = arith.constant 0 : i32
        %dma_start3A_392 = arith.constant 0 : i32
        %dma_start3A_393 = tpu.memref_slice %arg8[%dma_start3A_391, %dma_start3A_392] : memref<600x64xf32, #tpu.memory_space<vmem_shared>> -> memref<600x64xf32, #tpu.memory_space<vmem_shared>>
        tpu.enqueue_indirect_dma source(%dma_start3A_393 : memref<600x64xf32, #tpu.memory_space<vmem_shared>>) target(%dma_start3A_387 : memref<128x64xf32, #tpu.memory_space<vmem>>) offsets(%dma_start3A_390 : memref<128xi32, #tpu.memory_space<vmem>>) semaphore(%arg19 : memref<!tpu.dma_semaphore, #tpu.memory_space<semaphore_mem>>)
      } else {
      }
      %dma_wait3A_127 = arith.constant 0 : i32
      %dma_wait3A_128 = arith.constant 0 : i32
      %dma_wait3A_129 = arith.constant 0 : i32
      %dma_wait3A_130 = tpu.memref_slice %arg9[%dma_wait3A_127, %dma_wait3A_128, %dma_wait3A_129] : memref<2x256x64xf32, #tpu.memory_space<vmem>> -> memref<1x256x64xf32, #tpu.memory_space<vmem>>
      %dma_wait3A_131 = tpu.memref_squeeze %dma_wait3A_130 : memref<1x256x64xf32, #tpu.memory_space<vmem>> -> memref<256x64xf32, #tpu.memory_space<vmem>>
      %dma_wait3A_132 = arith.constant 0 : i32
      %dma_wait3A_133 = arith.constant 0 : i32
      %dma_wait3A_134 = tpu.memref_slice %arg5[%dma_wait3A_132, %dma_wait3A_133] : memref<100000x64xf32, #tpu.memory_space<hbm>> -> memref<256x64xf32, #tpu.memory_space<hbm>>
      %dma_wait3A_135 = arith.constant 0 : i32
      %dma_wait3A_136 = arith.constant 0 : i32
      %dma_wait3A_137 = tpu.memref_slice %arg9[%dma_wait3A_127, %dma_wait3A_135, %dma_wait3A_136] : memref<2x256x64xf32, #tpu.memory_space<vmem>> -> memref<1x256x64xf32, #tpu.memory_space<vmem>>
      %dma_wait3A_138 = tpu.memref_squeeze %dma_wait3A_137 : memref<1x256x64xf32, #tpu.memory_space<vmem>> -> memref<256x64xf32, #tpu.memory_space<vmem>>
      %dma_wait3A_139 = arith.constant 0 : i32
      %dma_wait3A_140 = arith.constant 0 : i32
      %dma_wait3A_141 = tpu.memref_slice %arg5[%dma_wait3A_139, %dma_wait3A_140] : memref<100000x64xf32, #tpu.memory_space<hbm>> -> memref<256x64xf32, #tpu.memory_space<hbm>>
      tpu.wait_dma2 semaphore(%arg18 : memref<!tpu.dma_semaphore, #tpu.memory_space<semaphore_mem>>) src(%dma_wait3A_141 : memref<256x64xf32, #tpu.memory_space<hbm>>) dst(%dma_wait3A_138 : memref<256x64xf32, #tpu.memory_space<vmem>>)
      %dma_wait3A_142 = arith.constant 0 : i32
      %dma_wait3A_143 = arith.constant 0 : i32
      %dma_wait3A_144 = arith.constant 0 : i32
      %dma_wait3A_145 = tpu.memref_slice %arg10[%dma_wait3A_142, %dma_wait3A_143, %dma_wait3A_144] : memref<2x256x64xf32, #tpu.memory_space<vmem>> -> memref<1x256x64xf32, #tpu.memory_space<vmem>>
      %dma_wait3A_146 = tpu.memref_squeeze %dma_wait3A_145 : memref<1x256x64xf32, #tpu.memory_space<vmem>> -> memref<256x64xf32, #tpu.memory_space<vmem>>
      %dma_wait3A_147 = arith.constant 0 : i32
      %dma_wait3A_148 = arith.constant 0 : i32
      %dma_wait3A_149 = tpu.memref_slice %arg5[%dma_wait3A_147, %dma_wait3A_148] : memref<100000x64xf32, #tpu.memory_space<hbm>> -> memref<256x64xf32, #tpu.memory_space<hbm>>
      %dma_wait3A_150 = arith.constant 0 : i32
      %dma_wait3A_151 = arith.constant 0 : i32
      %dma_wait3A_152 = tpu.memref_slice %arg10[%dma_wait3A_142, %dma_wait3A_150, %dma_wait3A_151] : memref<2x256x64xf32, #tpu.memory_space<vmem>> -> memref<1x256x64xf32, #tpu.memory_space<vmem>>
      %dma_wait3A_153 = tpu.memref_squeeze %dma_wait3A_152 : memref<1x256x64xf32, #tpu.memory_space<vmem>> -> memref<256x64xf32, #tpu.memory_space<vmem>>
      %dma_wait3A_154 = arith.constant 0 : i32
      %dma_wait3A_155 = arith.constant 0 : i32
      %dma_wait3A_156 = tpu.memref_slice %arg5[%dma_wait3A_154, %dma_wait3A_155] : memref<100000x64xf32, #tpu.memory_space<hbm>> -> memref<256x64xf32, #tpu.memory_space<hbm>>
      tpu.wait_dma2 semaphore(%arg19 : memref<!tpu.dma_semaphore, #tpu.memory_space<semaphore_mem>>) src(%dma_wait3A_156 : memref<256x64xf32, #tpu.memory_space<hbm>>) dst(%dma_wait3A_153 : memref<256x64xf32, #tpu.memory_space<vmem>>)
      %ge3A = arith.constant 2 : i32
      %ge3A_157 = arith.cmpi sge, %mul3A_122, %ge3A : i32
      %convert_element_type3A_158 = arith.extui %ge3A_157 : i1 to i32
      %cond3A_159 = arith.constant 0 : i32
      %cond3A_160 = arith.cmpi ne, %convert_element_type3A_158, %cond3A_159 : i32
      scf.if %cond3A_160 {
        %dma_wait3A_308 = arith.constant 0 : i32
        %dma_wait3A_309 = arith.constant 0 : i32
        %dma_wait3A_310 = arith.constant 0 : i32
        %dma_wait3A_311 = tpu.memref_slice %arg11[%dma_wait3A_308, %dma_wait3A_309, %dma_wait3A_310] : memref<2x128x128xf32, #tpu.memory_space<vmem>> -> memref<1x128x128xf32, #tpu.memory_space<vmem>>
        %dma_wait3A_312 = tpu.memref_squeeze %dma_wait3A_311 : memref<1x128x128xf32, #tpu.memory_space<vmem>> -> memref<128x128xf32, #tpu.memory_space<vmem>>
        %dma_wait3A_313 = arith.constant 0 : i32
        %dma_wait3A_314 = arith.constant 0 : i32
        %dma_wait3A_315 = tpu.memref_slice %arg7[%dma_wait3A_313, %dma_wait3A_314] : memref<409600x128xf32, #tpu.memory_space<hbm>> -> memref<128x128xf32, #tpu.memory_space<hbm>>
        %dma_wait3A_316 = arith.constant 0 : i32
        %dma_wait3A_317 = arith.constant 0 : i32
        %dma_wait3A_318 = tpu.memref_slice %arg7[%dma_wait3A_316, %dma_wait3A_317] : memref<409600x128xf32, #tpu.memory_space<hbm>> -> memref<128x128xf32, #tpu.memory_space<hbm>>
        %dma_wait3A_319 = arith.constant 0 : i32
        %dma_wait3A_320 = arith.constant 0 : i32
        %dma_wait3A_321 = tpu.memref_slice %arg11[%dma_wait3A_308, %dma_wait3A_319, %dma_wait3A_320] : memref<2x128x128xf32, #tpu.memory_space<vmem>> -> memref<1x128x128xf32, #tpu.memory_space<vmem>>
        %dma_wait3A_322 = tpu.memref_squeeze %dma_wait3A_321 : memref<1x128x128xf32, #tpu.memory_space<vmem>> -> memref<128x128xf32, #tpu.memory_space<vmem>>
        tpu.wait_dma2 semaphore(%arg20 : memref<!tpu.dma_semaphore, #tpu.memory_space<semaphore_mem>>) src(%dma_wait3A_322 : memref<128x128xf32, #tpu.memory_space<vmem>>) dst(%dma_wait3A_318 : memref<128x128xf32, #tpu.memory_space<hbm>>)
      } else {
      }
      %scan3A_161 = arith.constant 0 : i32
      %scan3A_162 = arith.constant 0 : i32
      %scan3A_163 = arith.constant 0 : i32
      %scan3A_164 = arith.constant 0 : i32
      %scan3A_165 = arith.constant 0 : i32
      %scan3A_166 = arith.constant 32 : i32
      %scan3A_167 = arith.addi %scan3A_165, %scan3A_166 : i32
      %scan3A_168 = arith.constant 1 : i32
      %scan3A_169 = scf.for %scan3A_308 = %scan3A_165 to %scan3A_167 step %scan3A_168 iter_args(%scan3A_309 = %scan3A_164) -> (i32)  : i32 {
        %mul3A_310 = arith.constant 8 : i32
        %mul3A_311 = arith.muli %scan3A_308, %mul3A_310 : i32
        %mul3A_312 = arith.constant 4 : i32
        %mul3A_313 = arith.muli %scan3A_308, %mul3A_312 : i32
        %add3A_314 = arith.constant 0 : i32
        %add3A_315 = arith.addi %mul3A_311, %add3A_314 : i32
        %get3A = arith.constant 0 : i32
        %get3A_316 = arith.constant 0 : i32
        %get3A_317 = tpu.memref_slice %arg9[%scan3A_161, %get3A, %get3A_316] : memref<2x256x64xf32, #tpu.memory_space<vmem>> -> memref<1x256x64xf32, #tpu.memory_space<vmem>>
        %get3A_318 = tpu.memref_squeeze %get3A_317 : memref<1x256x64xf32, #tpu.memory_space<vmem>> -> memref<256x64xf32, #tpu.memory_space<vmem>>
        %get3A_319 = arith.index_cast %add3A_315 : i32 to index
        %get3A_320 = arith.constant 0 : index
        %get3A_321 = tpu.vector_load %get3A_318[%get3A_319, %get3A_320] {strides = array<i32>} : memref<256x64xf32, #tpu.memory_space<vmem>>, vector<1x16xf32>,
        %get3A_322 = vector.shape_cast %get3A_321 : vector<1x16xf32> to vector<16xf32>
        %mul3A_323 = arith.constant 8.000000e+00 : f32
        %mul3A_324 = vector.broadcast %mul3A_323 : f32 to vector<16xf32>
        %mul3A_325 = arith.mulf %get3A_322, %mul3A_324 : vector<16xf32>
        %add3A_326 = arith.constant 0 : i32
        %add3A_327 = arith.addi %mul3A_311, %add3A_326 : i32
        %get3A_328 = arith.constant 0 : i32
        %get3A_329 = arith.constant 0 : i32
        %get3A_330 = tpu.memref_slice %arg10[%scan3A_162, %get3A_328, %get3A_329] : memref<2x256x64xf32, #tpu.memory_space<vmem>> -> memref<1x256x64xf32, #tpu.memory_space<vmem>>
        %get3A_331 = tpu.memref_squeeze %get3A_330 : memref<1x256x64xf32, #tpu.memory_space<vmem>> -> memref<256x64xf32, #tpu.memory_space<vmem>>
        %get3A_332 = arith.index_cast %add3A_327 : i32 to index
        %get3A_333 = arith.constant 0 : index
        %get3A_334 = tpu.vector_load %get3A_331[%get3A_332, %get3A_333] {strides = array<i32>} : memref<256x64xf32, #tpu.memory_space<vmem>>, vector<1x16xf32>,
        %get3A_335 = vector.shape_cast %get3A_334 : vector<1x16xf32> to vector<16xf32>
        %add3A_336 = arith.addf %mul3A_325, %get3A_335 : vector<16xf32>
        %add3A_337 = arith.constant 0 : i32
        %add3A_338 = arith.addi %mul3A_313, %add3A_337 : i32
        %swap3A = arith.constant 0 : i32
        %swap3A_339 = arith.constant 0 : i32
        %swap3A_340 = tpu.memref_slice %arg11[%scan3A_163, %swap3A, %swap3A_339] : memref<2x128x128xf32, #tpu.memory_space<vmem>> -> memref<1x128x128xf32, #tpu.memory_space<vmem>>
        %swap3A_341 = tpu.memref_squeeze %swap3A_340 : memref<1x128x128xf32, #tpu.memory_space<vmem>> -> memref<128x128xf32, #tpu.memory_space<vmem>>
        %swap3A_342 = arith.index_cast %add3A_338 : i32 to index
        %swap3A_343 = arith.constant 0 : index
        %swap3A_344 = tpu.vector_load %swap3A_341[%swap3A_342, %swap3A_343] {strides = array<i32>} : memref<128x128xf32, #tpu.memory_space<vmem>>, vector<1x16xf32>,
        %swap3A_345 = vector.shape_cast %swap3A_344 : vector<1x16xf32> to vector<16xf32>
        %swap3A_346 = vector.shape_cast %add3A_336 : vector<16xf32> to vector<1x16xf32>
        tpu.vector_store %swap3A_341[%swap3A_342, %swap3A_343], %swap3A_346 {strides = array<i32>} : memref<128x128xf32, #tpu.memory_space<vmem>>, vector<1x16xf32>,
        %add3A_347 = arith.constant 0 : i32
        %add3A_348 = arith.addi %mul3A_311, %add3A_347 : i32
        %get3A_349 = arith.constant 0 : i32
        %get3A_350 = arith.constant 0 : i32
        %get3A_351 = tpu.memref_slice %arg9[%scan3A_161, %get3A_349, %get3A_350] : memref<2x256x64xf32, #tpu.memory_space<vmem>> -> memref<1x256x64xf32, #tpu.memory_space<vmem>>
        %get3A_352 = tpu.memref_squeeze %get3A_351 : memref<1x256x64xf32, #tpu.memory_space<vmem>> -> memref<256x64xf32, #tpu.memory_space<vmem>>
        %get3A_353 = arith.index_cast %add3A_348 : i32 to index
        %get3A_354 = arith.constant 16 : index
        %get3A_355 = tpu.vector_load %get3A_352[%get3A_353, %get3A_354] {strides = array<i32>} : memref<256x64xf32, #tpu.memory_space<vmem>>, vector<1x16xf32>,
        %get3A_356 = vector.shape_cast %get3A_355 : vector<1x16xf32> to vector<16xf32>
        %mul3A_357 = arith.constant 8.000000e+00 : f32
        %mul3A_358 = vector.broadcast %mul3A_357 : f32 to vector<16xf32>
        %mul3A_359 = arith.mulf %get3A_356, %mul3A_358 : vector<16xf32>
        %add3A_360 = arith.constant 0 : i32
        %add3A_361 = arith.addi %mul3A_311, %add3A_360 : i32
        %get3A_362 = arith.constant 0 : i32
        %get3A_363 = arith.constant 0 : i32
        %get3A_364 = tpu.memref_slice %arg10[%scan3A_162, %get3A_362, %get3A_363] : memref<2x256x64xf32, #tpu.memory_space<vmem>> -> memref<1x256x64xf32, #tpu.memory_space<vmem>>
        %get3A_365 = tpu.memref_squeeze %get3A_364 : memref<1x256x64xf32, #tpu.memory_space<vmem>> -> memref<256x64xf32, #tpu.memory_space<vmem>>
        %get3A_366 = arith.index_cast %add3A_361 : i32 to index
        %get3A_367 = arith.constant 16 : index
        %get3A_368 = tpu.vector_load %get3A_365[%get3A_366, %get3A_367] {strides = array<i32>} : memref<256x64xf32, #tpu.memory_space<vmem>>, vector<1x16xf32>,
        %get3A_369 = vector.shape_cast %get3A_368 : vector<1x16xf32> to vector<16xf32>
        %add3A_370 = arith.addf %mul3A_359, %get3A_369 : vector<16xf32>
        %add3A_371 = arith.constant 0 : i32
        %add3A_372 = arith.addi %mul3A_313, %add3A_371 : i32
        %swap3A_373 = arith.constant 0 : i32
        %swap3A_374 = arith.constant 0 : i32
        %swap3A_375 = tpu.memref_slice %arg11[%scan3A_163, %swap3A_373, %swap3A_374] : memref<2x128x128xf32, #tpu.memory_space<vmem>> -> memref<1x128x128xf32, #tpu.memory_space<vmem>>
        %swap3A_376 = tpu.memref_squeeze %swap3A_375 : memref<1x128x128xf32, #tpu.memory_space<vmem>> -> memref<128x128xf32, #tpu.memory_space<vmem>>
        %swap3A_377 = arith.index_cast %add3A_372 : i32 to index
        %swap3A_378 = arith.constant 16 : index
        %swap3A_379 = tpu.vector_load %swap3A_376[%swap3A_377, %swap3A_378] {strides = array<i32>} : memref<128x128xf32, #tpu.memory_space<vmem>>, vector<1x16xf32>,
        %swap3A_380 = vector.shape_cast %swap3A_379 : vector<1x16xf32> to vector<16xf32>
        %swap3A_381 = vector.shape_cast %add3A_370 : vector<16xf32> to vector<1x16xf32>
        tpu.vector_store %swap3A_376[%swap3A_377, %swap3A_378], %swap3A_381 {strides = array<i32>} : memref<128x128xf32, #tpu.memory_space<vmem>>, vector<1x16xf32>,
        %add3A_382 = arith.constant 0 : i32
        %add3A_383 = arith.addi %mul3A_311, %add3A_382 : i32
        %get3A_384 = arith.constant 0 : i32
        %get3A_385 = arith.constant 0 : i32
        %get3A_386 = tpu.memref_slice %arg9[%scan3A_161, %get3A_384, %get3A_385] : memref<2x256x64xf32, #tpu.memory_space<vmem>> -> memref<1x256x64xf32, #tpu.memory_space<vmem>>
        %get3A_387 = tpu.memref_squeeze %get3A_386 : memref<1x256x64xf32, #tpu.memory_space<vmem>> -> memref<256x64xf32, #tpu.memory_space<vmem>>
        %get3A_388 = arith.index_cast %add3A_383 : i32 to index
        %get3A_389 = arith.constant 32 : index
        %get3A_390 = tpu.vector_load %get3A_387[%get3A_388, %get3A_389] {strides = array<i32>} : memref<256x64xf32, #tpu.memory_space<vmem>>, vector<1x16xf32>,
        %get3A_391 = vector.shape_cast %get3A_390 : vector<1x16xf32> to vector<16xf32>
        %mul3A_392 = arith.constant 8.000000e+00 : f32
        %mul3A_393 = vector.broadcast %mul3A_392 : f32 to vector<16xf32>
        %mul3A_394 = arith.mulf %get3A_391, %mul3A_393 : vector<16xf32>
        %add3A_395 = arith.constant 0 : i32
        %add3A_396 = arith.addi %mul3A_311, %add3A_395 : i32
        %get3A_397 = arith.constant 0 : i32
        %get3A_398 = arith.constant 0 : i32
        %get3A_399 = tpu.memref_slice %arg10[%scan3A_162, %get3A_397, %get3A_398] : memref<2x256x64xf32, #tpu.memory_space<vmem>> -> memref<1x256x64xf32, #tpu.memory_space<vmem>>
        %get3A_400 = tpu.memref_squeeze %get3A_399 : memref<1x256x64xf32, #tpu.memory_space<vmem>> -> memref<256x64xf32, #tpu.memory_space<vmem>>
        %get3A_401 = arith.index_cast %add3A_396 : i32 to index
        %get3A_402 = arith.constant 32 : index
        %get3A_403 = tpu.vector_load %get3A_400[%get3A_401, %get3A_402] {strides = array<i32>} : memref<256x64xf32, #tpu.memory_space<vmem>>, vector<1x16xf32>,
        %get3A_404 = vector.shape_cast %get3A_403 : vector<1x16xf32> to vector<16xf32>
        %add3A_405 = arith.addf %mul3A_394, %get3A_404 : vector<16xf32>
        %add3A_406 = arith.constant 0 : i32
        %add3A_407 = arith.addi %mul3A_313, %add3A_406 : i32
        %swap3A_408 = arith.constant 0 : i32
        %swap3A_409 = arith.constant 0 : i32
        %swap3A_410 = tpu.memref_slice %arg11[%scan3A_163, %swap3A_408, %swap3A_409] : memref<2x128x128xf32, #tpu.memory_space<vmem>> -> memref<1x128x128xf32, #tpu.memory_space<vmem>>
        %swap3A_411 = tpu.memref_squeeze %swap3A_410 : memref<1x128x128xf32, #tpu.memory_space<vmem>> -> memref<128x128xf32, #tpu.memory_space<vmem>>
        %swap3A_412 = arith.index_cast %add3A_407 : i32 to index
        %swap3A_413 = arith.constant 32 : index
        %swap3A_414 = tpu.vector_load %swap3A_411[%swap3A_412, %swap3A_413] {strides = array<i32>} : memref<128x128xf32, #tpu.memory_space<vmem>>, vector<1x16xf32>,
        %swap3A_415 = vector.shape_cast %swap3A_414 : vector<1x16xf32> to vector<16xf32>
        %swap3A_416 = vector.shape_cast %add3A_405 : vector<16xf32> to vector<1x16xf32>
        tpu.vector_store %swap3A_411[%swap3A_412, %swap3A_413], %swap3A_416 {strides = array<i32>} : memref<128x128xf32, #tpu.memory_space<vmem>>, vector<1x16xf32>,
        %add3A_417 = arith.constant 0 : i32
        %add3A_418 = arith.addi %mul3A_311, %add3A_417 : i32
        %get3A_419 = arith.constant 0 : i32
        %get3A_420 = arith.constant 0 : i32
        %get3A_421 = tpu.memref_slice %arg9[%scan3A_161, %get3A_419, %get3A_420] : memref<2x256x64xf32, #tpu.memory_space<vmem>> -> memref<1x256x64xf32, #tpu.memory_space<vmem>>
        %get3A_422 = tpu.memref_squeeze %get3A_421 : memref<1x256x64xf32, #tpu.memory_space<vmem>> -> memref<256x64xf32, #tpu.memory_space<vmem>>
        %get3A_423 = arith.index_cast %add3A_418 : i32 to index
        %get3A_424 = arith.constant 48 : index
        %get3A_425 = tpu.vector_load %get3A_422[%get3A_423, %get3A_424] {strides = array<i32>} : memref<256x64xf32, #tpu.memory_space<vmem>>, vector<1x16xf32>,
        %get3A_426 = vector.shape_cast %get3A_425 : vector<1x16xf32> to vector<16xf32>
        %mul3A_427 = arith.constant 8.000000e+00 : f32
        %mul3A_428 = vector.broadcast %mul3A_427 : f32 to vector<16xf32>
        %mul3A_429 = arith.mulf %get3A_426, %mul3A_428 : vector<16xf32>
        %add3A_430 = arith.constant 0 : i32
        %add3A_431 = arith.addi %mul3A_311, %add3A_430 : i32
        %get3A_432 = arith.constant 0 : i32
        %get3A_433 = arith.constant 0 : i32
        %get3A_434 = tpu.memref_slice %arg10[%scan3A_162, %get3A_432, %get3A_433] : memref<2x256x64xf32, #tpu.memory_space<vmem>> -> memref<1x256x64xf32, #tpu.memory_space<vmem>>
        %get3A_435 = tpu.memref_squeeze %get3A_434 : memref<1x256x64xf32, #tpu.memory_space<vmem>> -> memref<256x64xf32, #tpu.memory_space<vmem>>
        %get3A_436 = arith.index_cast %add3A_431 : i32 to index
        %get3A_437 = arith.constant 48 : index
        %get3A_438 = tpu.vector_load %get3A_435[%get3A_436, %get3A_437] {strides = array<i32>} : memref<256x64xf32, #tpu.memory_space<vmem>>, vector<1x16xf32>,
        %get3A_439 = vector.shape_cast %get3A_438 : vector<1x16xf32> to vector<16xf32>
        %add3A_440 = arith.addf %mul3A_429, %get3A_439 : vector<16xf32>
        %add3A_441 = arith.constant 0 : i32
        %add3A_442 = arith.addi %mul3A_313, %add3A_441 : i32
        %swap3A_443 = arith.constant 0 : i32
        %swap3A_444 = arith.constant 0 : i32
        %swap3A_445 = tpu.memref_slice %arg11[%scan3A_163, %swap3A_443, %swap3A_444] : memref<2x128x128xf32, #tpu.memory_space<vmem>> -> memref<1x128x128xf32, #tpu.memory_space<vmem>>
        %swap3A_446 = tpu.memref_squeeze %swap3A_445 : memref<1x128x128xf32, #tpu.memory_space<vmem>> -> memref<128x128xf32, #tpu.memory_space<vmem>>
        %swap3A_447 = arith.index_cast %add3A_442 : i32 to index
        %swap3A_448 = arith.constant 48 : index
        %swap3A_449 = tpu.vector_load %swap3A_446[%swap3A_447, %swap3A_448] {strides = array<i32>} : memref<128x128xf32, #tpu.memory_space<vmem>>, vector<1x16xf32>,
        %swap3A_450 = vector.shape_cast %swap3A_449 : vector<1x16xf32> to vector<16xf32>
        %swap3A_451 = vector.shape_cast %add3A_440 : vector<16xf32> to vector<1x16xf32>
        tpu.vector_store %swap3A_446[%swap3A_447, %swap3A_448], %swap3A_451 {strides = array<i32>} : memref<128x128xf32, #tpu.memory_space<vmem>>, vector<1x16xf32>,
        %add3A_452 = arith.constant 1 : i32
        %add3A_453 = arith.addi %mul3A_311, %add3A_452 : i32
        %get3A_454 = arith.constant 0 : i32
        %get3A_455 = arith.constant 0 : i32
        %get3A_456 = tpu.memref_slice %arg9[%scan3A_161, %get3A_454, %get3A_455] : memref<2x256x64xf32, #tpu.memory_space<vmem>> -> memref<1x256x64xf32, #tpu.memory_space<vmem>>
        %get3A_457 = tpu.memref_squeeze %get3A_456 : memref<1x256x64xf32, #tpu.memory_space<vmem>> -> memref<256x64xf32, #tpu.memory_space<vmem>>
        %get3A_458 = arith.index_cast %add3A_453 : i32 to index
        %get3A_459 = arith.constant 0 : index
        %get3A_460 = tpu.vector_load %get3A_457[%get3A_458, %get3A_459] {strides = array<i32>} : memref<256x64xf32, #tpu.memory_space<vmem>>, vector<1x16xf32>,
        %get3A_461 = vector.shape_cast %get3A_460 : vector<1x16xf32> to vector<16xf32>
        %mul3A_462 = arith.constant 8.000000e+00 : f32
        %mul3A_463 = vector.broadcast %mul3A_462 : f32 to vector<16xf32>
        %mul3A_464 = arith.mulf %get3A_461, %mul3A_463 : vector<16xf32>
        %add3A_465 = arith.constant 1 : i32
        %add3A_466 = arith.addi %mul3A_311, %add3A_465 : i32
        %get3A_467 = arith.constant 0 : i32
        %get3A_468 = arith.constant 0 : i32
        %get3A_469 = tpu.memref_slice %arg10[%scan3A_162, %get3A_467, %get3A_468] : memref<2x256x64xf32, #tpu.memory_space<vmem>> -> memref<1x256x64xf32, #tpu.memory_space<vmem>>
        %get3A_470 = tpu.memref_squeeze %get3A_469 : memref<1x256x64xf32, #tpu.memory_space<vmem>> -> memref<256x64xf32, #tpu.memory_space<vmem>>
        %get3A_471 = arith.index_cast %add3A_466 : i32 to index
        %get3A_472 = arith.constant 0 : index
        %get3A_473 = tpu.vector_load %get3A_470[%get3A_471, %get3A_472] {strides = array<i32>} : memref<256x64xf32, #tpu.memory_space<vmem>>, vector<1x16xf32>,
        %get3A_474 = vector.shape_cast %get3A_473 : vector<1x16xf32> to vector<16xf32>
        %add3A_475 = arith.addf %mul3A_464, %get3A_474 : vector<16xf32>
        %add3A_476 = arith.constant 0 : i32
        %add3A_477 = arith.addi %mul3A_313, %add3A_476 : i32
        %swap3A_478 = arith.constant 0 : i32
        %swap3A_479 = arith.constant 0 : i32
        %swap3A_480 = tpu.memref_slice %arg11[%scan3A_163, %swap3A_478, %swap3A_479] : memref<2x128x128xf32, #tpu.memory_space<vmem>> -> memref<1x128x128xf32, #tpu.memory_space<vmem>>
        %swap3A_481 = tpu.memref_squeeze %swap3A_480 : memref<1x128x128xf32, #tpu.memory_space<vmem>> -> memref<128x128xf32, #tpu.memory_space<vmem>>
        %swap3A_482 = arith.index_cast %add3A_477 : i32 to index
        %swap3A_483 = arith.constant 64 : index
        %swap3A_484 = tpu.vector_load %swap3A_481[%swap3A_482, %swap3A_483] {strides = array<i32>} : memref<128x128xf32, #tpu.memory_space<vmem>>, vector<1x16xf32>,
        %swap3A_485 = vector.shape_cast %swap3A_484 : vector<1x16xf32> to vector<16xf32>
        %swap3A_486 = vector.shape_cast %add3A_475 : vector<16xf32> to vector<1x16xf32>
        tpu.vector_store %swap3A_481[%swap3A_482, %swap3A_483], %swap3A_486 {strides = array<i32>} : memref<128x128xf32, #tpu.memory_space<vmem>>, vector<1x16xf32>,
        %add3A_487 = arith.constant 1 : i32
        %add3A_488 = arith.addi %mul3A_311, %add3A_487 : i32
        %get3A_489 = arith.constant 0 : i32
        %get3A_490 = arith.constant 0 : i32
        %get3A_491 = tpu.memref_slice %arg9[%scan3A_161, %get3A_489, %get3A_490] : memref<2x256x64xf32, #tpu.memory_space<vmem>> -> memref<1x256x64xf32, #tpu.memory_space<vmem>>
        %get3A_492 = tpu.memref_squeeze %get3A_491 : memref<1x256x64xf32, #tpu.memory_space<vmem>> -> memref<256x64xf32, #tpu.memory_space<vmem>>
        %get3A_493 = arith.index_cast %add3A_488 : i32 to index
        %get3A_494 = arith.constant 16 : index
        %get3A_495 = tpu.vector_load %get3A_492[%get3A_493, %get3A_494] {strides = array<i32>} : memref<256x64xf32, #tpu.memory_space<vmem>>, vector<1x16xf32>,
        %get3A_496 = vector.shape_cast %get3A_495 : vector<1x16xf32> to vector<16xf32>
        %mul3A_497 = arith.constant 8.000000e+00 : f32
        %mul3A_498 = vector.broadcast %mul3A_497 : f32 to vector<16xf32>
        %mul3A_499 = arith.mulf %get3A_496, %mul3A_498 : vector<16xf32>
        %add3A_500 = arith.constant 1 : i32
        %add3A_501 = arith.addi %mul3A_311, %add3A_500 : i32
        %get3A_502 = arith.constant 0 : i32
        %get3A_503 = arith.constant 0 : i32
        %get3A_504 = tpu.memref_slice %arg10[%scan3A_162, %get3A_502, %get3A_503] : memref<2x256x64xf32, #tpu.memory_space<vmem>> -> memref<1x256x64xf32, #tpu.memory_space<vmem>>
        %get3A_505 = tpu.memref_squeeze %get3A_504 : memref<1x256x64xf32, #tpu.memory_space<vmem>> -> memref<256x64xf32, #tpu.memory_space<vmem>>
        %get3A_506 = arith.index_cast %add3A_501 : i32 to index
        %get3A_507 = arith.constant 16 : index
        %get3A_508 = tpu.vector_load %get3A_505[%get3A_506, %get3A_507] {strides = array<i32>} : memref<256x64xf32, #tpu.memory_space<vmem>>, vector<1x16xf32>,
        %get3A_509 = vector.shape_cast %get3A_508 : vector<1x16xf32> to vector<16xf32>
        %add3A_510 = arith.addf %mul3A_499, %get3A_509 : vector<16xf32>
        %add3A_511 = arith.constant 0 : i32
        %add3A_512 = arith.addi %mul3A_313, %add3A_511 : i32
        %swap3A_513 = arith.constant 0 : i32
        %swap3A_514 = arith.constant 0 : i32
        %swap3A_515 = tpu.memref_slice %arg11[%scan3A_163, %swap3A_513, %swap3A_514] : memref<2x128x128xf32, #tpu.memory_space<vmem>> -> memref<1x128x128xf32, #tpu.memory_space<vmem>>
        %swap3A_516 = tpu.memref_squeeze %swap3A_515 : memref<1x128x128xf32, #tpu.memory_space<vmem>> -> memref<128x128xf32, #tpu.memory_space<vmem>>
        %swap3A_517 = arith.index_cast %add3A_512 : i32 to index
        %swap3A_518 = arith.constant 80 : index
        %swap3A_519 = tpu.vector_load %swap3A_516[%swap3A_517, %swap3A_518] {strides = array<i32>} : memref<128x128xf32, #tpu.memory_space<vmem>>, vector<1x16xf32>,
        %swap3A_520 = vector.shape_cast %swap3A_519 : vector<1x16xf32> to vector<16xf32>
        %swap3A_521 = vector.shape_cast %add3A_510 : vector<16xf32> to vector<1x16xf32>
        tpu.vector_store %swap3A_516[%swap3A_517, %swap3A_518], %swap3A_521 {strides = array<i32>} : memref<128x128xf32, #tpu.memory_space<vmem>>, vector<1x16xf32>,
        %add3A_522 = arith.constant 1 : i32
        %add3A_523 = arith.addi %mul3A_311, %add3A_522 : i32
        %get3A_524 = arith.constant 0 : i32
        %get3A_525 = arith.constant 0 : i32
        %get3A_526 = tpu.memref_slice %arg9[%scan3A_161, %get3A_524, %get3A_525] : memref<2x256x64xf32, #tpu.memory_space<vmem>> -> memref<1x256x64xf32, #tpu.memory_space<vmem>>
        %get3A_527 = tpu.memref_squeeze %get3A_526 : memref<1x256x64xf32, #tpu.memory_space<vmem>> -> memref<256x64xf32, #tpu.memory_space<vmem>>
        %get3A_528 = arith.index_cast %add3A_523 : i32 to index
        %get3A_529 = arith.constant 32 : index
        %get3A_530 = tpu.vector_load %get3A_527[%get3A_528, %get3A_529] {strides = array<i32>} : memref<256x64xf32, #tpu.memory_space<vmem>>, vector<1x16xf32>,
        %get3A_531 = vector.shape_cast %get3A_530 : vector<1x16xf32> to vector<16xf32>
        %mul3A_532 = arith.constant 8.000000e+00 : f32
        %mul3A_533 = vector.broadcast %mul3A_532 : f32 to vector<16xf32>
        %mul3A_534 = arith.mulf %get3A_531, %mul3A_533 : vector<16xf32>
        %add3A_535 = arith.constant 1 : i32
        %add3A_536 = arith.addi %mul3A_311, %add3A_535 : i32
        %get3A_537 = arith.constant 0 : i32
        %get3A_538 = arith.constant 0 : i32
        %get3A_539 = tpu.memref_slice %arg10[%scan3A_162, %get3A_537, %get3A_538] : memref<2x256x64xf32, #tpu.memory_space<vmem>> -> memref<1x256x64xf32, #tpu.memory_space<vmem>>
        %get3A_540 = tpu.memref_squeeze %get3A_539 : memref<1x256x64xf32, #tpu.memory_space<vmem>> -> memref<256x64xf32, #tpu.memory_space<vmem>>
        %get3A_541 = arith.index_cast %add3A_536 : i32 to index
        %get3A_542 = arith.constant 32 : index
        %get3A_543 = tpu.vector_load %get3A_540[%get3A_541, %get3A_542] {strides = array<i32>} : memref<256x64xf32, #tpu.memory_space<vmem>>, vector<1x16xf32>,
        %get3A_544 = vector.shape_cast %get3A_543 : vector<1x16xf32> to vector<16xf32>
        %add3A_545 = arith.addf %mul3A_534, %get3A_544 : vector<16xf32>
        %add3A_546 = arith.constant 0 : i32
        %add3A_547 = arith.addi %mul3A_313, %add3A_546 : i32
        %swap3A_548 = arith.constant 0 : i32
        %swap3A_549 = arith.constant 0 : i32
        %swap3A_550 = tpu.memref_slice %arg11[%scan3A_163, %swap3A_548, %swap3A_549] : memref<2x128x128xf32, #tpu.memory_space<vmem>> -> memref<1x128x128xf32, #tpu.memory_space<vmem>>
        %swap3A_551 = tpu.memref_squeeze %swap3A_550 : memref<1x128x128xf32, #tpu.memory_space<vmem>> -> memref<128x128xf32, #tpu.memory_space<vmem>>
        %swap3A_552 = arith.index_cast %add3A_547 : i32 to index
        %swap3A_553 = arith.constant 96 : index
        %swap3A_554 = tpu.vector_load %swap3A_551[%swap3A_552, %swap3A_553] {strides = array<i32>} : memref<128x128xf32, #tpu.memory_space<vmem>>, vector<1x16xf32>,
        %swap3A_555 = vector.shape_cast %swap3A_554 : vector<1x16xf32> to vector<16xf32>
        %swap3A_556 = vector.shape_cast %add3A_545 : vector<16xf32> to vector<1x16xf32>
        tpu.vector_store %swap3A_551[%swap3A_552, %swap3A_553], %swap3A_556 {strides = array<i32>} : memref<128x128xf32, #tpu.memory_space<vmem>>, vector<1x16xf32>,
        %add3A_557 = arith.constant 1 : i32
        %add3A_558 = arith.addi %mul3A_311, %add3A_557 : i32
        %get3A_559 = arith.constant 0 : i32
        %get3A_560 = arith.constant 0 : i32
        %get3A_561 = tpu.memref_slice %arg9[%scan3A_161, %get3A_559, %get3A_560] : memref<2x256x64xf32, #tpu.memory_space<vmem>> -> memref<1x256x64xf32, #tpu.memory_space<vmem>>
        %get3A_562 = tpu.memref_squeeze %get3A_561 : memref<1x256x64xf32, #tpu.memory_space<vmem>> -> memref<256x64xf32, #tpu.memory_space<vmem>>
        %get3A_563 = arith.index_cast %add3A_558 : i32 to index
        %get3A_564 = arith.constant 48 : index
        %get3A_565 = tpu.vector_load %get3A_562[%get3A_563, %get3A_564] {strides = array<i32>} : memref<256x64xf32, #tpu.memory_space<vmem>>, vector<1x16xf32>,
        %get3A_566 = vector.shape_cast %get3A_565 : vector<1x16xf32> to vector<16xf32>
        %mul3A_567 = arith.constant 8.000000e+00 : f32
        %mul3A_568 = vector.broadcast %mul3A_567 : f32 to vector<16xf32>
        %mul3A_569 = arith.mulf %get3A_566, %mul3A_568 : vector<16xf32>
        %add3A_570 = arith.constant 1 : i32
        %add3A_571 = arith.addi %mul3A_311, %add3A_570 : i32
        %get3A_572 = arith.constant 0 : i32
        %get3A_573 = arith.constant 0 : i32
        %get3A_574 = tpu.memref_slice %arg10[%scan3A_162, %get3A_572, %get3A_573] : memref<2x256x64xf32, #tpu.memory_space<vmem>> -> memref<1x256x64xf32, #tpu.memory_space<vmem>>
        %get3A_575 = tpu.memref_squeeze %get3A_574 : memref<1x256x64xf32, #tpu.memory_space<vmem>> -> memref<256x64xf32, #tpu.memory_space<vmem>>
        %get3A_576 = arith.index_cast %add3A_571 : i32 to index
        %get3A_577 = arith.constant 48 : index
        %get3A_578 = tpu.vector_load %get3A_575[%get3A_576, %get3A_577] {strides = array<i32>} : memref<256x64xf32, #tpu.memory_space<vmem>>, vector<1x16xf32>,
        %get3A_579 = vector.shape_cast %get3A_578 : vector<1x16xf32> to vector<16xf32>
        %add3A_580 = arith.addf %mul3A_569, %get3A_579 : vector<16xf32>
        %add3A_581 = arith.constant 0 : i32
        %add3A_582 = arith.addi %mul3A_313, %add3A_581 : i32
        %swap3A_583 = arith.constant 0 : i32
        %swap3A_584 = arith.constant 0 : i32
        %swap3A_585 = tpu.memref_slice %arg11[%scan3A_163, %swap3A_583, %swap3A_584] : memref<2x128x128xf32, #tpu.memory_space<vmem>> -> memref<1x128x128xf32, #tpu.memory_space<vmem>>
        %swap3A_586 = tpu.memref_squeeze %swap3A_585 : memref<1x128x128xf32, #tpu.memory_space<vmem>> -> memref<128x128xf32, #tpu.memory_space<vmem>>
        %swap3A_587 = arith.index_cast %add3A_582 : i32 to index
        %swap3A_588 = arith.constant 112 : index
        %swap3A_589 = tpu.vector_load %swap3A_586[%swap3A_587, %swap3A_588] {strides = array<i32>} : memref<128x128xf32, #tpu.memory_space<vmem>>, vector<1x16xf32>,
        %swap3A_590 = vector.shape_cast %swap3A_589 : vector<1x16xf32> to vector<16xf32>
        %swap3A_591 = vector.shape_cast %add3A_580 : vector<16xf32> to vector<1x16xf32>
        tpu.vector_store %swap3A_586[%swap3A_587, %swap3A_588], %swap3A_591 {strides = array<i32>} : memref<128x128xf32, #tpu.memory_space<vmem>>, vector<1x16xf32>,
        %add3A_592 = arith.constant 2 : i32
        %add3A_593 = arith.addi %mul3A_311, %add3A_592 : i32
        %get3A_594 = arith.constant 0 : i32
        %get3A_595 = arith.constant 0 : i32
        %get3A_596 = tpu.memref_slice %arg9[%scan3A_161, %get3A_594, %get3A_595] : memref<2x256x64xf32, #tpu.memory_space<vmem>> -> memref<1x256x64xf32, #tpu.memory_space<vmem>>
        %get3A_597 = tpu.memref_squeeze %get3A_596 : memref<1x256x64xf32, #tpu.memory_space<vmem>> -> memref<256x64xf32, #tpu.memory_space<vmem>>
        %get3A_598 = arith.index_cast %add3A_593 : i32 to index
        %get3A_599 = arith.constant 0 : index
        %get3A_600 = tpu.vector_load %get3A_597[%get3A_598, %get3A_599] {strides = array<i32>} : memref<256x64xf32, #tpu.memory_space<vmem>>, vector<1x16xf32>,
        %get3A_601 = vector.shape_cast %get3A_600 : vector<1x16xf32> to vector<16xf32>
        %mul3A_602 = arith.constant 8.000000e+00 : f32
        %mul3A_603 = vector.broadcast %mul3A_602 : f32 to vector<16xf32>
        %mul3A_604 = arith.mulf %get3A_601, %mul3A_603 : vector<16xf32>
        %add3A_605 = arith.constant 2 : i32
        %add3A_606 = arith.addi %mul3A_311, %add3A_605 : i32
        %get3A_607 = arith.constant 0 : i32
        %get3A_608 = arith.constant 0 : i32
        %get3A_609 = tpu.memref_slice %arg10[%scan3A_162, %get3A_607, %get3A_608] : memref<2x256x64xf32, #tpu.memory_space<vmem>> -> memref<1x256x64xf32, #tpu.memory_space<vmem>>
        %get3A_610 = tpu.memref_squeeze %get3A_609 : memref<1x256x64xf32, #tpu.memory_space<vmem>> -> memref<256x64xf32, #tpu.memory_space<vmem>>
        %get3A_611 = arith.index_cast %add3A_606 : i32 to index
        %get3A_612 = arith.constant 0 : index
        %get3A_613 = tpu.vector_load %get3A_610[%get3A_611, %get3A_612] {strides = array<i32>} : memref<256x64xf32, #tpu.memory_space<vmem>>, vector<1x16xf32>,
        %get3A_614 = vector.shape_cast %get3A_613 : vector<1x16xf32> to vector<16xf32>
        %add3A_615 = arith.addf %mul3A_604, %get3A_614 : vector<16xf32>
        %add3A_616 = arith.constant 1 : i32
        %add3A_617 = arith.addi %mul3A_313, %add3A_616 : i32
        %swap3A_618 = arith.constant 0 : i32
        %swap3A_619 = arith.constant 0 : i32
        %swap3A_620 = tpu.memref_slice %arg11[%scan3A_163, %swap3A_618, %swap3A_619] : memref<2x128x128xf32, #tpu.memory_space<vmem>> -> memref<1x128x128xf32, #tpu.memory_space<vmem>>
        %swap3A_621 = tpu.memref_squeeze %swap3A_620 : memref<1x128x128xf32, #tpu.memory_space<vmem>> -> memref<128x128xf32, #tpu.memory_space<vmem>>
        %swap3A_622 = arith.index_cast %add3A_617 : i32 to index
        %swap3A_623 = arith.constant 0 : index
        %swap3A_624 = tpu.vector_load %swap3A_621[%swap3A_622, %swap3A_623] {strides = array<i32>} : memref<128x128xf32, #tpu.memory_space<vmem>>, vector<1x16xf32>,
        %swap3A_625 = vector.shape_cast %swap3A_624 : vector<1x16xf32> to vector<16xf32>
        %swap3A_626 = vector.shape_cast %add3A_615 : vector<16xf32> to vector<1x16xf32>
        tpu.vector_store %swap3A_621[%swap3A_622, %swap3A_623], %swap3A_626 {strides = array<i32>} : memref<128x128xf32, #tpu.memory_space<vmem>>, vector<1x16xf32>,
        %add3A_627 = arith.constant 2 : i32
        %add3A_628 = arith.addi %mul3A_311, %add3A_627 : i32
        %get3A_629 = arith.constant 0 : i32
        %get3A_630 = arith.constant 0 : i32
        %get3A_631 = tpu.memref_slice %arg9[%scan3A_161, %get3A_629, %get3A_630] : memref<2x256x64xf32, #tpu.memory_space<vmem>> -> memref<1x256x64xf32, #tpu.memory_space<vmem>>
        %get3A_632 = tpu.memref_squeeze %get3A_631 : memref<1x256x64xf32, #tpu.memory_space<vmem>> -> memref<256x64xf32, #tpu.memory_space<vmem>>
        %get3A_633 = arith.index_cast %add3A_628 : i32 to index
        %get3A_634 = arith.constant 16 : index
        %get3A_635 = tpu.vector_load %get3A_632[%get3A_633, %get3A_634] {strides = array<i32>} : memref<256x64xf32, #tpu.memory_space<vmem>>, vector<1x16xf32>,
        %get3A_636 = vector.shape_cast %get3A_635 : vector<1x16xf32> to vector<16xf32>
        %mul3A_637 = arith.constant 8.000000e+00 : f32
        %mul3A_638 = vector.broadcast %mul3A_637 : f32 to vector<16xf32>
        %mul3A_639 = arith.mulf %get3A_636, %mul3A_638 : vector<16xf32>
        %add3A_640 = arith.constant 2 : i32
        %add3A_641 = arith.addi %mul3A_311, %add3A_640 : i32
        %get3A_642 = arith.constant 0 : i32
        %get3A_643 = arith.constant 0 : i32
        %get3A_644 = tpu.memref_slice %arg10[%scan3A_162, %get3A_642, %get3A_643] : memref<2x256x64xf32, #tpu.memory_space<vmem>> -> memref<1x256x64xf32, #tpu.memory_space<vmem>>
        %get3A_645 = tpu.memref_squeeze %get3A_644 : memref<1x256x64xf32, #tpu.memory_space<vmem>> -> memref<256x64xf32, #tpu.memory_space<vmem>>
        %get3A_646 = arith.index_cast %add3A_641 : i32 to index
        %get3A_647 = arith.constant 16 : index
        %get3A_648 = tpu.vector_load %get3A_645[%get3A_646, %get3A_647] {strides = array<i32>} : memref<256x64xf32, #tpu.memory_space<vmem>>, vector<1x16xf32>,
        %get3A_649 = vector.shape_cast %get3A_648 : vector<1x16xf32> to vector<16xf32>
        %add3A_650 = arith.addf %mul3A_639, %get3A_649 : vector<16xf32>
        %add3A_651 = arith.constant 1 : i32
        %add3A_652 = arith.addi %mul3A_313, %add3A_651 : i32
        %swap3A_653 = arith.constant 0 : i32
        %swap3A_654 = arith.constant 0 : i32
        %swap3A_655 = tpu.memref_slice %arg11[%scan3A_163, %swap3A_653, %swap3A_654] : memref<2x128x128xf32, #tpu.memory_space<vmem>> -> memref<1x128x128xf32, #tpu.memory_space<vmem>>
        %swap3A_656 = tpu.memref_squeeze %swap3A_655 : memref<1x128x128xf32, #tpu.memory_space<vmem>> -> memref<128x128xf32, #tpu.memory_space<vmem>>
        %swap3A_657 = arith.index_cast %add3A_652 : i32 to index
        %swap3A_658 = arith.constant 16 : index
        %swap3A_659 = tpu.vector_load %swap3A_656[%swap3A_657, %swap3A_658] {strides = array<i32>} : memref<128x128xf32, #tpu.memory_space<vmem>>, vector<1x16xf32>,
        %swap3A_660 = vector.shape_cast %swap3A_659 : vector<1x16xf32> to vector<16xf32>
        %swap3A_661 = vector.shape_cast %add3A_650 : vector<16xf32> to vector<1x16xf32>
        tpu.vector_store %swap3A_656[%swap3A_657, %swap3A_658], %swap3A_661 {strides = array<i32>} : memref<128x128xf32, #tpu.memory_space<vmem>>, vector<1x16xf32>,
        %add3A_662 = arith.constant 2 : i32
        %add3A_663 = arith.addi %mul3A_311, %add3A_662 : i32
        %get3A_664 = arith.constant 0 : i32
        %get3A_665 = arith.constant 0 : i32
        %get3A_666 = tpu.memref_slice %arg9[%scan3A_161, %get3A_664, %get3A_665] : memref<2x256x64xf32, #tpu.memory_space<vmem>> -> memref<1x256x64xf32, #tpu.memory_space<vmem>>
        %get3A_667 = tpu.memref_squeeze %get3A_666 : memref<1x256x64xf32, #tpu.memory_space<vmem>> -> memref<256x64xf32, #tpu.memory_space<vmem>>
        %get3A_668 = arith.index_cast %add3A_663 : i32 to index
        %get3A_669 = arith.constant 32 : index
        %get3A_670 = tpu.vector_load %get3A_667[%get3A_668, %get3A_669] {strides = array<i32>} : memref<256x64xf32, #tpu.memory_space<vmem>>, vector<1x16xf32>,
        %get3A_671 = vector.shape_cast %get3A_670 : vector<1x16xf32> to vector<16xf32>
        %mul3A_672 = arith.constant 8.000000e+00 : f32
        %mul3A_673 = vector.broadcast %mul3A_672 : f32 to vector<16xf32>
        %mul3A_674 = arith.mulf %get3A_671, %mul3A_673 : vector<16xf32>
        %add3A_675 = arith.constant 2 : i32
        %add3A_676 = arith.addi %mul3A_311, %add3A_675 : i32
        %get3A_677 = arith.constant 0 : i32
        %get3A_678 = arith.constant 0 : i32
        %get3A_679 = tpu.memref_slice %arg10[%scan3A_162, %get3A_677, %get3A_678] : memref<2x256x64xf32, #tpu.memory_space<vmem>> -> memref<1x256x64xf32, #tpu.memory_space<vmem>>
        %get3A_680 = tpu.memref_squeeze %get3A_679 : memref<1x256x64xf32, #tpu.memory_space<vmem>> -> memref<256x64xf32, #tpu.memory_space<vmem>>
        %get3A_681 = arith.index_cast %add3A_676 : i32 to index
        %get3A_682 = arith.constant 32 : index
        %get3A_683 = tpu.vector_load %get3A_680[%get3A_681, %get3A_682] {strides = array<i32>} : memref<256x64xf32, #tpu.memory_space<vmem>>, vector<1x16xf32>,
        %get3A_684 = vector.shape_cast %get3A_683 : vector<1x16xf32> to vector<16xf32>
        %add3A_685 = arith.addf %mul3A_674, %get3A_684 : vector<16xf32>
        %add3A_686 = arith.constant 1 : i32
        %add3A_687 = arith.addi %mul3A_313, %add3A_686 : i32
        %swap3A_688 = arith.constant 0 : i32
        %swap3A_689 = arith.constant 0 : i32
        %swap3A_690 = tpu.memref_slice %arg11[%scan3A_163, %swap3A_688, %swap3A_689] : memref<2x128x128xf32, #tpu.memory_space<vmem>> -> memref<1x128x128xf32, #tpu.memory_space<vmem>>
        %swap3A_691 = tpu.memref_squeeze %swap3A_690 : memref<1x128x128xf32, #tpu.memory_space<vmem>> -> memref<128x128xf32, #tpu.memory_space<vmem>>
        %swap3A_692 = arith.index_cast %add3A_687 : i32 to index
        %swap3A_693 = arith.constant 32 : index
        %swap3A_694 = tpu.vector_load %swap3A_691[%swap3A_692, %swap3A_693] {strides = array<i32>} : memref<128x128xf32, #tpu.memory_space<vmem>>, vector<1x16xf32>,
        %swap3A_695 = vector.shape_cast %swap3A_694 : vector<1x16xf32> to vector<16xf32>
        %swap3A_696 = vector.shape_cast %add3A_685 : vector<16xf32> to vector<1x16xf32>
        tpu.vector_store %swap3A_691[%swap3A_692, %swap3A_693], %swap3A_696 {strides = array<i32>} : memref<128x128xf32, #tpu.memory_space<vmem>>, vector<1x16xf32>,
        %add3A_697 = arith.constant 2 : i32
        %add3A_698 = arith.addi %mul3A_311, %add3A_697 : i32
        %get3A_699 = arith.constant 0 : i32
        %get3A_700 = arith.constant 0 : i32
        %get3A_701 = tpu.memref_slice %arg9[%scan3A_161, %get3A_699, %get3A_700] : memref<2x256x64xf32, #tpu.memory_space<vmem>> -> memref<1x256x64xf32, #tpu.memory_space<vmem>>
        %get3A_702 = tpu.memref_squeeze %get3A_701 : memref<1x256x64xf32, #tpu.memory_space<vmem>> -> memref<256x64xf32, #tpu.memory_space<vmem>>
        %get3A_703 = arith.index_cast %add3A_698 : i32 to index
        %get3A_704 = arith.constant 48 : index
        %get3A_705 = tpu.vector_load %get3A_702[%get3A_703, %get3A_704] {strides = array<i32>} : memref<256x64xf32, #tpu.memory_space<vmem>>, vector<1x16xf32>,
        %get3A_706 = vector.shape_cast %get3A_705 : vector<1x16xf32> to vector<16xf32>
        %mul3A_707 = arith.constant 8.000000e+00 : f32
        %mul3A_708 = vector.broadcast %mul3A_707 : f32 to vector<16xf32>
        %mul3A_709 = arith.mulf %get3A_706, %mul3A_708 : vector<16xf32>
        %add3A_710 = arith.constant 2 : i32
        %add3A_711 = arith.addi %mul3A_311, %add3A_710 : i32
        %get3A_712 = arith.constant 0 : i32
        %get3A_713 = arith.constant 0 : i32
        %get3A_714 = tpu.memref_slice %arg10[%scan3A_162, %get3A_712, %get3A_713] : memref<2x256x64xf32, #tpu.memory_space<vmem>> -> memref<1x256x64xf32, #tpu.memory_space<vmem>>
        %get3A_715 = tpu.memref_squeeze %get3A_714 : memref<1x256x64xf32, #tpu.memory_space<vmem>> -> memref<256x64xf32, #tpu.memory_space<vmem>>
        %get3A_716 = arith.index_cast %add3A_711 : i32 to index
        %get3A_717 = arith.constant 48 : index
        %get3A_718 = tpu.vector_load %get3A_715[%get3A_716, %get3A_717] {strides = array<i32>} : memref<256x64xf32, #tpu.memory_space<vmem>>, vector<1x16xf32>,
        %get3A_719 = vector.shape_cast %get3A_718 : vector<1x16xf32> to vector<16xf32>
        %add3A_720 = arith.addf %mul3A_709, %get3A_719 : vector<16xf32>
        %add3A_721 = arith.constant 1 : i32
        %add3A_722 = arith.addi %mul3A_313, %add3A_721 : i32
        %swap3A_723 = arith.constant 0 : i32
        %swap3A_724 = arith.constant 0 : i32
        %swap3A_725 = tpu.memref_slice %arg11[%scan3A_163, %swap3A_723, %swap3A_724] : memref<2x128x128xf32, #tpu.memory_space<vmem>> -> memref<1x128x128xf32, #tpu.memory_space<vmem>>
        %swap3A_726 = tpu.memref_squeeze %swap3A_725 : memref<1x128x128xf32, #tpu.memory_space<vmem>> -> memref<128x128xf32, #tpu.memory_space<vmem>>
        %swap3A_727 = arith.index_cast %add3A_722 : i32 to index
        %swap3A_728 = arith.constant 48 : index
        %swap3A_729 = tpu.vector_load %swap3A_726[%swap3A_727, %swap3A_728] {strides = array<i32>} : memref<128x128xf32, #tpu.memory_space<vmem>>, vector<1x16xf32>,
        %swap3A_730 = vector.shape_cast %swap3A_729 : vector<1x16xf32> to vector<16xf32>
        %swap3A_731 = vector.shape_cast %add3A_720 : vector<16xf32> to vector<1x16xf32>
        tpu.vector_store %swap3A_726[%swap3A_727, %swap3A_728], %swap3A_731 {strides = array<i32>} : memref<128x128xf32, #tpu.memory_space<vmem>>, vector<1x16xf32>,
        %add3A_732 = arith.constant 3 : i32
        %add3A_733 = arith.addi %mul3A_311, %add3A_732 : i32
        %get3A_734 = arith.constant 0 : i32
        %get3A_735 = arith.constant 0 : i32
        %get3A_736 = tpu.memref_slice %arg9[%scan3A_161, %get3A_734, %get3A_735] : memref<2x256x64xf32, #tpu.memory_space<vmem>> -> memref<1x256x64xf32, #tpu.memory_space<vmem>>
        %get3A_737 = tpu.memref_squeeze %get3A_736 : memref<1x256x64xf32, #tpu.memory_space<vmem>> -> memref<256x64xf32, #tpu.memory_space<vmem>>
        %get3A_738 = arith.index_cast %add3A_733 : i32 to index
        %get3A_739 = arith.constant 0 : index
        %get3A_740 = tpu.vector_load %get3A_737[%get3A_738, %get3A_739] {strides = array<i32>} : memref<256x64xf32, #tpu.memory_space<vmem>>, vector<1x16xf32>,
        %get3A_741 = vector.shape_cast %get3A_740 : vector<1x16xf32> to vector<16xf32>
        %mul3A_742 = arith.constant 8.000000e+00 : f32
        %mul3A_743 = vector.broadcast %mul3A_742 : f32 to vector<16xf32>
        %mul3A_744 = arith.mulf %get3A_741, %mul3A_743 : vector<16xf32>
        %add3A_745 = arith.constant 3 : i32
        %add3A_746 = arith.addi %mul3A_311, %add3A_745 : i32
        %get3A_747 = arith.constant 0 : i32
        %get3A_748 = arith.constant 0 : i32
        %get3A_749 = tpu.memref_slice %arg10[%scan3A_162, %get3A_747, %get3A_748] : memref<2x256x64xf32, #tpu.memory_space<vmem>> -> memref<1x256x64xf32, #tpu.memory_space<vmem>>
        %get3A_750 = tpu.memref_squeeze %get3A_749 : memref<1x256x64xf32, #tpu.memory_space<vmem>> -> memref<256x64xf32, #tpu.memory_space<vmem>>
        %get3A_751 = arith.index_cast %add3A_746 : i32 to index
        %get3A_752 = arith.constant 0 : index
        %get3A_753 = tpu.vector_load %get3A_750[%get3A_751, %get3A_752] {strides = array<i32>} : memref<256x64xf32, #tpu.memory_space<vmem>>, vector<1x16xf32>,
        %get3A_754 = vector.shape_cast %get3A_753 : vector<1x16xf32> to vector<16xf32>
        %add3A_755 = arith.addf %mul3A_744, %get3A_754 : vector<16xf32>
        %add3A_756 = arith.constant 1 : i32
        %add3A_757 = arith.addi %mul3A_313, %add3A_756 : i32
        %swap3A_758 = arith.constant 0 : i32
        %swap3A_759 = arith.constant 0 : i32
        %swap3A_760 = tpu.memref_slice %arg11[%scan3A_163, %swap3A_758, %swap3A_759] : memref<2x128x128xf32, #tpu.memory_space<vmem>> -> memref<1x128x128xf32, #tpu.memory_space<vmem>>
        %swap3A_761 = tpu.memref_squeeze %swap3A_760 : memref<1x128x128xf32, #tpu.memory_space<vmem>> -> memref<128x128xf32, #tpu.memory_space<vmem>>
        %swap3A_762 = arith.index_cast %add3A_757 : i32 to index
        %swap3A_763 = arith.constant 64 : index
        %swap3A_764 = tpu.vector_load %swap3A_761[%swap3A_762, %swap3A_763] {strides = array<i32>} : memref<128x128xf32, #tpu.memory_space<vmem>>, vector<1x16xf32>,
        %swap3A_765 = vector.shape_cast %swap3A_764 : vector<1x16xf32> to vector<16xf32>
        %swap3A_766 = vector.shape_cast %add3A_755 : vector<16xf32> to vector<1x16xf32>
        tpu.vector_store %swap3A_761[%swap3A_762, %swap3A_763], %swap3A_766 {strides = array<i32>} : memref<128x128xf32, #tpu.memory_space<vmem>>, vector<1x16xf32>,
        %add3A_767 = arith.constant 3 : i32
        %add3A_768 = arith.addi %mul3A_311, %add3A_767 : i32
        %get3A_769 = arith.constant 0 : i32
        %get3A_770 = arith.constant 0 : i32
        %get3A_771 = tpu.memref_slice %arg9[%scan3A_161, %get3A_769, %get3A_770] : memref<2x256x64xf32, #tpu.memory_space<vmem>> -> memref<1x256x64xf32, #tpu.memory_space<vmem>>
        %get3A_772 = tpu.memref_squeeze %get3A_771 : memref<1x256x64xf32, #tpu.memory_space<vmem>> -> memref<256x64xf32, #tpu.memory_space<vmem>>
        %get3A_773 = arith.index_cast %add3A_768 : i32 to index
        %get3A_774 = arith.constant 16 : index
        %get3A_775 = tpu.vector_load %get3A_772[%get3A_773, %get3A_774] {strides = array<i32>} : memref<256x64xf32, #tpu.memory_space<vmem>>, vector<1x16xf32>,
        %get3A_776 = vector.shape_cast %get3A_775 : vector<1x16xf32> to vector<16xf32>
        %mul3A_777 = arith.constant 8.000000e+00 : f32
        %mul3A_778 = vector.broadcast %mul3A_777 : f32 to vector<16xf32>
        %mul3A_779 = arith.mulf %get3A_776, %mul3A_778 : vector<16xf32>
        %add3A_780 = arith.constant 3 : i32
        %add3A_781 = arith.addi %mul3A_311, %add3A_780 : i32
        %get3A_782 = arith.constant 0 : i32
        %get3A_783 = arith.constant 0 : i32
        %get3A_784 = tpu.memref_slice %arg10[%scan3A_162, %get3A_782, %get3A_783] : memref<2x256x64xf32, #tpu.memory_space<vmem>> -> memref<1x256x64xf32, #tpu.memory_space<vmem>>
        %get3A_785 = tpu.memref_squeeze %get3A_784 : memref<1x256x64xf32, #tpu.memory_space<vmem>> -> memref<256x64xf32, #tpu.memory_space<vmem>>
        %get3A_786 = arith.index_cast %add3A_781 : i32 to index
        %get3A_787 = arith.constant 16 : index
        %get3A_788 = tpu.vector_load %get3A_785[%get3A_786, %get3A_787] {strides = array<i32>} : memref<256x64xf32, #tpu.memory_space<vmem>>, vector<1x16xf32>,
        %get3A_789 = vector.shape_cast %get3A_788 : vector<1x16xf32> to vector<16xf32>
        %add3A_790 = arith.addf %mul3A_779, %get3A_789 : vector<16xf32>
        %add3A_791 = arith.constant 1 : i32
        %add3A_792 = arith.addi %mul3A_313, %add3A_791 : i32
        %swap3A_793 = arith.constant 0 : i32
        %swap3A_794 = arith.constant 0 : i32
        %swap3A_795 = tpu.memref_slice %arg11[%scan3A_163, %swap3A_793, %swap3A_794] : memref<2x128x128xf32, #tpu.memory_space<vmem>> -> memref<1x128x128xf32, #tpu.memory_space<vmem>>
        %swap3A_796 = tpu.memref_squeeze %swap3A_795 : memref<1x128x128xf32, #tpu.memory_space<vmem>> -> memref<128x128xf32, #tpu.memory_space<vmem>>
        %swap3A_797 = arith.index_cast %add3A_792 : i32 to index
        %swap3A_798 = arith.constant 80 : index
        %swap3A_799 = tpu.vector_load %swap3A_796[%swap3A_797, %swap3A_798] {strides = array<i32>} : memref<128x128xf32, #tpu.memory_space<vmem>>, vector<1x16xf32>,
        %swap3A_800 = vector.shape_cast %swap3A_799 : vector<1x16xf32> to vector<16xf32>
        %swap3A_801 = vector.shape_cast %add3A_790 : vector<16xf32> to vector<1x16xf32>
        tpu.vector_store %swap3A_796[%swap3A_797, %swap3A_798], %swap3A_801 {strides = array<i32>} : memref<128x128xf32, #tpu.memory_space<vmem>>, vector<1x16xf32>,
        %add3A_802 = arith.constant 3 : i32
        %add3A_803 = arith.addi %mul3A_311, %add3A_802 : i32
        %get3A_804 = arith.constant 0 : i32
        %get3A_805 = arith.constant 0 : i32
        %get3A_806 = tpu.memref_slice %arg9[%scan3A_161, %get3A_804, %get3A_805] : memref<2x256x64xf32, #tpu.memory_space<vmem>> -> memref<1x256x64xf32, #tpu.memory_space<vmem>>
        %get3A_807 = tpu.memref_squeeze %get3A_806 : memref<1x256x64xf32, #tpu.memory_space<vmem>> -> memref<256x64xf32, #tpu.memory_space<vmem>>
        %get3A_808 = arith.index_cast %add3A_803 : i32 to index
        %get3A_809 = arith.constant 32 : index
        %get3A_810 = tpu.vector_load %get3A_807[%get3A_808, %get3A_809] {strides = array<i32>} : memref<256x64xf32, #tpu.memory_space<vmem>>, vector<1x16xf32>,
        %get3A_811 = vector.shape_cast %get3A_810 : vector<1x16xf32> to vector<16xf32>
        %mul3A_812 = arith.constant 8.000000e+00 : f32
        %mul3A_813 = vector.broadcast %mul3A_812 : f32 to vector<16xf32>
        %mul3A_814 = arith.mulf %get3A_811, %mul3A_813 : vector<16xf32>
        %add3A_815 = arith.constant 3 : i32
        %add3A_816 = arith.addi %mul3A_311, %add3A_815 : i32
        %get3A_817 = arith.constant 0 : i32
        %get3A_818 = arith.constant 0 : i32
        %get3A_819 = tpu.memref_slice %arg10[%scan3A_162, %get3A_817, %get3A_818] : memref<2x256x64xf32, #tpu.memory_space<vmem>> -> memref<1x256x64xf32, #tpu.memory_space<vmem>>
        %get3A_820 = tpu.memref_squeeze %get3A_819 : memref<1x256x64xf32, #tpu.memory_space<vmem>> -> memref<256x64xf32, #tpu.memory_space<vmem>>
        %get3A_821 = arith.index_cast %add3A_816 : i32 to index
        %get3A_822 = arith.constant 32 : index
        %get3A_823 = tpu.vector_load %get3A_820[%get3A_821, %get3A_822] {strides = array<i32>} : memref<256x64xf32, #tpu.memory_space<vmem>>, vector<1x16xf32>,
        %get3A_824 = vector.shape_cast %get3A_823 : vector<1x16xf32> to vector<16xf32>
        %add3A_825 = arith.addf %mul3A_814, %get3A_824 : vector<16xf32>
        %add3A_826 = arith.constant 1 : i32
        %add3A_827 = arith.addi %mul3A_313, %add3A_826 : i32
        %swap3A_828 = arith.constant 0 : i32
        %swap3A_829 = arith.constant 0 : i32
        %swap3A_830 = tpu.memref_slice %arg11[%scan3A_163, %swap3A_828, %swap3A_829] : memref<2x128x128xf32, #tpu.memory_space<vmem>> -> memref<1x128x128xf32, #tpu.memory_space<vmem>>
        %swap3A_831 = tpu.memref_squeeze %swap3A_830 : memref<1x128x128xf32, #tpu.memory_space<vmem>> -> memref<128x128xf32, #tpu.memory_space<vmem>>
        %swap3A_832 = arith.index_cast %add3A_827 : i32 to index
        %swap3A_833 = arith.constant 96 : index
        %swap3A_834 = tpu.vector_load %swap3A_831[%swap3A_832, %swap3A_833] {strides = array<i32>} : memref<128x128xf32, #tpu.memory_space<vmem>>, vector<1x16xf32>,
        %swap3A_835 = vector.shape_cast %swap3A_834 : vector<1x16xf32> to vector<16xf32>
        %swap3A_836 = vector.shape_cast %add3A_825 : vector<16xf32> to vector<1x16xf32>
        tpu.vector_store %swap3A_831[%swap3A_832, %swap3A_833], %swap3A_836 {strides = array<i32>} : memref<128x128xf32, #tpu.memory_space<vmem>>, vector<1x16xf32>,
        %add3A_837 = arith.constant 3 : i32
        %add3A_838 = arith.addi %mul3A_311, %add3A_837 : i32
        %get3A_839 = arith.constant 0 : i32
        %get3A_840 = arith.constant 0 : i32
        %get3A_841 = tpu.memref_slice %arg9[%scan3A_161, %get3A_839, %get3A_840] : memref<2x256x64xf32, #tpu.memory_space<vmem>> -> memref<1x256x64xf32, #tpu.memory_space<vmem>>
        %get3A_842 = tpu.memref_squeeze %get3A_841 : memref<1x256x64xf32, #tpu.memory_space<vmem>> -> memref<256x64xf32, #tpu.memory_space<vmem>>
        %get3A_843 = arith.index_cast %add3A_838 : i32 to index
        %get3A_844 = arith.constant 48 : index
        %get3A_845 = tpu.vector_load %get3A_842[%get3A_843, %get3A_844] {strides = array<i32>} : memref<256x64xf32, #tpu.memory_space<vmem>>, vector<1x16xf32>,
        %get3A_846 = vector.shape_cast %get3A_845 : vector<1x16xf32> to vector<16xf32>
        %mul3A_847 = arith.constant 8.000000e+00 : f32
        %mul3A_848 = vector.broadcast %mul3A_847 : f32 to vector<16xf32>
        %mul3A_849 = arith.mulf %get3A_846, %mul3A_848 : vector<16xf32>
        %add3A_850 = arith.constant 3 : i32
        %add3A_851 = arith.addi %mul3A_311, %add3A_850 : i32
        %get3A_852 = arith.constant 0 : i32
        %get3A_853 = arith.constant 0 : i32
        %get3A_854 = tpu.memref_slice %arg10[%scan3A_162, %get3A_852, %get3A_853] : memref<2x256x64xf32, #tpu.memory_space<vmem>> -> memref<1x256x64xf32, #tpu.memory_space<vmem>>
        %get3A_855 = tpu.memref_squeeze %get3A_854 : memref<1x256x64xf32, #tpu.memory_space<vmem>> -> memref<256x64xf32, #tpu.memory_space<vmem>>
        %get3A_856 = arith.index_cast %add3A_851 : i32 to index
        %get3A_857 = arith.constant 48 : index
        %get3A_858 = tpu.vector_load %get3A_855[%get3A_856, %get3A_857] {strides = array<i32>} : memref<256x64xf32, #tpu.memory_space<vmem>>, vector<1x16xf32>,
        %get3A_859 = vector.shape_cast %get3A_858 : vector<1x16xf32> to vector<16xf32>
        %add3A_860 = arith.addf %mul3A_849, %get3A_859 : vector<16xf32>
        %add3A_861 = arith.constant 1 : i32
        %add3A_862 = arith.addi %mul3A_313, %add3A_861 : i32
        %swap3A_863 = arith.constant 0 : i32
        %swap3A_864 = arith.constant 0 : i32
        %swap3A_865 = tpu.memref_slice %arg11[%scan3A_163, %swap3A_863, %swap3A_864] : memref<2x128x128xf32, #tpu.memory_space<vmem>> -> memref<1x128x128xf32, #tpu.memory_space<vmem>>
        %swap3A_866 = tpu.memref_squeeze %swap3A_865 : memref<1x128x128xf32, #tpu.memory_space<vmem>> -> memref<128x128xf32, #tpu.memory_space<vmem>>
        %swap3A_867 = arith.index_cast %add3A_862 : i32 to index
        %swap3A_868 = arith.constant 112 : index
        %swap3A_869 = tpu.vector_load %swap3A_866[%swap3A_867, %swap3A_868] {strides = array<i32>} : memref<128x128xf32, #tpu.memory_space<vmem>>, vector<1x16xf32>,
        %swap3A_870 = vector.shape_cast %swap3A_869 : vector<1x16xf32> to vector<16xf32>
        %swap3A_871 = vector.shape_cast %add3A_860 : vector<16xf32> to vector<1x16xf32>
        tpu.vector_store %swap3A_866[%swap3A_867, %swap3A_868], %swap3A_871 {strides = array<i32>} : memref<128x128xf32, #tpu.memory_space<vmem>>, vector<1x16xf32>,
        %add3A_872 = arith.constant 4 : i32
        %add3A_873 = arith.addi %mul3A_311, %add3A_872 : i32
        %get3A_874 = arith.constant 0 : i32
        %get3A_875 = arith.constant 0 : i32
        %get3A_876 = tpu.memref_slice %arg9[%scan3A_161, %get3A_874, %get3A_875] : memref<2x256x64xf32, #tpu.memory_space<vmem>> -> memref<1x256x64xf32, #tpu.memory_space<vmem>>
        %get3A_877 = tpu.memref_squeeze %get3A_876 : memref<1x256x64xf32, #tpu.memory_space<vmem>> -> memref<256x64xf32, #tpu.memory_space<vmem>>
        %get3A_878 = arith.index_cast %add3A_873 : i32 to index
        %get3A_879 = arith.constant 0 : index
        %get3A_880 = tpu.vector_load %get3A_877[%get3A_878, %get3A_879] {strides = array<i32>} : memref<256x64xf32, #tpu.memory_space<vmem>>, vector<1x16xf32>,
        %get3A_881 = vector.shape_cast %get3A_880 : vector<1x16xf32> to vector<16xf32>
        %mul3A_882 = arith.constant 8.000000e+00 : f32
        %mul3A_883 = vector.broadcast %mul3A_882 : f32 to vector<16xf32>
        %mul3A_884 = arith.mulf %get3A_881, %mul3A_883 : vector<16xf32>
        %add3A_885 = arith.constant 4 : i32
        %add3A_886 = arith.addi %mul3A_311, %add3A_885 : i32
        %get3A_887 = arith.constant 0 : i32
        %get3A_888 = arith.constant 0 : i32
        %get3A_889 = tpu.memref_slice %arg10[%scan3A_162, %get3A_887, %get3A_888] : memref<2x256x64xf32, #tpu.memory_space<vmem>> -> memref<1x256x64xf32, #tpu.memory_space<vmem>>
        %get3A_890 = tpu.memref_squeeze %get3A_889 : memref<1x256x64xf32, #tpu.memory_space<vmem>> -> memref<256x64xf32, #tpu.memory_space<vmem>>
        %get3A_891 = arith.index_cast %add3A_886 : i32 to index
        %get3A_892 = arith.constant 0 : index
        %get3A_893 = tpu.vector_load %get3A_890[%get3A_891, %get3A_892] {strides = array<i32>} : memref<256x64xf32, #tpu.memory_space<vmem>>, vector<1x16xf32>,
        %get3A_894 = vector.shape_cast %get3A_893 : vector<1x16xf32> to vector<16xf32>
        %add3A_895 = arith.addf %mul3A_884, %get3A_894 : vector<16xf32>
        %add3A_896 = arith.constant 2 : i32
        %add3A_897 = arith.addi %mul3A_313, %add3A_896 : i32
        %swap3A_898 = arith.constant 0 : i32
        %swap3A_899 = arith.constant 0 : i32
        %swap3A_900 = tpu.memref_slice %arg11[%scan3A_163, %swap3A_898, %swap3A_899] : memref<2x128x128xf32, #tpu.memory_space<vmem>> -> memref<1x128x128xf32, #tpu.memory_space<vmem>>
        %swap3A_901 = tpu.memref_squeeze %swap3A_900 : memref<1x128x128xf32, #tpu.memory_space<vmem>> -> memref<128x128xf32, #tpu.memory_space<vmem>>
        %swap3A_902 = arith.index_cast %add3A_897 : i32 to index
        %swap3A_903 = arith.constant 0 : index
        %swap3A_904 = tpu.vector_load %swap3A_901[%swap3A_902, %swap3A_903] {strides = array<i32>} : memref<128x128xf32, #tpu.memory_space<vmem>>, vector<1x16xf32>,
        %swap3A_905 = vector.shape_cast %swap3A_904 : vector<1x16xf32> to vector<16xf32>
        %swap3A_906 = vector.shape_cast %add3A_895 : vector<16xf32> to vector<1x16xf32>
        tpu.vector_store %swap3A_901[%swap3A_902, %swap3A_903], %swap3A_906 {strides = array<i32>} : memref<128x128xf32, #tpu.memory_space<vmem>>, vector<1x16xf32>,
        %add3A_907 = arith.constant 4 : i32
        %add3A_908 = arith.addi %mul3A_311, %add3A_907 : i32
        %get3A_909 = arith.constant 0 : i32
        %get3A_910 = arith.constant 0 : i32
        %get3A_911 = tpu.memref_slice %arg9[%scan3A_161, %get3A_909, %get3A_910] : memref<2x256x64xf32, #tpu.memory_space<vmem>> -> memref<1x256x64xf32, #tpu.memory_space<vmem>>
        %get3A_912 = tpu.memref_squeeze %get3A_911 : memref<1x256x64xf32, #tpu.memory_space<vmem>> -> memref<256x64xf32, #tpu.memory_space<vmem>>
        %get3A_913 = arith.index_cast %add3A_908 : i32 to index
        %get3A_914 = arith.constant 16 : index
        %get3A_915 = tpu.vector_load %get3A_912[%get3A_913, %get3A_914] {strides = array<i32>} : memref<256x64xf32, #tpu.memory_space<vmem>>, vector<1x16xf32>,
        %get3A_916 = vector.shape_cast %get3A_915 : vector<1x16xf32> to vector<16xf32>
        %mul3A_917 = arith.constant 8.000000e+00 : f32
        %mul3A_918 = vector.broadcast %mul3A_917 : f32 to vector<16xf32>
        %mul3A_919 = arith.mulf %get3A_916, %mul3A_918 : vector<16xf32>
        %add3A_920 = arith.constant 4 : i32
        %add3A_921 = arith.addi %mul3A_311, %add3A_920 : i32
        %get3A_922 = arith.constant 0 : i32
        %get3A_923 = arith.constant 0 : i32
        %get3A_924 = tpu.memref_slice %arg10[%scan3A_162, %get3A_922, %get3A_923] : memref<2x256x64xf32, #tpu.memory_space<vmem>> -> memref<1x256x64xf32, #tpu.memory_space<vmem>>
        %get3A_925 = tpu.memref_squeeze %get3A_924 : memref<1x256x64xf32, #tpu.memory_space<vmem>> -> memref<256x64xf32, #tpu.memory_space<vmem>>
        %get3A_926 = arith.index_cast %add3A_921 : i32 to index
        %get3A_927 = arith.constant 16 : index
        %get3A_928 = tpu.vector_load %get3A_925[%get3A_926, %get3A_927] {strides = array<i32>} : memref<256x64xf32, #tpu.memory_space<vmem>>, vector<1x16xf32>,
        %get3A_929 = vector.shape_cast %get3A_928 : vector<1x16xf32> to vector<16xf32>
        %add3A_930 = arith.addf %mul3A_919, %get3A_929 : vector<16xf32>
        %add3A_931 = arith.constant 2 : i32
        %add3A_932 = arith.addi %mul3A_313, %add3A_931 : i32
        %swap3A_933 = arith.constant 0 : i32
        %swap3A_934 = arith.constant 0 : i32
        %swap3A_935 = tpu.memref_slice %arg11[%scan3A_163, %swap3A_933, %swap3A_934] : memref<2x128x128xf32, #tpu.memory_space<vmem>> -> memref<1x128x128xf32, #tpu.memory_space<vmem>>
        %swap3A_936 = tpu.memref_squeeze %swap3A_935 : memref<1x128x128xf32, #tpu.memory_space<vmem>> -> memref<128x128xf32, #tpu.memory_space<vmem>>
        %swap3A_937 = arith.index_cast %add3A_932 : i32 to index
        %swap3A_938 = arith.constant 16 : index
        %swap3A_939 = tpu.vector_load %swap3A_936[%swap3A_937, %swap3A_938] {strides = array<i32>} : memref<128x128xf32, #tpu.memory_space<vmem>>, vector<1x16xf32>,
        %swap3A_940 = vector.shape_cast %swap3A_939 : vector<1x16xf32> to vector<16xf32>
        %swap3A_941 = vector.shape_cast %add3A_930 : vector<16xf32> to vector<1x16xf32>
        tpu.vector_store %swap3A_936[%swap3A_937, %swap3A_938], %swap3A_941 {strides = array<i32>} : memref<128x128xf32, #tpu.memory_space<vmem>>, vector<1x16xf32>,
        %add3A_942 = arith.constant 4 : i32
        %add3A_943 = arith.addi %mul3A_311, %add3A_942 : i32
        %get3A_944 = arith.constant 0 : i32
        %get3A_945 = arith.constant 0 : i32
        %get3A_946 = tpu.memref_slice %arg9[%scan3A_161, %get3A_944, %get3A_945] : memref<2x256x64xf32, #tpu.memory_space<vmem>> -> memref<1x256x64xf32, #tpu.memory_space<vmem>>
        %get3A_947 = tpu.memref_squeeze %get3A_946 : memref<1x256x64xf32, #tpu.memory_space<vmem>> -> memref<256x64xf32, #tpu.memory_space<vmem>>
        %get3A_948 = arith.index_cast %add3A_943 : i32 to index
        %get3A_949 = arith.constant 32 : index
        %get3A_950 = tpu.vector_load %get3A_947[%get3A_948, %get3A_949] {strides = array<i32>} : memref<256x64xf32, #tpu.memory_space<vmem>>, vector<1x16xf32>,
        %get3A_951 = vector.shape_cast %get3A_950 : vector<1x16xf32> to vector<16xf32>
        %mul3A_952 = arith.constant 8.000000e+00 : f32
        %mul3A_953 = vector.broadcast %mul3A_952 : f32 to vector<16xf32>
        %mul3A_954 = arith.mulf %get3A_951, %mul3A_953 : vector<16xf32>
        %add3A_955 = arith.constant 4 : i32
        %add3A_956 = arith.addi %mul3A_311, %add3A_955 : i32
        %get3A_957 = arith.constant 0 : i32
        %get3A_958 = arith.constant 0 : i32
        %get3A_959 = tpu.memref_slice %arg10[%scan3A_162, %get3A_957, %get3A_958] : memref<2x256x64xf32, #tpu.memory_space<vmem>> -> memref<1x256x64xf32, #tpu.memory_space<vmem>>
        %get3A_960 = tpu.memref_squeeze %get3A_959 : memref<1x256x64xf32, #tpu.memory_space<vmem>> -> memref<256x64xf32, #tpu.memory_space<vmem>>
        %get3A_961 = arith.index_cast %add3A_956 : i32 to index
        %get3A_962 = arith.constant 32 : index
        %get3A_963 = tpu.vector_load %get3A_960[%get3A_961, %get3A_962] {strides = array<i32>} : memref<256x64xf32, #tpu.memory_space<vmem>>, vector<1x16xf32>,
        %get3A_964 = vector.shape_cast %get3A_963 : vector<1x16xf32> to vector<16xf32>
        %add3A_965 = arith.addf %mul3A_954, %get3A_964 : vector<16xf32>
        %add3A_966 = arith.constant 2 : i32
        %add3A_967 = arith.addi %mul3A_313, %add3A_966 : i32
        %swap3A_968 = arith.constant 0 : i32
        %swap3A_969 = arith.constant 0 : i32
        %swap3A_970 = tpu.memref_slice %arg11[%scan3A_163, %swap3A_968, %swap3A_969] : memref<2x128x128xf32, #tpu.memory_space<vmem>> -> memref<1x128x128xf32, #tpu.memory_space<vmem>>
        %swap3A_971 = tpu.memref_squeeze %swap3A_970 : memref<1x128x128xf32, #tpu.memory_space<vmem>> -> memref<128x128xf32, #tpu.memory_space<vmem>>
        %swap3A_972 = arith.index_cast %add3A_967 : i32 to index
        %swap3A_973 = arith.constant 32 : index
        %swap3A_974 = tpu.vector_load %swap3A_971[%swap3A_972, %swap3A_973] {strides = array<i32>} : memref<128x128xf32, #tpu.memory_space<vmem>>, vector<1x16xf32>,
        %swap3A_975 = vector.shape_cast %swap3A_974 : vector<1x16xf32> to vector<16xf32>
        %swap3A_976 = vector.shape_cast %add3A_965 : vector<16xf32> to vector<1x16xf32>
        tpu.vector_store %swap3A_971[%swap3A_972, %swap3A_973], %swap3A_976 {strides = array<i32>} : memref<128x128xf32, #tpu.memory_space<vmem>>, vector<1x16xf32>,
        %add3A_977 = arith.constant 4 : i32
        %add3A_978 = arith.addi %mul3A_311, %add3A_977 : i32
        %get3A_979 = arith.constant 0 : i32
        %get3A_980 = arith.constant 0 : i32
        %get3A_981 = tpu.memref_slice %arg9[%scan3A_161, %get3A_979, %get3A_980] : memref<2x256x64xf32, #tpu.memory_space<vmem>> -> memref<1x256x64xf32, #tpu.memory_space<vmem>>
        %get3A_982 = tpu.memref_squeeze %get3A_981 : memref<1x256x64xf32, #tpu.memory_space<vmem>> -> memref<256x64xf32, #tpu.memory_space<vmem>>
        %get3A_983 = arith.index_cast %add3A_978 : i32 to index
        %get3A_984 = arith.constant 48 : index
        %get3A_985 = tpu.vector_load %get3A_982[%get3A_983, %get3A_984] {strides = array<i32>} : memref<256x64xf32, #tpu.memory_space<vmem>>, vector<1x16xf32>,
        %get3A_986 = vector.shape_cast %get3A_985 : vector<1x16xf32> to vector<16xf32>
        %mul3A_987 = arith.constant 8.000000e+00 : f32
        %mul3A_988 = vector.broadcast %mul3A_987 : f32 to vector<16xf32>
        %mul3A_989 = arith.mulf %get3A_986, %mul3A_988 : vector<16xf32>
        %add3A_990 = arith.constant 4 : i32
        %add3A_991 = arith.addi %mul3A_311, %add3A_990 : i32
        %get3A_992 = arith.constant 0 : i32
        %get3A_993 = arith.constant 0 : i32
        %get3A_994 = tpu.memref_slice %arg10[%scan3A_162, %get3A_992, %get3A_993] : memref<2x256x64xf32, #tpu.memory_space<vmem>> -> memref<1x256x64xf32, #tpu.memory_space<vmem>>
        %get3A_995 = tpu.memref_squeeze %get3A_994 : memref<1x256x64xf32, #tpu.memory_space<vmem>> -> memref<256x64xf32, #tpu.memory_space<vmem>>
        %get3A_996 = arith.index_cast %add3A_991 : i32 to index
        %get3A_997 = arith.constant 48 : index
        %get3A_998 = tpu.vector_load %get3A_995[%get3A_996, %get3A_997] {strides = array<i32>} : memref<256x64xf32, #tpu.memory_space<vmem>>, vector<1x16xf32>,
        %get3A_999 = vector.shape_cast %get3A_998 : vector<1x16xf32> to vector<16xf32>
        %add3A_1000 = arith.addf %mul3A_989, %get3A_999 : vector<16xf32>
        %add3A_1001 = arith.constant 2 : i32
        %add3A_1002 = arith.addi %mul3A_313, %add3A_1001 : i32
        %swap3A_1003 = arith.constant 0 : i32
        %swap3A_1004 = arith.constant 0 : i32
        %swap3A_1005 = tpu.memref_slice %arg11[%scan3A_163, %swap3A_1003, %swap3A_1004] : memref<2x128x128xf32, #tpu.memory_space<vmem>> -> memref<1x128x128xf32, #tpu.memory_space<vmem>>
        %swap3A_1006 = tpu.memref_squeeze %swap3A_1005 : memref<1x128x128xf32, #tpu.memory_space<vmem>> -> memref<128x128xf32, #tpu.memory_space<vmem>>
        %swap3A_1007 = arith.index_cast %add3A_1002 : i32 to index
        %swap3A_1008 = arith.constant 48 : index
        %swap3A_1009 = tpu.vector_load %swap3A_1006[%swap3A_1007, %swap3A_1008] {strides = array<i32>} : memref<128x128xf32, #tpu.memory_space<vmem>>, vector<1x16xf32>,
        %swap3A_1010 = vector.shape_cast %swap3A_1009 : vector<1x16xf32> to vector<16xf32>
        %swap3A_1011 = vector.shape_cast %add3A_1000 : vector<16xf32> to vector<1x16xf32>
        tpu.vector_store %swap3A_1006[%swap3A_1007, %swap3A_1008], %swap3A_1011 {strides = array<i32>} : memref<128x128xf32, #tpu.memory_space<vmem>>, vector<1x16xf32>,
        %add3A_1012 = arith.constant 5 : i32
        %add3A_1013 = arith.addi %mul3A_311, %add3A_1012 : i32
        %get3A_1014 = arith.constant 0 : i32
        %get3A_1015 = arith.constant 0 : i32
        %get3A_1016 = tpu.memref_slice %arg9[%scan3A_161, %get3A_1014, %get3A_1015] : memref<2x256x64xf32, #tpu.memory_space<vmem>> -> memref<1x256x64xf32, #tpu.memory_space<vmem>>
        %get3A_1017 = tpu.memref_squeeze %get3A_1016 : memref<1x256x64xf32, #tpu.memory_space<vmem>> -> memref<256x64xf32, #tpu.memory_space<vmem>>
        %get3A_1018 = arith.index_cast %add3A_1013 : i32 to index
        %get3A_1019 = arith.constant 0 : index
        %get3A_1020 = tpu.vector_load %get3A_1017[%get3A_1018, %get3A_1019] {strides = array<i32>} : memref<256x64xf32, #tpu.memory_space<vmem>>, vector<1x16xf32>,
        %get3A_1021 = vector.shape_cast %get3A_1020 : vector<1x16xf32> to vector<16xf32>
        %mul3A_1022 = arith.constant 8.000000e+00 : f32
        %mul3A_1023 = vector.broadcast %mul3A_1022 : f32 to vector<16xf32>
        %mul3A_1024 = arith.mulf %get3A_1021, %mul3A_1023 : vector<16xf32>
        %add3A_1025 = arith.constant 5 : i32
        %add3A_1026 = arith.addi %mul3A_311, %add3A_1025 : i32
        %get3A_1027 = arith.constant 0 : i32
        %get3A_1028 = arith.constant 0 : i32
        %get3A_1029 = tpu.memref_slice %arg10[%scan3A_162, %get3A_1027, %get3A_1028] : memref<2x256x64xf32, #tpu.memory_space<vmem>> -> memref<1x256x64xf32, #tpu.memory_space<vmem>>
        %get3A_1030 = tpu.memref_squeeze %get3A_1029 : memref<1x256x64xf32, #tpu.memory_space<vmem>> -> memref<256x64xf32, #tpu.memory_space<vmem>>
        %get3A_1031 = arith.index_cast %add3A_1026 : i32 to index
        %get3A_1032 = arith.constant 0 : index
        %get3A_1033 = tpu.vector_load %get3A_1030[%get3A_1031, %get3A_1032] {strides = array<i32>} : memref<256x64xf32, #tpu.memory_space<vmem>>, vector<1x16xf32>,
        %get3A_1034 = vector.shape_cast %get3A_1033 : vector<1x16xf32> to vector<16xf32>
        %add3A_1035 = arith.addf %mul3A_1024, %get3A_1034 : vector<16xf32>
        %add3A_1036 = arith.constant 2 : i32
        %add3A_1037 = arith.addi %mul3A_313, %add3A_1036 : i32
        %swap3A_1038 = arith.constant 0 : i32
        %swap3A_1039 = arith.constant 0 : i32
        %swap3A_1040 = tpu.memref_slice %arg11[%scan3A_163, %swap3A_1038, %swap3A_1039] : memref<2x128x128xf32, #tpu.memory_space<vmem>> -> memref<1x128x128xf32, #tpu.memory_space<vmem>>
        %swap3A_1041 = tpu.memref_squeeze %swap3A_1040 : memref<1x128x128xf32, #tpu.memory_space<vmem>> -> memref<128x128xf32, #tpu.memory_space<vmem>>
        %swap3A_1042 = arith.index_cast %add3A_1037 : i32 to index
        %swap3A_1043 = arith.constant 64 : index
        %swap3A_1044 = tpu.vector_load %swap3A_1041[%swap3A_1042, %swap3A_1043] {strides = array<i32>} : memref<128x128xf32, #tpu.memory_space<vmem>>, vector<1x16xf32>,
        %swap3A_1045 = vector.shape_cast %swap3A_1044 : vector<1x16xf32> to vector<16xf32>
        %swap3A_1046 = vector.shape_cast %add3A_1035 : vector<16xf32> to vector<1x16xf32>
        tpu.vector_store %swap3A_1041[%swap3A_1042, %swap3A_1043], %swap3A_1046 {strides = array<i32>} : memref<128x128xf32, #tpu.memory_space<vmem>>, vector<1x16xf32>,
        %add3A_1047 = arith.constant 5 : i32
        %add3A_1048 = arith.addi %mul3A_311, %add3A_1047 : i32
        %get3A_1049 = arith.constant 0 : i32
        %get3A_1050 = arith.constant 0 : i32
        %get3A_1051 = tpu.memref_slice %arg9[%scan3A_161, %get3A_1049, %get3A_1050] : memref<2x256x64xf32, #tpu.memory_space<vmem>> -> memref<1x256x64xf32, #tpu.memory_space<vmem>>
        %get3A_1052 = tpu.memref_squeeze %get3A_1051 : memref<1x256x64xf32, #tpu.memory_space<vmem>> -> memref<256x64xf32, #tpu.memory_space<vmem>>
        %get3A_1053 = arith.index_cast %add3A_1048 : i32 to index
        %get3A_1054 = arith.constant 16 : index
        %get3A_1055 = tpu.vector_load %get3A_1052[%get3A_1053, %get3A_1054] {strides = array<i32>} : memref<256x64xf32, #tpu.memory_space<vmem>>, vector<1x16xf32>,
        %get3A_1056 = vector.shape_cast %get3A_1055 : vector<1x16xf32> to vector<16xf32>
        %mul3A_1057 = arith.constant 8.000000e+00 : f32
        %mul3A_1058 = vector.broadcast %mul3A_1057 : f32 to vector<16xf32>
        %mul3A_1059 = arith.mulf %get3A_1056, %mul3A_1058 : vector<16xf32>
        %add3A_1060 = arith.constant 5 : i32
        %add3A_1061 = arith.addi %mul3A_311, %add3A_1060 : i32
        %get3A_1062 = arith.constant 0 : i32
        %get3A_1063 = arith.constant 0 : i32
        %get3A_1064 = tpu.memref_slice %arg10[%scan3A_162, %get3A_1062, %get3A_1063] : memref<2x256x64xf32, #tpu.memory_space<vmem>> -> memref<1x256x64xf32, #tpu.memory_space<vmem>>
        %get3A_1065 = tpu.memref_squeeze %get3A_1064 : memref<1x256x64xf32, #tpu.memory_space<vmem>> -> memref<256x64xf32, #tpu.memory_space<vmem>>
        %get3A_1066 = arith.index_cast %add3A_1061 : i32 to index
        %get3A_1067 = arith.constant 16 : index
        %get3A_1068 = tpu.vector_load %get3A_1065[%get3A_1066, %get3A_1067] {strides = array<i32>} : memref<256x64xf32, #tpu.memory_space<vmem>>, vector<1x16xf32>,
        %get3A_1069 = vector.shape_cast %get3A_1068 : vector<1x16xf32> to vector<16xf32>
        %add3A_1070 = arith.addf %mul3A_1059, %get3A_1069 : vector<16xf32>
        %add3A_1071 = arith.constant 2 : i32
        %add3A_1072 = arith.addi %mul3A_313, %add3A_1071 : i32
        %swap3A_1073 = arith.constant 0 : i32
        %swap3A_1074 = arith.constant 0 : i32
        %swap3A_1075 = tpu.memref_slice %arg11[%scan3A_163, %swap3A_1073, %swap3A_1074] : memref<2x128x128xf32, #tpu.memory_space<vmem>> -> memref<1x128x128xf32, #tpu.memory_space<vmem>>
        %swap3A_1076 = tpu.memref_squeeze %swap3A_1075 : memref<1x128x128xf32, #tpu.memory_space<vmem>> -> memref<128x128xf32, #tpu.memory_space<vmem>>
        %swap3A_1077 = arith.index_cast %add3A_1072 : i32 to index
        %swap3A_1078 = arith.constant 80 : index
        %swap3A_1079 = tpu.vector_load %swap3A_1076[%swap3A_1077, %swap3A_1078] {strides = array<i32>} : memref<128x128xf32, #tpu.memory_space<vmem>>, vector<1x16xf32>,
        %swap3A_1080 = vector.shape_cast %swap3A_1079 : vector<1x16xf32> to vector<16xf32>
        %swap3A_1081 = vector.shape_cast %add3A_1070 : vector<16xf32> to vector<1x16xf32>
        tpu.vector_store %swap3A_1076[%swap3A_1077, %swap3A_1078], %swap3A_1081 {strides = array<i32>} : memref<128x128xf32, #tpu.memory_space<vmem>>, vector<1x16xf32>,
        %add3A_1082 = arith.constant 5 : i32
        %add3A_1083 = arith.addi %mul3A_311, %add3A_1082 : i32
        %get3A_1084 = arith.constant 0 : i32
        %get3A_1085 = arith.constant 0 : i32
        %get3A_1086 = tpu.memref_slice %arg9[%scan3A_161, %get3A_1084, %get3A_1085] : memref<2x256x64xf32, #tpu.memory_space<vmem>> -> memref<1x256x64xf32, #tpu.memory_space<vmem>>
        %get3A_1087 = tpu.memref_squeeze %get3A_1086 : memref<1x256x64xf32, #tpu.memory_space<vmem>> -> memref<256x64xf32, #tpu.memory_space<vmem>>
        %get3A_1088 = arith.index_cast %add3A_1083 : i32 to index
        %get3A_1089 = arith.constant 32 : index
        %get3A_1090 = tpu.vector_load %get3A_1087[%get3A_1088, %get3A_1089] {strides = array<i32>} : memref<256x64xf32, #tpu.memory_space<vmem>>, vector<1x16xf32>,
        %get3A_1091 = vector.shape_cast %get3A_1090 : vector<1x16xf32> to vector<16xf32>
        %mul3A_1092 = arith.constant 8.000000e+00 : f32
        %mul3A_1093 = vector.broadcast %mul3A_1092 : f32 to vector<16xf32>
        %mul3A_1094 = arith.mulf %get3A_1091, %mul3A_1093 : vector<16xf32>
        %add3A_1095 = arith.constant 5 : i32
        %add3A_1096 = arith.addi %mul3A_311, %add3A_1095 : i32
        %get3A_1097 = arith.constant 0 : i32
        %get3A_1098 = arith.constant 0 : i32
        %get3A_1099 = tpu.memref_slice %arg10[%scan3A_162, %get3A_1097, %get3A_1098] : memref<2x256x64xf32, #tpu.memory_space<vmem>> -> memref<1x256x64xf32, #tpu.memory_space<vmem>>
        %get3A_1100 = tpu.memref_squeeze %get3A_1099 : memref<1x256x64xf32, #tpu.memory_space<vmem>> -> memref<256x64xf32, #tpu.memory_space<vmem>>
        %get3A_1101 = arith.index_cast %add3A_1096 : i32 to index
        %get3A_1102 = arith.constant 32 : index
        %get3A_1103 = tpu.vector_load %get3A_1100[%get3A_1101, %get3A_1102] {strides = array<i32>} : memref<256x64xf32, #tpu.memory_space<vmem>>, vector<1x16xf32>,
        %get3A_1104 = vector.shape_cast %get3A_1103 : vector<1x16xf32> to vector<16xf32>
        %add3A_1105 = arith.addf %mul3A_1094, %get3A_1104 : vector<16xf32>
        %add3A_1106 = arith.constant 2 : i32
        %add3A_1107 = arith.addi %mul3A_313, %add3A_1106 : i32
        %swap3A_1108 = arith.constant 0 : i32
        %swap3A_1109 = arith.constant 0 : i32
        %swap3A_1110 = tpu.memref_slice %arg11[%scan3A_163, %swap3A_1108, %swap3A_1109] : memref<2x128x128xf32, #tpu.memory_space<vmem>> -> memref<1x128x128xf32, #tpu.memory_space<vmem>>
        %swap3A_1111 = tpu.memref_squeeze %swap3A_1110 : memref<1x128x128xf32, #tpu.memory_space<vmem>> -> memref<128x128xf32, #tpu.memory_space<vmem>>
        %swap3A_1112 = arith.index_cast %add3A_1107 : i32 to index
        %swap3A_1113 = arith.constant 96 : index
        %swap3A_1114 = tpu.vector_load %swap3A_1111[%swap3A_1112, %swap3A_1113] {strides = array<i32>} : memref<128x128xf32, #tpu.memory_space<vmem>>, vector<1x16xf32>,
        %swap3A_1115 = vector.shape_cast %swap3A_1114 : vector<1x16xf32> to vector<16xf32>
        %swap3A_1116 = vector.shape_cast %add3A_1105 : vector<16xf32> to vector<1x16xf32>
        tpu.vector_store %swap3A_1111[%swap3A_1112, %swap3A_1113], %swap3A_1116 {strides = array<i32>} : memref<128x128xf32, #tpu.memory_space<vmem>>, vector<1x16xf32>,
        %add3A_1117 = arith.constant 5 : i32
        %add3A_1118 = arith.addi %mul3A_311, %add3A_1117 : i32
        %get3A_1119 = arith.constant 0 : i32
        %get3A_1120 = arith.constant 0 : i32
        %get3A_1121 = tpu.memref_slice %arg9[%scan3A_161, %get3A_1119, %get3A_1120] : memref<2x256x64xf32, #tpu.memory_space<vmem>> -> memref<1x256x64xf32, #tpu.memory_space<vmem>>
        %get3A_1122 = tpu.memref_squeeze %get3A_1121 : memref<1x256x64xf32, #tpu.memory_space<vmem>> -> memref<256x64xf32, #tpu.memory_space<vmem>>
        %get3A_1123 = arith.index_cast %add3A_1118 : i32 to index
        %get3A_1124 = arith.constant 48 : index
        %get3A_1125 = tpu.vector_load %get3A_1122[%get3A_1123, %get3A_1124] {strides = array<i32>} : memref<256x64xf32, #tpu.memory_space<vmem>>, vector<1x16xf32>,
        %get3A_1126 = vector.shape_cast %get3A_1125 : vector<1x16xf32> to vector<16xf32>
        %mul3A_1127 = arith.constant 8.000000e+00 : f32
        %mul3A_1128 = vector.broadcast %mul3A_1127 : f32 to vector<16xf32>
        %mul3A_1129 = arith.mulf %get3A_1126, %mul3A_1128 : vector<16xf32>
        %add3A_1130 = arith.constant 5 : i32
        %add3A_1131 = arith.addi %mul3A_311, %add3A_1130 : i32
        %get3A_1132 = arith.constant 0 : i32
        %get3A_1133 = arith.constant 0 : i32
        %get3A_1134 = tpu.memref_slice %arg10[%scan3A_162, %get3A_1132, %get3A_1133] : memref<2x256x64xf32, #tpu.memory_space<vmem>> -> memref<1x256x64xf32, #tpu.memory_space<vmem>>
        %get3A_1135 = tpu.memref_squeeze %get3A_1134 : memref<1x256x64xf32, #tpu.memory_space<vmem>> -> memref<256x64xf32, #tpu.memory_space<vmem>>
        %get3A_1136 = arith.index_cast %add3A_1131 : i32 to index
        %get3A_1137 = arith.constant 48 : index
        %get3A_1138 = tpu.vector_load %get3A_1135[%get3A_1136, %get3A_1137] {strides = array<i32>} : memref<256x64xf32, #tpu.memory_space<vmem>>, vector<1x16xf32>,
        %get3A_1139 = vector.shape_cast %get3A_1138 : vector<1x16xf32> to vector<16xf32>
        %add3A_1140 = arith.addf %mul3A_1129, %get3A_1139 : vector<16xf32>
        %add3A_1141 = arith.constant 2 : i32
        %add3A_1142 = arith.addi %mul3A_313, %add3A_1141 : i32
        %swap3A_1143 = arith.constant 0 : i32
        %swap3A_1144 = arith.constant 0 : i32
        %swap3A_1145 = tpu.memref_slice %arg11[%scan3A_163, %swap3A_1143, %swap3A_1144] : memref<2x128x128xf32, #tpu.memory_space<vmem>> -> memref<1x128x128xf32, #tpu.memory_space<vmem>>
        %swap3A_1146 = tpu.memref_squeeze %swap3A_1145 : memref<1x128x128xf32, #tpu.memory_space<vmem>> -> memref<128x128xf32, #tpu.memory_space<vmem>>
        %swap3A_1147 = arith.index_cast %add3A_1142 : i32 to index
        %swap3A_1148 = arith.constant 112 : index
        %swap3A_1149 = tpu.vector_load %swap3A_1146[%swap3A_1147, %swap3A_1148] {strides = array<i32>} : memref<128x128xf32, #tpu.memory_space<vmem>>, vector<1x16xf32>,
        %swap3A_1150 = vector.shape_cast %swap3A_1149 : vector<1x16xf32> to vector<16xf32>
        %swap3A_1151 = vector.shape_cast %add3A_1140 : vector<16xf32> to vector<1x16xf32>
        tpu.vector_store %swap3A_1146[%swap3A_1147, %swap3A_1148], %swap3A_1151 {strides = array<i32>} : memref<128x128xf32, #tpu.memory_space<vmem>>, vector<1x16xf32>,
        %add3A_1152 = arith.constant 6 : i32
        %add3A_1153 = arith.addi %mul3A_311, %add3A_1152 : i32
        %get3A_1154 = arith.constant 0 : i32
        %get3A_1155 = arith.constant 0 : i32
        %get3A_1156 = tpu.memref_slice %arg9[%scan3A_161, %get3A_1154, %get3A_1155] : memref<2x256x64xf32, #tpu.memory_space<vmem>> -> memref<1x256x64xf32, #tpu.memory_space<vmem>>
        %get3A_1157 = tpu.memref_squeeze %get3A_1156 : memref<1x256x64xf32, #tpu.memory_space<vmem>> -> memref<256x64xf32, #tpu.memory_space<vmem>>
        %get3A_1158 = arith.index_cast %add3A_1153 : i32 to index
        %get3A_1159 = arith.constant 0 : index
        %get3A_1160 = tpu.vector_load %get3A_1157[%get3A_1158, %get3A_1159] {strides = array<i32>} : memref<256x64xf32, #tpu.memory_space<vmem>>, vector<1x16xf32>,
        %get3A_1161 = vector.shape_cast %get3A_1160 : vector<1x16xf32> to vector<16xf32>
        %mul3A_1162 = arith.constant 8.000000e+00 : f32
        %mul3A_1163 = vector.broadcast %mul3A_1162 : f32 to vector<16xf32>
        %mul3A_1164 = arith.mulf %get3A_1161, %mul3A_1163 : vector<16xf32>
        %add3A_1165 = arith.constant 6 : i32
        %add3A_1166 = arith.addi %mul3A_311, %add3A_1165 : i32
        %get3A_1167 = arith.constant 0 : i32
        %get3A_1168 = arith.constant 0 : i32
        %get3A_1169 = tpu.memref_slice %arg10[%scan3A_162, %get3A_1167, %get3A_1168] : memref<2x256x64xf32, #tpu.memory_space<vmem>> -> memref<1x256x64xf32, #tpu.memory_space<vmem>>
        %get3A_1170 = tpu.memref_squeeze %get3A_1169 : memref<1x256x64xf32, #tpu.memory_space<vmem>> -> memref<256x64xf32, #tpu.memory_space<vmem>>
        %get3A_1171 = arith.index_cast %add3A_1166 : i32 to index
        %get3A_1172 = arith.constant 0 : index
        %get3A_1173 = tpu.vector_load %get3A_1170[%get3A_1171, %get3A_1172] {strides = array<i32>} : memref<256x64xf32, #tpu.memory_space<vmem>>, vector<1x16xf32>,
        %get3A_1174 = vector.shape_cast %get3A_1173 : vector<1x16xf32> to vector<16xf32>
        %add3A_1175 = arith.addf %mul3A_1164, %get3A_1174 : vector<16xf32>
        %add3A_1176 = arith.constant 3 : i32
        %add3A_1177 = arith.addi %mul3A_313, %add3A_1176 : i32
        %swap3A_1178 = arith.constant 0 : i32
        %swap3A_1179 = arith.constant 0 : i32
        %swap3A_1180 = tpu.memref_slice %arg11[%scan3A_163, %swap3A_1178, %swap3A_1179] : memref<2x128x128xf32, #tpu.memory_space<vmem>> -> memref<1x128x128xf32, #tpu.memory_space<vmem>>
        %swap3A_1181 = tpu.memref_squeeze %swap3A_1180 : memref<1x128x128xf32, #tpu.memory_space<vmem>> -> memref<128x128xf32, #tpu.memory_space<vmem>>
        %swap3A_1182 = arith.index_cast %add3A_1177 : i32 to index
        %swap3A_1183 = arith.constant 0 : index
        %swap3A_1184 = tpu.vector_load %swap3A_1181[%swap3A_1182, %swap3A_1183] {strides = array<i32>} : memref<128x128xf32, #tpu.memory_space<vmem>>, vector<1x16xf32>,
        %swap3A_1185 = vector.shape_cast %swap3A_1184 : vector<1x16xf32> to vector<16xf32>
        %swap3A_1186 = vector.shape_cast %add3A_1175 : vector<16xf32> to vector<1x16xf32>
        tpu.vector_store %swap3A_1181[%swap3A_1182, %swap3A_1183], %swap3A_1186 {strides = array<i32>} : memref<128x128xf32, #tpu.memory_space<vmem>>, vector<1x16xf32>,
        %add3A_1187 = arith.constant 6 : i32
        %add3A_1188 = arith.addi %mul3A_311, %add3A_1187 : i32
        %get3A_1189 = arith.constant 0 : i32
        %get3A_1190 = arith.constant 0 : i32
        %get3A_1191 = tpu.memref_slice %arg9[%scan3A_161, %get3A_1189, %get3A_1190] : memref<2x256x64xf32, #tpu.memory_space<vmem>> -> memref<1x256x64xf32, #tpu.memory_space<vmem>>
        %get3A_1192 = tpu.memref_squeeze %get3A_1191 : memref<1x256x64xf32, #tpu.memory_space<vmem>> -> memref<256x64xf32, #tpu.memory_space<vmem>>
        %get3A_1193 = arith.index_cast %add3A_1188 : i32 to index
        %get3A_1194 = arith.constant 16 : index
        %get3A_1195 = tpu.vector_load %get3A_1192[%get3A_1193, %get3A_1194] {strides = array<i32>} : memref<256x64xf32, #tpu.memory_space<vmem>>, vector<1x16xf32>,
        %get3A_1196 = vector.shape_cast %get3A_1195 : vector<1x16xf32> to vector<16xf32>
        %mul3A_1197 = arith.constant 8.000000e+00 : f32
        %mul3A_1198 = vector.broadcast %mul3A_1197 : f32 to vector<16xf32>
        %mul3A_1199 = arith.mulf %get3A_1196, %mul3A_1198 : vector<16xf32>
        %add3A_1200 = arith.constant 6 : i32
        %add3A_1201 = arith.addi %mul3A_311, %add3A_1200 : i32
        %get3A_1202 = arith.constant 0 : i32
        %get3A_1203 = arith.constant 0 : i32
        %get3A_1204 = tpu.memref_slice %arg10[%scan3A_162, %get3A_1202, %get3A_1203] : memref<2x256x64xf32, #tpu.memory_space<vmem>> -> memref<1x256x64xf32, #tpu.memory_space<vmem>>
        %get3A_1205 = tpu.memref_squeeze %get3A_1204 : memref<1x256x64xf32, #tpu.memory_space<vmem>> -> memref<256x64xf32, #tpu.memory_space<vmem>>
        %get3A_1206 = arith.index_cast %add3A_1201 : i32 to index
        %get3A_1207 = arith.constant 16 : index
        %get3A_1208 = tpu.vector_load %get3A_1205[%get3A_1206, %get3A_1207] {strides = array<i32>} : memref<256x64xf32, #tpu.memory_space<vmem>>, vector<1x16xf32>,
        %get3A_1209 = vector.shape_cast %get3A_1208 : vector<1x16xf32> to vector<16xf32>
        %add3A_1210 = arith.addf %mul3A_1199, %get3A_1209 : vector<16xf32>
        %add3A_1211 = arith.constant 3 : i32
        %add3A_1212 = arith.addi %mul3A_313, %add3A_1211 : i32
        %swap3A_1213 = arith.constant 0 : i32
        %swap3A_1214 = arith.constant 0 : i32
        %swap3A_1215 = tpu.memref_slice %arg11[%scan3A_163, %swap3A_1213, %swap3A_1214] : memref<2x128x128xf32, #tpu.memory_space<vmem>> -> memref<1x128x128xf32, #tpu.memory_space<vmem>>
        %swap3A_1216 = tpu.memref_squeeze %swap3A_1215 : memref<1x128x128xf32, #tpu.memory_space<vmem>> -> memref<128x128xf32, #tpu.memory_space<vmem>>
        %swap3A_1217 = arith.index_cast %add3A_1212 : i32 to index
        %swap3A_1218 = arith.constant 16 : index
        %swap3A_1219 = tpu.vector_load %swap3A_1216[%swap3A_1217, %swap3A_1218] {strides = array<i32>} : memref<128x128xf32, #tpu.memory_space<vmem>>, vector<1x16xf32>,
        %swap3A_1220 = vector.shape_cast %swap3A_1219 : vector<1x16xf32> to vector<16xf32>
        %swap3A_1221 = vector.shape_cast %add3A_1210 : vector<16xf32> to vector<1x16xf32>
        tpu.vector_store %swap3A_1216[%swap3A_1217, %swap3A_1218], %swap3A_1221 {strides = array<i32>} : memref<128x128xf32, #tpu.memory_space<vmem>>, vector<1x16xf32>,
        %add3A_1222 = arith.constant 6 : i32
        %add3A_1223 = arith.addi %mul3A_311, %add3A_1222 : i32
        %get3A_1224 = arith.constant 0 : i32
        %get3A_1225 = arith.constant 0 : i32
        %get3A_1226 = tpu.memref_slice %arg9[%scan3A_161, %get3A_1224, %get3A_1225] : memref<2x256x64xf32, #tpu.memory_space<vmem>> -> memref<1x256x64xf32, #tpu.memory_space<vmem>>
        %get3A_1227 = tpu.memref_squeeze %get3A_1226 : memref<1x256x64xf32, #tpu.memory_space<vmem>> -> memref<256x64xf32, #tpu.memory_space<vmem>>
        %get3A_1228 = arith.index_cast %add3A_1223 : i32 to index
        %get3A_1229 = arith.constant 32 : index
        %get3A_1230 = tpu.vector_load %get3A_1227[%get3A_1228, %get3A_1229] {strides = array<i32>} : memref<256x64xf32, #tpu.memory_space<vmem>>, vector<1x16xf32>,
        %get3A_1231 = vector.shape_cast %get3A_1230 : vector<1x16xf32> to vector<16xf32>
        %mul3A_1232 = arith.constant 8.000000e+00 : f32
        %mul3A_1233 = vector.broadcast %mul3A_1232 : f32 to vector<16xf32>
        %mul3A_1234 = arith.mulf %get3A_1231, %mul3A_1233 : vector<16xf32>
        %add3A_1235 = arith.constant 6 : i32
        %add3A_1236 = arith.addi %mul3A_311, %add3A_1235 : i32
        %get3A_1237 = arith.constant 0 : i32
        %get3A_1238 = arith.constant 0 : i32
        %get3A_1239 = tpu.memref_slice %arg10[%scan3A_162, %get3A_1237, %get3A_1238] : memref<2x256x64xf32, #tpu.memory_space<vmem>> -> memref<1x256x64xf32, #tpu.memory_space<vmem>>
        %get3A_1240 = tpu.memref_squeeze %get3A_1239 : memref<1x256x64xf32, #tpu.memory_space<vmem>> -> memref<256x64xf32, #tpu.memory_space<vmem>>
        %get3A_1241 = arith.index_cast %add3A_1236 : i32 to index
        %get3A_1242 = arith.constant 32 : index
        %get3A_1243 = tpu.vector_load %get3A_1240[%get3A_1241, %get3A_1242] {strides = array<i32>} : memref<256x64xf32, #tpu.memory_space<vmem>>, vector<1x16xf32>,
        %get3A_1244 = vector.shape_cast %get3A_1243 : vector<1x16xf32> to vector<16xf32>
        %add3A_1245 = arith.addf %mul3A_1234, %get3A_1244 : vector<16xf32>
        %add3A_1246 = arith.constant 3 : i32
        %add3A_1247 = arith.addi %mul3A_313, %add3A_1246 : i32
        %swap3A_1248 = arith.constant 0 : i32
        %swap3A_1249 = arith.constant 0 : i32
        %swap3A_1250 = tpu.memref_slice %arg11[%scan3A_163, %swap3A_1248, %swap3A_1249] : memref<2x128x128xf32, #tpu.memory_space<vmem>> -> memref<1x128x128xf32, #tpu.memory_space<vmem>>
        %swap3A_1251 = tpu.memref_squeeze %swap3A_1250 : memref<1x128x128xf32, #tpu.memory_space<vmem>> -> memref<128x128xf32, #tpu.memory_space<vmem>>
        %swap3A_1252 = arith.index_cast %add3A_1247 : i32 to index
        %swap3A_1253 = arith.constant 32 : index
        %swap3A_1254 = tpu.vector_load %swap3A_1251[%swap3A_1252, %swap3A_1253] {strides = array<i32>} : memref<128x128xf32, #tpu.memory_space<vmem>>, vector<1x16xf32>,
        %swap3A_1255 = vector.shape_cast %swap3A_1254 : vector<1x16xf32> to vector<16xf32>
        %swap3A_1256 = vector.shape_cast %add3A_1245 : vector<16xf32> to vector<1x16xf32>
        tpu.vector_store %swap3A_1251[%swap3A_1252, %swap3A_1253], %swap3A_1256 {strides = array<i32>} : memref<128x128xf32, #tpu.memory_space<vmem>>, vector<1x16xf32>,
        %add3A_1257 = arith.constant 6 : i32
        %add3A_1258 = arith.addi %mul3A_311, %add3A_1257 : i32
        %get3A_1259 = arith.constant 0 : i32
        %get3A_1260 = arith.constant 0 : i32
        %get3A_1261 = tpu.memref_slice %arg9[%scan3A_161, %get3A_1259, %get3A_1260] : memref<2x256x64xf32, #tpu.memory_space<vmem>> -> memref<1x256x64xf32, #tpu.memory_space<vmem>>
        %get3A_1262 = tpu.memref_squeeze %get3A_1261 : memref<1x256x64xf32, #tpu.memory_space<vmem>> -> memref<256x64xf32, #tpu.memory_space<vmem>>
        %get3A_1263 = arith.index_cast %add3A_1258 : i32 to index
        %get3A_1264 = arith.constant 48 : index
        %get3A_1265 = tpu.vector_load %get3A_1262[%get3A_1263, %get3A_1264] {strides = array<i32>} : memref<256x64xf32, #tpu.memory_space<vmem>>, vector<1x16xf32>,
        %get3A_1266 = vector.shape_cast %get3A_1265 : vector<1x16xf32> to vector<16xf32>
        %mul3A_1267 = arith.constant 8.000000e+00 : f32
        %mul3A_1268 = vector.broadcast %mul3A_1267 : f32 to vector<16xf32>
        %mul3A_1269 = arith.mulf %get3A_1266, %mul3A_1268 : vector<16xf32>
        %add3A_1270 = arith.constant 6 : i32
        %add3A_1271 = arith.addi %mul3A_311, %add3A_1270 : i32
        %get3A_1272 = arith.constant 0 : i32
        %get3A_1273 = arith.constant 0 : i32
        %get3A_1274 = tpu.memref_slice %arg10[%scan3A_162, %get3A_1272, %get3A_1273] : memref<2x256x64xf32, #tpu.memory_space<vmem>> -> memref<1x256x64xf32, #tpu.memory_space<vmem>>
        %get3A_1275 = tpu.memref_squeeze %get3A_1274 : memref<1x256x64xf32, #tpu.memory_space<vmem>> -> memref<256x64xf32, #tpu.memory_space<vmem>>
        %get3A_1276 = arith.index_cast %add3A_1271 : i32 to index
        %get3A_1277 = arith.constant 48 : index
        %get3A_1278 = tpu.vector_load %get3A_1275[%get3A_1276, %get3A_1277] {strides = array<i32>} : memref<256x64xf32, #tpu.memory_space<vmem>>, vector<1x16xf32>,
        %get3A_1279 = vector.shape_cast %get3A_1278 : vector<1x16xf32> to vector<16xf32>
        %add3A_1280 = arith.addf %mul3A_1269, %get3A_1279 : vector<16xf32>
        %add3A_1281 = arith.constant 3 : i32
        %add3A_1282 = arith.addi %mul3A_313, %add3A_1281 : i32
        %swap3A_1283 = arith.constant 0 : i32
        %swap3A_1284 = arith.constant 0 : i32
        %swap3A_1285 = tpu.memref_slice %arg11[%scan3A_163, %swap3A_1283, %swap3A_1284] : memref<2x128x128xf32, #tpu.memory_space<vmem>> -> memref<1x128x128xf32, #tpu.memory_space<vmem>>
        %swap3A_1286 = tpu.memref_squeeze %swap3A_1285 : memref<1x128x128xf32, #tpu.memory_space<vmem>> -> memref<128x128xf32, #tpu.memory_space<vmem>>
        %swap3A_1287 = arith.index_cast %add3A_1282 : i32 to index
        %swap3A_1288 = arith.constant 48 : index
        %swap3A_1289 = tpu.vector_load %swap3A_1286[%swap3A_1287, %swap3A_1288] {strides = array<i32>} : memref<128x128xf32, #tpu.memory_space<vmem>>, vector<1x16xf32>,
        %swap3A_1290 = vector.shape_cast %swap3A_1289 : vector<1x16xf32> to vector<16xf32>
        %swap3A_1291 = vector.shape_cast %add3A_1280 : vector<16xf32> to vector<1x16xf32>
        tpu.vector_store %swap3A_1286[%swap3A_1287, %swap3A_1288], %swap3A_1291 {strides = array<i32>} : memref<128x128xf32, #tpu.memory_space<vmem>>, vector<1x16xf32>,
        %add3A_1292 = arith.constant 7 : i32
        %add3A_1293 = arith.addi %mul3A_311, %add3A_1292 : i32
        %get3A_1294 = arith.constant 0 : i32
        %get3A_1295 = arith.constant 0 : i32
        %get3A_1296 = tpu.memref_slice %arg9[%scan3A_161, %get3A_1294, %get3A_1295] : memref<2x256x64xf32, #tpu.memory_space<vmem>> -> memref<1x256x64xf32, #tpu.memory_space<vmem>>
        %get3A_1297 = tpu.memref_squeeze %get3A_1296 : memref<1x256x64xf32, #tpu.memory_space<vmem>> -> memref<256x64xf32, #tpu.memory_space<vmem>>
        %get3A_1298 = arith.index_cast %add3A_1293 : i32 to index
        %get3A_1299 = arith.constant 0 : index
        %get3A_1300 = tpu.vector_load %get3A_1297[%get3A_1298, %get3A_1299] {strides = array<i32>} : memref<256x64xf32, #tpu.memory_space<vmem>>, vector<1x16xf32>,
        %get3A_1301 = vector.shape_cast %get3A_1300 : vector<1x16xf32> to vector<16xf32>
        %mul3A_1302 = arith.constant 8.000000e+00 : f32
        %mul3A_1303 = vector.broadcast %mul3A_1302 : f32 to vector<16xf32>
        %mul3A_1304 = arith.mulf %get3A_1301, %mul3A_1303 : vector<16xf32>
        %add3A_1305 = arith.constant 7 : i32
        %add3A_1306 = arith.addi %mul3A_311, %add3A_1305 : i32
        %get3A_1307 = arith.constant 0 : i32
        %get3A_1308 = arith.constant 0 : i32
        %get3A_1309 = tpu.memref_slice %arg10[%scan3A_162, %get3A_1307, %get3A_1308] : memref<2x256x64xf32, #tpu.memory_space<vmem>> -> memref<1x256x64xf32, #tpu.memory_space<vmem>>
        %get3A_1310 = tpu.memref_squeeze %get3A_1309 : memref<1x256x64xf32, #tpu.memory_space<vmem>> -> memref<256x64xf32, #tpu.memory_space<vmem>>
        %get3A_1311 = arith.index_cast %add3A_1306 : i32 to index
        %get3A_1312 = arith.constant 0 : index
        %get3A_1313 = tpu.vector_load %get3A_1310[%get3A_1311, %get3A_1312] {strides = array<i32>} : memref<256x64xf32, #tpu.memory_space<vmem>>, vector<1x16xf32>,
        %get3A_1314 = vector.shape_cast %get3A_1313 : vector<1x16xf32> to vector<16xf32>
        %add3A_1315 = arith.addf %mul3A_1304, %get3A_1314 : vector<16xf32>
        %add3A_1316 = arith.constant 3 : i32
        %add3A_1317 = arith.addi %mul3A_313, %add3A_1316 : i32
        %swap3A_1318 = arith.constant 0 : i32
        %swap3A_1319 = arith.constant 0 : i32
        %swap3A_1320 = tpu.memref_slice %arg11[%scan3A_163, %swap3A_1318, %swap3A_1319] : memref<2x128x128xf32, #tpu.memory_space<vmem>> -> memref<1x128x128xf32, #tpu.memory_space<vmem>>
        %swap3A_1321 = tpu.memref_squeeze %swap3A_1320 : memref<1x128x128xf32, #tpu.memory_space<vmem>> -> memref<128x128xf32, #tpu.memory_space<vmem>>
        %swap3A_1322 = arith.index_cast %add3A_1317 : i32 to index
        %swap3A_1323 = arith.constant 64 : index
        %swap3A_1324 = tpu.vector_load %swap3A_1321[%swap3A_1322, %swap3A_1323] {strides = array<i32>} : memref<128x128xf32, #tpu.memory_space<vmem>>, vector<1x16xf32>,
        %swap3A_1325 = vector.shape_cast %swap3A_1324 : vector<1x16xf32> to vector<16xf32>
        %swap3A_1326 = vector.shape_cast %add3A_1315 : vector<16xf32> to vector<1x16xf32>
        tpu.vector_store %swap3A_1321[%swap3A_1322, %swap3A_1323], %swap3A_1326 {strides = array<i32>} : memref<128x128xf32, #tpu.memory_space<vmem>>, vector<1x16xf32>,
        %add3A_1327 = arith.constant 7 : i32
        %add3A_1328 = arith.addi %mul3A_311, %add3A_1327 : i32
        %get3A_1329 = arith.constant 0 : i32
        %get3A_1330 = arith.constant 0 : i32
        %get3A_1331 = tpu.memref_slice %arg9[%scan3A_161, %get3A_1329, %get3A_1330] : memref<2x256x64xf32, #tpu.memory_space<vmem>> -> memref<1x256x64xf32, #tpu.memory_space<vmem>>
        %get3A_1332 = tpu.memref_squeeze %get3A_1331 : memref<1x256x64xf32, #tpu.memory_space<vmem>> -> memref<256x64xf32, #tpu.memory_space<vmem>>
        %get3A_1333 = arith.index_cast %add3A_1328 : i32 to index
        %get3A_1334 = arith.constant 16 : index
        %get3A_1335 = tpu.vector_load %get3A_1332[%get3A_1333, %get3A_1334] {strides = array<i32>} : memref<256x64xf32, #tpu.memory_space<vmem>>, vector<1x16xf32>,
        %get3A_1336 = vector.shape_cast %get3A_1335 : vector<1x16xf32> to vector<16xf32>
        %mul3A_1337 = arith.constant 8.000000e+00 : f32
        %mul3A_1338 = vector.broadcast %mul3A_1337 : f32 to vector<16xf32>
        %mul3A_1339 = arith.mulf %get3A_1336, %mul3A_1338 : vector<16xf32>
        %add3A_1340 = arith.constant 7 : i32
        %add3A_1341 = arith.addi %mul3A_311, %add3A_1340 : i32
        %get3A_1342 = arith.constant 0 : i32
        %get3A_1343 = arith.constant 0 : i32
        %get3A_1344 = tpu.memref_slice %arg10[%scan3A_162, %get3A_1342, %get3A_1343] : memref<2x256x64xf32, #tpu.memory_space<vmem>> -> memref<1x256x64xf32, #tpu.memory_space<vmem>>
        %get3A_1345 = tpu.memref_squeeze %get3A_1344 : memref<1x256x64xf32, #tpu.memory_space<vmem>> -> memref<256x64xf32, #tpu.memory_space<vmem>>
        %get3A_1346 = arith.index_cast %add3A_1341 : i32 to index
        %get3A_1347 = arith.constant 16 : index
        %get3A_1348 = tpu.vector_load %get3A_1345[%get3A_1346, %get3A_1347] {strides = array<i32>} : memref<256x64xf32, #tpu.memory_space<vmem>>, vector<1x16xf32>,
        %get3A_1349 = vector.shape_cast %get3A_1348 : vector<1x16xf32> to vector<16xf32>
        %add3A_1350 = arith.addf %mul3A_1339, %get3A_1349 : vector<16xf32>
        %add3A_1351 = arith.constant 3 : i32
        %add3A_1352 = arith.addi %mul3A_313, %add3A_1351 : i32
        %swap3A_1353 = arith.constant 0 : i32
        %swap3A_1354 = arith.constant 0 : i32
        %swap3A_1355 = tpu.memref_slice %arg11[%scan3A_163, %swap3A_1353, %swap3A_1354] : memref<2x128x128xf32, #tpu.memory_space<vmem>> -> memref<1x128x128xf32, #tpu.memory_space<vmem>>
        %swap3A_1356 = tpu.memref_squeeze %swap3A_1355 : memref<1x128x128xf32, #tpu.memory_space<vmem>> -> memref<128x128xf32, #tpu.memory_space<vmem>>
        %swap3A_1357 = arith.index_cast %add3A_1352 : i32 to index
        %swap3A_1358 = arith.constant 80 : index
        %swap3A_1359 = tpu.vector_load %swap3A_1356[%swap3A_1357, %swap3A_1358] {strides = array<i32>} : memref<128x128xf32, #tpu.memory_space<vmem>>, vector<1x16xf32>,
        %swap3A_1360 = vector.shape_cast %swap3A_1359 : vector<1x16xf32> to vector<16xf32>
        %swap3A_1361 = vector.shape_cast %add3A_1350 : vector<16xf32> to vector<1x16xf32>
        tpu.vector_store %swap3A_1356[%swap3A_1357, %swap3A_1358], %swap3A_1361 {strides = array<i32>} : memref<128x128xf32, #tpu.memory_space<vmem>>, vector<1x16xf32>,
        %add3A_1362 = arith.constant 7 : i32
        %add3A_1363 = arith.addi %mul3A_311, %add3A_1362 : i32
        %get3A_1364 = arith.constant 0 : i32
        %get3A_1365 = arith.constant 0 : i32
        %get3A_1366 = tpu.memref_slice %arg9[%scan3A_161, %get3A_1364, %get3A_1365] : memref<2x256x64xf32, #tpu.memory_space<vmem>> -> memref<1x256x64xf32, #tpu.memory_space<vmem>>
        %get3A_1367 = tpu.memref_squeeze %get3A_1366 : memref<1x256x64xf32, #tpu.memory_space<vmem>> -> memref<256x64xf32, #tpu.memory_space<vmem>>
        %get3A_1368 = arith.index_cast %add3A_1363 : i32 to index
        %get3A_1369 = arith.constant 32 : index
        %get3A_1370 = tpu.vector_load %get3A_1367[%get3A_1368, %get3A_1369] {strides = array<i32>} : memref<256x64xf32, #tpu.memory_space<vmem>>, vector<1x16xf32>,
        %get3A_1371 = vector.shape_cast %get3A_1370 : vector<1x16xf32> to vector<16xf32>
        %mul3A_1372 = arith.constant 8.000000e+00 : f32
        %mul3A_1373 = vector.broadcast %mul3A_1372 : f32 to vector<16xf32>
        %mul3A_1374 = arith.mulf %get3A_1371, %mul3A_1373 : vector<16xf32>
        %add3A_1375 = arith.constant 7 : i32
        %add3A_1376 = arith.addi %mul3A_311, %add3A_1375 : i32
        %get3A_1377 = arith.constant 0 : i32
        %get3A_1378 = arith.constant 0 : i32
        %get3A_1379 = tpu.memref_slice %arg10[%scan3A_162, %get3A_1377, %get3A_1378] : memref<2x256x64xf32, #tpu.memory_space<vmem>> -> memref<1x256x64xf32, #tpu.memory_space<vmem>>
        %get3A_1380 = tpu.memref_squeeze %get3A_1379 : memref<1x256x64xf32, #tpu.memory_space<vmem>> -> memref<256x64xf32, #tpu.memory_space<vmem>>
        %get3A_1381 = arith.index_cast %add3A_1376 : i32 to index
        %get3A_1382 = arith.constant 32 : index
        %get3A_1383 = tpu.vector_load %get3A_1380[%get3A_1381, %get3A_1382] {strides = array<i32>} : memref<256x64xf32, #tpu.memory_space<vmem>>, vector<1x16xf32>,
        %get3A_1384 = vector.shape_cast %get3A_1383 : vector<1x16xf32> to vector<16xf32>
        %add3A_1385 = arith.addf %mul3A_1374, %get3A_1384 : vector<16xf32>
        %add3A_1386 = arith.constant 3 : i32
        %add3A_1387 = arith.addi %mul3A_313, %add3A_1386 : i32
        %swap3A_1388 = arith.constant 0 : i32
        %swap3A_1389 = arith.constant 0 : i32
        %swap3A_1390 = tpu.memref_slice %arg11[%scan3A_163, %swap3A_1388, %swap3A_1389] : memref<2x128x128xf32, #tpu.memory_space<vmem>> -> memref<1x128x128xf32, #tpu.memory_space<vmem>>
        %swap3A_1391 = tpu.memref_squeeze %swap3A_1390 : memref<1x128x128xf32, #tpu.memory_space<vmem>> -> memref<128x128xf32, #tpu.memory_space<vmem>>
        %swap3A_1392 = arith.index_cast %add3A_1387 : i32 to index
        %swap3A_1393 = arith.constant 96 : index
        %swap3A_1394 = tpu.vector_load %swap3A_1391[%swap3A_1392, %swap3A_1393] {strides = array<i32>} : memref<128x128xf32, #tpu.memory_space<vmem>>, vector<1x16xf32>,
        %swap3A_1395 = vector.shape_cast %swap3A_1394 : vector<1x16xf32> to vector<16xf32>
        %swap3A_1396 = vector.shape_cast %add3A_1385 : vector<16xf32> to vector<1x16xf32>
        tpu.vector_store %swap3A_1391[%swap3A_1392, %swap3A_1393], %swap3A_1396 {strides = array<i32>} : memref<128x128xf32, #tpu.memory_space<vmem>>, vector<1x16xf32>,
        %add3A_1397 = arith.constant 7 : i32
        %add3A_1398 = arith.addi %mul3A_311, %add3A_1397 : i32
        %get3A_1399 = arith.constant 0 : i32
        %get3A_1400 = arith.constant 0 : i32
        %get3A_1401 = tpu.memref_slice %arg9[%scan3A_161, %get3A_1399, %get3A_1400] : memref<2x256x64xf32, #tpu.memory_space<vmem>> -> memref<1x256x64xf32, #tpu.memory_space<vmem>>
        %get3A_1402 = tpu.memref_squeeze %get3A_1401 : memref<1x256x64xf32, #tpu.memory_space<vmem>> -> memref<256x64xf32, #tpu.memory_space<vmem>>
        %get3A_1403 = arith.index_cast %add3A_1398 : i32 to index
        %get3A_1404 = arith.constant 48 : index
        %get3A_1405 = tpu.vector_load %get3A_1402[%get3A_1403, %get3A_1404] {strides = array<i32>} : memref<256x64xf32, #tpu.memory_space<vmem>>, vector<1x16xf32>,
        %get3A_1406 = vector.shape_cast %get3A_1405 : vector<1x16xf32> to vector<16xf32>
        %mul3A_1407 = arith.constant 8.000000e+00 : f32
        %mul3A_1408 = vector.broadcast %mul3A_1407 : f32 to vector<16xf32>
        %mul3A_1409 = arith.mulf %get3A_1406, %mul3A_1408 : vector<16xf32>
        %add3A_1410 = arith.constant 7 : i32
        %add3A_1411 = arith.addi %mul3A_311, %add3A_1410 : i32
        %get3A_1412 = arith.constant 0 : i32
        %get3A_1413 = arith.constant 0 : i32
        %get3A_1414 = tpu.memref_slice %arg10[%scan3A_162, %get3A_1412, %get3A_1413] : memref<2x256x64xf32, #tpu.memory_space<vmem>> -> memref<1x256x64xf32, #tpu.memory_space<vmem>>
        %get3A_1415 = tpu.memref_squeeze %get3A_1414 : memref<1x256x64xf32, #tpu.memory_space<vmem>> -> memref<256x64xf32, #tpu.memory_space<vmem>>
        %get3A_1416 = arith.index_cast %add3A_1411 : i32 to index
        %get3A_1417 = arith.constant 48 : index
        %get3A_1418 = tpu.vector_load %get3A_1415[%get3A_1416, %get3A_1417] {strides = array<i32>} : memref<256x64xf32, #tpu.memory_space<vmem>>, vector<1x16xf32>,
        %get3A_1419 = vector.shape_cast %get3A_1418 : vector<1x16xf32> to vector<16xf32>
        %add3A_1420 = arith.addf %mul3A_1409, %get3A_1419 : vector<16xf32>
        %add3A_1421 = arith.constant 3 : i32
        %add3A_1422 = arith.addi %mul3A_313, %add3A_1421 : i32
        %swap3A_1423 = arith.constant 0 : i32
        %swap3A_1424 = arith.constant 0 : i32
        %swap3A_1425 = tpu.memref_slice %arg11[%scan3A_163, %swap3A_1423, %swap3A_1424] : memref<2x128x128xf32, #tpu.memory_space<vmem>> -> memref<1x128x128xf32, #tpu.memory_space<vmem>>
        %swap3A_1426 = tpu.memref_squeeze %swap3A_1425 : memref<1x128x128xf32, #tpu.memory_space<vmem>> -> memref<128x128xf32, #tpu.memory_space<vmem>>
        %swap3A_1427 = arith.index_cast %add3A_1422 : i32 to index
        %swap3A_1428 = arith.constant 112 : index
        %swap3A_1429 = tpu.vector_load %swap3A_1426[%swap3A_1427, %swap3A_1428] {strides = array<i32>} : memref<128x128xf32, #tpu.memory_space<vmem>>, vector<1x16xf32>,
        %swap3A_1430 = vector.shape_cast %swap3A_1429 : vector<1x16xf32> to vector<16xf32>
        %swap3A_1431 = vector.shape_cast %add3A_1420 : vector<16xf32> to vector<1x16xf32>
        tpu.vector_store %swap3A_1426[%swap3A_1427, %swap3A_1428], %swap3A_1431 {strides = array<i32>} : memref<128x128xf32, #tpu.memory_space<vmem>>, vector<1x16xf32>,
        %scan3A_1432 = arith.constant 0 : i32
        scf.yield %scan3A_1432 : i32
      }
      %scan3A_170 = arith.constant 32 : i32
      %lt3A_171 = arith.constant 98 : i32
      %lt3A_172 = arith.cmpi slt, %mul3A_122, %lt3A_171 : i32
      %convert_element_type3A_173 = arith.extui %lt3A_172 : i1 to i32
      %cond3A_174 = arith.constant 0 : i32
      %cond3A_175 = arith.cmpi ne, %convert_element_type3A_173, %cond3A_174 : i32
      scf.if %cond3A_175 {
        %add3A_308 = arith.constant 2 : i32
        %add3A_309 = arith.addi %mul3A_122, %add3A_308 : i32
        %mul3A_310 = arith.constant 256 : i32
        %mul3A_311 = arith.muli %add3A_309, %mul3A_310 : i32
        %add3A_312 = arith.addi %mul3A_4, %mul3A_311 : i32
        %dma_start3A_313 = arith.constant 0 : i32
        %dma_start3A_314 = arith.constant 0 : i32
        %dma_start3A_315 = tpu.memref_slice %arg12[%dma_start3A_313, %dma_start3A_314] : memref<2x256xi32, #tpu.memory_space<vmem>> -> memref<1x256xi32, #tpu.memory_space<vmem>>
        %dma_start3A_316 = tpu.memref_squeeze %dma_start3A_315 : memref<1x256xi32, #tpu.memory_space<vmem>> -> memref<256xi32, #tpu.memory_space<vmem>>
        %dma_start3A_317 = tpu.memref_slice %arg2[%add3A_312] : memref<819200xi32, #tpu.memory_space<hbm>> -> memref<256xi32, #tpu.memory_space<hbm>>
        %dma_start3A_318 = arith.constant 0 : i32
        %dma_start3A_319 = tpu.memref_slice %arg12[%dma_start3A_313, %dma_start3A_318] : memref<2x256xi32, #tpu.memory_space<vmem>> -> memref<1x256xi32, #tpu.memory_space<vmem>>
        %dma_start3A_320 = tpu.memref_squeeze %dma_start3A_319 : memref<1x256xi32, #tpu.memory_space<vmem>> -> memref<256xi32, #tpu.memory_space<vmem>>
        %dma_start3A_321 = tpu.memref_slice %arg2[%add3A_312] : memref<819200xi32, #tpu.memory_space<hbm>> -> memref<256xi32, #tpu.memory_space<hbm>>
        tpu.enqueue_dma source(%dma_start3A_321 : memref<256xi32, #tpu.memory_space<hbm>>) target(%dma_start3A_320 : memref<256xi32, #tpu.memory_space<vmem>>) target_semaphore(%arg17 : memref<!tpu.dma_semaphore, #tpu.memory_space<semaphore_mem>>)
        %dma_start3A_322 = arith.constant 0 : i32
        %dma_start3A_323 = arith.constant 0 : i32
        %dma_start3A_324 = tpu.memref_slice %arg13[%dma_start3A_322, %dma_start3A_323] : memref<2x256xi32, #tpu.memory_space<vmem>> -> memref<1x256xi32, #tpu.memory_space<vmem>>
        %dma_start3A_325 = tpu.memref_squeeze %dma_start3A_324 : memref<1x256xi32, #tpu.memory_space<vmem>> -> memref<256xi32, #tpu.memory_space<vmem>>
        %dma_start3A_326 = tpu.memref_slice %arg3[%add3A_312] : memref<819200xi32, #tpu.memory_space<hbm>> -> memref<256xi32, #tpu.memory_space<hbm>>
        %dma_start3A_327 = arith.constant 0 : i32
        %dma_start3A_328 = tpu.memref_slice %arg13[%dma_start3A_322, %dma_start3A_327] : memref<2x256xi32, #tpu.memory_space<vmem>> -> memref<1x256xi32, #tpu.memory_space<vmem>>
        %dma_start3A_329 = tpu.memref_squeeze %dma_start3A_328 : memref<1x256xi32, #tpu.memory_space<vmem>> -> memref<256xi32, #tpu.memory_space<vmem>>
        %dma_start3A_330 = tpu.memref_slice %arg3[%add3A_312] : memref<819200xi32, #tpu.memory_space<hbm>> -> memref<256xi32, #tpu.memory_space<hbm>>
        tpu.enqueue_dma source(%dma_start3A_330 : memref<256xi32, #tpu.memory_space<hbm>>) target(%dma_start3A_329 : memref<256xi32, #tpu.memory_space<vmem>>) target_semaphore(%arg17 : memref<!tpu.dma_semaphore, #tpu.memory_space<semaphore_mem>>)
      } else {
      }
      %mul3A_176 = arith.constant 256 : i32
      %mul3A_177 = arith.muli %mul3A_122, %mul3A_176 : i32
      %add3A_178 = arith.addi %mul3A_4, %mul3A_177 : i32
      %jit3A = arith.constant 2 : i32
      %div3A = arith.divsi %add3A_178, %jit3A : i32
      %sign3A = arith.constant 0 : i32
      %sign3A_179 = arith.cmpi sgt, %add3A_178, %sign3A : i32
      %sign3A_180 = arith.extui %sign3A_179 : i1 to i32
      %sign3A_181 = arith.constant 0 : i32
      %sign3A_182 = arith.cmpi slt, %add3A_178, %sign3A_181 : i32
      %sign3A_183 = arith.extui %sign3A_182 : i1 to i32
      %sign3A_184 = arith.subi %sign3A_180, %sign3A_183 : i32
      %sign3A_185 = arith.constant 0 : i32
      %sign3A_186 = arith.cmpi sgt, %jit3A, %sign3A_185 : i32
      %sign3A_187 = arith.extui %sign3A_186 : i1 to i32
      %sign3A_188 = arith.constant 0 : i32
      %sign3A_189 = arith.cmpi slt, %jit3A, %sign3A_188 : i32
      %sign3A_190 = arith.extui %sign3A_189 : i1 to i32
      %sign3A_191 = arith.subi %sign3A_187, %sign3A_190 : i32
      %ne3A = arith.cmpi ne, %sign3A_184, %sign3A_191 : i32
      %rem3A = arith.remsi %add3A_178, %jit3A : i32
      %ne3A_192 = arith.constant 0 : i32
      %ne3A_193 = arith.cmpi ne, %rem3A, %ne3A_192 : i32
      %and3A = arith.andi %ne3A, %ne3A_193 : i1
      %sub3A = arith.constant 1 : i32
      %sub3A_194 = arith.subi %div3A, %sub3A : i32
      %select_n3A = arith.select %and3A, %sub3A_194, %div3A : i32
      %dma_start3A_195 = arith.constant 0 : i32
      %dma_start3A_196 = arith.constant 0 : i32
      %dma_start3A_197 = arith.constant 0 : i32
      %dma_start3A_198 = tpu.memref_slice %arg11[%dma_start3A_195, %dma_start3A_196, %dma_start3A_197] : memref<2x128x128xf32, #tpu.memory_space<vmem>> -> memref<1x128x128xf32, #tpu.memory_space<vmem>>
      %dma_start3A_199 = tpu.memref_squeeze %dma_start3A_198 : memref<1x128x128xf32, #tpu.memory_space<vmem>> -> memref<128x128xf32, #tpu.memory_space<vmem>>
      %dma_start3A_200 = arith.constant 0 : i32
      %dma_start3A_201 = tpu.memref_slice %arg7[%select_n3A, %dma_start3A_200] : memref<409600x128xf32, #tpu.memory_space<hbm>> -> memref<128x128xf32, #tpu.memory_space<hbm>>
      %dma_start3A_202 = arith.constant 0 : i32
      %dma_start3A_203 = tpu.memref_slice %arg7[%select_n3A, %dma_start3A_202] : memref<409600x128xf32, #tpu.memory_space<hbm>> -> memref<128x128xf32, #tpu.memory_space<hbm>>
      %dma_start3A_204 = arith.constant 0 : i32
      %dma_start3A_205 = arith.constant 0 : i32
      %dma_start3A_206 = tpu.memref_slice %arg11[%dma_start3A_195, %dma_start3A_204, %dma_start3A_205] : memref<2x128x128xf32, #tpu.memory_space<vmem>> -> memref<1x128x128xf32, #tpu.memory_space<vmem>>
      %dma_start3A_207 = tpu.memref_squeeze %dma_start3A_206 : memref<1x128x128xf32, #tpu.memory_space<vmem>> -> memref<128x128xf32, #tpu.memory_space<vmem>>
      tpu.enqueue_dma source(%dma_start3A_207 : memref<128x128xf32, #tpu.memory_space<vmem>>) target(%dma_start3A_203 : memref<128x128xf32, #tpu.memory_space<hbm>>) target_semaphore(%arg20 : memref<!tpu.dma_semaphore, #tpu.memory_space<semaphore_mem>>)
      %mul3A_208 = arith.constant 2 : i32
      %mul3A_209 = arith.muli %mul3A_208, %scan3A_119 : i32
      %add3A_210 = arith.constant 1 : i32
      %add3A_211 = arith.addi %mul3A_209, %add3A_210 : i32
      %lt3A_212 = arith.constant 99 : i32
      %lt3A_213 = arith.cmpi slt, %add3A_211, %lt3A_212 : i32
      %convert_element_type3A_214 = arith.extui %lt3A_213 : i1 to i32
      %cond3A_215 = arith.constant 0 : i32
      %cond3A_216 = arith.cmpi ne, %convert_element_type3A_214, %cond3A_215 : i32
      scf.if %cond3A_216 {
        %dma_wait3A_308 = arith.constant 0 : i32
        %dma_wait3A_309 = arith.constant 0 : i32
        %dma_wait3A_310 = tpu.memref_slice %arg12[%dma_wait3A_308, %dma_wait3A_309] : memref<2x256xi32, #tpu.memory_space<vmem>> -> memref<1x256xi32, #tpu.memory_space<vmem>>
        %dma_wait3A_311 = tpu.memref_squeeze %dma_wait3A_310 : memref<1x256xi32, #tpu.memory_space<vmem>> -> memref<256xi32, #tpu.memory_space<vmem>>
        %dma_wait3A_312 = arith.constant 0 : i32
        %dma_wait3A_313 = tpu.memref_slice %arg2[%dma_wait3A_312] : memref<819200xi32, #tpu.memory_space<hbm>> -> memref<256xi32, #tpu.memory_space<hbm>>
        %dma_wait3A_314 = arith.constant 0 : i32
        %dma_wait3A_315 = tpu.memref_slice %arg12[%dma_wait3A_308, %dma_wait3A_314] : memref<2x256xi32, #tpu.memory_space<vmem>> -> memref<1x256xi32, #tpu.memory_space<vmem>>
        %dma_wait3A_316 = tpu.memref_squeeze %dma_wait3A_315 : memref<1x256xi32, #tpu.memory_space<vmem>> -> memref<256xi32, #tpu.memory_space<vmem>>
        %dma_wait3A_317 = arith.constant 0 : i32
        %dma_wait3A_318 = tpu.memref_slice %arg2[%dma_wait3A_317] : memref<819200xi32, #tpu.memory_space<hbm>> -> memref<256xi32, #tpu.memory_space<hbm>>
        tpu.wait_dma2 semaphore(%arg17 : memref<!tpu.dma_semaphore, #tpu.memory_space<semaphore_mem>>) src(%dma_wait3A_318 : memref<256xi32, #tpu.memory_space<hbm>>) dst(%dma_wait3A_316 : memref<256xi32, #tpu.memory_space<vmem>>)
        %dma_wait3A_319 = arith.constant 0 : i32
        %dma_wait3A_320 = arith.constant 0 : i32
        %dma_wait3A_321 = tpu.memref_slice %arg13[%dma_wait3A_319, %dma_wait3A_320] : memref<2x256xi32, #tpu.memory_space<vmem>> -> memref<1x256xi32, #tpu.memory_space<vmem>>
        %dma_wait3A_322 = tpu.memref_squeeze %dma_wait3A_321 : memref<1x256xi32, #tpu.memory_space<vmem>> -> memref<256xi32, #tpu.memory_space<vmem>>
        %dma_wait3A_323 = arith.constant 0 : i32
        %dma_wait3A_324 = tpu.memref_slice %arg3[%dma_wait3A_323] : memref<819200xi32, #tpu.memory_space<hbm>> -> memref<256xi32, #tpu.memory_space<hbm>>
        %dma_wait3A_325 = arith.constant 0 : i32
        %dma_wait3A_326 = tpu.memref_slice %arg13[%dma_wait3A_319, %dma_wait3A_325] : memref<2x256xi32, #tpu.memory_space<vmem>> -> memref<1x256xi32, #tpu.memory_space<vmem>>
        %dma_wait3A_327 = tpu.memref_squeeze %dma_wait3A_326 : memref<1x256xi32, #tpu.memory_space<vmem>> -> memref<256xi32, #tpu.memory_space<vmem>>
        %dma_wait3A_328 = arith.constant 0 : i32
        %dma_wait3A_329 = tpu.memref_slice %arg3[%dma_wait3A_328] : memref<819200xi32, #tpu.memory_space<hbm>> -> memref<256xi32, #tpu.memory_space<hbm>>
        tpu.wait_dma2 semaphore(%arg17 : memref<!tpu.dma_semaphore, #tpu.memory_space<semaphore_mem>>) src(%dma_wait3A_329 : memref<256xi32, #tpu.memory_space<hbm>>) dst(%dma_wait3A_327 : memref<256xi32, #tpu.memory_space<vmem>>)
        %add3A_330 = arith.constant 1 : i32
        %add3A_331 = arith.addi %add3A_211, %add3A_330 : i32
        %mul3A_332 = arith.constant 256 : i32
        %mul3A_333 = arith.muli %add3A_331, %mul3A_332 : i32
        %add3A_334 = arith.addi %mul3A_4, %mul3A_333 : i32
        %scan3A_335 = arith.constant 0 : i32
        %scan3A_336 = arith.constant 0 : i32
        %scan3A_337 = arith.constant 0 : i32
        %scan3A_338 = arith.constant 0 : i32
        %scan3A_339 = arith.constant 16 : i32
        %scan3A_340 = arith.addi %scan3A_338, %scan3A_339 : i32
        %scan3A_341 = arith.constant 1 : i32
        %scan3A_342 = scf.for %scan3A_394 = %scan3A_338 to %scan3A_340 step %scan3A_341 iter_args(%scan3A_395 = %scan3A_337) -> (i32)  : i32 {
          %mul3A_396 = arith.constant 16 : i32
          %mul3A_397 = arith.muli %scan3A_394, %mul3A_396 : i32
          %get3A = arith.constant 0 : i32
          %get3A_398 = tpu.memref_slice %arg13[%scan3A_335, %get3A] : memref<2x256xi32, #tpu.memory_space<vmem>> -> memref<1x256xi32, #tpu.memory_space<vmem>>
          %get3A_399 = tpu.memref_squeeze %get3A_398 : memref<1x256xi32, #tpu.memory_space<vmem>> -> memref<256xi32, #tpu.memory_space<vmem>>
          %get3A_400 = arith.index_cast %mul3A_397 : i32 to index
          %get3A_401 = tpu.vector_load %get3A_399[%get3A_400] {strides = array<i32>} : memref<256xi32, #tpu.memory_space<vmem>>, vector<16xi32>,
          %get3A_402 = vector.shape_cast %get3A_401 : vector<16xi32> to vector<16xi32>
          %add3A_403 = arith.addi %add3A_334, %mul3A_397 : i32
          %iota3A = tpu.iota {dimensions = array<i32: 0>} : vector<16xi32>
          %add3A_404 = vector.broadcast %add3A_403 : i32 to vector<16xi32>
          %add3A_405 = arith.addi %add3A_404, %iota3A : vector<16xi32>
          %rem3A_406 = arith.constant 200 : i32
          %rem3A_407 = vector.broadcast %rem3A_406 : i32 to vector<16xi32>
          %rem3A_408 = arith.remsi %add3A_405, %rem3A_407 : vector<16xi32>
          %eq3A_409 = arith.constant 3 : i32
          %eq3A_410 = vector.broadcast %eq3A_409 : i32 to vector<16xi32>
          %eq3A_411 = arith.cmpi eq, %get3A_402, %eq3A_410 : vector<16xi32>
          %eq3A_412 = arith.constant 4 : i32
          %eq3A_413 = vector.broadcast %eq3A_412 : i32 to vector<16xi32>
          %eq3A_414 = arith.cmpi eq, %get3A_402, %eq3A_413 : vector<16xi32>
          %jit3A_415 = arith.constant 400 : i32
          %jit3A_416 = arith.constant 0 : i32
          %broadcast_in_dim3A = vector.broadcast %jit3A_415 : i32 to vector<16xi32>
          %broadcast_in_dim3A_417 = vector.broadcast %jit3A_416 : i32 to vector<16xi32>
          %select_n3A_418 = arith.select %eq3A_414, %broadcast_in_dim3A, %broadcast_in_dim3A_417 : vector<16xi1>, vector<16xi32>
          %jit3A_419 = arith.constant 200 : i32
          %broadcast_in_dim3A_420 = vector.broadcast %jit3A_419 : i32 to vector<16xi32>
          %select_n3A_421 = arith.select %eq3A_411, %broadcast_in_dim3A_420, %select_n3A_418 : vector<16xi1>, vector<16xi32>
          %add3A_422 = arith.addi %rem3A_408, %select_n3A_421 : vector<16xi32>
          %swap3A = arith.constant 0 : i32
          %swap3A_423 = tpu.memref_slice %arg14[%scan3A_336, %swap3A] : memref<2x256xi32, #tpu.memory_space<vmem>> -> memref<1x256xi32, #tpu.memory_space<vmem>>
          %swap3A_424 = tpu.memref_squeeze %swap3A_423 : memref<1x256xi32, #tpu.memory_space<vmem>> -> memref<256xi32, #tpu.memory_space<vmem>>
          %swap3A_425 = arith.index_cast %mul3A_397 : i32 to index
          %swap3A_426 = tpu.vector_load %swap3A_424[%swap3A_425] {strides = array<i32>} : memref<256xi32, #tpu.memory_space<vmem>>, vector<16xi32>,
          %swap3A_427 = vector.shape_cast %swap3A_426 : vector<16xi32> to vector<16xi32>
          %swap3A_428 = vector.shape_cast %add3A_422 : vector<16xi32> to vector<16xi32>
          tpu.vector_store %swap3A_424[%swap3A_425], %swap3A_428 {strides = array<i32>} : memref<256xi32, #tpu.memory_space<vmem>>, vector<16xi32>,
          %scan3A_429 = arith.constant 0 : i32
          scf.yield %scan3A_429 : i32
        }
        %scan3A_343 = arith.constant 16 : i32
        %add3A_344 = arith.constant 1 : i32
        %add3A_345 = arith.addi %add3A_211, %add3A_344 : i32
        %dma_start3A_346 = arith.constant 0 : i32
        %dma_start3A_347 = arith.constant 0 : i32
        %dma_start3A_348 = arith.constant 0 : i32
        %dma_start3A_349 = arith.constant 0 : i32
        %dma_start3A_350 = tpu.memref_slice %arg9[%dma_start3A_347, %dma_start3A_348, %dma_start3A_349] : memref<2x256x64xf32, #tpu.memory_space<vmem>> -> memref<1x128x64xf32, #tpu.memory_space<vmem>>
        %dma_start3A_351 = tpu.memref_squeeze %dma_start3A_350 : memref<1x128x64xf32, #tpu.memory_space<vmem>> -> memref<128x64xf32, #tpu.memory_space<vmem>>
        %dma_start3A_352 = arith.constant 0 : i32
        %dma_start3A_353 = tpu.memref_slice %arg12[%dma_start3A_346, %dma_start3A_352] : memref<2x256xi32, #tpu.memory_space<vmem>> -> memref<1x128xi32, #tpu.memory_space<vmem>>
        %dma_start3A_354 = tpu.memref_squeeze %dma_start3A_353 : memref<1x128xi32, #tpu.memory_space<vmem>> -> memref<128xi32, #tpu.memory_space<vmem>>
        %dma_start3A_355 = arith.constant 0 : i32
        %dma_start3A_356 = arith.constant 0 : i32
        %dma_start3A_357 = tpu.memref_slice %arg5[%dma_start3A_355, %dma_start3A_356] : memref<100000x64xf32, #tpu.memory_space<hbm>> -> memref<100000x64xf32, #tpu.memory_space<hbm>>
        tpu.enqueue_indirect_dma source(%dma_start3A_357 : memref<100000x64xf32, #tpu.memory_space<hbm>>) target(%dma_start3A_351 : memref<128x64xf32, #tpu.memory_space<vmem>>) offsets(%dma_start3A_354 : memref<128xi32, #tpu.memory_space<vmem>>) semaphore(%arg18 : memref<!tpu.dma_semaphore, #tpu.memory_space<semaphore_mem>>)
        %dma_start3A_358 = arith.constant 0 : i32
        %dma_start3A_359 = arith.constant 0 : i32
        %dma_start3A_360 = arith.constant 0 : i32
        %dma_start3A_361 = arith.constant 0 : i32
        %dma_start3A_362 = tpu.memref_slice %arg10[%dma_start3A_359, %dma_start3A_360, %dma_start3A_361] : memref<2x256x64xf32, #tpu.memory_space<vmem>> -> memref<1x128x64xf32, #tpu.memory_space<vmem>>
        %dma_start3A_363 = tpu.memref_squeeze %dma_start3A_362 : memref<1x128x64xf32, #tpu.memory_space<vmem>> -> memref<128x64xf32, #tpu.memory_space<vmem>>
        %dma_start3A_364 = arith.constant 0 : i32
        %dma_start3A_365 = tpu.memref_slice %arg14[%dma_start3A_358, %dma_start3A_364] : memref<2x256xi32, #tpu.memory_space<vmem>> -> memref<1x128xi32, #tpu.memory_space<vmem>>
        %dma_start3A_366 = tpu.memref_squeeze %dma_start3A_365 : memref<1x128xi32, #tpu.memory_space<vmem>> -> memref<128xi32, #tpu.memory_space<vmem>>
        %dma_start3A_367 = arith.constant 0 : i32
        %dma_start3A_368 = arith.constant 0 : i32
        %dma_start3A_369 = tpu.memref_slice %arg8[%dma_start3A_367, %dma_start3A_368] : memref<600x64xf32, #tpu.memory_space<vmem_shared>> -> memref<600x64xf32, #tpu.memory_space<vmem_shared>>
        tpu.enqueue_indirect_dma source(%dma_start3A_369 : memref<600x64xf32, #tpu.memory_space<vmem_shared>>) target(%dma_start3A_363 : memref<128x64xf32, #tpu.memory_space<vmem>>) offsets(%dma_start3A_366 : memref<128xi32, #tpu.memory_space<vmem>>) semaphore(%arg19 : memref<!tpu.dma_semaphore, #tpu.memory_space<semaphore_mem>>)
        %dma_start3A_370 = arith.constant 0 : i32
        %dma_start3A_371 = arith.constant 0 : i32
        %dma_start3A_372 = arith.constant 128 : i32
        %dma_start3A_373 = arith.constant 0 : i32
        %dma_start3A_374 = tpu.memref_slice %arg9[%dma_start3A_371, %dma_start3A_372, %dma_start3A_373] : memref<2x256x64xf32, #tpu.memory_space<vmem>> -> memref<1x128x64xf32, #tpu.memory_space<vmem>>
        %dma_start3A_375 = tpu.memref_squeeze %dma_start3A_374 : memref<1x128x64xf32, #tpu.memory_space<vmem>> -> memref<128x64xf32, #tpu.memory_space<vmem>>
        %dma_start3A_376 = arith.constant 128 : i32
        %dma_start3A_377 = tpu.memref_slice %arg12[%dma_start3A_370, %dma_start3A_376] : memref<2x256xi32, #tpu.memory_space<vmem>> -> memref<1x128xi32, #tpu.memory_space<vmem>>
        %dma_start3A_378 = tpu.memref_squeeze %dma_start3A_377 : memref<1x128xi32, #tpu.memory_space<vmem>> -> memref<128xi32, #tpu.memory_space<vmem>>
        %dma_start3A_379 = arith.constant 0 : i32
        %dma_start3A_380 = arith.constant 0 : i32
        %dma_start3A_381 = tpu.memref_slice %arg5[%dma_start3A_379, %dma_start3A_380] : memref<100000x64xf32, #tpu.memory_space<hbm>> -> memref<100000x64xf32, #tpu.memory_space<hbm>>
        tpu.enqueue_indirect_dma source(%dma_start3A_381 : memref<100000x64xf32, #tpu.memory_space<hbm>>) target(%dma_start3A_375 : memref<128x64xf32, #tpu.memory_space<vmem>>) offsets(%dma_start3A_378 : memref<128xi32, #tpu.memory_space<vmem>>) semaphore(%arg18 : memref<!tpu.dma_semaphore, #tpu.memory_space<semaphore_mem>>)
        %dma_start3A_382 = arith.constant 0 : i32
        %dma_start3A_383 = arith.constant 0 : i32
        %dma_start3A_384 = arith.constant 128 : i32
        %dma_start3A_385 = arith.constant 0 : i32
        %dma_start3A_386 = tpu.memref_slice %arg10[%dma_start3A_383, %dma_start3A_384, %dma_start3A_385] : memref<2x256x64xf32, #tpu.memory_space<vmem>> -> memref<1x128x64xf32, #tpu.memory_space<vmem>>
        %dma_start3A_387 = tpu.memref_squeeze %dma_start3A_386 : memref<1x128x64xf32, #tpu.memory_space<vmem>> -> memref<128x64xf32, #tpu.memory_space<vmem>>
        %dma_start3A_388 = arith.constant 128 : i32
        %dma_start3A_389 = tpu.memref_slice %arg14[%dma_start3A_382, %dma_start3A_388] : memref<2x256xi32, #tpu.memory_space<vmem>> -> memref<1x128xi32, #tpu.memory_space<vmem>>
        %dma_start3A_390 = tpu.memref_squeeze %dma_start3A_389 : memref<1x128xi32, #tpu.memory_space<vmem>> -> memref<128xi32, #tpu.memory_space<vmem>>
        %dma_start3A_391 = arith.constant 0 : i32
        %dma_start3A_392 = arith.constant 0 : i32
        %dma_start3A_393 = tpu.memref_slice %arg8[%dma_start3A_391, %dma_start3A_392] : memref<600x64xf32, #tpu.memory_space<vmem_shared>> -> memref<600x64xf32, #tpu.memory_space<vmem_shared>>
        tpu.enqueue_indirect_dma source(%dma_start3A_393 : memref<600x64xf32, #tpu.memory_space<vmem_shared>>) target(%dma_start3A_387 : memref<128x64xf32, #tpu.memory_space<vmem>>) offsets(%dma_start3A_390 : memref<128xi32, #tpu.memory_space<vmem>>) semaphore(%arg19 : memref<!tpu.dma_semaphore, #tpu.memory_space<semaphore_mem>>)
      } else {
      }
      %dma_wait3A_217 = arith.constant 1 : i32
      %dma_wait3A_218 = arith.constant 0 : i32
      %dma_wait3A_219 = arith.constant 0 : i32
      %dma_wait3A_220 = tpu.memref_slice %arg9[%dma_wait3A_217, %dma_wait3A_218, %dma_wait3A_219] : memref<2x256x64xf32, #tpu.memory_space<vmem>> -> memref<1x256x64xf32, #tpu.memory_space<vmem>>
      %dma_wait3A_221 = tpu.memref_squeeze %dma_wait3A_220 : memref<1x256x64xf32, #tpu.memory_space<vmem>> -> memref<256x64xf32, #tpu.memory_space<vmem>>
      %dma_wait3A_222 = arith.constant 0 : i32
      %dma_wait3A_223 = arith.constant 0 : i32
      %dma_wait3A_224 = tpu.memref_slice %arg5[%dma_wait3A_222, %dma_wait3A_223] : memref<100000x64xf32, #tpu.memory_space<hbm>> -> memref<256x64xf32, #tpu.memory_space<hbm>>
      %dma_wait3A_225 = arith.constant 0 : i32
      %dma_wait3A_226 = arith.constant 0 : i32
      %dma_wait3A_227 = tpu.memref_slice %arg9[%dma_wait3A_217, %dma_wait3A_225, %dma_wait3A_226] : memref<2x256x64xf32, #tpu.memory_space<vmem>> -> memref<1x256x64xf32, #tpu.memory_space<vmem>>
      %dma_wait3A_228 = tpu.memref_squeeze %dma_wait3A_227 : memref<1x256x64xf32, #tpu.memory_space<vmem>> -> memref<256x64xf32, #tpu.memory_space<vmem>>
      %dma_wait3A_229 = arith.constant 0 : i32
      %dma_wait3A_230 = arith.constant 0 : i32
      %dma_wait3A_231 = tpu.memref_slice %arg5[%dma_wait3A_229, %dma_wait3A_230] : memref<100000x64xf32, #tpu.memory_space<hbm>> -> memref<256x64xf32, #tpu.memory_space<hbm>>
      tpu.wait_dma2 semaphore(%arg18 : memref<!tpu.dma_semaphore, #tpu.memory_space<semaphore_mem>>) src(%dma_wait3A_231 : memref<256x64xf32, #tpu.memory_space<hbm>>) dst(%dma_wait3A_228 : memref<256x64xf32, #tpu.memory_space<vmem>>)
      %dma_wait3A_232 = arith.constant 1 : i32
      %dma_wait3A_233 = arith.constant 0 : i32
      %dma_wait3A_234 = arith.constant 0 : i32
      %dma_wait3A_235 = tpu.memref_slice %arg10[%dma_wait3A_232, %dma_wait3A_233, %dma_wait3A_234] : memref<2x256x64xf32, #tpu.memory_space<vmem>> -> memref<1x256x64xf32, #tpu.memory_space<vmem>>
      %dma_wait3A_236 = tpu.memref_squeeze %dma_wait3A_235 : memref<1x256x64xf32, #tpu.memory_space<vmem>> -> memref<256x64xf32, #tpu.memory_space<vmem>>
      %dma_wait3A_237 = arith.constant 0 : i32
      %dma_wait3A_238 = arith.constant 0 : i32
      %dma_wait3A_239 = tpu.memref_slice %arg5[%dma_wait3A_237, %dma_wait3A_238] : memref<100000x64xf32, #tpu.memory_space<hbm>> -> memref<256x64xf32, #tpu.memory_space<hbm>>
      %dma_wait3A_240 = arith.constant 0 : i32
      %dma_wait3A_241 = arith.constant 0 : i32
      %dma_wait3A_242 = tpu.memref_slice %arg10[%dma_wait3A_232, %dma_wait3A_240, %dma_wait3A_241] : memref<2x256x64xf32, #tpu.memory_space<vmem>> -> memref<1x256x64xf32, #tpu.memory_space<vmem>>
      %dma_wait3A_243 = tpu.memref_squeeze %dma_wait3A_242 : memref<1x256x64xf32, #tpu.memory_space<vmem>> -> memref<256x64xf32, #tpu.memory_space<vmem>>
      %dma_wait3A_244 = arith.constant 0 : i32
      %dma_wait3A_245 = arith.constant 0 : i32
      %dma_wait3A_246 = tpu.memref_slice %arg5[%dma_wait3A_244, %dma_wait3A_245] : memref<100000x64xf32, #tpu.memory_space<hbm>> -> memref<256x64xf32, #tpu.memory_space<hbm>>
      tpu.wait_dma2 semaphore(%arg19 : memref<!tpu.dma_semaphore, #tpu.memory_space<semaphore_mem>>) src(%dma_wait3A_246 : memref<256x64xf32, #tpu.memory_space<hbm>>) dst(%dma_wait3A_243 : memref<256x64xf32, #tpu.memory_space<vmem>>)
      %ge3A_247 = arith.constant 2 : i32
      %ge3A_248 = arith.cmpi sge, %add3A_211, %ge3A_247 : i32
      %convert_element_type3A_249 = arith.extui %ge3A_248 : i1 to i32
      %cond3A_250 = arith.constant 0 : i32
      %cond3A_251 = arith.cmpi ne, %convert_element_type3A_249, %cond3A_250 : i32
      scf.if %cond3A_251 {
        %dma_wait3A_308 = arith.constant 0 : i32
        %dma_wait3A_309 = arith.constant 0 : i32
        %dma_wait3A_310 = arith.constant 0 : i32
        %dma_wait3A_311 = tpu.memref_slice %arg11[%dma_wait3A_308, %dma_wait3A_309, %dma_wait3A_310] : memref<2x128x128xf32, #tpu.memory_space<vmem>> -> memref<1x128x128xf32, #tpu.memory_space<vmem>>
        %dma_wait3A_312 = tpu.memref_squeeze %dma_wait3A_311 : memref<1x128x128xf32, #tpu.memory_space<vmem>> -> memref<128x128xf32, #tpu.memory_space<vmem>>
        %dma_wait3A_313 = arith.constant 0 : i32
        %dma_wait3A_314 = arith.constant 0 : i32
        %dma_wait3A_315 = tpu.memref_slice %arg7[%dma_wait3A_313, %dma_wait3A_314] : memref<409600x128xf32, #tpu.memory_space<hbm>> -> memref<128x128xf32, #tpu.memory_space<hbm>>
        %dma_wait3A_316 = arith.constant 0 : i32
        %dma_wait3A_317 = arith.constant 0 : i32
        %dma_wait3A_318 = tpu.memref_slice %arg7[%dma_wait3A_316, %dma_wait3A_317] : memref<409600x128xf32, #tpu.memory_space<hbm>> -> memref<128x128xf32, #tpu.memory_space<hbm>>
        %dma_wait3A_319 = arith.constant 0 : i32
        %dma_wait3A_320 = arith.constant 0 : i32
        %dma_wait3A_321 = tpu.memref_slice %arg11[%dma_wait3A_308, %dma_wait3A_319, %dma_wait3A_320] : memref<2x128x128xf32, #tpu.memory_space<vmem>> -> memref<1x128x128xf32, #tpu.memory_space<vmem>>
        %dma_wait3A_322 = tpu.memref_squeeze %dma_wait3A_321 : memref<1x128x128xf32, #tpu.memory_space<vmem>> -> memref<128x128xf32, #tpu.memory_space<vmem>>
        tpu.wait_dma2 semaphore(%arg20 : memref<!tpu.dma_semaphore, #tpu.memory_space<semaphore_mem>>) src(%dma_wait3A_322 : memref<128x128xf32, #tpu.memory_space<vmem>>) dst(%dma_wait3A_318 : memref<128x128xf32, #tpu.memory_space<hbm>>)
      } else {
      }
      %scan3A_252 = arith.constant 1 : i32
      %scan3A_253 = arith.constant 1 : i32
      %scan3A_254 = arith.constant 1 : i32
      %scan3A_255 = arith.constant 0 : i32
      %scan3A_256 = arith.constant 0 : i32
      %scan3A_257 = arith.constant 32 : i32
      %scan3A_258 = arith.addi %scan3A_256, %scan3A_257 : i32
      %scan3A_259 = arith.constant 1 : i32
      %scan3A_260 = scf.for %scan3A_308 = %scan3A_256 to %scan3A_258 step %scan3A_259 iter_args(%scan3A_309 = %scan3A_255) -> (i32)  : i32 {
        %mul3A_310 = arith.constant 8 : i32
        %mul3A_311 = arith.muli %scan3A_308, %mul3A_310 : i32
        %mul3A_312 = arith.constant 4 : i32
        %mul3A_313 = arith.muli %scan3A_308, %mul3A_312 : i32
        %add3A_314 = arith.constant 0 : i32
        %add3A_315 = arith.addi %mul3A_311, %add3A_314 : i32
        %get3A = arith.constant 0 : i32
        %get3A_316 = arith.constant 0 : i32
        %get3A_317 = tpu.memref_slice %arg9[%scan3A_252, %get3A, %get3A_316] : memref<2x256x64xf32, #tpu.memory_space<vmem>> -> memref<1x256x64xf32, #tpu.memory_space<vmem>>
        %get3A_318 = tpu.memref_squeeze %get3A_317 : memref<1x256x64xf32, #tpu.memory_space<vmem>> -> memref<256x64xf32, #tpu.memory_space<vmem>>
        %get3A_319 = arith.index_cast %add3A_315 : i32 to index
        %get3A_320 = arith.constant 0 : index
        %get3A_321 = tpu.vector_load %get3A_318[%get3A_319, %get3A_320] {strides = array<i32>} : memref<256x64xf32, #tpu.memory_space<vmem>>, vector<1x16xf32>,
        %get3A_322 = vector.shape_cast %get3A_321 : vector<1x16xf32> to vector<16xf32>
        %mul3A_323 = arith.constant 8.000000e+00 : f32
        %mul3A_324 = vector.broadcast %mul3A_323 : f32 to vector<16xf32>
        %mul3A_325 = arith.mulf %get3A_322, %mul3A_324 : vector<16xf32>
        %add3A_326 = arith.constant 0 : i32
        %add3A_327 = arith.addi %mul3A_311, %add3A_326 : i32
        %get3A_328 = arith.constant 0 : i32
        %get3A_329 = arith.constant 0 : i32
        %get3A_330 = tpu.memref_slice %arg10[%scan3A_253, %get3A_328, %get3A_329] : memref<2x256x64xf32, #tpu.memory_space<vmem>> -> memref<1x256x64xf32, #tpu.memory_space<vmem>>
        %get3A_331 = tpu.memref_squeeze %get3A_330 : memref<1x256x64xf32, #tpu.memory_space<vmem>> -> memref<256x64xf32, #tpu.memory_space<vmem>>
        %get3A_332 = arith.index_cast %add3A_327 : i32 to index
        %get3A_333 = arith.constant 0 : index
        %get3A_334 = tpu.vector_load %get3A_331[%get3A_332, %get3A_333] {strides = array<i32>} : memref<256x64xf32, #tpu.memory_space<vmem>>, vector<1x16xf32>,
        %get3A_335 = vector.shape_cast %get3A_334 : vector<1x16xf32> to vector<16xf32>
        %add3A_336 = arith.addf %mul3A_325, %get3A_335 : vector<16xf32>
        %add3A_337 = arith.constant 0 : i32
        %add3A_338 = arith.addi %mul3A_313, %add3A_337 : i32
        %swap3A = arith.constant 0 : i32
        %swap3A_339 = arith.constant 0 : i32
        %swap3A_340 = tpu.memref_slice %arg11[%scan3A_254, %swap3A, %swap3A_339] : memref<2x128x128xf32, #tpu.memory_space<vmem>> -> memref<1x128x128xf32, #tpu.memory_space<vmem>>
        %swap3A_341 = tpu.memref_squeeze %swap3A_340 : memref<1x128x128xf32, #tpu.memory_space<vmem>> -> memref<128x128xf32, #tpu.memory_space<vmem>>
        %swap3A_342 = arith.index_cast %add3A_338 : i32 to index
        %swap3A_343 = arith.constant 0 : index
        %swap3A_344 = tpu.vector_load %swap3A_341[%swap3A_342, %swap3A_343] {strides = array<i32>} : memref<128x128xf32, #tpu.memory_space<vmem>>, vector<1x16xf32>,
        %swap3A_345 = vector.shape_cast %swap3A_344 : vector<1x16xf32> to vector<16xf32>
        %swap3A_346 = vector.shape_cast %add3A_336 : vector<16xf32> to vector<1x16xf32>
        tpu.vector_store %swap3A_341[%swap3A_342, %swap3A_343], %swap3A_346 {strides = array<i32>} : memref<128x128xf32, #tpu.memory_space<vmem>>, vector<1x16xf32>,
        %add3A_347 = arith.constant 0 : i32
        %add3A_348 = arith.addi %mul3A_311, %add3A_347 : i32
        %get3A_349 = arith.constant 0 : i32
        %get3A_350 = arith.constant 0 : i32
        %get3A_351 = tpu.memref_slice %arg9[%scan3A_252, %get3A_349, %get3A_350] : memref<2x256x64xf32, #tpu.memory_space<vmem>> -> memref<1x256x64xf32, #tpu.memory_space<vmem>>
        %get3A_352 = tpu.memref_squeeze %get3A_351 : memref<1x256x64xf32, #tpu.memory_space<vmem>> -> memref<256x64xf32, #tpu.memory_space<vmem>>
        %get3A_353 = arith.index_cast %add3A_348 : i32 to index
        %get3A_354 = arith.constant 16 : index
        %get3A_355 = tpu.vector_load %get3A_352[%get3A_353, %get3A_354] {strides = array<i32>} : memref<256x64xf32, #tpu.memory_space<vmem>>, vector<1x16xf32>,
        %get3A_356 = vector.shape_cast %get3A_355 : vector<1x16xf32> to vector<16xf32>
        %mul3A_357 = arith.constant 8.000000e+00 : f32
        %mul3A_358 = vector.broadcast %mul3A_357 : f32 to vector<16xf32>
        %mul3A_359 = arith.mulf %get3A_356, %mul3A_358 : vector<16xf32>
        %add3A_360 = arith.constant 0 : i32
        %add3A_361 = arith.addi %mul3A_311, %add3A_360 : i32
        %get3A_362 = arith.constant 0 : i32
        %get3A_363 = arith.constant 0 : i32
        %get3A_364 = tpu.memref_slice %arg10[%scan3A_253, %get3A_362, %get3A_363] : memref<2x256x64xf32, #tpu.memory_space<vmem>> -> memref<1x256x64xf32, #tpu.memory_space<vmem>>
        %get3A_365 = tpu.memref_squeeze %get3A_364 : memref<1x256x64xf32, #tpu.memory_space<vmem>> -> memref<256x64xf32, #tpu.memory_space<vmem>>
        %get3A_366 = arith.index_cast %add3A_361 : i32 to index
        %get3A_367 = arith.constant 16 : index
        %get3A_368 = tpu.vector_load %get3A_365[%get3A_366, %get3A_367] {strides = array<i32>} : memref<256x64xf32, #tpu.memory_space<vmem>>, vector<1x16xf32>,
        %get3A_369 = vector.shape_cast %get3A_368 : vector<1x16xf32> to vector<16xf32>
        %add3A_370 = arith.addf %mul3A_359, %get3A_369 : vector<16xf32>
        %add3A_371 = arith.constant 0 : i32
        %add3A_372 = arith.addi %mul3A_313, %add3A_371 : i32
        %swap3A_373 = arith.constant 0 : i32
        %swap3A_374 = arith.constant 0 : i32
        %swap3A_375 = tpu.memref_slice %arg11[%scan3A_254, %swap3A_373, %swap3A_374] : memref<2x128x128xf32, #tpu.memory_space<vmem>> -> memref<1x128x128xf32, #tpu.memory_space<vmem>>
        %swap3A_376 = tpu.memref_squeeze %swap3A_375 : memref<1x128x128xf32, #tpu.memory_space<vmem>> -> memref<128x128xf32, #tpu.memory_space<vmem>>
        %swap3A_377 = arith.index_cast %add3A_372 : i32 to index
        %swap3A_378 = arith.constant 16 : index
        %swap3A_379 = tpu.vector_load %swap3A_376[%swap3A_377, %swap3A_378] {strides = array<i32>} : memref<128x128xf32, #tpu.memory_space<vmem>>, vector<1x16xf32>,
        %swap3A_380 = vector.shape_cast %swap3A_379 : vector<1x16xf32> to vector<16xf32>
        %swap3A_381 = vector.shape_cast %add3A_370 : vector<16xf32> to vector<1x16xf32>
        tpu.vector_store %swap3A_376[%swap3A_377, %swap3A_378], %swap3A_381 {strides = array<i32>} : memref<128x128xf32, #tpu.memory_space<vmem>>, vector<1x16xf32>,
        %add3A_382 = arith.constant 0 : i32
        %add3A_383 = arith.addi %mul3A_311, %add3A_382 : i32
        %get3A_384 = arith.constant 0 : i32
        %get3A_385 = arith.constant 0 : i32
        %get3A_386 = tpu.memref_slice %arg9[%scan3A_252, %get3A_384, %get3A_385] : memref<2x256x64xf32, #tpu.memory_space<vmem>> -> memref<1x256x64xf32, #tpu.memory_space<vmem>>
        %get3A_387 = tpu.memref_squeeze %get3A_386 : memref<1x256x64xf32, #tpu.memory_space<vmem>> -> memref<256x64xf32, #tpu.memory_space<vmem>>
        %get3A_388 = arith.index_cast %add3A_383 : i32 to index
        %get3A_389 = arith.constant 32 : index
        %get3A_390 = tpu.vector_load %get3A_387[%get3A_388, %get3A_389] {strides = array<i32>} : memref<256x64xf32, #tpu.memory_space<vmem>>, vector<1x16xf32>,
        %get3A_391 = vector.shape_cast %get3A_390 : vector<1x16xf32> to vector<16xf32>
        %mul3A_392 = arith.constant 8.000000e+00 : f32
        %mul3A_393 = vector.broadcast %mul3A_392 : f32 to vector<16xf32>
        %mul3A_394 = arith.mulf %get3A_391, %mul3A_393 : vector<16xf32>
        %add3A_395 = arith.constant 0 : i32
        %add3A_396 = arith.addi %mul3A_311, %add3A_395 : i32
        %get3A_397 = arith.constant 0 : i32
        %get3A_398 = arith.constant 0 : i32
        %get3A_399 = tpu.memref_slice %arg10[%scan3A_253, %get3A_397, %get3A_398] : memref<2x256x64xf32, #tpu.memory_space<vmem>> -> memref<1x256x64xf32, #tpu.memory_space<vmem>>
        %get3A_400 = tpu.memref_squeeze %get3A_399 : memref<1x256x64xf32, #tpu.memory_space<vmem>> -> memref<256x64xf32, #tpu.memory_space<vmem>>
        %get3A_401 = arith.index_cast %add3A_396 : i32 to index
        %get3A_402 = arith.constant 32 : index
        %get3A_403 = tpu.vector_load %get3A_400[%get3A_401, %get3A_402] {strides = array<i32>} : memref<256x64xf32, #tpu.memory_space<vmem>>, vector<1x16xf32>,
        %get3A_404 = vector.shape_cast %get3A_403 : vector<1x16xf32> to vector<16xf32>
        %add3A_405 = arith.addf %mul3A_394, %get3A_404 : vector<16xf32>
        %add3A_406 = arith.constant 0 : i32
        %add3A_407 = arith.addi %mul3A_313, %add3A_406 : i32
        %swap3A_408 = arith.constant 0 : i32
        %swap3A_409 = arith.constant 0 : i32
        %swap3A_410 = tpu.memref_slice %arg11[%scan3A_254, %swap3A_408, %swap3A_409] : memref<2x128x128xf32, #tpu.memory_space<vmem>> -> memref<1x128x128xf32, #tpu.memory_space<vmem>>
        %swap3A_411 = tpu.memref_squeeze %swap3A_410 : memref<1x128x128xf32, #tpu.memory_space<vmem>> -> memref<128x128xf32, #tpu.memory_space<vmem>>
        %swap3A_412 = arith.index_cast %add3A_407 : i32 to index
        %swap3A_413 = arith.constant 32 : index
        %swap3A_414 = tpu.vector_load %swap3A_411[%swap3A_412, %swap3A_413] {strides = array<i32>} : memref<128x128xf32, #tpu.memory_space<vmem>>, vector<1x16xf32>,
        %swap3A_415 = vector.shape_cast %swap3A_414 : vector<1x16xf32> to vector<16xf32>
        %swap3A_416 = vector.shape_cast %add3A_405 : vector<16xf32> to vector<1x16xf32>
        tpu.vector_store %swap3A_411[%swap3A_412, %swap3A_413], %swap3A_416 {strides = array<i32>} : memref<128x128xf32, #tpu.memory_space<vmem>>, vector<1x16xf32>,
        %add3A_417 = arith.constant 0 : i32
        %add3A_418 = arith.addi %mul3A_311, %add3A_417 : i32
        %get3A_419 = arith.constant 0 : i32
        %get3A_420 = arith.constant 0 : i32
        %get3A_421 = tpu.memref_slice %arg9[%scan3A_252, %get3A_419, %get3A_420] : memref<2x256x64xf32, #tpu.memory_space<vmem>> -> memref<1x256x64xf32, #tpu.memory_space<vmem>>
        %get3A_422 = tpu.memref_squeeze %get3A_421 : memref<1x256x64xf32, #tpu.memory_space<vmem>> -> memref<256x64xf32, #tpu.memory_space<vmem>>
        %get3A_423 = arith.index_cast %add3A_418 : i32 to index
        %get3A_424 = arith.constant 48 : index
        %get3A_425 = tpu.vector_load %get3A_422[%get3A_423, %get3A_424] {strides = array<i32>} : memref<256x64xf32, #tpu.memory_space<vmem>>, vector<1x16xf32>,
        %get3A_426 = vector.shape_cast %get3A_425 : vector<1x16xf32> to vector<16xf32>
        %mul3A_427 = arith.constant 8.000000e+00 : f32
        %mul3A_428 = vector.broadcast %mul3A_427 : f32 to vector<16xf32>
        %mul3A_429 = arith.mulf %get3A_426, %mul3A_428 : vector<16xf32>
        %add3A_430 = arith.constant 0 : i32
        %add3A_431 = arith.addi %mul3A_311, %add3A_430 : i32
        %get3A_432 = arith.constant 0 : i32
        %get3A_433 = arith.constant 0 : i32
        %get3A_434 = tpu.memref_slice %arg10[%scan3A_253, %get3A_432, %get3A_433] : memref<2x256x64xf32, #tpu.memory_space<vmem>> -> memref<1x256x64xf32, #tpu.memory_space<vmem>>
        %get3A_435 = tpu.memref_squeeze %get3A_434 : memref<1x256x64xf32, #tpu.memory_space<vmem>> -> memref<256x64xf32, #tpu.memory_space<vmem>>
        %get3A_436 = arith.index_cast %add3A_431 : i32 to index
        %get3A_437 = arith.constant 48 : index
        %get3A_438 = tpu.vector_load %get3A_435[%get3A_436, %get3A_437] {strides = array<i32>} : memref<256x64xf32, #tpu.memory_space<vmem>>, vector<1x16xf32>,
        %get3A_439 = vector.shape_cast %get3A_438 : vector<1x16xf32> to vector<16xf32>
        %add3A_440 = arith.addf %mul3A_429, %get3A_439 : vector<16xf32>
        %add3A_441 = arith.constant 0 : i32
        %add3A_442 = arith.addi %mul3A_313, %add3A_441 : i32
        %swap3A_443 = arith.constant 0 : i32
        %swap3A_444 = arith.constant 0 : i32
        %swap3A_445 = tpu.memref_slice %arg11[%scan3A_254, %swap3A_443, %swap3A_444] : memref<2x128x128xf32, #tpu.memory_space<vmem>> -> memref<1x128x128xf32, #tpu.memory_space<vmem>>
        %swap3A_446 = tpu.memref_squeeze %swap3A_445 : memref<1x128x128xf32, #tpu.memory_space<vmem>> -> memref<128x128xf32, #tpu.memory_space<vmem>>
        %swap3A_447 = arith.index_cast %add3A_442 : i32 to index
        %swap3A_448 = arith.constant 48 : index
        %swap3A_449 = tpu.vector_load %swap3A_446[%swap3A_447, %swap3A_448] {strides = array<i32>} : memref<128x128xf32, #tpu.memory_space<vmem>>, vector<1x16xf32>,
        %swap3A_450 = vector.shape_cast %swap3A_449 : vector<1x16xf32> to vector<16xf32>
        %swap3A_451 = vector.shape_cast %add3A_440 : vector<16xf32> to vector<1x16xf32>
        tpu.vector_store %swap3A_446[%swap3A_447, %swap3A_448], %swap3A_451 {strides = array<i32>} : memref<128x128xf32, #tpu.memory_space<vmem>>, vector<1x16xf32>,
        %add3A_452 = arith.constant 1 : i32
        %add3A_453 = arith.addi %mul3A_311, %add3A_452 : i32
        %get3A_454 = arith.constant 0 : i32
        %get3A_455 = arith.constant 0 : i32
        %get3A_456 = tpu.memref_slice %arg9[%scan3A_252, %get3A_454, %get3A_455] : memref<2x256x64xf32, #tpu.memory_space<vmem>> -> memref<1x256x64xf32, #tpu.memory_space<vmem>>
        %get3A_457 = tpu.memref_squeeze %get3A_456 : memref<1x256x64xf32, #tpu.memory_space<vmem>> -> memref<256x64xf32, #tpu.memory_space<vmem>>
        %get3A_458 = arith.index_cast %add3A_453 : i32 to index
        %get3A_459 = arith.constant 0 : index
        %get3A_460 = tpu.vector_load %get3A_457[%get3A_458, %get3A_459] {strides = array<i32>} : memref<256x64xf32, #tpu.memory_space<vmem>>, vector<1x16xf32>,
        %get3A_461 = vector.shape_cast %get3A_460 : vector<1x16xf32> to vector<16xf32>
        %mul3A_462 = arith.constant 8.000000e+00 : f32
        %mul3A_463 = vector.broadcast %mul3A_462 : f32 to vector<16xf32>
        %mul3A_464 = arith.mulf %get3A_461, %mul3A_463 : vector<16xf32>
        %add3A_465 = arith.constant 1 : i32
        %add3A_466 = arith.addi %mul3A_311, %add3A_465 : i32
        %get3A_467 = arith.constant 0 : i32
        %get3A_468 = arith.constant 0 : i32
        %get3A_469 = tpu.memref_slice %arg10[%scan3A_253, %get3A_467, %get3A_468] : memref<2x256x64xf32, #tpu.memory_space<vmem>> -> memref<1x256x64xf32, #tpu.memory_space<vmem>>
        %get3A_470 = tpu.memref_squeeze %get3A_469 : memref<1x256x64xf32, #tpu.memory_space<vmem>> -> memref<256x64xf32, #tpu.memory_space<vmem>>
        %get3A_471 = arith.index_cast %add3A_466 : i32 to index
        %get3A_472 = arith.constant 0 : index
        %get3A_473 = tpu.vector_load %get3A_470[%get3A_471, %get3A_472] {strides = array<i32>} : memref<256x64xf32, #tpu.memory_space<vmem>>, vector<1x16xf32>,
        %get3A_474 = vector.shape_cast %get3A_473 : vector<1x16xf32> to vector<16xf32>
        %add3A_475 = arith.addf %mul3A_464, %get3A_474 : vector<16xf32>
        %add3A_476 = arith.constant 0 : i32
        %add3A_477 = arith.addi %mul3A_313, %add3A_476 : i32
        %swap3A_478 = arith.constant 0 : i32
        %swap3A_479 = arith.constant 0 : i32
        %swap3A_480 = tpu.memref_slice %arg11[%scan3A_254, %swap3A_478, %swap3A_479] : memref<2x128x128xf32, #tpu.memory_space<vmem>> -> memref<1x128x128xf32, #tpu.memory_space<vmem>>
        %swap3A_481 = tpu.memref_squeeze %swap3A_480 : memref<1x128x128xf32, #tpu.memory_space<vmem>> -> memref<128x128xf32, #tpu.memory_space<vmem>>
        %swap3A_482 = arith.index_cast %add3A_477 : i32 to index
        %swap3A_483 = arith.constant 64 : index
        %swap3A_484 = tpu.vector_load %swap3A_481[%swap3A_482, %swap3A_483] {strides = array<i32>} : memref<128x128xf32, #tpu.memory_space<vmem>>, vector<1x16xf32>,
        %swap3A_485 = vector.shape_cast %swap3A_484 : vector<1x16xf32> to vector<16xf32>
        %swap3A_486 = vector.shape_cast %add3A_475 : vector<16xf32> to vector<1x16xf32>
        tpu.vector_store %swap3A_481[%swap3A_482, %swap3A_483], %swap3A_486 {strides = array<i32>} : memref<128x128xf32, #tpu.memory_space<vmem>>, vector<1x16xf32>,
        %add3A_487 = arith.constant 1 : i32
        %add3A_488 = arith.addi %mul3A_311, %add3A_487 : i32
        %get3A_489 = arith.constant 0 : i32
        %get3A_490 = arith.constant 0 : i32
        %get3A_491 = tpu.memref_slice %arg9[%scan3A_252, %get3A_489, %get3A_490] : memref<2x256x64xf32, #tpu.memory_space<vmem>> -> memref<1x256x64xf32, #tpu.memory_space<vmem>>
        %get3A_492 = tpu.memref_squeeze %get3A_491 : memref<1x256x64xf32, #tpu.memory_space<vmem>> -> memref<256x64xf32, #tpu.memory_space<vmem>>
        %get3A_493 = arith.index_cast %add3A_488 : i32 to index
        %get3A_494 = arith.constant 16 : index
        %get3A_495 = tpu.vector_load %get3A_492[%get3A_493, %get3A_494] {strides = array<i32>} : memref<256x64xf32, #tpu.memory_space<vmem>>, vector<1x16xf32>,
        %get3A_496 = vector.shape_cast %get3A_495 : vector<1x16xf32> to vector<16xf32>
        %mul3A_497 = arith.constant 8.000000e+00 : f32
        %mul3A_498 = vector.broadcast %mul3A_497 : f32 to vector<16xf32>
        %mul3A_499 = arith.mulf %get3A_496, %mul3A_498 : vector<16xf32>
        %add3A_500 = arith.constant 1 : i32
        %add3A_501 = arith.addi %mul3A_311, %add3A_500 : i32
        %get3A_502 = arith.constant 0 : i32
        %get3A_503 = arith.constant 0 : i32
        %get3A_504 = tpu.memref_slice %arg10[%scan3A_253, %get3A_502, %get3A_503] : memref<2x256x64xf32, #tpu.memory_space<vmem>> -> memref<1x256x64xf32, #tpu.memory_space<vmem>>
        %get3A_505 = tpu.memref_squeeze %get3A_504 : memref<1x256x64xf32, #tpu.memory_space<vmem>> -> memref<256x64xf32, #tpu.memory_space<vmem>>
        %get3A_506 = arith.index_cast %add3A_501 : i32 to index
        %get3A_507 = arith.constant 16 : index
        %get3A_508 = tpu.vector_load %get3A_505[%get3A_506, %get3A_507] {strides = array<i32>} : memref<256x64xf32, #tpu.memory_space<vmem>>, vector<1x16xf32>,
        %get3A_509 = vector.shape_cast %get3A_508 : vector<1x16xf32> to vector<16xf32>
        %add3A_510 = arith.addf %mul3A_499, %get3A_509 : vector<16xf32>
        %add3A_511 = arith.constant 0 : i32
        %add3A_512 = arith.addi %mul3A_313, %add3A_511 : i32
        %swap3A_513 = arith.constant 0 : i32
        %swap3A_514 = arith.constant 0 : i32
        %swap3A_515 = tpu.memref_slice %arg11[%scan3A_254, %swap3A_513, %swap3A_514] : memref<2x128x128xf32, #tpu.memory_space<vmem>> -> memref<1x128x128xf32, #tpu.memory_space<vmem>>
        %swap3A_516 = tpu.memref_squeeze %swap3A_515 : memref<1x128x128xf32, #tpu.memory_space<vmem>> -> memref<128x128xf32, #tpu.memory_space<vmem>>
        %swap3A_517 = arith.index_cast %add3A_512 : i32 to index
        %swap3A_518 = arith.constant 80 : index
        %swap3A_519 = tpu.vector_load %swap3A_516[%swap3A_517, %swap3A_518] {strides = array<i32>} : memref<128x128xf32, #tpu.memory_space<vmem>>, vector<1x16xf32>,
        %swap3A_520 = vector.shape_cast %swap3A_519 : vector<1x16xf32> to vector<16xf32>
        %swap3A_521 = vector.shape_cast %add3A_510 : vector<16xf32> to vector<1x16xf32>
        tpu.vector_store %swap3A_516[%swap3A_517, %swap3A_518], %swap3A_521 {strides = array<i32>} : memref<128x128xf32, #tpu.memory_space<vmem>>, vector<1x16xf32>,
        %add3A_522 = arith.constant 1 : i32
        %add3A_523 = arith.addi %mul3A_311, %add3A_522 : i32
        %get3A_524 = arith.constant 0 : i32
        %get3A_525 = arith.constant 0 : i32
        %get3A_526 = tpu.memref_slice %arg9[%scan3A_252, %get3A_524, %get3A_525] : memref<2x256x64xf32, #tpu.memory_space<vmem>> -> memref<1x256x64xf32, #tpu.memory_space<vmem>>
        %get3A_527 = tpu.memref_squeeze %get3A_526 : memref<1x256x64xf32, #tpu.memory_space<vmem>> -> memref<256x64xf32, #tpu.memory_space<vmem>>
        %get3A_528 = arith.index_cast %add3A_523 : i32 to index
        %get3A_529 = arith.constant 32 : index
        %get3A_530 = tpu.vector_load %get3A_527[%get3A_528, %get3A_529] {strides = array<i32>} : memref<256x64xf32, #tpu.memory_space<vmem>>, vector<1x16xf32>,
        %get3A_531 = vector.shape_cast %get3A_530 : vector<1x16xf32> to vector<16xf32>
        %mul3A_532 = arith.constant 8.000000e+00 : f32
        %mul3A_533 = vector.broadcast %mul3A_532 : f32 to vector<16xf32>
        %mul3A_534 = arith.mulf %get3A_531, %mul3A_533 : vector<16xf32>
        %add3A_535 = arith.constant 1 : i32
        %add3A_536 = arith.addi %mul3A_311, %add3A_535 : i32
        %get3A_537 = arith.constant 0 : i32
        %get3A_538 = arith.constant 0 : i32
        %get3A_539 = tpu.memref_slice %arg10[%scan3A_253, %get3A_537, %get3A_538] : memref<2x256x64xf32, #tpu.memory_space<vmem>> -> memref<1x256x64xf32, #tpu.memory_space<vmem>>
        %get3A_540 = tpu.memref_squeeze %get3A_539 : memref<1x256x64xf32, #tpu.memory_space<vmem>> -> memref<256x64xf32, #tpu.memory_space<vmem>>
        %get3A_541 = arith.index_cast %add3A_536 : i32 to index
        %get3A_542 = arith.constant 32 : index
        %get3A_543 = tpu.vector_load %get3A_540[%get3A_541, %get3A_542] {strides = array<i32>} : memref<256x64xf32, #tpu.memory_space<vmem>>, vector<1x16xf32>,
        %get3A_544 = vector.shape_cast %get3A_543 : vector<1x16xf32> to vector<16xf32>
        %add3A_545 = arith.addf %mul3A_534, %get3A_544 : vector<16xf32>
        %add3A_546 = arith.constant 0 : i32
        %add3A_547 = arith.addi %mul3A_313, %add3A_546 : i32
        %swap3A_548 = arith.constant 0 : i32
        %swap3A_549 = arith.constant 0 : i32
        %swap3A_550 = tpu.memref_slice %arg11[%scan3A_254, %swap3A_548, %swap3A_549] : memref<2x128x128xf32, #tpu.memory_space<vmem>> -> memref<1x128x128xf32, #tpu.memory_space<vmem>>
        %swap3A_551 = tpu.memref_squeeze %swap3A_550 : memref<1x128x128xf32, #tpu.memory_space<vmem>> -> memref<128x128xf32, #tpu.memory_space<vmem>>
        %swap3A_552 = arith.index_cast %add3A_547 : i32 to index
        %swap3A_553 = arith.constant 96 : index
        %swap3A_554 = tpu.vector_load %swap3A_551[%swap3A_552, %swap3A_553] {strides = array<i32>} : memref<128x128xf32, #tpu.memory_space<vmem>>, vector<1x16xf32>,
        %swap3A_555 = vector.shape_cast %swap3A_554 : vector<1x16xf32> to vector<16xf32>
        %swap3A_556 = vector.shape_cast %add3A_545 : vector<16xf32> to vector<1x16xf32>
        tpu.vector_store %swap3A_551[%swap3A_552, %swap3A_553], %swap3A_556 {strides = array<i32>} : memref<128x128xf32, #tpu.memory_space<vmem>>, vector<1x16xf32>,
        %add3A_557 = arith.constant 1 : i32
        %add3A_558 = arith.addi %mul3A_311, %add3A_557 : i32
        %get3A_559 = arith.constant 0 : i32
        %get3A_560 = arith.constant 0 : i32
        %get3A_561 = tpu.memref_slice %arg9[%scan3A_252, %get3A_559, %get3A_560] : memref<2x256x64xf32, #tpu.memory_space<vmem>> -> memref<1x256x64xf32, #tpu.memory_space<vmem>>
        %get3A_562 = tpu.memref_squeeze %get3A_561 : memref<1x256x64xf32, #tpu.memory_space<vmem>> -> memref<256x64xf32, #tpu.memory_space<vmem>>
        %get3A_563 = arith.index_cast %add3A_558 : i32 to index
        %get3A_564 = arith.constant 48 : index
        %get3A_565 = tpu.vector_load %get3A_562[%get3A_563, %get3A_564] {strides = array<i32>} : memref<256x64xf32, #tpu.memory_space<vmem>>, vector<1x16xf32>,
        %get3A_566 = vector.shape_cast %get3A_565 : vector<1x16xf32> to vector<16xf32>
        %mul3A_567 = arith.constant 8.000000e+00 : f32
        %mul3A_568 = vector.broadcast %mul3A_567 : f32 to vector<16xf32>
        %mul3A_569 = arith.mulf %get3A_566, %mul3A_568 : vector<16xf32>
        %add3A_570 = arith.constant 1 : i32
        %add3A_571 = arith.addi %mul3A_311, %add3A_570 : i32
        %get3A_572 = arith.constant 0 : i32
        %get3A_573 = arith.constant 0 : i32
        %get3A_574 = tpu.memref_slice %arg10[%scan3A_253, %get3A_572, %get3A_573] : memref<2x256x64xf32, #tpu.memory_space<vmem>> -> memref<1x256x64xf32, #tpu.memory_space<vmem>>
        %get3A_575 = tpu.memref_squeeze %get3A_574 : memref<1x256x64xf32, #tpu.memory_space<vmem>> -> memref<256x64xf32, #tpu.memory_space<vmem>>
        %get3A_576 = arith.index_cast %add3A_571 : i32 to index
        %get3A_577 = arith.constant 48 : index
        %get3A_578 = tpu.vector_load %get3A_575[%get3A_576, %get3A_577] {strides = array<i32>} : memref<256x64xf32, #tpu.memory_space<vmem>>, vector<1x16xf32>,
        %get3A_579 = vector.shape_cast %get3A_578 : vector<1x16xf32> to vector<16xf32>
        %add3A_580 = arith.addf %mul3A_569, %get3A_579 : vector<16xf32>
        %add3A_581 = arith.constant 0 : i32
        %add3A_582 = arith.addi %mul3A_313, %add3A_581 : i32
        %swap3A_583 = arith.constant 0 : i32
        %swap3A_584 = arith.constant 0 : i32
        %swap3A_585 = tpu.memref_slice %arg11[%scan3A_254, %swap3A_583, %swap3A_584] : memref<2x128x128xf32, #tpu.memory_space<vmem>> -> memref<1x128x128xf32, #tpu.memory_space<vmem>>
        %swap3A_586 = tpu.memref_squeeze %swap3A_585 : memref<1x128x128xf32, #tpu.memory_space<vmem>> -> memref<128x128xf32, #tpu.memory_space<vmem>>
        %swap3A_587 = arith.index_cast %add3A_582 : i32 to index
        %swap3A_588 = arith.constant 112 : index
        %swap3A_589 = tpu.vector_load %swap3A_586[%swap3A_587, %swap3A_588] {strides = array<i32>} : memref<128x128xf32, #tpu.memory_space<vmem>>, vector<1x16xf32>,
        %swap3A_590 = vector.shape_cast %swap3A_589 : vector<1x16xf32> to vector<16xf32>
        %swap3A_591 = vector.shape_cast %add3A_580 : vector<16xf32> to vector<1x16xf32>
        tpu.vector_store %swap3A_586[%swap3A_587, %swap3A_588], %swap3A_591 {strides = array<i32>} : memref<128x128xf32, #tpu.memory_space<vmem>>, vector<1x16xf32>,
        %add3A_592 = arith.constant 2 : i32
        %add3A_593 = arith.addi %mul3A_311, %add3A_592 : i32
        %get3A_594 = arith.constant 0 : i32
        %get3A_595 = arith.constant 0 : i32
        %get3A_596 = tpu.memref_slice %arg9[%scan3A_252, %get3A_594, %get3A_595] : memref<2x256x64xf32, #tpu.memory_space<vmem>> -> memref<1x256x64xf32, #tpu.memory_space<vmem>>
        %get3A_597 = tpu.memref_squeeze %get3A_596 : memref<1x256x64xf32, #tpu.memory_space<vmem>> -> memref<256x64xf32, #tpu.memory_space<vmem>>
        %get3A_598 = arith.index_cast %add3A_593 : i32 to index
        %get3A_599 = arith.constant 0 : index
        %get3A_600 = tpu.vector_load %get3A_597[%get3A_598, %get3A_599] {strides = array<i32>} : memref<256x64xf32, #tpu.memory_space<vmem>>, vector<1x16xf32>,
        %get3A_601 = vector.shape_cast %get3A_600 : vector<1x16xf32> to vector<16xf32>
        %mul3A_602 = arith.constant 8.000000e+00 : f32
        %mul3A_603 = vector.broadcast %mul3A_602 : f32 to vector<16xf32>
        %mul3A_604 = arith.mulf %get3A_601, %mul3A_603 : vector<16xf32>
        %add3A_605 = arith.constant 2 : i32
        %add3A_606 = arith.addi %mul3A_311, %add3A_605 : i32
        %get3A_607 = arith.constant 0 : i32
        %get3A_608 = arith.constant 0 : i32
        %get3A_609 = tpu.memref_slice %arg10[%scan3A_253, %get3A_607, %get3A_608] : memref<2x256x64xf32, #tpu.memory_space<vmem>> -> memref<1x256x64xf32, #tpu.memory_space<vmem>>
        %get3A_610 = tpu.memref_squeeze %get3A_609 : memref<1x256x64xf32, #tpu.memory_space<vmem>> -> memref<256x64xf32, #tpu.memory_space<vmem>>
        %get3A_611 = arith.index_cast %add3A_606 : i32 to index
        %get3A_612 = arith.constant 0 : index
        %get3A_613 = tpu.vector_load %get3A_610[%get3A_611, %get3A_612] {strides = array<i32>} : memref<256x64xf32, #tpu.memory_space<vmem>>, vector<1x16xf32>,
        %get3A_614 = vector.shape_cast %get3A_613 : vector<1x16xf32> to vector<16xf32>
        %add3A_615 = arith.addf %mul3A_604, %get3A_614 : vector<16xf32>
        %add3A_616 = arith.constant 1 : i32
        %add3A_617 = arith.addi %mul3A_313, %add3A_616 : i32
        %swap3A_618 = arith.constant 0 : i32
        %swap3A_619 = arith.constant 0 : i32
        %swap3A_620 = tpu.memref_slice %arg11[%scan3A_254, %swap3A_618, %swap3A_619] : memref<2x128x128xf32, #tpu.memory_space<vmem>> -> memref<1x128x128xf32, #tpu.memory_space<vmem>>
        %swap3A_621 = tpu.memref_squeeze %swap3A_620 : memref<1x128x128xf32, #tpu.memory_space<vmem>> -> memref<128x128xf32, #tpu.memory_space<vmem>>
        %swap3A_622 = arith.index_cast %add3A_617 : i32 to index
        %swap3A_623 = arith.constant 0 : index
        %swap3A_624 = tpu.vector_load %swap3A_621[%swap3A_622, %swap3A_623] {strides = array<i32>} : memref<128x128xf32, #tpu.memory_space<vmem>>, vector<1x16xf32>,
        %swap3A_625 = vector.shape_cast %swap3A_624 : vector<1x16xf32> to vector<16xf32>
        %swap3A_626 = vector.shape_cast %add3A_615 : vector<16xf32> to vector<1x16xf32>
        tpu.vector_store %swap3A_621[%swap3A_622, %swap3A_623], %swap3A_626 {strides = array<i32>} : memref<128x128xf32, #tpu.memory_space<vmem>>, vector<1x16xf32>,
        %add3A_627 = arith.constant 2 : i32
        %add3A_628 = arith.addi %mul3A_311, %add3A_627 : i32
        %get3A_629 = arith.constant 0 : i32
        %get3A_630 = arith.constant 0 : i32
        %get3A_631 = tpu.memref_slice %arg9[%scan3A_252, %get3A_629, %get3A_630] : memref<2x256x64xf32, #tpu.memory_space<vmem>> -> memref<1x256x64xf32, #tpu.memory_space<vmem>>
        %get3A_632 = tpu.memref_squeeze %get3A_631 : memref<1x256x64xf32, #tpu.memory_space<vmem>> -> memref<256x64xf32, #tpu.memory_space<vmem>>
        %get3A_633 = arith.index_cast %add3A_628 : i32 to index
        %get3A_634 = arith.constant 16 : index
        %get3A_635 = tpu.vector_load %get3A_632[%get3A_633, %get3A_634] {strides = array<i32>} : memref<256x64xf32, #tpu.memory_space<vmem>>, vector<1x16xf32>,
        %get3A_636 = vector.shape_cast %get3A_635 : vector<1x16xf32> to vector<16xf32>
        %mul3A_637 = arith.constant 8.000000e+00 : f32
        %mul3A_638 = vector.broadcast %mul3A_637 : f32 to vector<16xf32>
        %mul3A_639 = arith.mulf %get3A_636, %mul3A_638 : vector<16xf32>
        %add3A_640 = arith.constant 2 : i32
        %add3A_641 = arith.addi %mul3A_311, %add3A_640 : i32
        %get3A_642 = arith.constant 0 : i32
        %get3A_643 = arith.constant 0 : i32
        %get3A_644 = tpu.memref_slice %arg10[%scan3A_253, %get3A_642, %get3A_643] : memref<2x256x64xf32, #tpu.memory_space<vmem>> -> memref<1x256x64xf32, #tpu.memory_space<vmem>>
        %get3A_645 = tpu.memref_squeeze %get3A_644 : memref<1x256x64xf32, #tpu.memory_space<vmem>> -> memref<256x64xf32, #tpu.memory_space<vmem>>
        %get3A_646 = arith.index_cast %add3A_641 : i32 to index
        %get3A_647 = arith.constant 16 : index
        %get3A_648 = tpu.vector_load %get3A_645[%get3A_646, %get3A_647] {strides = array<i32>} : memref<256x64xf32, #tpu.memory_space<vmem>>, vector<1x16xf32>,
        %get3A_649 = vector.shape_cast %get3A_648 : vector<1x16xf32> to vector<16xf32>
        %add3A_650 = arith.addf %mul3A_639, %get3A_649 : vector<16xf32>
        %add3A_651 = arith.constant 1 : i32
        %add3A_652 = arith.addi %mul3A_313, %add3A_651 : i32
        %swap3A_653 = arith.constant 0 : i32
        %swap3A_654 = arith.constant 0 : i32
        %swap3A_655 = tpu.memref_slice %arg11[%scan3A_254, %swap3A_653, %swap3A_654] : memref<2x128x128xf32, #tpu.memory_space<vmem>> -> memref<1x128x128xf32, #tpu.memory_space<vmem>>
        %swap3A_656 = tpu.memref_squeeze %swap3A_655 : memref<1x128x128xf32, #tpu.memory_space<vmem>> -> memref<128x128xf32, #tpu.memory_space<vmem>>
        %swap3A_657 = arith.index_cast %add3A_652 : i32 to index
        %swap3A_658 = arith.constant 16 : index
        %swap3A_659 = tpu.vector_load %swap3A_656[%swap3A_657, %swap3A_658] {strides = array<i32>} : memref<128x128xf32, #tpu.memory_space<vmem>>, vector<1x16xf32>,
        %swap3A_660 = vector.shape_cast %swap3A_659 : vector<1x16xf32> to vector<16xf32>
        %swap3A_661 = vector.shape_cast %add3A_650 : vector<16xf32> to vector<1x16xf32>
        tpu.vector_store %swap3A_656[%swap3A_657, %swap3A_658], %swap3A_661 {strides = array<i32>} : memref<128x128xf32, #tpu.memory_space<vmem>>, vector<1x16xf32>,
        %add3A_662 = arith.constant 2 : i32
        %add3A_663 = arith.addi %mul3A_311, %add3A_662 : i32
        %get3A_664 = arith.constant 0 : i32
        %get3A_665 = arith.constant 0 : i32
        %get3A_666 = tpu.memref_slice %arg9[%scan3A_252, %get3A_664, %get3A_665] : memref<2x256x64xf32, #tpu.memory_space<vmem>> -> memref<1x256x64xf32, #tpu.memory_space<vmem>>
        %get3A_667 = tpu.memref_squeeze %get3A_666 : memref<1x256x64xf32, #tpu.memory_space<vmem>> -> memref<256x64xf32, #tpu.memory_space<vmem>>
        %get3A_668 = arith.index_cast %add3A_663 : i32 to index
        %get3A_669 = arith.constant 32 : index
        %get3A_670 = tpu.vector_load %get3A_667[%get3A_668, %get3A_669] {strides = array<i32>} : memref<256x64xf32, #tpu.memory_space<vmem>>, vector<1x16xf32>,
        %get3A_671 = vector.shape_cast %get3A_670 : vector<1x16xf32> to vector<16xf32>
        %mul3A_672 = arith.constant 8.000000e+00 : f32
        %mul3A_673 = vector.broadcast %mul3A_672 : f32 to vector<16xf32>
        %mul3A_674 = arith.mulf %get3A_671, %mul3A_673 : vector<16xf32>
        %add3A_675 = arith.constant 2 : i32
        %add3A_676 = arith.addi %mul3A_311, %add3A_675 : i32
        %get3A_677 = arith.constant 0 : i32
        %get3A_678 = arith.constant 0 : i32
        %get3A_679 = tpu.memref_slice %arg10[%scan3A_253, %get3A_677, %get3A_678] : memref<2x256x64xf32, #tpu.memory_space<vmem>> -> memref<1x256x64xf32, #tpu.memory_space<vmem>>
        %get3A_680 = tpu.memref_squeeze %get3A_679 : memref<1x256x64xf32, #tpu.memory_space<vmem>> -> memref<256x64xf32, #tpu.memory_space<vmem>>
        %get3A_681 = arith.index_cast %add3A_676 : i32 to index
        %get3A_682 = arith.constant 32 : index
        %get3A_683 = tpu.vector_load %get3A_680[%get3A_681, %get3A_682] {strides = array<i32>} : memref<256x64xf32, #tpu.memory_space<vmem>>, vector<1x16xf32>,
        %get3A_684 = vector.shape_cast %get3A_683 : vector<1x16xf32> to vector<16xf32>
        %add3A_685 = arith.addf %mul3A_674, %get3A_684 : vector<16xf32>
        %add3A_686 = arith.constant 1 : i32
        %add3A_687 = arith.addi %mul3A_313, %add3A_686 : i32
        %swap3A_688 = arith.constant 0 : i32
        %swap3A_689 = arith.constant 0 : i32
        %swap3A_690 = tpu.memref_slice %arg11[%scan3A_254, %swap3A_688, %swap3A_689] : memref<2x128x128xf32, #tpu.memory_space<vmem>> -> memref<1x128x128xf32, #tpu.memory_space<vmem>>
        %swap3A_691 = tpu.memref_squeeze %swap3A_690 : memref<1x128x128xf32, #tpu.memory_space<vmem>> -> memref<128x128xf32, #tpu.memory_space<vmem>>
        %swap3A_692 = arith.index_cast %add3A_687 : i32 to index
        %swap3A_693 = arith.constant 32 : index
        %swap3A_694 = tpu.vector_load %swap3A_691[%swap3A_692, %swap3A_693] {strides = array<i32>} : memref<128x128xf32, #tpu.memory_space<vmem>>, vector<1x16xf32>,
        %swap3A_695 = vector.shape_cast %swap3A_694 : vector<1x16xf32> to vector<16xf32>
        %swap3A_696 = vector.shape_cast %add3A_685 : vector<16xf32> to vector<1x16xf32>
        tpu.vector_store %swap3A_691[%swap3A_692, %swap3A_693], %swap3A_696 {strides = array<i32>} : memref<128x128xf32, #tpu.memory_space<vmem>>, vector<1x16xf32>,
        %add3A_697 = arith.constant 2 : i32
        %add3A_698 = arith.addi %mul3A_311, %add3A_697 : i32
        %get3A_699 = arith.constant 0 : i32
        %get3A_700 = arith.constant 0 : i32
        %get3A_701 = tpu.memref_slice %arg9[%scan3A_252, %get3A_699, %get3A_700] : memref<2x256x64xf32, #tpu.memory_space<vmem>> -> memref<1x256x64xf32, #tpu.memory_space<vmem>>
        %get3A_702 = tpu.memref_squeeze %get3A_701 : memref<1x256x64xf32, #tpu.memory_space<vmem>> -> memref<256x64xf32, #tpu.memory_space<vmem>>
        %get3A_703 = arith.index_cast %add3A_698 : i32 to index
        %get3A_704 = arith.constant 48 : index
        %get3A_705 = tpu.vector_load %get3A_702[%get3A_703, %get3A_704] {strides = array<i32>} : memref<256x64xf32, #tpu.memory_space<vmem>>, vector<1x16xf32>,
        %get3A_706 = vector.shape_cast %get3A_705 : vector<1x16xf32> to vector<16xf32>
        %mul3A_707 = arith.constant 8.000000e+00 : f32
        %mul3A_708 = vector.broadcast %mul3A_707 : f32 to vector<16xf32>
        %mul3A_709 = arith.mulf %get3A_706, %mul3A_708 : vector<16xf32>
        %add3A_710 = arith.constant 2 : i32
        %add3A_711 = arith.addi %mul3A_311, %add3A_710 : i32
        %get3A_712 = arith.constant 0 : i32
        %get3A_713 = arith.constant 0 : i32
        %get3A_714 = tpu.memref_slice %arg10[%scan3A_253, %get3A_712, %get3A_713] : memref<2x256x64xf32, #tpu.memory_space<vmem>> -> memref<1x256x64xf32, #tpu.memory_space<vmem>>
        %get3A_715 = tpu.memref_squeeze %get3A_714 : memref<1x256x64xf32, #tpu.memory_space<vmem>> -> memref<256x64xf32, #tpu.memory_space<vmem>>
        %get3A_716 = arith.index_cast %add3A_711 : i32 to index
        %get3A_717 = arith.constant 48 : index
        %get3A_718 = tpu.vector_load %get3A_715[%get3A_716, %get3A_717] {strides = array<i32>} : memref<256x64xf32, #tpu.memory_space<vmem>>, vector<1x16xf32>,
        %get3A_719 = vector.shape_cast %get3A_718 : vector<1x16xf32> to vector<16xf32>
        %add3A_720 = arith.addf %mul3A_709, %get3A_719 : vector<16xf32>
        %add3A_721 = arith.constant 1 : i32
        %add3A_722 = arith.addi %mul3A_313, %add3A_721 : i32
        %swap3A_723 = arith.constant 0 : i32
        %swap3A_724 = arith.constant 0 : i32
        %swap3A_725 = tpu.memref_slice %arg11[%scan3A_254, %swap3A_723, %swap3A_724] : memref<2x128x128xf32, #tpu.memory_space<vmem>> -> memref<1x128x128xf32, #tpu.memory_space<vmem>>
        %swap3A_726 = tpu.memref_squeeze %swap3A_725 : memref<1x128x128xf32, #tpu.memory_space<vmem>> -> memref<128x128xf32, #tpu.memory_space<vmem>>
        %swap3A_727 = arith.index_cast %add3A_722 : i32 to index
        %swap3A_728 = arith.constant 48 : index
        %swap3A_729 = tpu.vector_load %swap3A_726[%swap3A_727, %swap3A_728] {strides = array<i32>} : memref<128x128xf32, #tpu.memory_space<vmem>>, vector<1x16xf32>,
        %swap3A_730 = vector.shape_cast %swap3A_729 : vector<1x16xf32> to vector<16xf32>
        %swap3A_731 = vector.shape_cast %add3A_720 : vector<16xf32> to vector<1x16xf32>
        tpu.vector_store %swap3A_726[%swap3A_727, %swap3A_728], %swap3A_731 {strides = array<i32>} : memref<128x128xf32, #tpu.memory_space<vmem>>, vector<1x16xf32>,
        %add3A_732 = arith.constant 3 : i32
        %add3A_733 = arith.addi %mul3A_311, %add3A_732 : i32
        %get3A_734 = arith.constant 0 : i32
        %get3A_735 = arith.constant 0 : i32
        %get3A_736 = tpu.memref_slice %arg9[%scan3A_252, %get3A_734, %get3A_735] : memref<2x256x64xf32, #tpu.memory_space<vmem>> -> memref<1x256x64xf32, #tpu.memory_space<vmem>>
        %get3A_737 = tpu.memref_squeeze %get3A_736 : memref<1x256x64xf32, #tpu.memory_space<vmem>> -> memref<256x64xf32, #tpu.memory_space<vmem>>
        %get3A_738 = arith.index_cast %add3A_733 : i32 to index
        %get3A_739 = arith.constant 0 : index
        %get3A_740 = tpu.vector_load %get3A_737[%get3A_738, %get3A_739] {strides = array<i32>} : memref<256x64xf32, #tpu.memory_space<vmem>>, vector<1x16xf32>,
        %get3A_741 = vector.shape_cast %get3A_740 : vector<1x16xf32> to vector<16xf32>
        %mul3A_742 = arith.constant 8.000000e+00 : f32
        %mul3A_743 = vector.broadcast %mul3A_742 : f32 to vector<16xf32>
        %mul3A_744 = arith.mulf %get3A_741, %mul3A_743 : vector<16xf32>
        %add3A_745 = arith.constant 3 : i32
        %add3A_746 = arith.addi %mul3A_311, %add3A_745 : i32
        %get3A_747 = arith.constant 0 : i32
        %get3A_748 = arith.constant 0 : i32
        %get3A_749 = tpu.memref_slice %arg10[%scan3A_253, %get3A_747, %get3A_748] : memref<2x256x64xf32, #tpu.memory_space<vmem>> -> memref<1x256x64xf32, #tpu.memory_space<vmem>>
        %get3A_750 = tpu.memref_squeeze %get3A_749 : memref<1x256x64xf32, #tpu.memory_space<vmem>> -> memref<256x64xf32, #tpu.memory_space<vmem>>
        %get3A_751 = arith.index_cast %add3A_746 : i32 to index
        %get3A_752 = arith.constant 0 : index
        %get3A_753 = tpu.vector_load %get3A_750[%get3A_751, %get3A_752] {strides = array<i32>} : memref<256x64xf32, #tpu.memory_space<vmem>>, vector<1x16xf32>,
        %get3A_754 = vector.shape_cast %get3A_753 : vector<1x16xf32> to vector<16xf32>
        %add3A_755 = arith.addf %mul3A_744, %get3A_754 : vector<16xf32>
        %add3A_756 = arith.constant 1 : i32
        %add3A_757 = arith.addi %mul3A_313, %add3A_756 : i32
        %swap3A_758 = arith.constant 0 : i32
        %swap3A_759 = arith.constant 0 : i32
        %swap3A_760 = tpu.memref_slice %arg11[%scan3A_254, %swap3A_758, %swap3A_759] : memref<2x128x128xf32, #tpu.memory_space<vmem>> -> memref<1x128x128xf32, #tpu.memory_space<vmem>>
        %swap3A_761 = tpu.memref_squeeze %swap3A_760 : memref<1x128x128xf32, #tpu.memory_space<vmem>> -> memref<128x128xf32, #tpu.memory_space<vmem>>
        %swap3A_762 = arith.index_cast %add3A_757 : i32 to index
        %swap3A_763 = arith.constant 64 : index
        %swap3A_764 = tpu.vector_load %swap3A_761[%swap3A_762, %swap3A_763] {strides = array<i32>} : memref<128x128xf32, #tpu.memory_space<vmem>>, vector<1x16xf32>,
        %swap3A_765 = vector.shape_cast %swap3A_764 : vector<1x16xf32> to vector<16xf32>
        %swap3A_766 = vector.shape_cast %add3A_755 : vector<16xf32> to vector<1x16xf32>
        tpu.vector_store %swap3A_761[%swap3A_762, %swap3A_763], %swap3A_766 {strides = array<i32>} : memref<128x128xf32, #tpu.memory_space<vmem>>, vector<1x16xf32>,
        %add3A_767 = arith.constant 3 : i32
        %add3A_768 = arith.addi %mul3A_311, %add3A_767 : i32
        %get3A_769 = arith.constant 0 : i32
        %get3A_770 = arith.constant 0 : i32
        %get3A_771 = tpu.memref_slice %arg9[%scan3A_252, %get3A_769, %get3A_770] : memref<2x256x64xf32, #tpu.memory_space<vmem>> -> memref<1x256x64xf32, #tpu.memory_space<vmem>>
        %get3A_772 = tpu.memref_squeeze %get3A_771 : memref<1x256x64xf32, #tpu.memory_space<vmem>> -> memref<256x64xf32, #tpu.memory_space<vmem>>
        %get3A_773 = arith.index_cast %add3A_768 : i32 to index
        %get3A_774 = arith.constant 16 : index
        %get3A_775 = tpu.vector_load %get3A_772[%get3A_773, %get3A_774] {strides = array<i32>} : memref<256x64xf32, #tpu.memory_space<vmem>>, vector<1x16xf32>,
        %get3A_776 = vector.shape_cast %get3A_775 : vector<1x16xf32> to vector<16xf32>
        %mul3A_777 = arith.constant 8.000000e+00 : f32
        %mul3A_778 = vector.broadcast %mul3A_777 : f32 to vector<16xf32>
        %mul3A_779 = arith.mulf %get3A_776, %mul3A_778 : vector<16xf32>
        %add3A_780 = arith.constant 3 : i32
        %add3A_781 = arith.addi %mul3A_311, %add3A_780 : i32
        %get3A_782 = arith.constant 0 : i32
        %get3A_783 = arith.constant 0 : i32
        %get3A_784 = tpu.memref_slice %arg10[%scan3A_253, %get3A_782, %get3A_783] : memref<2x256x64xf32, #tpu.memory_space<vmem>> -> memref<1x256x64xf32, #tpu.memory_space<vmem>>
        %get3A_785 = tpu.memref_squeeze %get3A_784 : memref<1x256x64xf32, #tpu.memory_space<vmem>> -> memref<256x64xf32, #tpu.memory_space<vmem>>
        %get3A_786 = arith.index_cast %add3A_781 : i32 to index
        %get3A_787 = arith.constant 16 : index
        %get3A_788 = tpu.vector_load %get3A_785[%get3A_786, %get3A_787] {strides = array<i32>} : memref<256x64xf32, #tpu.memory_space<vmem>>, vector<1x16xf32>,
        %get3A_789 = vector.shape_cast %get3A_788 : vector<1x16xf32> to vector<16xf32>
        %add3A_790 = arith.addf %mul3A_779, %get3A_789 : vector<16xf32>
        %add3A_791 = arith.constant 1 : i32
        %add3A_792 = arith.addi %mul3A_313, %add3A_791 : i32
        %swap3A_793 = arith.constant 0 : i32
        %swap3A_794 = arith.constant 0 : i32
        %swap3A_795 = tpu.memref_slice %arg11[%scan3A_254, %swap3A_793, %swap3A_794] : memref<2x128x128xf32, #tpu.memory_space<vmem>> -> memref<1x128x128xf32, #tpu.memory_space<vmem>>
        %swap3A_796 = tpu.memref_squeeze %swap3A_795 : memref<1x128x128xf32, #tpu.memory_space<vmem>> -> memref<128x128xf32, #tpu.memory_space<vmem>>
        %swap3A_797 = arith.index_cast %add3A_792 : i32 to index
        %swap3A_798 = arith.constant 80 : index
        %swap3A_799 = tpu.vector_load %swap3A_796[%swap3A_797, %swap3A_798] {strides = array<i32>} : memref<128x128xf32, #tpu.memory_space<vmem>>, vector<1x16xf32>,
        %swap3A_800 = vector.shape_cast %swap3A_799 : vector<1x16xf32> to vector<16xf32>
        %swap3A_801 = vector.shape_cast %add3A_790 : vector<16xf32> to vector<1x16xf32>
        tpu.vector_store %swap3A_796[%swap3A_797, %swap3A_798], %swap3A_801 {strides = array<i32>} : memref<128x128xf32, #tpu.memory_space<vmem>>, vector<1x16xf32>,
        %add3A_802 = arith.constant 3 : i32
        %add3A_803 = arith.addi %mul3A_311, %add3A_802 : i32
        %get3A_804 = arith.constant 0 : i32
        %get3A_805 = arith.constant 0 : i32
        %get3A_806 = tpu.memref_slice %arg9[%scan3A_252, %get3A_804, %get3A_805] : memref<2x256x64xf32, #tpu.memory_space<vmem>> -> memref<1x256x64xf32, #tpu.memory_space<vmem>>
        %get3A_807 = tpu.memref_squeeze %get3A_806 : memref<1x256x64xf32, #tpu.memory_space<vmem>> -> memref<256x64xf32, #tpu.memory_space<vmem>>
        %get3A_808 = arith.index_cast %add3A_803 : i32 to index
        %get3A_809 = arith.constant 32 : index
        %get3A_810 = tpu.vector_load %get3A_807[%get3A_808, %get3A_809] {strides = array<i32>} : memref<256x64xf32, #tpu.memory_space<vmem>>, vector<1x16xf32>,
        %get3A_811 = vector.shape_cast %get3A_810 : vector<1x16xf32> to vector<16xf32>
        %mul3A_812 = arith.constant 8.000000e+00 : f32
        %mul3A_813 = vector.broadcast %mul3A_812 : f32 to vector<16xf32>
        %mul3A_814 = arith.mulf %get3A_811, %mul3A_813 : vector<16xf32>
        %add3A_815 = arith.constant 3 : i32
        %add3A_816 = arith.addi %mul3A_311, %add3A_815 : i32
        %get3A_817 = arith.constant 0 : i32
        %get3A_818 = arith.constant 0 : i32
        %get3A_819 = tpu.memref_slice %arg10[%scan3A_253, %get3A_817, %get3A_818] : memref<2x256x64xf32, #tpu.memory_space<vmem>> -> memref<1x256x64xf32, #tpu.memory_space<vmem>>
        %get3A_820 = tpu.memref_squeeze %get3A_819 : memref<1x256x64xf32, #tpu.memory_space<vmem>> -> memref<256x64xf32, #tpu.memory_space<vmem>>
        %get3A_821 = arith.index_cast %add3A_816 : i32 to index
        %get3A_822 = arith.constant 32 : index
        %get3A_823 = tpu.vector_load %get3A_820[%get3A_821, %get3A_822] {strides = array<i32>} : memref<256x64xf32, #tpu.memory_space<vmem>>, vector<1x16xf32>,
        %get3A_824 = vector.shape_cast %get3A_823 : vector<1x16xf32> to vector<16xf32>
        %add3A_825 = arith.addf %mul3A_814, %get3A_824 : vector<16xf32>
        %add3A_826 = arith.constant 1 : i32
        %add3A_827 = arith.addi %mul3A_313, %add3A_826 : i32
        %swap3A_828 = arith.constant 0 : i32
        %swap3A_829 = arith.constant 0 : i32
        %swap3A_830 = tpu.memref_slice %arg11[%scan3A_254, %swap3A_828, %swap3A_829] : memref<2x128x128xf32, #tpu.memory_space<vmem>> -> memref<1x128x128xf32, #tpu.memory_space<vmem>>
        %swap3A_831 = tpu.memref_squeeze %swap3A_830 : memref<1x128x128xf32, #tpu.memory_space<vmem>> -> memref<128x128xf32, #tpu.memory_space<vmem>>
        %swap3A_832 = arith.index_cast %add3A_827 : i32 to index
        %swap3A_833 = arith.constant 96 : index
        %swap3A_834 = tpu.vector_load %swap3A_831[%swap3A_832, %swap3A_833] {strides = array<i32>} : memref<128x128xf32, #tpu.memory_space<vmem>>, vector<1x16xf32>,
        %swap3A_835 = vector.shape_cast %swap3A_834 : vector<1x16xf32> to vector<16xf32>
        %swap3A_836 = vector.shape_cast %add3A_825 : vector<16xf32> to vector<1x16xf32>
        tpu.vector_store %swap3A_831[%swap3A_832, %swap3A_833], %swap3A_836 {strides = array<i32>} : memref<128x128xf32, #tpu.memory_space<vmem>>, vector<1x16xf32>,
        %add3A_837 = arith.constant 3 : i32
        %add3A_838 = arith.addi %mul3A_311, %add3A_837 : i32
        %get3A_839 = arith.constant 0 : i32
        %get3A_840 = arith.constant 0 : i32
        %get3A_841 = tpu.memref_slice %arg9[%scan3A_252, %get3A_839, %get3A_840] : memref<2x256x64xf32, #tpu.memory_space<vmem>> -> memref<1x256x64xf32, #tpu.memory_space<vmem>>
        %get3A_842 = tpu.memref_squeeze %get3A_841 : memref<1x256x64xf32, #tpu.memory_space<vmem>> -> memref<256x64xf32, #tpu.memory_space<vmem>>
        %get3A_843 = arith.index_cast %add3A_838 : i32 to index
        %get3A_844 = arith.constant 48 : index
        %get3A_845 = tpu.vector_load %get3A_842[%get3A_843, %get3A_844] {strides = array<i32>} : memref<256x64xf32, #tpu.memory_space<vmem>>, vector<1x16xf32>,
        %get3A_846 = vector.shape_cast %get3A_845 : vector<1x16xf32> to vector<16xf32>
        %mul3A_847 = arith.constant 8.000000e+00 : f32
        %mul3A_848 = vector.broadcast %mul3A_847 : f32 to vector<16xf32>
        %mul3A_849 = arith.mulf %get3A_846, %mul3A_848 : vector<16xf32>
        %add3A_850 = arith.constant 3 : i32
        %add3A_851 = arith.addi %mul3A_311, %add3A_850 : i32
        %get3A_852 = arith.constant 0 : i32
        %get3A_853 = arith.constant 0 : i32
        %get3A_854 = tpu.memref_slice %arg10[%scan3A_253, %get3A_852, %get3A_853] : memref<2x256x64xf32, #tpu.memory_space<vmem>> -> memref<1x256x64xf32, #tpu.memory_space<vmem>>
        %get3A_855 = tpu.memref_squeeze %get3A_854 : memref<1x256x64xf32, #tpu.memory_space<vmem>> -> memref<256x64xf32, #tpu.memory_space<vmem>>
        %get3A_856 = arith.index_cast %add3A_851 : i32 to index
        %get3A_857 = arith.constant 48 : index
        %get3A_858 = tpu.vector_load %get3A_855[%get3A_856, %get3A_857] {strides = array<i32>} : memref<256x64xf32, #tpu.memory_space<vmem>>, vector<1x16xf32>,
        %get3A_859 = vector.shape_cast %get3A_858 : vector<1x16xf32> to vector<16xf32>
        %add3A_860 = arith.addf %mul3A_849, %get3A_859 : vector<16xf32>
        %add3A_861 = arith.constant 1 : i32
        %add3A_862 = arith.addi %mul3A_313, %add3A_861 : i32
        %swap3A_863 = arith.constant 0 : i32
        %swap3A_864 = arith.constant 0 : i32
        %swap3A_865 = tpu.memref_slice %arg11[%scan3A_254, %swap3A_863, %swap3A_864] : memref<2x128x128xf32, #tpu.memory_space<vmem>> -> memref<1x128x128xf32, #tpu.memory_space<vmem>>
        %swap3A_866 = tpu.memref_squeeze %swap3A_865 : memref<1x128x128xf32, #tpu.memory_space<vmem>> -> memref<128x128xf32, #tpu.memory_space<vmem>>
        %swap3A_867 = arith.index_cast %add3A_862 : i32 to index
        %swap3A_868 = arith.constant 112 : index
        %swap3A_869 = tpu.vector_load %swap3A_866[%swap3A_867, %swap3A_868] {strides = array<i32>} : memref<128x128xf32, #tpu.memory_space<vmem>>, vector<1x16xf32>,
        %swap3A_870 = vector.shape_cast %swap3A_869 : vector<1x16xf32> to vector<16xf32>
        %swap3A_871 = vector.shape_cast %add3A_860 : vector<16xf32> to vector<1x16xf32>
        tpu.vector_store %swap3A_866[%swap3A_867, %swap3A_868], %swap3A_871 {strides = array<i32>} : memref<128x128xf32, #tpu.memory_space<vmem>>, vector<1x16xf32>,
        %add3A_872 = arith.constant 4 : i32
        %add3A_873 = arith.addi %mul3A_311, %add3A_872 : i32
        %get3A_874 = arith.constant 0 : i32
        %get3A_875 = arith.constant 0 : i32
        %get3A_876 = tpu.memref_slice %arg9[%scan3A_252, %get3A_874, %get3A_875] : memref<2x256x64xf32, #tpu.memory_space<vmem>> -> memref<1x256x64xf32, #tpu.memory_space<vmem>>
        %get3A_877 = tpu.memref_squeeze %get3A_876 : memref<1x256x64xf32, #tpu.memory_space<vmem>> -> memref<256x64xf32, #tpu.memory_space<vmem>>
        %get3A_878 = arith.index_cast %add3A_873 : i32 to index
        %get3A_879 = arith.constant 0 : index
        %get3A_880 = tpu.vector_load %get3A_877[%get3A_878, %get3A_879] {strides = array<i32>} : memref<256x64xf32, #tpu.memory_space<vmem>>, vector<1x16xf32>,
        %get3A_881 = vector.shape_cast %get3A_880 : vector<1x16xf32> to vector<16xf32>
        %mul3A_882 = arith.constant 8.000000e+00 : f32
        %mul3A_883 = vector.broadcast %mul3A_882 : f32 to vector<16xf32>
        %mul3A_884 = arith.mulf %get3A_881, %mul3A_883 : vector<16xf32>
        %add3A_885 = arith.constant 4 : i32
        %add3A_886 = arith.addi %mul3A_311, %add3A_885 : i32
        %get3A_887 = arith.constant 0 : i32
        %get3A_888 = arith.constant 0 : i32
        %get3A_889 = tpu.memref_slice %arg10[%scan3A_253, %get3A_887, %get3A_888] : memref<2x256x64xf32, #tpu.memory_space<vmem>> -> memref<1x256x64xf32, #tpu.memory_space<vmem>>
        %get3A_890 = tpu.memref_squeeze %get3A_889 : memref<1x256x64xf32, #tpu.memory_space<vmem>> -> memref<256x64xf32, #tpu.memory_space<vmem>>
        %get3A_891 = arith.index_cast %add3A_886 : i32 to index
        %get3A_892 = arith.constant 0 : index
        %get3A_893 = tpu.vector_load %get3A_890[%get3A_891, %get3A_892] {strides = array<i32>} : memref<256x64xf32, #tpu.memory_space<vmem>>, vector<1x16xf32>,
        %get3A_894 = vector.shape_cast %get3A_893 : vector<1x16xf32> to vector<16xf32>
        %add3A_895 = arith.addf %mul3A_884, %get3A_894 : vector<16xf32>
        %add3A_896 = arith.constant 2 : i32
        %add3A_897 = arith.addi %mul3A_313, %add3A_896 : i32
        %swap3A_898 = arith.constant 0 : i32
        %swap3A_899 = arith.constant 0 : i32
        %swap3A_900 = tpu.memref_slice %arg11[%scan3A_254, %swap3A_898, %swap3A_899] : memref<2x128x128xf32, #tpu.memory_space<vmem>> -> memref<1x128x128xf32, #tpu.memory_space<vmem>>
        %swap3A_901 = tpu.memref_squeeze %swap3A_900 : memref<1x128x128xf32, #tpu.memory_space<vmem>> -> memref<128x128xf32, #tpu.memory_space<vmem>>
        %swap3A_902 = arith.index_cast %add3A_897 : i32 to index
        %swap3A_903 = arith.constant 0 : index
        %swap3A_904 = tpu.vector_load %swap3A_901[%swap3A_902, %swap3A_903] {strides = array<i32>} : memref<128x128xf32, #tpu.memory_space<vmem>>, vector<1x16xf32>,
        %swap3A_905 = vector.shape_cast %swap3A_904 : vector<1x16xf32> to vector<16xf32>
        %swap3A_906 = vector.shape_cast %add3A_895 : vector<16xf32> to vector<1x16xf32>
        tpu.vector_store %swap3A_901[%swap3A_902, %swap3A_903], %swap3A_906 {strides = array<i32>} : memref<128x128xf32, #tpu.memory_space<vmem>>, vector<1x16xf32>,
        %add3A_907 = arith.constant 4 : i32
        %add3A_908 = arith.addi %mul3A_311, %add3A_907 : i32
        %get3A_909 = arith.constant 0 : i32
        %get3A_910 = arith.constant 0 : i32
        %get3A_911 = tpu.memref_slice %arg9[%scan3A_252, %get3A_909, %get3A_910] : memref<2x256x64xf32, #tpu.memory_space<vmem>> -> memref<1x256x64xf32, #tpu.memory_space<vmem>>
        %get3A_912 = tpu.memref_squeeze %get3A_911 : memref<1x256x64xf32, #tpu.memory_space<vmem>> -> memref<256x64xf32, #tpu.memory_space<vmem>>
        %get3A_913 = arith.index_cast %add3A_908 : i32 to index
        %get3A_914 = arith.constant 16 : index
        %get3A_915 = tpu.vector_load %get3A_912[%get3A_913, %get3A_914] {strides = array<i32>} : memref<256x64xf32, #tpu.memory_space<vmem>>, vector<1x16xf32>,
        %get3A_916 = vector.shape_cast %get3A_915 : vector<1x16xf32> to vector<16xf32>
        %mul3A_917 = arith.constant 8.000000e+00 : f32
        %mul3A_918 = vector.broadcast %mul3A_917 : f32 to vector<16xf32>
        %mul3A_919 = arith.mulf %get3A_916, %mul3A_918 : vector<16xf32>
        %add3A_920 = arith.constant 4 : i32
        %add3A_921 = arith.addi %mul3A_311, %add3A_920 : i32
        %get3A_922 = arith.constant 0 : i32
        %get3A_923 = arith.constant 0 : i32
        %get3A_924 = tpu.memref_slice %arg10[%scan3A_253, %get3A_922, %get3A_923] : memref<2x256x64xf32, #tpu.memory_space<vmem>> -> memref<1x256x64xf32, #tpu.memory_space<vmem>>
        %get3A_925 = tpu.memref_squeeze %get3A_924 : memref<1x256x64xf32, #tpu.memory_space<vmem>> -> memref<256x64xf32, #tpu.memory_space<vmem>>
        %get3A_926 = arith.index_cast %add3A_921 : i32 to index
        %get3A_927 = arith.constant 16 : index
        %get3A_928 = tpu.vector_load %get3A_925[%get3A_926, %get3A_927] {strides = array<i32>} : memref<256x64xf32, #tpu.memory_space<vmem>>, vector<1x16xf32>,
        %get3A_929 = vector.shape_cast %get3A_928 : vector<1x16xf32> to vector<16xf32>
        %add3A_930 = arith.addf %mul3A_919, %get3A_929 : vector<16xf32>
        %add3A_931 = arith.constant 2 : i32
        %add3A_932 = arith.addi %mul3A_313, %add3A_931 : i32
        %swap3A_933 = arith.constant 0 : i32
        %swap3A_934 = arith.constant 0 : i32
        %swap3A_935 = tpu.memref_slice %arg11[%scan3A_254, %swap3A_933, %swap3A_934] : memref<2x128x128xf32, #tpu.memory_space<vmem>> -> memref<1x128x128xf32, #tpu.memory_space<vmem>>
        %swap3A_936 = tpu.memref_squeeze %swap3A_935 : memref<1x128x128xf32, #tpu.memory_space<vmem>> -> memref<128x128xf32, #tpu.memory_space<vmem>>
        %swap3A_937 = arith.index_cast %add3A_932 : i32 to index
        %swap3A_938 = arith.constant 16 : index
        %swap3A_939 = tpu.vector_load %swap3A_936[%swap3A_937, %swap3A_938] {strides = array<i32>} : memref<128x128xf32, #tpu.memory_space<vmem>>, vector<1x16xf32>,
        %swap3A_940 = vector.shape_cast %swap3A_939 : vector<1x16xf32> to vector<16xf32>
        %swap3A_941 = vector.shape_cast %add3A_930 : vector<16xf32> to vector<1x16xf32>
        tpu.vector_store %swap3A_936[%swap3A_937, %swap3A_938], %swap3A_941 {strides = array<i32>} : memref<128x128xf32, #tpu.memory_space<vmem>>, vector<1x16xf32>,
        %add3A_942 = arith.constant 4 : i32
        %add3A_943 = arith.addi %mul3A_311, %add3A_942 : i32
        %get3A_944 = arith.constant 0 : i32
        %get3A_945 = arith.constant 0 : i32
        %get3A_946 = tpu.memref_slice %arg9[%scan3A_252, %get3A_944, %get3A_945] : memref<2x256x64xf32, #tpu.memory_space<vmem>> -> memref<1x256x64xf32, #tpu.memory_space<vmem>>
        %get3A_947 = tpu.memref_squeeze %get3A_946 : memref<1x256x64xf32, #tpu.memory_space<vmem>> -> memref<256x64xf32, #tpu.memory_space<vmem>>
        %get3A_948 = arith.index_cast %add3A_943 : i32 to index
        %get3A_949 = arith.constant 32 : index
        %get3A_950 = tpu.vector_load %get3A_947[%get3A_948, %get3A_949] {strides = array<i32>} : memref<256x64xf32, #tpu.memory_space<vmem>>, vector<1x16xf32>,
        %get3A_951 = vector.shape_cast %get3A_950 : vector<1x16xf32> to vector<16xf32>
        %mul3A_952 = arith.constant 8.000000e+00 : f32
        %mul3A_953 = vector.broadcast %mul3A_952 : f32 to vector<16xf32>
        %mul3A_954 = arith.mulf %get3A_951, %mul3A_953 : vector<16xf32>
        %add3A_955 = arith.constant 4 : i32
        %add3A_956 = arith.addi %mul3A_311, %add3A_955 : i32
        %get3A_957 = arith.constant 0 : i32
        %get3A_958 = arith.constant 0 : i32
        %get3A_959 = tpu.memref_slice %arg10[%scan3A_253, %get3A_957, %get3A_958] : memref<2x256x64xf32, #tpu.memory_space<vmem>> -> memref<1x256x64xf32, #tpu.memory_space<vmem>>
        %get3A_960 = tpu.memref_squeeze %get3A_959 : memref<1x256x64xf32, #tpu.memory_space<vmem>> -> memref<256x64xf32, #tpu.memory_space<vmem>>
        %get3A_961 = arith.index_cast %add3A_956 : i32 to index
        %get3A_962 = arith.constant 32 : index
        %get3A_963 = tpu.vector_load %get3A_960[%get3A_961, %get3A_962] {strides = array<i32>} : memref<256x64xf32, #tpu.memory_space<vmem>>, vector<1x16xf32>,
        %get3A_964 = vector.shape_cast %get3A_963 : vector<1x16xf32> to vector<16xf32>
        %add3A_965 = arith.addf %mul3A_954, %get3A_964 : vector<16xf32>
        %add3A_966 = arith.constant 2 : i32
        %add3A_967 = arith.addi %mul3A_313, %add3A_966 : i32
        %swap3A_968 = arith.constant 0 : i32
        %swap3A_969 = arith.constant 0 : i32
        %swap3A_970 = tpu.memref_slice %arg11[%scan3A_254, %swap3A_968, %swap3A_969] : memref<2x128x128xf32, #tpu.memory_space<vmem>> -> memref<1x128x128xf32, #tpu.memory_space<vmem>>
        %swap3A_971 = tpu.memref_squeeze %swap3A_970 : memref<1x128x128xf32, #tpu.memory_space<vmem>> -> memref<128x128xf32, #tpu.memory_space<vmem>>
        %swap3A_972 = arith.index_cast %add3A_967 : i32 to index
        %swap3A_973 = arith.constant 32 : index
        %swap3A_974 = tpu.vector_load %swap3A_971[%swap3A_972, %swap3A_973] {strides = array<i32>} : memref<128x128xf32, #tpu.memory_space<vmem>>, vector<1x16xf32>,
        %swap3A_975 = vector.shape_cast %swap3A_974 : vector<1x16xf32> to vector<16xf32>
        %swap3A_976 = vector.shape_cast %add3A_965 : vector<16xf32> to vector<1x16xf32>
        tpu.vector_store %swap3A_971[%swap3A_972, %swap3A_973], %swap3A_976 {strides = array<i32>} : memref<128x128xf32, #tpu.memory_space<vmem>>, vector<1x16xf32>,
        %add3A_977 = arith.constant 4 : i32
        %add3A_978 = arith.addi %mul3A_311, %add3A_977 : i32
        %get3A_979 = arith.constant 0 : i32
        %get3A_980 = arith.constant 0 : i32
        %get3A_981 = tpu.memref_slice %arg9[%scan3A_252, %get3A_979, %get3A_980] : memref<2x256x64xf32, #tpu.memory_space<vmem>> -> memref<1x256x64xf32, #tpu.memory_space<vmem>>
        %get3A_982 = tpu.memref_squeeze %get3A_981 : memref<1x256x64xf32, #tpu.memory_space<vmem>> -> memref<256x64xf32, #tpu.memory_space<vmem>>
        %get3A_983 = arith.index_cast %add3A_978 : i32 to index
        %get3A_984 = arith.constant 48 : index
        %get3A_985 = tpu.vector_load %get3A_982[%get3A_983, %get3A_984] {strides = array<i32>} : memref<256x64xf32, #tpu.memory_space<vmem>>, vector<1x16xf32>,
        %get3A_986 = vector.shape_cast %get3A_985 : vector<1x16xf32> to vector<16xf32>
        %mul3A_987 = arith.constant 8.000000e+00 : f32
        %mul3A_988 = vector.broadcast %mul3A_987 : f32 to vector<16xf32>
        %mul3A_989 = arith.mulf %get3A_986, %mul3A_988 : vector<16xf32>
        %add3A_990 = arith.constant 4 : i32
        %add3A_991 = arith.addi %mul3A_311, %add3A_990 : i32
        %get3A_992 = arith.constant 0 : i32
        %get3A_993 = arith.constant 0 : i32
        %get3A_994 = tpu.memref_slice %arg10[%scan3A_253, %get3A_992, %get3A_993] : memref<2x256x64xf32, #tpu.memory_space<vmem>> -> memref<1x256x64xf32, #tpu.memory_space<vmem>>
        %get3A_995 = tpu.memref_squeeze %get3A_994 : memref<1x256x64xf32, #tpu.memory_space<vmem>> -> memref<256x64xf32, #tpu.memory_space<vmem>>
        %get3A_996 = arith.index_cast %add3A_991 : i32 to index
        %get3A_997 = arith.constant 48 : index
        %get3A_998 = tpu.vector_load %get3A_995[%get3A_996, %get3A_997] {strides = array<i32>} : memref<256x64xf32, #tpu.memory_space<vmem>>, vector<1x16xf32>,
        %get3A_999 = vector.shape_cast %get3A_998 : vector<1x16xf32> to vector<16xf32>
        %add3A_1000 = arith.addf %mul3A_989, %get3A_999 : vector<16xf32>
        %add3A_1001 = arith.constant 2 : i32
        %add3A_1002 = arith.addi %mul3A_313, %add3A_1001 : i32
        %swap3A_1003 = arith.constant 0 : i32
        %swap3A_1004 = arith.constant 0 : i32
        %swap3A_1005 = tpu.memref_slice %arg11[%scan3A_254, %swap3A_1003, %swap3A_1004] : memref<2x128x128xf32, #tpu.memory_space<vmem>> -> memref<1x128x128xf32, #tpu.memory_space<vmem>>
        %swap3A_1006 = tpu.memref_squeeze %swap3A_1005 : memref<1x128x128xf32, #tpu.memory_space<vmem>> -> memref<128x128xf32, #tpu.memory_space<vmem>>
        %swap3A_1007 = arith.index_cast %add3A_1002 : i32 to index
        %swap3A_1008 = arith.constant 48 : index
        %swap3A_1009 = tpu.vector_load %swap3A_1006[%swap3A_1007, %swap3A_1008] {strides = array<i32>} : memref<128x128xf32, #tpu.memory_space<vmem>>, vector<1x16xf32>,
        %swap3A_1010 = vector.shape_cast %swap3A_1009 : vector<1x16xf32> to vector<16xf32>
        %swap3A_1011 = vector.shape_cast %add3A_1000 : vector<16xf32> to vector<1x16xf32>
        tpu.vector_store %swap3A_1006[%swap3A_1007, %swap3A_1008], %swap3A_1011 {strides = array<i32>} : memref<128x128xf32, #tpu.memory_space<vmem>>, vector<1x16xf32>,
        %add3A_1012 = arith.constant 5 : i32
        %add3A_1013 = arith.addi %mul3A_311, %add3A_1012 : i32
        %get3A_1014 = arith.constant 0 : i32
        %get3A_1015 = arith.constant 0 : i32
        %get3A_1016 = tpu.memref_slice %arg9[%scan3A_252, %get3A_1014, %get3A_1015] : memref<2x256x64xf32, #tpu.memory_space<vmem>> -> memref<1x256x64xf32, #tpu.memory_space<vmem>>
        %get3A_1017 = tpu.memref_squeeze %get3A_1016 : memref<1x256x64xf32, #tpu.memory_space<vmem>> -> memref<256x64xf32, #tpu.memory_space<vmem>>
        %get3A_1018 = arith.index_cast %add3A_1013 : i32 to index
        %get3A_1019 = arith.constant 0 : index
        %get3A_1020 = tpu.vector_load %get3A_1017[%get3A_1018, %get3A_1019] {strides = array<i32>} : memref<256x64xf32, #tpu.memory_space<vmem>>, vector<1x16xf32>,
        %get3A_1021 = vector.shape_cast %get3A_1020 : vector<1x16xf32> to vector<16xf32>
        %mul3A_1022 = arith.constant 8.000000e+00 : f32
        %mul3A_1023 = vector.broadcast %mul3A_1022 : f32 to vector<16xf32>
        %mul3A_1024 = arith.mulf %get3A_1021, %mul3A_1023 : vector<16xf32>
        %add3A_1025 = arith.constant 5 : i32
        %add3A_1026 = arith.addi %mul3A_311, %add3A_1025 : i32
        %get3A_1027 = arith.constant 0 : i32
        %get3A_1028 = arith.constant 0 : i32
        %get3A_1029 = tpu.memref_slice %arg10[%scan3A_253, %get3A_1027, %get3A_1028] : memref<2x256x64xf32, #tpu.memory_space<vmem>> -> memref<1x256x64xf32, #tpu.memory_space<vmem>>
        %get3A_1030 = tpu.memref_squeeze %get3A_1029 : memref<1x256x64xf32, #tpu.memory_space<vmem>> -> memref<256x64xf32, #tpu.memory_space<vmem>>
        %get3A_1031 = arith.index_cast %add3A_1026 : i32 to index
        %get3A_1032 = arith.constant 0 : index
        %get3A_1033 = tpu.vector_load %get3A_1030[%get3A_1031, %get3A_1032] {strides = array<i32>} : memref<256x64xf32, #tpu.memory_space<vmem>>, vector<1x16xf32>,
        %get3A_1034 = vector.shape_cast %get3A_1033 : vector<1x16xf32> to vector<16xf32>
        %add3A_1035 = arith.addf %mul3A_1024, %get3A_1034 : vector<16xf32>
        %add3A_1036 = arith.constant 2 : i32
        %add3A_1037 = arith.addi %mul3A_313, %add3A_1036 : i32
        %swap3A_1038 = arith.constant 0 : i32
        %swap3A_1039 = arith.constant 0 : i32
        %swap3A_1040 = tpu.memref_slice %arg11[%scan3A_254, %swap3A_1038, %swap3A_1039] : memref<2x128x128xf32, #tpu.memory_space<vmem>> -> memref<1x128x128xf32, #tpu.memory_space<vmem>>
        %swap3A_1041 = tpu.memref_squeeze %swap3A_1040 : memref<1x128x128xf32, #tpu.memory_space<vmem>> -> memref<128x128xf32, #tpu.memory_space<vmem>>
        %swap3A_1042 = arith.index_cast %add3A_1037 : i32 to index
        %swap3A_1043 = arith.constant 64 : index
        %swap3A_1044 = tpu.vector_load %swap3A_1041[%swap3A_1042, %swap3A_1043] {strides = array<i32>} : memref<128x128xf32, #tpu.memory_space<vmem>>, vector<1x16xf32>,
        %swap3A_1045 = vector.shape_cast %swap3A_1044 : vector<1x16xf32> to vector<16xf32>
        %swap3A_1046 = vector.shape_cast %add3A_1035 : vector<16xf32> to vector<1x16xf32>
        tpu.vector_store %swap3A_1041[%swap3A_1042, %swap3A_1043], %swap3A_1046 {strides = array<i32>} : memref<128x128xf32, #tpu.memory_space<vmem>>, vector<1x16xf32>,
        %add3A_1047 = arith.constant 5 : i32
        %add3A_1048 = arith.addi %mul3A_311, %add3A_1047 : i32
        %get3A_1049 = arith.constant 0 : i32
        %get3A_1050 = arith.constant 0 : i32
        %get3A_1051 = tpu.memref_slice %arg9[%scan3A_252, %get3A_1049, %get3A_1050] : memref<2x256x64xf32, #tpu.memory_space<vmem>> -> memref<1x256x64xf32, #tpu.memory_space<vmem>>
        %get3A_1052 = tpu.memref_squeeze %get3A_1051 : memref<1x256x64xf32, #tpu.memory_space<vmem>> -> memref<256x64xf32, #tpu.memory_space<vmem>>
        %get3A_1053 = arith.index_cast %add3A_1048 : i32 to index
        %get3A_1054 = arith.constant 16 : index
        %get3A_1055 = tpu.vector_load %get3A_1052[%get3A_1053, %get3A_1054] {strides = array<i32>} : memref<256x64xf32, #tpu.memory_space<vmem>>, vector<1x16xf32>,
        %get3A_1056 = vector.shape_cast %get3A_1055 : vector<1x16xf32> to vector<16xf32>
        %mul3A_1057 = arith.constant 8.000000e+00 : f32
        %mul3A_1058 = vector.broadcast %mul3A_1057 : f32 to vector<16xf32>
        %mul3A_1059 = arith.mulf %get3A_1056, %mul3A_1058 : vector<16xf32>
        %add3A_1060 = arith.constant 5 : i32
        %add3A_1061 = arith.addi %mul3A_311, %add3A_1060 : i32
        %get3A_1062 = arith.constant 0 : i32
        %get3A_1063 = arith.constant 0 : i32
        %get3A_1064 = tpu.memref_slice %arg10[%scan3A_253, %get3A_1062, %get3A_1063] : memref<2x256x64xf32, #tpu.memory_space<vmem>> -> memref<1x256x64xf32, #tpu.memory_space<vmem>>
        %get3A_1065 = tpu.memref_squeeze %get3A_1064 : memref<1x256x64xf32, #tpu.memory_space<vmem>> -> memref<256x64xf32, #tpu.memory_space<vmem>>
        %get3A_1066 = arith.index_cast %add3A_1061 : i32 to index
        %get3A_1067 = arith.constant 16 : index
        %get3A_1068 = tpu.vector_load %get3A_1065[%get3A_1066, %get3A_1067] {strides = array<i32>} : memref<256x64xf32, #tpu.memory_space<vmem>>, vector<1x16xf32>,
        %get3A_1069 = vector.shape_cast %get3A_1068 : vector<1x16xf32> to vector<16xf32>
        %add3A_1070 = arith.addf %mul3A_1059, %get3A_1069 : vector<16xf32>
        %add3A_1071 = arith.constant 2 : i32
        %add3A_1072 = arith.addi %mul3A_313, %add3A_1071 : i32
        %swap3A_1073 = arith.constant 0 : i32
        %swap3A_1074 = arith.constant 0 : i32
        %swap3A_1075 = tpu.memref_slice %arg11[%scan3A_254, %swap3A_1073, %swap3A_1074] : memref<2x128x128xf32, #tpu.memory_space<vmem>> -> memref<1x128x128xf32, #tpu.memory_space<vmem>>
        %swap3A_1076 = tpu.memref_squeeze %swap3A_1075 : memref<1x128x128xf32, #tpu.memory_space<vmem>> -> memref<128x128xf32, #tpu.memory_space<vmem>>
        %swap3A_1077 = arith.index_cast %add3A_1072 : i32 to index
        %swap3A_1078 = arith.constant 80 : index
        %swap3A_1079 = tpu.vector_load %swap3A_1076[%swap3A_1077, %swap3A_1078] {strides = array<i32>} : memref<128x128xf32, #tpu.memory_space<vmem>>, vector<1x16xf32>,
        %swap3A_1080 = vector.shape_cast %swap3A_1079 : vector<1x16xf32> to vector<16xf32>
        %swap3A_1081 = vector.shape_cast %add3A_1070 : vector<16xf32> to vector<1x16xf32>
        tpu.vector_store %swap3A_1076[%swap3A_1077, %swap3A_1078], %swap3A_1081 {strides = array<i32>} : memref<128x128xf32, #tpu.memory_space<vmem>>, vector<1x16xf32>,
        %add3A_1082 = arith.constant 5 : i32
        %add3A_1083 = arith.addi %mul3A_311, %add3A_1082 : i32
        %get3A_1084 = arith.constant 0 : i32
        %get3A_1085 = arith.constant 0 : i32
        %get3A_1086 = tpu.memref_slice %arg9[%scan3A_252, %get3A_1084, %get3A_1085] : memref<2x256x64xf32, #tpu.memory_space<vmem>> -> memref<1x256x64xf32, #tpu.memory_space<vmem>>
        %get3A_1087 = tpu.memref_squeeze %get3A_1086 : memref<1x256x64xf32, #tpu.memory_space<vmem>> -> memref<256x64xf32, #tpu.memory_space<vmem>>
        %get3A_1088 = arith.index_cast %add3A_1083 : i32 to index
        %get3A_1089 = arith.constant 32 : index
        %get3A_1090 = tpu.vector_load %get3A_1087[%get3A_1088, %get3A_1089] {strides = array<i32>} : memref<256x64xf32, #tpu.memory_space<vmem>>, vector<1x16xf32>,
        %get3A_1091 = vector.shape_cast %get3A_1090 : vector<1x16xf32> to vector<16xf32>
        %mul3A_1092 = arith.constant 8.000000e+00 : f32
        %mul3A_1093 = vector.broadcast %mul3A_1092 : f32 to vector<16xf32>
        %mul3A_1094 = arith.mulf %get3A_1091, %mul3A_1093 : vector<16xf32>
        %add3A_1095 = arith.constant 5 : i32
        %add3A_1096 = arith.addi %mul3A_311, %add3A_1095 : i32
        %get3A_1097 = arith.constant 0 : i32
        %get3A_1098 = arith.constant 0 : i32
        %get3A_1099 = tpu.memref_slice %arg10[%scan3A_253, %get3A_1097, %get3A_1098] : memref<2x256x64xf32, #tpu.memory_space<vmem>> -> memref<1x256x64xf32, #tpu.memory_space<vmem>>
        %get3A_1100 = tpu.memref_squeeze %get3A_1099 : memref<1x256x64xf32, #tpu.memory_space<vmem>> -> memref<256x64xf32, #tpu.memory_space<vmem>>
        %get3A_1101 = arith.index_cast %add3A_1096 : i32 to index
        %get3A_1102 = arith.constant 32 : index
        %get3A_1103 = tpu.vector_load %get3A_1100[%get3A_1101, %get3A_1102] {strides = array<i32>} : memref<256x64xf32, #tpu.memory_space<vmem>>, vector<1x16xf32>,
        %get3A_1104 = vector.shape_cast %get3A_1103 : vector<1x16xf32> to vector<16xf32>
        %add3A_1105 = arith.addf %mul3A_1094, %get3A_1104 : vector<16xf32>
        %add3A_1106 = arith.constant 2 : i32
        %add3A_1107 = arith.addi %mul3A_313, %add3A_1106 : i32
        %swap3A_1108 = arith.constant 0 : i32
        %swap3A_1109 = arith.constant 0 : i32
        %swap3A_1110 = tpu.memref_slice %arg11[%scan3A_254, %swap3A_1108, %swap3A_1109] : memref<2x128x128xf32, #tpu.memory_space<vmem>> -> memref<1x128x128xf32, #tpu.memory_space<vmem>>
        %swap3A_1111 = tpu.memref_squeeze %swap3A_1110 : memref<1x128x128xf32, #tpu.memory_space<vmem>> -> memref<128x128xf32, #tpu.memory_space<vmem>>
        %swap3A_1112 = arith.index_cast %add3A_1107 : i32 to index
        %swap3A_1113 = arith.constant 96 : index
        %swap3A_1114 = tpu.vector_load %swap3A_1111[%swap3A_1112, %swap3A_1113] {strides = array<i32>} : memref<128x128xf32, #tpu.memory_space<vmem>>, vector<1x16xf32>,
        %swap3A_1115 = vector.shape_cast %swap3A_1114 : vector<1x16xf32> to vector<16xf32>
        %swap3A_1116 = vector.shape_cast %add3A_1105 : vector<16xf32> to vector<1x16xf32>
        tpu.vector_store %swap3A_1111[%swap3A_1112, %swap3A_1113], %swap3A_1116 {strides = array<i32>} : memref<128x128xf32, #tpu.memory_space<vmem>>, vector<1x16xf32>,
        %add3A_1117 = arith.constant 5 : i32
        %add3A_1118 = arith.addi %mul3A_311, %add3A_1117 : i32
        %get3A_1119 = arith.constant 0 : i32
        %get3A_1120 = arith.constant 0 : i32
        %get3A_1121 = tpu.memref_slice %arg9[%scan3A_252, %get3A_1119, %get3A_1120] : memref<2x256x64xf32, #tpu.memory_space<vmem>> -> memref<1x256x64xf32, #tpu.memory_space<vmem>>
        %get3A_1122 = tpu.memref_squeeze %get3A_1121 : memref<1x256x64xf32, #tpu.memory_space<vmem>> -> memref<256x64xf32, #tpu.memory_space<vmem>>
        %get3A_1123 = arith.index_cast %add3A_1118 : i32 to index
        %get3A_1124 = arith.constant 48 : index
        %get3A_1125 = tpu.vector_load %get3A_1122[%get3A_1123, %get3A_1124] {strides = array<i32>} : memref<256x64xf32, #tpu.memory_space<vmem>>, vector<1x16xf32>,
        %get3A_1126 = vector.shape_cast %get3A_1125 : vector<1x16xf32> to vector<16xf32>
        %mul3A_1127 = arith.constant 8.000000e+00 : f32
        %mul3A_1128 = vector.broadcast %mul3A_1127 : f32 to vector<16xf32>
        %mul3A_1129 = arith.mulf %get3A_1126, %mul3A_1128 : vector<16xf32>
        %add3A_1130 = arith.constant 5 : i32
        %add3A_1131 = arith.addi %mul3A_311, %add3A_1130 : i32
        %get3A_1132 = arith.constant 0 : i32
        %get3A_1133 = arith.constant 0 : i32
        %get3A_1134 = tpu.memref_slice %arg10[%scan3A_253, %get3A_1132, %get3A_1133] : memref<2x256x64xf32, #tpu.memory_space<vmem>> -> memref<1x256x64xf32, #tpu.memory_space<vmem>>
        %get3A_1135 = tpu.memref_squeeze %get3A_1134 : memref<1x256x64xf32, #tpu.memory_space<vmem>> -> memref<256x64xf32, #tpu.memory_space<vmem>>
        %get3A_1136 = arith.index_cast %add3A_1131 : i32 to index
        %get3A_1137 = arith.constant 48 : index
        %get3A_1138 = tpu.vector_load %get3A_1135[%get3A_1136, %get3A_1137] {strides = array<i32>} : memref<256x64xf32, #tpu.memory_space<vmem>>, vector<1x16xf32>,
        %get3A_1139 = vector.shape_cast %get3A_1138 : vector<1x16xf32> to vector<16xf32>
        %add3A_1140 = arith.addf %mul3A_1129, %get3A_1139 : vector<16xf32>
        %add3A_1141 = arith.constant 2 : i32
        %add3A_1142 = arith.addi %mul3A_313, %add3A_1141 : i32
        %swap3A_1143 = arith.constant 0 : i32
        %swap3A_1144 = arith.constant 0 : i32
        %swap3A_1145 = tpu.memref_slice %arg11[%scan3A_254, %swap3A_1143, %swap3A_1144] : memref<2x128x128xf32, #tpu.memory_space<vmem>> -> memref<1x128x128xf32, #tpu.memory_space<vmem>>
        %swap3A_1146 = tpu.memref_squeeze %swap3A_1145 : memref<1x128x128xf32, #tpu.memory_space<vmem>> -> memref<128x128xf32, #tpu.memory_space<vmem>>
        %swap3A_1147 = arith.index_cast %add3A_1142 : i32 to index
        %swap3A_1148 = arith.constant 112 : index
        %swap3A_1149 = tpu.vector_load %swap3A_1146[%swap3A_1147, %swap3A_1148] {strides = array<i32>} : memref<128x128xf32, #tpu.memory_space<vmem>>, vector<1x16xf32>,
        %swap3A_1150 = vector.shape_cast %swap3A_1149 : vector<1x16xf32> to vector<16xf32>
        %swap3A_1151 = vector.shape_cast %add3A_1140 : vector<16xf32> to vector<1x16xf32>
        tpu.vector_store %swap3A_1146[%swap3A_1147, %swap3A_1148], %swap3A_1151 {strides = array<i32>} : memref<128x128xf32, #tpu.memory_space<vmem>>, vector<1x16xf32>,
        %add3A_1152 = arith.constant 6 : i32
        %add3A_1153 = arith.addi %mul3A_311, %add3A_1152 : i32
        %get3A_1154 = arith.constant 0 : i32
        %get3A_1155 = arith.constant 0 : i32
        %get3A_1156 = tpu.memref_slice %arg9[%scan3A_252, %get3A_1154, %get3A_1155] : memref<2x256x64xf32, #tpu.memory_space<vmem>> -> memref<1x256x64xf32, #tpu.memory_space<vmem>>
        %get3A_1157 = tpu.memref_squeeze %get3A_1156 : memref<1x256x64xf32, #tpu.memory_space<vmem>> -> memref<256x64xf32, #tpu.memory_space<vmem>>
        %get3A_1158 = arith.index_cast %add3A_1153 : i32 to index
        %get3A_1159 = arith.constant 0 : index
        %get3A_1160 = tpu.vector_load %get3A_1157[%get3A_1158, %get3A_1159] {strides = array<i32>} : memref<256x64xf32, #tpu.memory_space<vmem>>, vector<1x16xf32>,
        %get3A_1161 = vector.shape_cast %get3A_1160 : vector<1x16xf32> to vector<16xf32>
        %mul3A_1162 = arith.constant 8.000000e+00 : f32
        %mul3A_1163 = vector.broadcast %mul3A_1162 : f32 to vector<16xf32>
        %mul3A_1164 = arith.mulf %get3A_1161, %mul3A_1163 : vector<16xf32>
        %add3A_1165 = arith.constant 6 : i32
        %add3A_1166 = arith.addi %mul3A_311, %add3A_1165 : i32
        %get3A_1167 = arith.constant 0 : i32
        %get3A_1168 = arith.constant 0 : i32
        %get3A_1169 = tpu.memref_slice %arg10[%scan3A_253, %get3A_1167, %get3A_1168] : memref<2x256x64xf32, #tpu.memory_space<vmem>> -> memref<1x256x64xf32, #tpu.memory_space<vmem>>
        %get3A_1170 = tpu.memref_squeeze %get3A_1169 : memref<1x256x64xf32, #tpu.memory_space<vmem>> -> memref<256x64xf32, #tpu.memory_space<vmem>>
        %get3A_1171 = arith.index_cast %add3A_1166 : i32 to index
        %get3A_1172 = arith.constant 0 : index
        %get3A_1173 = tpu.vector_load %get3A_1170[%get3A_1171, %get3A_1172] {strides = array<i32>} : memref<256x64xf32, #tpu.memory_space<vmem>>, vector<1x16xf32>,
        %get3A_1174 = vector.shape_cast %get3A_1173 : vector<1x16xf32> to vector<16xf32>
        %add3A_1175 = arith.addf %mul3A_1164, %get3A_1174 : vector<16xf32>
        %add3A_1176 = arith.constant 3 : i32
        %add3A_1177 = arith.addi %mul3A_313, %add3A_1176 : i32
        %swap3A_1178 = arith.constant 0 : i32
        %swap3A_1179 = arith.constant 0 : i32
        %swap3A_1180 = tpu.memref_slice %arg11[%scan3A_254, %swap3A_1178, %swap3A_1179] : memref<2x128x128xf32, #tpu.memory_space<vmem>> -> memref<1x128x128xf32, #tpu.memory_space<vmem>>
        %swap3A_1181 = tpu.memref_squeeze %swap3A_1180 : memref<1x128x128xf32, #tpu.memory_space<vmem>> -> memref<128x128xf32, #tpu.memory_space<vmem>>
        %swap3A_1182 = arith.index_cast %add3A_1177 : i32 to index
        %swap3A_1183 = arith.constant 0 : index
        %swap3A_1184 = tpu.vector_load %swap3A_1181[%swap3A_1182, %swap3A_1183] {strides = array<i32>} : memref<128x128xf32, #tpu.memory_space<vmem>>, vector<1x16xf32>,
        %swap3A_1185 = vector.shape_cast %swap3A_1184 : vector<1x16xf32> to vector<16xf32>
        %swap3A_1186 = vector.shape_cast %add3A_1175 : vector<16xf32> to vector<1x16xf32>
        tpu.vector_store %swap3A_1181[%swap3A_1182, %swap3A_1183], %swap3A_1186 {strides = array<i32>} : memref<128x128xf32, #tpu.memory_space<vmem>>, vector<1x16xf32>,
        %add3A_1187 = arith.constant 6 : i32
        %add3A_1188 = arith.addi %mul3A_311, %add3A_1187 : i32
        %get3A_1189 = arith.constant 0 : i32
        %get3A_1190 = arith.constant 0 : i32
        %get3A_1191 = tpu.memref_slice %arg9[%scan3A_252, %get3A_1189, %get3A_1190] : memref<2x256x64xf32, #tpu.memory_space<vmem>> -> memref<1x256x64xf32, #tpu.memory_space<vmem>>
        %get3A_1192 = tpu.memref_squeeze %get3A_1191 : memref<1x256x64xf32, #tpu.memory_space<vmem>> -> memref<256x64xf32, #tpu.memory_space<vmem>>
        %get3A_1193 = arith.index_cast %add3A_1188 : i32 to index
        %get3A_1194 = arith.constant 16 : index
        %get3A_1195 = tpu.vector_load %get3A_1192[%get3A_1193, %get3A_1194] {strides = array<i32>} : memref<256x64xf32, #tpu.memory_space<vmem>>, vector<1x16xf32>,
        %get3A_1196 = vector.shape_cast %get3A_1195 : vector<1x16xf32> to vector<16xf32>
        %mul3A_1197 = arith.constant 8.000000e+00 : f32
        %mul3A_1198 = vector.broadcast %mul3A_1197 : f32 to vector<16xf32>
        %mul3A_1199 = arith.mulf %get3A_1196, %mul3A_1198 : vector<16xf32>
        %add3A_1200 = arith.constant 6 : i32
        %add3A_1201 = arith.addi %mul3A_311, %add3A_1200 : i32
        %get3A_1202 = arith.constant 0 : i32
        %get3A_1203 = arith.constant 0 : i32
        %get3A_1204 = tpu.memref_slice %arg10[%scan3A_253, %get3A_1202, %get3A_1203] : memref<2x256x64xf32, #tpu.memory_space<vmem>> -> memref<1x256x64xf32, #tpu.memory_space<vmem>>
        %get3A_1205 = tpu.memref_squeeze %get3A_1204 : memref<1x256x64xf32, #tpu.memory_space<vmem>> -> memref<256x64xf32, #tpu.memory_space<vmem>>
        %get3A_1206 = arith.index_cast %add3A_1201 : i32 to index
        %get3A_1207 = arith.constant 16 : index
        %get3A_1208 = tpu.vector_load %get3A_1205[%get3A_1206, %get3A_1207] {strides = array<i32>} : memref<256x64xf32, #tpu.memory_space<vmem>>, vector<1x16xf32>,
        %get3A_1209 = vector.shape_cast %get3A_1208 : vector<1x16xf32> to vector<16xf32>
        %add3A_1210 = arith.addf %mul3A_1199, %get3A_1209 : vector<16xf32>
        %add3A_1211 = arith.constant 3 : i32
        %add3A_1212 = arith.addi %mul3A_313, %add3A_1211 : i32
        %swap3A_1213 = arith.constant 0 : i32
        %swap3A_1214 = arith.constant 0 : i32
        %swap3A_1215 = tpu.memref_slice %arg11[%scan3A_254, %swap3A_1213, %swap3A_1214] : memref<2x128x128xf32, #tpu.memory_space<vmem>> -> memref<1x128x128xf32, #tpu.memory_space<vmem>>
        %swap3A_1216 = tpu.memref_squeeze %swap3A_1215 : memref<1x128x128xf32, #tpu.memory_space<vmem>> -> memref<128x128xf32, #tpu.memory_space<vmem>>
        %swap3A_1217 = arith.index_cast %add3A_1212 : i32 to index
        %swap3A_1218 = arith.constant 16 : index
        %swap3A_1219 = tpu.vector_load %swap3A_1216[%swap3A_1217, %swap3A_1218] {strides = array<i32>} : memref<128x128xf32, #tpu.memory_space<vmem>>, vector<1x16xf32>,
        %swap3A_1220 = vector.shape_cast %swap3A_1219 : vector<1x16xf32> to vector<16xf32>
        %swap3A_1221 = vector.shape_cast %add3A_1210 : vector<16xf32> to vector<1x16xf32>
        tpu.vector_store %swap3A_1216[%swap3A_1217, %swap3A_1218], %swap3A_1221 {strides = array<i32>} : memref<128x128xf32, #tpu.memory_space<vmem>>, vector<1x16xf32>,
        %add3A_1222 = arith.constant 6 : i32
        %add3A_1223 = arith.addi %mul3A_311, %add3A_1222 : i32
        %get3A_1224 = arith.constant 0 : i32
        %get3A_1225 = arith.constant 0 : i32
        %get3A_1226 = tpu.memref_slice %arg9[%scan3A_252, %get3A_1224, %get3A_1225] : memref<2x256x64xf32, #tpu.memory_space<vmem>> -> memref<1x256x64xf32, #tpu.memory_space<vmem>>
        %get3A_1227 = tpu.memref_squeeze %get3A_1226 : memref<1x256x64xf32, #tpu.memory_space<vmem>> -> memref<256x64xf32, #tpu.memory_space<vmem>>
        %get3A_1228 = arith.index_cast %add3A_1223 : i32 to index
        %get3A_1229 = arith.constant 32 : index
        %get3A_1230 = tpu.vector_load %get3A_1227[%get3A_1228, %get3A_1229] {strides = array<i32>} : memref<256x64xf32, #tpu.memory_space<vmem>>, vector<1x16xf32>,
        %get3A_1231 = vector.shape_cast %get3A_1230 : vector<1x16xf32> to vector<16xf32>
        %mul3A_1232 = arith.constant 8.000000e+00 : f32
        %mul3A_1233 = vector.broadcast %mul3A_1232 : f32 to vector<16xf32>
        %mul3A_1234 = arith.mulf %get3A_1231, %mul3A_1233 : vector<16xf32>
        %add3A_1235 = arith.constant 6 : i32
        %add3A_1236 = arith.addi %mul3A_311, %add3A_1235 : i32
        %get3A_1237 = arith.constant 0 : i32
        %get3A_1238 = arith.constant 0 : i32
        %get3A_1239 = tpu.memref_slice %arg10[%scan3A_253, %get3A_1237, %get3A_1238] : memref<2x256x64xf32, #tpu.memory_space<vmem>> -> memref<1x256x64xf32, #tpu.memory_space<vmem>>
        %get3A_1240 = tpu.memref_squeeze %get3A_1239 : memref<1x256x64xf32, #tpu.memory_space<vmem>> -> memref<256x64xf32, #tpu.memory_space<vmem>>
        %get3A_1241 = arith.index_cast %add3A_1236 : i32 to index
        %get3A_1242 = arith.constant 32 : index
        %get3A_1243 = tpu.vector_load %get3A_1240[%get3A_1241, %get3A_1242] {strides = array<i32>} : memref<256x64xf32, #tpu.memory_space<vmem>>, vector<1x16xf32>,
        %get3A_1244 = vector.shape_cast %get3A_1243 : vector<1x16xf32> to vector<16xf32>
        %add3A_1245 = arith.addf %mul3A_1234, %get3A_1244 : vector<16xf32>
        %add3A_1246 = arith.constant 3 : i32
        %add3A_1247 = arith.addi %mul3A_313, %add3A_1246 : i32
        %swap3A_1248 = arith.constant 0 : i32
        %swap3A_1249 = arith.constant 0 : i32
        %swap3A_1250 = tpu.memref_slice %arg11[%scan3A_254, %swap3A_1248, %swap3A_1249] : memref<2x128x128xf32, #tpu.memory_space<vmem>> -> memref<1x128x128xf32, #tpu.memory_space<vmem>>
        %swap3A_1251 = tpu.memref_squeeze %swap3A_1250 : memref<1x128x128xf32, #tpu.memory_space<vmem>> -> memref<128x128xf32, #tpu.memory_space<vmem>>
        %swap3A_1252 = arith.index_cast %add3A_1247 : i32 to index
        %swap3A_1253 = arith.constant 32 : index
        %swap3A_1254 = tpu.vector_load %swap3A_1251[%swap3A_1252, %swap3A_1253] {strides = array<i32>} : memref<128x128xf32, #tpu.memory_space<vmem>>, vector<1x16xf32>,
        %swap3A_1255 = vector.shape_cast %swap3A_1254 : vector<1x16xf32> to vector<16xf32>
        %swap3A_1256 = vector.shape_cast %add3A_1245 : vector<16xf32> to vector<1x16xf32>
        tpu.vector_store %swap3A_1251[%swap3A_1252, %swap3A_1253], %swap3A_1256 {strides = array<i32>} : memref<128x128xf32, #tpu.memory_space<vmem>>, vector<1x16xf32>,
        %add3A_1257 = arith.constant 6 : i32
        %add3A_1258 = arith.addi %mul3A_311, %add3A_1257 : i32
        %get3A_1259 = arith.constant 0 : i32
        %get3A_1260 = arith.constant 0 : i32
        %get3A_1261 = tpu.memref_slice %arg9[%scan3A_252, %get3A_1259, %get3A_1260] : memref<2x256x64xf32, #tpu.memory_space<vmem>> -> memref<1x256x64xf32, #tpu.memory_space<vmem>>
        %get3A_1262 = tpu.memref_squeeze %get3A_1261 : memref<1x256x64xf32, #tpu.memory_space<vmem>> -> memref<256x64xf32, #tpu.memory_space<vmem>>
        %get3A_1263 = arith.index_cast %add3A_1258 : i32 to index
        %get3A_1264 = arith.constant 48 : index
        %get3A_1265 = tpu.vector_load %get3A_1262[%get3A_1263, %get3A_1264] {strides = array<i32>} : memref<256x64xf32, #tpu.memory_space<vmem>>, vector<1x16xf32>,
        %get3A_1266 = vector.shape_cast %get3A_1265 : vector<1x16xf32> to vector<16xf32>
        %mul3A_1267 = arith.constant 8.000000e+00 : f32
        %mul3A_1268 = vector.broadcast %mul3A_1267 : f32 to vector<16xf32>
        %mul3A_1269 = arith.mulf %get3A_1266, %mul3A_1268 : vector<16xf32>
        %add3A_1270 = arith.constant 6 : i32
        %add3A_1271 = arith.addi %mul3A_311, %add3A_1270 : i32
        %get3A_1272 = arith.constant 0 : i32
        %get3A_1273 = arith.constant 0 : i32
        %get3A_1274 = tpu.memref_slice %arg10[%scan3A_253, %get3A_1272, %get3A_1273] : memref<2x256x64xf32, #tpu.memory_space<vmem>> -> memref<1x256x64xf32, #tpu.memory_space<vmem>>
        %get3A_1275 = tpu.memref_squeeze %get3A_1274 : memref<1x256x64xf32, #tpu.memory_space<vmem>> -> memref<256x64xf32, #tpu.memory_space<vmem>>
        %get3A_1276 = arith.index_cast %add3A_1271 : i32 to index
        %get3A_1277 = arith.constant 48 : index
        %get3A_1278 = tpu.vector_load %get3A_1275[%get3A_1276, %get3A_1277] {strides = array<i32>} : memref<256x64xf32, #tpu.memory_space<vmem>>, vector<1x16xf32>,
        %get3A_1279 = vector.shape_cast %get3A_1278 : vector<1x16xf32> to vector<16xf32>
        %add3A_1280 = arith.addf %mul3A_1269, %get3A_1279 : vector<16xf32>
        %add3A_1281 = arith.constant 3 : i32
        %add3A_1282 = arith.addi %mul3A_313, %add3A_1281 : i32
        %swap3A_1283 = arith.constant 0 : i32
        %swap3A_1284 = arith.constant 0 : i32
        %swap3A_1285 = tpu.memref_slice %arg11[%scan3A_254, %swap3A_1283, %swap3A_1284] : memref<2x128x128xf32, #tpu.memory_space<vmem>> -> memref<1x128x128xf32, #tpu.memory_space<vmem>>
        %swap3A_1286 = tpu.memref_squeeze %swap3A_1285 : memref<1x128x128xf32, #tpu.memory_space<vmem>> -> memref<128x128xf32, #tpu.memory_space<vmem>>
        %swap3A_1287 = arith.index_cast %add3A_1282 : i32 to index
        %swap3A_1288 = arith.constant 48 : index
        %swap3A_1289 = tpu.vector_load %swap3A_1286[%swap3A_1287, %swap3A_1288] {strides = array<i32>} : memref<128x128xf32, #tpu.memory_space<vmem>>, vector<1x16xf32>,
        %swap3A_1290 = vector.shape_cast %swap3A_1289 : vector<1x16xf32> to vector<16xf32>
        %swap3A_1291 = vector.shape_cast %add3A_1280 : vector<16xf32> to vector<1x16xf32>
        tpu.vector_store %swap3A_1286[%swap3A_1287, %swap3A_1288], %swap3A_1291 {strides = array<i32>} : memref<128x128xf32, #tpu.memory_space<vmem>>, vector<1x16xf32>,
        %add3A_1292 = arith.constant 7 : i32
        %add3A_1293 = arith.addi %mul3A_311, %add3A_1292 : i32
        %get3A_1294 = arith.constant 0 : i32
        %get3A_1295 = arith.constant 0 : i32
        %get3A_1296 = tpu.memref_slice %arg9[%scan3A_252, %get3A_1294, %get3A_1295] : memref<2x256x64xf32, #tpu.memory_space<vmem>> -> memref<1x256x64xf32, #tpu.memory_space<vmem>>
        %get3A_1297 = tpu.memref_squeeze %get3A_1296 : memref<1x256x64xf32, #tpu.memory_space<vmem>> -> memref<256x64xf32, #tpu.memory_space<vmem>>
        %get3A_1298 = arith.index_cast %add3A_1293 : i32 to index
        %get3A_1299 = arith.constant 0 : index
        %get3A_1300 = tpu.vector_load %get3A_1297[%get3A_1298, %get3A_1299] {strides = array<i32>} : memref<256x64xf32, #tpu.memory_space<vmem>>, vector<1x16xf32>,
        %get3A_1301 = vector.shape_cast %get3A_1300 : vector<1x16xf32> to vector<16xf32>
        %mul3A_1302 = arith.constant 8.000000e+00 : f32
        %mul3A_1303 = vector.broadcast %mul3A_1302 : f32 to vector<16xf32>
        %mul3A_1304 = arith.mulf %get3A_1301, %mul3A_1303 : vector<16xf32>
        %add3A_1305 = arith.constant 7 : i32
        %add3A_1306 = arith.addi %mul3A_311, %add3A_1305 : i32
        %get3A_1307 = arith.constant 0 : i32
        %get3A_1308 = arith.constant 0 : i32
        %get3A_1309 = tpu.memref_slice %arg10[%scan3A_253, %get3A_1307, %get3A_1308] : memref<2x256x64xf32, #tpu.memory_space<vmem>> -> memref<1x256x64xf32, #tpu.memory_space<vmem>>
        %get3A_1310 = tpu.memref_squeeze %get3A_1309 : memref<1x256x64xf32, #tpu.memory_space<vmem>> -> memref<256x64xf32, #tpu.memory_space<vmem>>
        %get3A_1311 = arith.index_cast %add3A_1306 : i32 to index
        %get3A_1312 = arith.constant 0 : index
        %get3A_1313 = tpu.vector_load %get3A_1310[%get3A_1311, %get3A_1312] {strides = array<i32>} : memref<256x64xf32, #tpu.memory_space<vmem>>, vector<1x16xf32>,
        %get3A_1314 = vector.shape_cast %get3A_1313 : vector<1x16xf32> to vector<16xf32>
        %add3A_1315 = arith.addf %mul3A_1304, %get3A_1314 : vector<16xf32>
        %add3A_1316 = arith.constant 3 : i32
        %add3A_1317 = arith.addi %mul3A_313, %add3A_1316 : i32
        %swap3A_1318 = arith.constant 0 : i32
        %swap3A_1319 = arith.constant 0 : i32
        %swap3A_1320 = tpu.memref_slice %arg11[%scan3A_254, %swap3A_1318, %swap3A_1319] : memref<2x128x128xf32, #tpu.memory_space<vmem>> -> memref<1x128x128xf32, #tpu.memory_space<vmem>>
        %swap3A_1321 = tpu.memref_squeeze %swap3A_1320 : memref<1x128x128xf32, #tpu.memory_space<vmem>> -> memref<128x128xf32, #tpu.memory_space<vmem>>
        %swap3A_1322 = arith.index_cast %add3A_1317 : i32 to index
        %swap3A_1323 = arith.constant 64 : index
        %swap3A_1324 = tpu.vector_load %swap3A_1321[%swap3A_1322, %swap3A_1323] {strides = array<i32>} : memref<128x128xf32, #tpu.memory_space<vmem>>, vector<1x16xf32>,
        %swap3A_1325 = vector.shape_cast %swap3A_1324 : vector<1x16xf32> to vector<16xf32>
        %swap3A_1326 = vector.shape_cast %add3A_1315 : vector<16xf32> to vector<1x16xf32>
        tpu.vector_store %swap3A_1321[%swap3A_1322, %swap3A_1323], %swap3A_1326 {strides = array<i32>} : memref<128x128xf32, #tpu.memory_space<vmem>>, vector<1x16xf32>,
        %add3A_1327 = arith.constant 7 : i32
        %add3A_1328 = arith.addi %mul3A_311, %add3A_1327 : i32
        %get3A_1329 = arith.constant 0 : i32
        %get3A_1330 = arith.constant 0 : i32
        %get3A_1331 = tpu.memref_slice %arg9[%scan3A_252, %get3A_1329, %get3A_1330] : memref<2x256x64xf32, #tpu.memory_space<vmem>> -> memref<1x256x64xf32, #tpu.memory_space<vmem>>
        %get3A_1332 = tpu.memref_squeeze %get3A_1331 : memref<1x256x64xf32, #tpu.memory_space<vmem>> -> memref<256x64xf32, #tpu.memory_space<vmem>>
        %get3A_1333 = arith.index_cast %add3A_1328 : i32 to index
        %get3A_1334 = arith.constant 16 : index
        %get3A_1335 = tpu.vector_load %get3A_1332[%get3A_1333, %get3A_1334] {strides = array<i32>} : memref<256x64xf32, #tpu.memory_space<vmem>>, vector<1x16xf32>,
        %get3A_1336 = vector.shape_cast %get3A_1335 : vector<1x16xf32> to vector<16xf32>
        %mul3A_1337 = arith.constant 8.000000e+00 : f32
        %mul3A_1338 = vector.broadcast %mul3A_1337 : f32 to vector<16xf32>
        %mul3A_1339 = arith.mulf %get3A_1336, %mul3A_1338 : vector<16xf32>
        %add3A_1340 = arith.constant 7 : i32
        %add3A_1341 = arith.addi %mul3A_311, %add3A_1340 : i32
        %get3A_1342 = arith.constant 0 : i32
        %get3A_1343 = arith.constant 0 : i32
        %get3A_1344 = tpu.memref_slice %arg10[%scan3A_253, %get3A_1342, %get3A_1343] : memref<2x256x64xf32, #tpu.memory_space<vmem>> -> memref<1x256x64xf32, #tpu.memory_space<vmem>>
        %get3A_1345 = tpu.memref_squeeze %get3A_1344 : memref<1x256x64xf32, #tpu.memory_space<vmem>> -> memref<256x64xf32, #tpu.memory_space<vmem>>
        %get3A_1346 = arith.index_cast %add3A_1341 : i32 to index
        %get3A_1347 = arith.constant 16 : index
        %get3A_1348 = tpu.vector_load %get3A_1345[%get3A_1346, %get3A_1347] {strides = array<i32>} : memref<256x64xf32, #tpu.memory_space<vmem>>, vector<1x16xf32>,
        %get3A_1349 = vector.shape_cast %get3A_1348 : vector<1x16xf32> to vector<16xf32>
        %add3A_1350 = arith.addf %mul3A_1339, %get3A_1349 : vector<16xf32>
        %add3A_1351 = arith.constant 3 : i32
        %add3A_1352 = arith.addi %mul3A_313, %add3A_1351 : i32
        %swap3A_1353 = arith.constant 0 : i32
        %swap3A_1354 = arith.constant 0 : i32
        %swap3A_1355 = tpu.memref_slice %arg11[%scan3A_254, %swap3A_1353, %swap3A_1354] : memref<2x128x128xf32, #tpu.memory_space<vmem>> -> memref<1x128x128xf32, #tpu.memory_space<vmem>>
        %swap3A_1356 = tpu.memref_squeeze %swap3A_1355 : memref<1x128x128xf32, #tpu.memory_space<vmem>> -> memref<128x128xf32, #tpu.memory_space<vmem>>
        %swap3A_1357 = arith.index_cast %add3A_1352 : i32 to index
        %swap3A_1358 = arith.constant 80 : index
        %swap3A_1359 = tpu.vector_load %swap3A_1356[%swap3A_1357, %swap3A_1358] {strides = array<i32>} : memref<128x128xf32, #tpu.memory_space<vmem>>, vector<1x16xf32>,
        %swap3A_1360 = vector.shape_cast %swap3A_1359 : vector<1x16xf32> to vector<16xf32>
        %swap3A_1361 = vector.shape_cast %add3A_1350 : vector<16xf32> to vector<1x16xf32>
        tpu.vector_store %swap3A_1356[%swap3A_1357, %swap3A_1358], %swap3A_1361 {strides = array<i32>} : memref<128x128xf32, #tpu.memory_space<vmem>>, vector<1x16xf32>,
        %add3A_1362 = arith.constant 7 : i32
        %add3A_1363 = arith.addi %mul3A_311, %add3A_1362 : i32
        %get3A_1364 = arith.constant 0 : i32
        %get3A_1365 = arith.constant 0 : i32
        %get3A_1366 = tpu.memref_slice %arg9[%scan3A_252, %get3A_1364, %get3A_1365] : memref<2x256x64xf32, #tpu.memory_space<vmem>> -> memref<1x256x64xf32, #tpu.memory_space<vmem>>
        %get3A_1367 = tpu.memref_squeeze %get3A_1366 : memref<1x256x64xf32, #tpu.memory_space<vmem>> -> memref<256x64xf32, #tpu.memory_space<vmem>>
        %get3A_1368 = arith.index_cast %add3A_1363 : i32 to index
        %get3A_1369 = arith.constant 32 : index
        %get3A_1370 = tpu.vector_load %get3A_1367[%get3A_1368, %get3A_1369] {strides = array<i32>} : memref<256x64xf32, #tpu.memory_space<vmem>>, vector<1x16xf32>,
        %get3A_1371 = vector.shape_cast %get3A_1370 : vector<1x16xf32> to vector<16xf32>
        %mul3A_1372 = arith.constant 8.000000e+00 : f32
        %mul3A_1373 = vector.broadcast %mul3A_1372 : f32 to vector<16xf32>
        %mul3A_1374 = arith.mulf %get3A_1371, %mul3A_1373 : vector<16xf32>
        %add3A_1375 = arith.constant 7 : i32
        %add3A_1376 = arith.addi %mul3A_311, %add3A_1375 : i32
        %get3A_1377 = arith.constant 0 : i32
        %get3A_1378 = arith.constant 0 : i32
        %get3A_1379 = tpu.memref_slice %arg10[%scan3A_253, %get3A_1377, %get3A_1378] : memref<2x256x64xf32, #tpu.memory_space<vmem>> -> memref<1x256x64xf32, #tpu.memory_space<vmem>>
        %get3A_1380 = tpu.memref_squeeze %get3A_1379 : memref<1x256x64xf32, #tpu.memory_space<vmem>> -> memref<256x64xf32, #tpu.memory_space<vmem>>
        %get3A_1381 = arith.index_cast %add3A_1376 : i32 to index
        %get3A_1382 = arith.constant 32 : index
        %get3A_1383 = tpu.vector_load %get3A_1380[%get3A_1381, %get3A_1382] {strides = array<i32>} : memref<256x64xf32, #tpu.memory_space<vmem>>, vector<1x16xf32>,
        %get3A_1384 = vector.shape_cast %get3A_1383 : vector<1x16xf32> to vector<16xf32>
        %add3A_1385 = arith.addf %mul3A_1374, %get3A_1384 : vector<16xf32>
        %add3A_1386 = arith.constant 3 : i32
        %add3A_1387 = arith.addi %mul3A_313, %add3A_1386 : i32
        %swap3A_1388 = arith.constant 0 : i32
        %swap3A_1389 = arith.constant 0 : i32
        %swap3A_1390 = tpu.memref_slice %arg11[%scan3A_254, %swap3A_1388, %swap3A_1389] : memref<2x128x128xf32, #tpu.memory_space<vmem>> -> memref<1x128x128xf32, #tpu.memory_space<vmem>>
        %swap3A_1391 = tpu.memref_squeeze %swap3A_1390 : memref<1x128x128xf32, #tpu.memory_space<vmem>> -> memref<128x128xf32, #tpu.memory_space<vmem>>
        %swap3A_1392 = arith.index_cast %add3A_1387 : i32 to index
        %swap3A_1393 = arith.constant 96 : index
        %swap3A_1394 = tpu.vector_load %swap3A_1391[%swap3A_1392, %swap3A_1393] {strides = array<i32>} : memref<128x128xf32, #tpu.memory_space<vmem>>, vector<1x16xf32>,
        %swap3A_1395 = vector.shape_cast %swap3A_1394 : vector<1x16xf32> to vector<16xf32>
        %swap3A_1396 = vector.shape_cast %add3A_1385 : vector<16xf32> to vector<1x16xf32>
        tpu.vector_store %swap3A_1391[%swap3A_1392, %swap3A_1393], %swap3A_1396 {strides = array<i32>} : memref<128x128xf32, #tpu.memory_space<vmem>>, vector<1x16xf32>,
        %add3A_1397 = arith.constant 7 : i32
        %add3A_1398 = arith.addi %mul3A_311, %add3A_1397 : i32
        %get3A_1399 = arith.constant 0 : i32
        %get3A_1400 = arith.constant 0 : i32
        %get3A_1401 = tpu.memref_slice %arg9[%scan3A_252, %get3A_1399, %get3A_1400] : memref<2x256x64xf32, #tpu.memory_space<vmem>> -> memref<1x256x64xf32, #tpu.memory_space<vmem>>
        %get3A_1402 = tpu.memref_squeeze %get3A_1401 : memref<1x256x64xf32, #tpu.memory_space<vmem>> -> memref<256x64xf32, #tpu.memory_space<vmem>>
        %get3A_1403 = arith.index_cast %add3A_1398 : i32 to index
        %get3A_1404 = arith.constant 48 : index
        %get3A_1405 = tpu.vector_load %get3A_1402[%get3A_1403, %get3A_1404] {strides = array<i32>} : memref<256x64xf32, #tpu.memory_space<vmem>>, vector<1x16xf32>,
        %get3A_1406 = vector.shape_cast %get3A_1405 : vector<1x16xf32> to vector<16xf32>
        %mul3A_1407 = arith.constant 8.000000e+00 : f32
        %mul3A_1408 = vector.broadcast %mul3A_1407 : f32 to vector<16xf32>
        %mul3A_1409 = arith.mulf %get3A_1406, %mul3A_1408 : vector<16xf32>
        %add3A_1410 = arith.constant 7 : i32
        %add3A_1411 = arith.addi %mul3A_311, %add3A_1410 : i32
        %get3A_1412 = arith.constant 0 : i32
        %get3A_1413 = arith.constant 0 : i32
        %get3A_1414 = tpu.memref_slice %arg10[%scan3A_253, %get3A_1412, %get3A_1413] : memref<2x256x64xf32, #tpu.memory_space<vmem>> -> memref<1x256x64xf32, #tpu.memory_space<vmem>>
        %get3A_1415 = tpu.memref_squeeze %get3A_1414 : memref<1x256x64xf32, #tpu.memory_space<vmem>> -> memref<256x64xf32, #tpu.memory_space<vmem>>
        %get3A_1416 = arith.index_cast %add3A_1411 : i32 to index
        %get3A_1417 = arith.constant 48 : index
        %get3A_1418 = tpu.vector_load %get3A_1415[%get3A_1416, %get3A_1417] {strides = array<i32>} : memref<256x64xf32, #tpu.memory_space<vmem>>, vector<1x16xf32>,
        %get3A_1419 = vector.shape_cast %get3A_1418 : vector<1x16xf32> to vector<16xf32>
        %add3A_1420 = arith.addf %mul3A_1409, %get3A_1419 : vector<16xf32>
        %add3A_1421 = arith.constant 3 : i32
        %add3A_1422 = arith.addi %mul3A_313, %add3A_1421 : i32
        %swap3A_1423 = arith.constant 0 : i32
        %swap3A_1424 = arith.constant 0 : i32
        %swap3A_1425 = tpu.memref_slice %arg11[%scan3A_254, %swap3A_1423, %swap3A_1424] : memref<2x128x128xf32, #tpu.memory_space<vmem>> -> memref<1x128x128xf32, #tpu.memory_space<vmem>>
        %swap3A_1426 = tpu.memref_squeeze %swap3A_1425 : memref<1x128x128xf32, #tpu.memory_space<vmem>> -> memref<128x128xf32, #tpu.memory_space<vmem>>
        %swap3A_1427 = arith.index_cast %add3A_1422 : i32 to index
        %swap3A_1428 = arith.constant 112 : index
        %swap3A_1429 = tpu.vector_load %swap3A_1426[%swap3A_1427, %swap3A_1428] {strides = array<i32>} : memref<128x128xf32, #tpu.memory_space<vmem>>, vector<1x16xf32>,
        %swap3A_1430 = vector.shape_cast %swap3A_1429 : vector<1x16xf32> to vector<16xf32>
        %swap3A_1431 = vector.shape_cast %add3A_1420 : vector<16xf32> to vector<1x16xf32>
        tpu.vector_store %swap3A_1426[%swap3A_1427, %swap3A_1428], %swap3A_1431 {strides = array<i32>} : memref<128x128xf32, #tpu.memory_space<vmem>>, vector<1x16xf32>,
        %scan3A_1432 = arith.constant 0 : i32
        scf.yield %scan3A_1432 : i32
      }
      %scan3A_261 = arith.constant 32 : i32
      %lt3A_262 = arith.constant 98 : i32
      %lt3A_263 = arith.cmpi slt, %add3A_211, %lt3A_262 : i32
      %convert_element_type3A_264 = arith.extui %lt3A_263 : i1 to i32
      %cond3A_265 = arith.constant 0 : i32
      %cond3A_266 = arith.cmpi ne, %convert_element_type3A_264, %cond3A_265 : i32
      scf.if %cond3A_266 {
        %add3A_308 = arith.constant 2 : i32
        %add3A_309 = arith.addi %add3A_211, %add3A_308 : i32
        %mul3A_310 = arith.constant 256 : i32
        %mul3A_311 = arith.muli %add3A_309, %mul3A_310 : i32
        %add3A_312 = arith.addi %mul3A_4, %mul3A_311 : i32
        %dma_start3A_313 = arith.constant 1 : i32
        %dma_start3A_314 = arith.constant 0 : i32
        %dma_start3A_315 = tpu.memref_slice %arg12[%dma_start3A_313, %dma_start3A_314] : memref<2x256xi32, #tpu.memory_space<vmem>> -> memref<1x256xi32, #tpu.memory_space<vmem>>
        %dma_start3A_316 = tpu.memref_squeeze %dma_start3A_315 : memref<1x256xi32, #tpu.memory_space<vmem>> -> memref<256xi32, #tpu.memory_space<vmem>>
        %dma_start3A_317 = tpu.memref_slice %arg2[%add3A_312] : memref<819200xi32, #tpu.memory_space<hbm>> -> memref<256xi32, #tpu.memory_space<hbm>>
        %dma_start3A_318 = arith.constant 0 : i32
        %dma_start3A_319 = tpu.memref_slice %arg12[%dma_start3A_313, %dma_start3A_318] : memref<2x256xi32, #tpu.memory_space<vmem>> -> memref<1x256xi32, #tpu.memory_space<vmem>>
        %dma_start3A_320 = tpu.memref_squeeze %dma_start3A_319 : memref<1x256xi32, #tpu.memory_space<vmem>> -> memref<256xi32, #tpu.memory_space<vmem>>
        %dma_start3A_321 = tpu.memref_slice %arg2[%add3A_312] : memref<819200xi32, #tpu.memory_space<hbm>> -> memref<256xi32, #tpu.memory_space<hbm>>
        tpu.enqueue_dma source(%dma_start3A_321 : memref<256xi32, #tpu.memory_space<hbm>>) target(%dma_start3A_320 : memref<256xi32, #tpu.memory_space<vmem>>) target_semaphore(%arg17 : memref<!tpu.dma_semaphore, #tpu.memory_space<semaphore_mem>>)
        %dma_start3A_322 = arith.constant 1 : i32
        %dma_start3A_323 = arith.constant 0 : i32
        %dma_start3A_324 = tpu.memref_slice %arg13[%dma_start3A_322, %dma_start3A_323] : memref<2x256xi32, #tpu.memory_space<vmem>> -> memref<1x256xi32, #tpu.memory_space<vmem>>
        %dma_start3A_325 = tpu.memref_squeeze %dma_start3A_324 : memref<1x256xi32, #tpu.memory_space<vmem>> -> memref<256xi32, #tpu.memory_space<vmem>>
        %dma_start3A_326 = tpu.memref_slice %arg3[%add3A_312] : memref<819200xi32, #tpu.memory_space<hbm>> -> memref<256xi32, #tpu.memory_space<hbm>>
        %dma_start3A_327 = arith.constant 0 : i32
        %dma_start3A_328 = tpu.memref_slice %arg13[%dma_start3A_322, %dma_start3A_327] : memref<2x256xi32, #tpu.memory_space<vmem>> -> memref<1x256xi32, #tpu.memory_space<vmem>>
        %dma_start3A_329 = tpu.memref_squeeze %dma_start3A_328 : memref<1x256xi32, #tpu.memory_space<vmem>> -> memref<256xi32, #tpu.memory_space<vmem>>
        %dma_start3A_330 = tpu.memref_slice %arg3[%add3A_312] : memref<819200xi32, #tpu.memory_space<hbm>> -> memref<256xi32, #tpu.memory_space<hbm>>
        tpu.enqueue_dma source(%dma_start3A_330 : memref<256xi32, #tpu.memory_space<hbm>>) target(%dma_start3A_329 : memref<256xi32, #tpu.memory_space<vmem>>) target_semaphore(%arg17 : memref<!tpu.dma_semaphore, #tpu.memory_space<semaphore_mem>>)
      } else {
      }
      %mul3A_267 = arith.constant 256 : i32
      %mul3A_268 = arith.muli %add3A_211, %mul3A_267 : i32
      %add3A_269 = arith.addi %mul3A_4, %mul3A_268 : i32
      %jit3A_270 = arith.constant 2 : i32
      %div3A_271 = arith.divsi %add3A_269, %jit3A_270 : i32
      %sign3A_272 = arith.constant 0 : i32
      %sign3A_273 = arith.cmpi sgt, %add3A_269, %sign3A_272 : i32
      %sign3A_274 = arith.extui %sign3A_273 : i1 to i32
      %sign3A_275 = arith.constant 0 : i32
      %sign3A_276 = arith.cmpi slt, %add3A_269, %sign3A_275 : i32
      %sign3A_277 = arith.extui %sign3A_276 : i1 to i32
      %sign3A_278 = arith.subi %sign3A_274, %sign3A_277 : i32
      %sign3A_279 = arith.constant 0 : i32
      %sign3A_280 = arith.cmpi sgt, %jit3A_270, %sign3A_279 : i32
      %sign3A_281 = arith.extui %sign3A_280 : i1 to i32
      %sign3A_282 = arith.constant 0 : i32
      %sign3A_283 = arith.cmpi slt, %jit3A_270, %sign3A_282 : i32
      %sign3A_284 = arith.extui %sign3A_283 : i1 to i32
      %sign3A_285 = arith.subi %sign3A_281, %sign3A_284 : i32
      %ne3A_286 = arith.cmpi ne, %sign3A_278, %sign3A_285 : i32
      %rem3A_287 = arith.remsi %add3A_269, %jit3A_270 : i32
      %ne3A_288 = arith.constant 0 : i32
      %ne3A_289 = arith.cmpi ne, %rem3A_287, %ne3A_288 : i32
      %and3A_290 = arith.andi %ne3A_286, %ne3A_289 : i1
      %sub3A_291 = arith.constant 1 : i32
      %sub3A_292 = arith.subi %div3A_271, %sub3A_291 : i32
      %select_n3A_293 = arith.select %and3A_290, %sub3A_292, %div3A_271 : i32
      %dma_start3A_294 = arith.constant 1 : i32
      %dma_start3A_295 = arith.constant 0 : i32
      %dma_start3A_296 = arith.constant 0 : i32
      %dma_start3A_297 = tpu.memref_slice %arg11[%dma_start3A_294, %dma_start3A_295, %dma_start3A_296] : memref<2x128x128xf32, #tpu.memory_space<vmem>> -> memref<1x128x128xf32, #tpu.memory_space<vmem>>
      %dma_start3A_298 = tpu.memref_squeeze %dma_start3A_297 : memref<1x128x128xf32, #tpu.memory_space<vmem>> -> memref<128x128xf32, #tpu.memory_space<vmem>>
      %dma_start3A_299 = arith.constant 0 : i32
      %dma_start3A_300 = tpu.memref_slice %arg7[%select_n3A_293, %dma_start3A_299] : memref<409600x128xf32, #tpu.memory_space<hbm>> -> memref<128x128xf32, #tpu.memory_space<hbm>>
      %dma_start3A_301 = arith.constant 0 : i32
      %dma_start3A_302 = tpu.memref_slice %arg7[%select_n3A_293, %dma_start3A_301] : memref<409600x128xf32, #tpu.memory_space<hbm>> -> memref<128x128xf32, #tpu.memory_space<hbm>>
      %dma_start3A_303 = arith.constant 0 : i32
      %dma_start3A_304 = arith.constant 0 : i32
      %dma_start3A_305 = tpu.memref_slice %arg11[%dma_start3A_294, %dma_start3A_303, %dma_start3A_304] : memref<2x128x128xf32, #tpu.memory_space<vmem>> -> memref<1x128x128xf32, #tpu.memory_space<vmem>>
      %dma_start3A_306 = tpu.memref_squeeze %dma_start3A_305 : memref<1x128x128xf32, #tpu.memory_space<vmem>> -> memref<128x128xf32, #tpu.memory_space<vmem>>
      tpu.enqueue_dma source(%dma_start3A_306 : memref<128x128xf32, #tpu.memory_space<vmem>>) target(%dma_start3A_302 : memref<128x128xf32, #tpu.memory_space<hbm>>) target_semaphore(%arg20 : memref<!tpu.dma_semaphore, #tpu.memory_space<semaphore_mem>>)
      %scan3A_307 = arith.constant 0 : i32
      scf.yield %scan3A_307 : i32
    }
    %scan3A_89 = arith.constant 50 : i32
    %dma_wait3A = arith.constant 0 : i32
    %dma_wait3A_90 = arith.constant 0 : i32
    %dma_wait3A_91 = arith.constant 0 : i32
    %dma_wait3A_92 = tpu.memref_slice %arg11[%dma_wait3A, %dma_wait3A_90, %dma_wait3A_91] : memref<2x128x128xf32, #tpu.memory_space<vmem>> -> memref<1x128x128xf32, #tpu.memory_space<vmem>>
    %dma_wait3A_93 = tpu.memref_squeeze %dma_wait3A_92 : memref<1x128x128xf32, #tpu.memory_space<vmem>> -> memref<128x128xf32, #tpu.memory_space<vmem>>
    %dma_wait3A_94 = arith.constant 0 : i32
    %dma_wait3A_95 = arith.constant 0 : i32
    %dma_wait3A_96 = tpu.memref_slice %arg7[%dma_wait3A_94, %dma_wait3A_95] : memref<409600x128xf32, #tpu.memory_space<hbm>> -> memref<128x128xf32, #tpu.memory_space<hbm>>
    %dma_wait3A_97 = arith.constant 0 : i32
    %dma_wait3A_98 = arith.constant 0 : i32
    %dma_wait3A_99 = tpu.memref_slice %arg7[%dma_wait3A_97, %dma_wait3A_98] : memref<409600x128xf32, #tpu.memory_space<hbm>> -> memref<128x128xf32, #tpu.memory_space<hbm>>
    %dma_wait3A_100 = arith.constant 0 : i32
    %dma_wait3A_101 = arith.constant 0 : i32
    %dma_wait3A_102 = tpu.memref_slice %arg11[%dma_wait3A, %dma_wait3A_100, %dma_wait3A_101] : memref<2x128x128xf32, #tpu.memory_space<vmem>> -> memref<1x128x128xf32, #tpu.memory_space<vmem>>
    %dma_wait3A_103 = tpu.memref_squeeze %dma_wait3A_102 : memref<1x128x128xf32, #tpu.memory_space<vmem>> -> memref<128x128xf32, #tpu.memory_space<vmem>>
    tpu.wait_dma2 semaphore(%arg20 : memref<!tpu.dma_semaphore, #tpu.memory_space<semaphore_mem>>) src(%dma_wait3A_103 : memref<128x128xf32, #tpu.memory_space<vmem>>) dst(%dma_wait3A_99 : memref<128x128xf32, #tpu.memory_space<hbm>>)
    %dma_wait3A_104 = arith.constant 0 : i32
    %dma_wait3A_105 = arith.constant 0 : i32
    %dma_wait3A_106 = arith.constant 0 : i32
    %dma_wait3A_107 = tpu.memref_slice %arg11[%dma_wait3A_104, %dma_wait3A_105, %dma_wait3A_106] : memref<2x128x128xf32, #tpu.memory_space<vmem>> -> memref<1x128x128xf32, #tpu.memory_space<vmem>>
    %dma_wait3A_108 = tpu.memref_squeeze %dma_wait3A_107 : memref<1x128x128xf32, #tpu.memory_space<vmem>> -> memref<128x128xf32, #tpu.memory_space<vmem>>
    %dma_wait3A_109 = arith.constant 0 : i32
    %dma_wait3A_110 = arith.constant 0 : i32
    %dma_wait3A_111 = tpu.memref_slice %arg7[%dma_wait3A_109, %dma_wait3A_110] : memref<409600x128xf32, #tpu.memory_space<hbm>> -> memref<128x128xf32, #tpu.memory_space<hbm>>
    %dma_wait3A_112 = arith.constant 0 : i32
    %dma_wait3A_113 = arith.constant 0 : i32
    %dma_wait3A_114 = tpu.memref_slice %arg7[%dma_wait3A_112, %dma_wait3A_113] : memref<409600x128xf32, #tpu.memory_space<hbm>> -> memref<128x128xf32, #tpu.memory_space<hbm>>
    %dma_wait3A_115 = arith.constant 0 : i32
    %dma_wait3A_116 = arith.constant 0 : i32
    %dma_wait3A_117 = tpu.memref_slice %arg11[%dma_wait3A_104, %dma_wait3A_115, %dma_wait3A_116] : memref<2x128x128xf32, #tpu.memory_space<vmem>> -> memref<1x128x128xf32, #tpu.memory_space<vmem>>
    %dma_wait3A_118 = tpu.memref_squeeze %dma_wait3A_117 : memref<1x128x128xf32, #tpu.memory_space<vmem>> -> memref<128x128xf32, #tpu.memory_space<vmem>>
    tpu.wait_dma2 semaphore(%arg20 : memref<!tpu.dma_semaphore, #tpu.memory_space<semaphore_mem>>) src(%dma_wait3A_118 : memref<128x128xf32, #tpu.memory_space<vmem>>) dst(%dma_wait3A_114 : memref<128x128xf32, #tpu.memory_space<hbm>>)
    return
  }
}

</mosaic_0001>

<sc_bundles>
// kernel: kernel.3.cloned.1.call-start
scs
__scs_entry_jumppad:
0x0: {  	(pc) =	sbr.rel $0x88, $3  }
0x1: {  	(tag) =	ssettag $0x0;
	lr =	simm.s32 $0x1  }
0x2: {  	[smem:$0x3F9C] =	sst lr;
	_ =	strace $0xD0000000  }
0x3: {  	_ = 	snop  }
0x4: {  	_ = 	snop  }
0x5: {  	_ = 	snop  }
0x6: {  	_ = 	snop  }
0x7: {  	_ = 	snop  }
__scs_overlays_trampoline_lowered:
0x8: {  	[smem:$0x3FAB] =	sst s0  }
0x9: {  	[smem:$0x3FAC] =	sst s1  }
0xa: {  	[smem:$0x3FAD] =	sst s2  }
0xb: {  	[smem:$0x3FAE] =	sst s3  }
0xc: {  	[smem:$0x3FAF] =	sst s4  }
0xd: {  	[smem:$0x3FB0] =	sst s5  }
0xe: {  	[smem:$0x3FB1] =	sst s6  }
0xf: {  	[smem:$0x3FB2] =	sst s7  }
0x10: {  	[smem:$0x3FB3] =	sst s8  }
0x11: {  	[smem:$0x3FB4] =	sst s9;
	s0 =	simm.s32 @!p0 $0x0  }
0x12: {  	s1 =	sld [smem:$0x3F9A];
	s0 =	simm.s32 @p0 $0x1  }
0x13: {  	[smem:$0x3FB5] =	sst s0;
	s0 =	simm.s32 @!p1 $0x0  }
0x14: {  	s2 =	sld [smem:$0x3F99];
	s0 =	simm.s32 @p1 $0x1  }
0x15: {  	[smem:$0x3FB6] =	sst s0;
	s0 =	simm.s32 @!p2 $0x0  }
0x16: {  	s3 =	sld [smem:$0x3FDB];
	s0 =	simm.s32 @p2 $0x1  }
0x17: {  	s4 =	simm.s32 $0x1BF5;
	[smem:$0x3FB8] =	sst s0  }
0x18: {  	s0 =	sld [smem:$0x3F9B];
	_ =	swait.ge [sflag:s4], $0x0  }
0x19: {  	s7 =	sld [smem:$0x3F9C]  }
0x1a: {  	s8 =	sadd.s32 $0xFFFFE003, lr  }
0x1b: {  	s9 =	sadd.s32 $0xFFFFFEF7, lr;
	s5 =	simm.s32 $0xFFFFFFFF;
	p2 =	slt.u32 s8, $0xFFFFF086  }
0x1c: {  	p1 =	slt.u32 s9, $0xF7A;
	s5 =	simm.s32 @!p2 $0x0  }
0x1d: {  	s5 =	simm.s32 @p1 $0x1;
	p0 =	seq.s32 s7, s2  }
0x1e: {  	s7 =	smul.u32 @!p0 $0xF7A, s2;
	p2 =	seq.s32 @!p0 s5, $0x0  }
0x1f: {  	s9 =	smul.u32 $0xF7A, s1;
	s8 =	simm.s32 @!p0 $0x1BF5;
	p2 =	por !p2, p0  }
0x20: {  	[sflag:s8] =	ssyncset.s32 @!p0 $0xFFFFF086;
	s6 =	sadd.s32 @!p0 s3, s7;
	s7 =	simm.s32 @!p0 $0x108  }
0x21: {  	s3 =	sadd.s32 s3, s9;
	s6 =	sadd.s32 @!p0 $0x88, s6;
	s7 =	simm.s32 @p2 $0x1082  }
0x22: {  	[simem:s7], [sflag:s8] =	dma.local @!p0 [hbm:s6], $0xF7A  }
0x23: {  	s9 =	sor.u32 $0xD0000000, s2;
	s6 =	simm.s32 $0x108;
	_ =	swait.ge @!p0 [sflag:s8], $0x0  }
0x24: {  	s3 =	sadd.s32 $0x88, s3;
	s6 =	simm.s32 @!p1 $0x1082;
	[sflag:s4] =	ssyncset.s32 $0xFFFFF086  }
0x25: {  	[simem:s6], [sflag:s4] =	dma.local [hbm:s3], $0xF7A  }
0x26: {  	[smem:$0x3F9C] =	sst s1;
	(tag) =	ssettag s2;
	_ =	strace s9  }
0x27: {  	s1 =	sld [smem:$0x3FAC]  }
0x28: {  	s2 =	sld [smem:$0x3FAD]  }
0x29: {  	s4 =	sld [smem:$0x3FAF]  }
0x2a: {  	p0 =	seq.s32 s5, $0x0;
	s5 =	sld [smem:$0x3FB0]  }
0x2b: {  	s6 =	sld [smem:$0x3FB1]  }
0x2c: {  	s7 =	sld [smem:$0x3FB2]  }
0x2d: {  	s3 =	simm.s32 $0x108;
	s8 =	sld [smem:$0x3FB3]  }
0x2e: {  	s3 =	simm.s32 @!p0 $0x1082;
	s9 =	sld [smem:$0x3FB4]  }
0x2f: {  	lr =	sadd.s32 s0, s3;
	s0 =	sld [smem:$0x3FAB]  }
0x30: {  	s3 =	sld [smem:$0x3FAE]  }
0x31: {  	[smem:$0x3FB7] =	sst s10  }
0x32: {  	s10 =	sld [smem:$0x3FB5];
	_ =	sdelay $0x3  }
0x33: {  	p0 =	seq.s32 s10, $0x1;
	s10 =	sld [smem:$0x3FB7];
	_ =	sdelay $0x3  }
0x34: {  	[smem:$0x3FB7] =	sst s10  }
0x35: {  	s10 =	sld [smem:$0x3FB6];
	_ =	sdelay $0x3  }
0x36: {  	p1 =	seq.s32 s10, $0x1;
	s10 =	sld [smem:$0x3FB7];
	_ =	sdelay $0x3  }
0x37: {  	[smem:$0x3FB7] =	sst s10  }
0x38: {  	s10 =	sld [smem:$0x3FB8]  }
0x39: {  	_ = 	snop;
	(pc) =	sbr.ind lr, $3  }
0x3a: {  	_ = 	snop  }
0x3b: {  	_ = 	snop  }
0x3c: {  	p2 =	seq.s32 s10, $0x1;
	s10 =	sld [smem:$0x3FB7]  }
0x3d: {  	_ =	shalt  }
0x3e: {  	_ =	shalt  }
0x3f: {  	_ =	shalt  }
0x40: {  	_ =	shalt  }
0x41: {  	_ =	shalt  }
0x42: {  	_ =	shalt  }
0x43: {  	_ =	shalt  }
0x44: {  	_ =	shalt  }
0x45: {  	_ =	shalt  }
0x46: {  	_ =	shalt  }
0x47: {  	_ =	shalt  }
0x48: {  	_ =	shalt  }
0x49: {  	_ =	shalt  }
0x4a: {  	_ =	shalt  }
0x4b: {  	_ =	shalt  }
0x4c: {  	_ =	shalt  }
0x4d: {  	_ =	shalt  }
0x4e: {  	_ =	shalt  }
0x4f: {  	_ =	shalt  }
0x50: {  	_ =	shalt  }
0x51: {  	_ =	shalt  }
0x52: {  	_ =	shalt  }
0x53: {  	_ =	shalt  }
0x54: {  	_ =	shalt  }
0x55: {  	_ =	shalt  }
0x56: {  	_ =	shalt  }
0x57: {  	_ =	shalt  }
0x58: {  	_ =	shalt  }
0x59: {  	_ =	shalt  }
0x5a: {  	_ =	shalt  }
0x5b: {  	_ =	shalt  }
0x5c: {  	_ =	shalt  }
0x5d: {  	_ =	shalt  }
0x5e: {  	_ =	shalt  }
0x5f: {  	_ =	shalt  }
0x60: {  	_ =	shalt  }
0x61: {  	_ =	shalt  }
0x62: {  	_ =	shalt  }
0x63: {  	_ =	shalt  }
0x64: {  	_ =	shalt  }
0x65: {  	_ =	shalt  }
0x66: {  	_ =	shalt  }
0x67: {  	_ =	shalt  }
0x68: {  	_ =	shalt  }
0x69: {  	_ =	shalt  }
0x6a: {  	_ =	shalt  }
0x6b: {  	_ =	shalt  }
0x6c: {  	_ =	shalt  }
0x6d: {  	_ =	shalt  }
0x6e: {  	_ =	shalt  }
0x6f: {  	_ =	shalt  }
0x70: {  	_ =	shalt  }
0x71: {  	_ =	shalt  }
0x72: {  	_ =	shalt  }
0x73: {  	_ =	shalt  }
0x74: {  	_ =	shalt  }
0x75: {  	_ =	shalt  }
0x76: {  	_ =	shalt  }
0x77: {  	_ =	shalt  }
0x78: {  	_ =	shalt  }
0x79: {  	_ =	shalt  }
0x7a: {  	_ =	shalt  }
0x7b: {  	_ =	shalt  }
0x7c: {  	_ =	shalt  }
0x7d: {  	_ =	shalt  }
0x7e: {  	_ =	shalt  }
0x7f: {  	_ =	shalt  }
0x80: {  	_ =	shalt  }
0x81: {  	_ =	shalt  }
0x82: {  	_ =	shalt  }
0x83: {  	_ =	shalt  }
0x84: {  	_ =	shalt  }
0x85: {  	_ =	shalt  }
0x86: {  	_ =	shalt  }
0x87: {  	_ =	shalt  }
.Lfunc_end0:
.L_simem_size_0:
called_computation.1_lowered:
.L_overlay_start_0:
0x88: {  	s2 =	sld [smem:$0x3FD9]  }
0x89: {  	s3 =	sld [smem:$0x3FFE];
	_ =	sdelay $0x1  }
0x8a: {  	s1 =	srdreg.scid  }
0x8b: {  	s0 =	sand.u32 $0x1, s1  }
0x8c: {  	s17 =	sshll.u32 s0, $0xA;
	s2 =	sadd.s32 s3, s2  }
0x8d: {  	s2 =	sadd.s32 s2, s17  }
0x8e: {  	[smem:$0x3FC3] =	sst s2  }
0x8f: {  	_ = 	snop  }
0x90: {  	s2 =	sld [smem:$0x3FD0];
	(tm) =	ssettm $0x1  }
0x91: {  	s18 =	sld [smem:$0x3FFB];
	_ =	sdelay $0x3  }
0x92: {  	_ =	strace s18  }
0x93: {  	s3 =	sld [smem:$0x3FFC];
	_ =	sdelay $0x3  }
0x94: {  	_ =	strace s3  }
0x95: {  	s3 =	sld [smem:$0x3FFD];
	_ =	sdelay $0x3  }
0x96: {  	_ =	strace s3  }
0x97: {  	_ =	strace $0x8FFFFFFF  }
0x98: {  	s19 =	sld [smem:$0x3FDB];
	_ =	sdelay $0x1  }
0x99: {  	s4 =	simm.s32 $_scs_section_size  }
0x9a: {  	s5 =	simm.s32 $_size__tile_overlayer_lowered;
	s6 =	simm.s32 $_tile_overlayer_lowered  }
0x9b: {  	s22 =	simm.s32 $0x1BFF;
	s21 =	sshll.u32 s6, $0x1;
	s3 =	sadd.s32 s4, s19  }
0x9c: {  	s7 =	simm.s32 $0x0;
	s20 =	sshll.u32 s5, $0x1;
	s5 =	sadd.s32 s21, s3  }
0x9d: {  	[timem:s7], [sflag:s22] =	dma.local [hbm:s5], s20  }
0x9e: {  	_ =	swait.ge [sflag:s22], s20  }
0x9f: {  	s4 =	ssub.s32 $0x0, s20;
	[sflag:s22] =	ssyncset.done $0x0  }
0xa0: {  	[sflag:s22] =	ssyncadd.s32 s4;
	_ =	sdelay $0x1  }
0xa1: {  	s23 =	simm.s32 $0x1B8B  }
0xa2: {  	_ =	swait.ge [sflag:s23], $0x1  }
0xa3: {  	[sflag:s23] =	ssyncset.done $0x0  }
0xa4: {  	s25 =	simm.s32 $0x1B8E;
	s24 =	sld [smem:$0x3FFE];
	[sflag:s23] =	ssyncadd.s32 $0xFFFFFFFF  }
0xa5: {  	s26 =	simm.s32 $execute0_lowered;
	[smem:$0x3FD2] =	sst s25  }
0xa6: {  	s5 =	sshll.u32 s26, $0x1;
	_ =	strace $0x80000046;
	[dreg:$0x1] =	wrdreg $0xFFFFFFFF  }
0xa7: {  	s28 =	simm.s32 $_size_execute0_lowered;
	s3 =	sadd.s32 s3, s5;
	[dreg:$0x0] =	wrdreg $0x0  }
0xa8: {  	s5 =	sshll.u32 s28, $0x1;
	[dreg:$0x2] =	wrdreg s3  }
0xa9: {  	[dreg:$0x3] =	wrdreg s5  }
0xaa: {  	[dreg:$0x4] =	wrdreg $0xC0  }
0xab: {  	_ =	task [dreg:s7], $0x5FFFF  }
0xac: {  	[dreg:$0x1] =	wrdreg $0xFFFFFFFF  }
0xad: {  	[dreg:$0x0] =	wrdreg $0x60  }
0xae: {  	[dreg:$0x2] =	wrdreg s24  }
0xaf: {  	[dreg:$0x3] =	wrdreg s2  }
0xb0: {  	[dreg:$0x4] =	wrdreg $0x0  }
0xb1: {  	[dreg:$0x5] =	wrdreg $0x9  }
0xb2: {  	_ =	task.clear_ibuf [dreg:s7], $0x6FFFF;
	_ =	strace $0x90000046  }
0xb3: {  	s29 =	simm.s32 $0x9;
	_ =	strace $0x80000048  }
0xb4: {  	_ =	swait.ge [sflag:s29], $0x1  }
0xb5: {  	[sflag:s29] =	ssyncadd.s32 $0xFFFFFFFF  }
0xb6: {  	_ =	strace $0x90000048  }
0xb7: {  	_ =	sfence  }
0xb8: {  	s30 =	sld [smem:$0x0];
	_ =	sdelay $0x2  }
0xb9: {  	s31 =	sshll.u32 s1, $0xD;
	s1 =	sshrl.u32 s1, $0x2  }
0xba: {  	s3 =	sand.u32 $0x4000, s31;
	s1 =	sadd.s32 s1, s30  }
0xbb: {  	s0 =	sor.u32 s3, s0;
	s1 =	sshll.u32 s1, $0x11  }
0xbc: {  	s0 =	sor.u32 s1, s0  }
0xbd: {  	s0 =	sadd.s32 $0x8F2B, s0  }
0xbe: {  	[sflag:s0] =	ssyncadd.remote.s32 $0x1  }
0xbf: {  	_ =	sfence.sel $0xFFFF  }
0xc0: {  	[dreg:$0x0] =	wrdreg $0xFFFFFFFF;
	(pc) =	sbr.abs _section_cstart, $3  }
0xc1: {  	[dreg:$0x1] =	wrdreg $0xFFFFFFFF  }
0xc2: {  	_ =	task.clear_ibuf [dreg:s7], $0x2FFFF;
	_ =	strace $0x9FFFFFFF  }
0xc3: {  	(tm) =	ssettm $0x7FFFFFFF  }
tec
execute0_lowered:
.L_overlay_start_1:
0x0: {  	(tag) =	ssettag $0x1  }
0x1: {  	s0 =	rddreg [dreg:$0x0]  }
0x2: {  	s1 =	rddreg [dreg:$0x1]  }
0x3: {  	s2 =	rddreg [dreg:$0x2];
	s3 =	simm.s32 $0x0  }
0x4: {  	s5 =	srdreg.scid;
	s6 =	stileid.u32;
	s14 =	simm.s32 $0x18960  }
0x5: {  	s29 =	simm.s32 $0x2;
	s30 =	simm.s32 $0x4960;
	s31 =	simm.s32 $0x1  }
0x6: {  	s15 =	simm.s32 $0x6960;
	[smem:$0x7FF] =	sst s3;
	s4 =	sadd.s32 $0x1600, s0  }
0x7: {  	s8 =	sand.u32 $0x1, s5;
	s7 =	sshll.u32 s6, $0x1;
	s5 =	sadd.s32 $0x1A600, s0  }
0x8: {  	s17 =	sadd.s32 $0xF6C00, s0;
	s13 =	sadd.s32 $0xE00, s0;
	s18 =	sadd.s32 $0x3200, s2  }
0x9: {  	s20 =	sadd.s32 $0x6400, s2;
	_ =	strace $0x80000047;
	[dreg:$0x4] =	wrdreg s17  }
0xa: {  	s22 =	smul.u32 $0xC800, s6;
	p0 =	sne.s32 s6, $0x0;
	[dreg:$0x5] =	wrdreg s13  }
0xb: {  	s9 =	ssub.s32 $0x2, s8;
	s10 =	sor.u32 s8, s7;
	[dreg:$0x7] =	wrdreg s18  }
0xc: {  	s7 =	sadd.s32 $0x33600, s0;
	s0 =	sadd.s32 $0xF6C09, s0;
	[dreg:$0x8] =	wrdreg s20  }
0xd: {  	s8 =	smul.u32 $0x6400, s8;
	s13 =	simm.s32 $0x960;
	s20 =	simm.s32 $0x18EE0  }
0xe: {  	s11 =	sshrl.u32 s9, $0x1;
	s12 =	smul.u32 $0x6400, s10;
	[dreg:$0x6] =	wrdreg s0  }
0xf: {  	s17 =	smul.u32 $0x190000, s10;
	s10 =	simm.s32 $0x5;
	s9 =	ssub.s32 s9, s11  }
0x10: {  	s25 =	sadd.s32 s8, s22;
	s11 =	simm.s32 $0x18A60;
	s22 =	simm.s32 $0x3  }
0x11: {  	s19 =	sshrl.u32 s12, $0x3;
	s26 =	smax.u32 s9, $0x1;
	[dreg:$0xd] =	wrdreg s25  }
0x12: {  	s16 =	sor.u32 $0x200, s12;
	s28 =	sor.u32 $0x100, s25;
	[dreg:$0xe] =	wrdreg s26  }
0x13: {  	s18 =	sor.u32 $0x300, s12;
	s21 =	sadd.s32 s4, s19;
	[dreg:$0xf] =	wrdreg s28  }
0x14: {  	s23 =	sadd.s32 s5, s19;
	s0 =	sor.u32 $0x20, s19;
	[dreg:$0x9] =	wrdreg s21  }
0x15: {  	s9 =	simm.s32 $0x0;
	[dreg:$0xa] =	wrdreg s23;
	s24 =	sadd.s32 s4, s0  }
0x16: {  	s19 =	simm.s32 $0x10960;
	s0 =	sadd.s32 s5, s0;
	[dreg:$0xb] =	wrdreg s24  }
0x17: {  	s21 =	simm.s32 $0xE960;
	[dreg:$0xc] =	wrdreg s0;
	s0 =	sor.u32 $0x200, s25  }
0x18: {  	v0 =	vlaneseq.u32;
	v1 =	vimm.s32 $0x0;
	s24 =	simm.s32 $0x14960;
	[dreg:$0x10] =	wrdreg s0;
	s0 =	simm.s32 $0x80  }
.LBB2_1:
.Ltmp0:
0x19: {  	(pc) =	sbr.rel @p0 .LBB2_23-.Ltmp0, $2  }
0x1a: {  	_ =	sdelay $0x2  }
0x1b: {  	[dreg:$0x11] =	wrdreg s9  }
0x1c: {  	s6 =	simm.s32 $0x0;
	s8 =	rddreg [dreg:$0x5];
	s9 =	simm.s32 $0x960  }
0x1d: {  	[tilespmem:s9], [sflag:$0x5] =	stream.linear.gather [hbm4b:s8+s6], $0x3200, $0x38;
	[tilespmem:$0x1A1E0] =	vst v63  }
0x1e: {  	_ =	swait.ge [sflag:s10], $0x3200  }
0x1f: {  	[sflag:s10] =	ssyncset.done $0x0  }
0x20: {  	[sflag:s10] =	ssyncadd.s32 $0xFFFFCE00  }
0x21: {  	[spmem:s2] =	stream.linear.scatter [tilespmem:s9], [sflag:$0x5], $0x3200, $0x38;
	[tilespmem:$0x1A1E0] =	vst v63  }
0x22: {  	_ =	swait.ge [sflag:s10], $0x3200  }
0x23: {  	[sflag:s10] =	ssyncset.done $0x0  }
0x24: {  	s23 =	simm.s32 $0x18960;
	s14 =	rddreg [dreg:$0x4];
	[sflag:s10] =	ssyncadd.s32 $0xFFFFCE00  }
0x25: {  	[tilespmem:s23], [sflag:$0x5] =	stream.linear.gather [hbm4b:s14+s6], $0x48, $0x38;
	[tilespmem:$0x1A1E0] =	vst v63  }
0x26: {  	_ =	swait.ge [sflag:s10], $0x48  }
0x27: {  	[sflag:s10] =	ssyncset.done $0x0  }
0x28: {  	s25 =	simm.s32 $0x48;
	s26 =	simm.s32 $0x18F60;
	[sflag:s10] =	ssyncadd.s32 $0xFFFFFFB8  }
0x29: {  	[tilespmem:s26], [sflag:$0x2] =	stream.indirect.gather [hbm4b:s7+s25], $0x40, s23, s25, $0xb8;
	[tilespmem:$0x1A1E0] =	vst v63  }
0x2a: {  	_ =	swait.ge [sflag:s29], $0x1200  }
0x2b: {  	[sflag:s29] =	ssyncset.done $0x0  }
0x2c: {  	s28 =	simm.s32 $0x0;
	[sflag:s29] =	ssyncadd.s32 $0xFFFFEE00  }
0x2d: {  	s13 =	simm.s32 $0x960;
	v2 =	vimm.f32 $0.0e+00;
	s6 =	simm.s32 $0x100;
	v3 =	vld [tilespmem:s28+$0x18F60]  }
.LBB2_3:
0x2e: {  	p1 =	sne.s32 s6, $0x4500  }
.Ltmp1:
0x2f: {  	_ = 	snop;
	(pc) =	sbr.rel @p1 .LBB2_3-.Ltmp1, $3  }
0x30: {  	_ =	sdelay $0x1  }
0x31: {  	s8 =	sshra.s32 s6, $0x2;
	s6 =	sadd.s32 $0x100, s6;
	v2 =	vadd.f32 v3, v2  }
0x32: {  	v3 =	vld [tilespmem:s8+$0x18F60]  }
0x33: {  	_ =	sdelay $0x3  }
0x34: {  	v2 =	vadd.f32 v3, v2;
	_ =	sdelay $0x1  }
0x35: {  	s8 =	simm.s32 $0x10;
	[tilespmem:$0x1A160] =	vst v2  }
0x36: {  	s6 =	simm.s32 $0x140;
	v2 =	vimm.f32 $0.0e+00;
	v3 =	vld [tilespmem:s8+$0x18F60]  }
.LBB2_5:
0x37: {  	p1 =	sne.s32 s6, $0x4540  }
.Ltmp2:
0x38: {  	_ = 	snop;
	(pc) =	sbr.rel @p1 .LBB2_5-.Ltmp2, $3  }
0x39: {  	_ =	sdelay $0x1  }
0x3a: {  	s8 =	sshra.s32 s6, $0x2;
	s6 =	sadd.s32 $0x100, s6;
	v2 =	vadd.f32 v3, v2  }
0x3b: {  	v3 =	vld [tilespmem:s8+$0x18F60]  }
0x3c: {  	_ =	sdelay $0x3  }
0x3d: {  	v2 =	vadd.f32 v3, v2;
	_ =	sdelay $0x1  }
0x3e: {  	s8 =	simm.s32 $0x20;
	[tilespmem:$0x1A170] =	vst v2  }
0x3f: {  	s6 =	simm.s32 $0x180;
	v2 =	vimm.f32 $0.0e+00;
	v3 =	vld [tilespmem:s8+$0x18F60]  }
.LBB2_7:
0x40: {  	p1 =	sne.s32 s6, $0x4580  }
.Ltmp3:
0x41: {  	_ = 	snop;
	(pc) =	sbr.rel @p1 .LBB2_7-.Ltmp3, $3  }
0x42: {  	_ =	sdelay $0x1  }
0x43: {  	s8 =	sshra.s32 s6, $0x2;
	s6 =	sadd.s32 $0x100, s6;
	v2 =	vadd.f32 v3, v2  }
0x44: {  	v3 =	vld [tilespmem:s8+$0x18F60]  }
0x45: {  	_ =	sdelay $0x3  }
0x46: {  	v2 =	vadd.f32 v3, v2;
	_ =	sdelay $0x1  }
0x47: {  	s8 =	simm.s32 $0x30;
	[tilespmem:$0x1A180] =	vst v2  }
0x48: {  	s6 =	simm.s32 $0x1C0;
	v2 =	vimm.f32 $0.0e+00;
	v3 =	vld [tilespmem:s8+$0x18F60]  }
.LBB2_9:
0x49: {  	p1 =	sne.s32 s6, $0x45C0  }
.Ltmp4:
0x4a: {  	_ = 	snop;
	(pc) =	sbr.rel @p1 .LBB2_9-.Ltmp4, $3  }
0x4b: {  	_ =	sdelay $0x1  }
0x4c: {  	s8 =	sshra.s32 s6, $0x2;
	s6 =	sadd.s32 $0x100, s6;
	v2 =	vadd.f32 v3, v2  }
0x4d: {  	v3 =	vld [tilespmem:s8+$0x18F60]  }
0x4e: {  	_ =	sdelay $0x3  }
0x4f: {  	v2 =	vadd.f32 v3, v2;
	_ =	sdelay $0x1  }
0x50: {  	s6 =	simm.s32 $0x0;
	s8 =	rddreg [dreg:$0x6];
	s9 =	simm.s32 $0x18960;
	[tilespmem:$0x1A190] =	vst v2  }
0x51: {  	[tilespmem:s9], [sflag:$0x5] =	stream.linear.gather [hbm4b:s8+s6], $0x48, $0x38;
	[tilespmem:$0x1A1E0] =	vst v63  }
0x52: {  	_ =	swait.ge [sflag:s10], $0x48  }
0x53: {  	[sflag:s10] =	ssyncset.done $0x0  }
0x54: {  	s25 =	simm.s32 $0x48;
	s26 =	simm.s32 $0x18F60;
	[sflag:s10] =	ssyncadd.s32 $0xFFFFFFB8  }
0x55: {  	[tilespmem:s26], [sflag:$0x2] =	stream.indirect.gather [hbm4b:s7+s25], $0x40, s9, s25, $0xb8;
	[tilespmem:$0x1A1E0] =	vst v63  }
0x56: {  	_ =	swait.ge [sflag:s29], $0x1200  }
0x57: {  	[sflag:s29] =	ssyncset.done $0x0  }
0x58: {  	s28 =	simm.s32 $0x0;
	[sflag:s29] =	ssyncadd.s32 $0xFFFFEE00  }
0x59: {  	s14 =	simm.s32 $0x18960;
	v2 =	vimm.f32 $0.0e+00;
	s6 =	simm.s32 $0x100;
	v3 =	vld [tilespmem:s28+$0x18F60]  }
.LBB2_11:
0x5a: {  	p1 =	sne.s32 s6, $0x4500  }
.Ltmp5:
0x5b: {  	_ = 	snop;
	(pc) =	sbr.rel @p1 .LBB2_11-.Ltmp5, $3  }
0x5c: {  	_ =	sdelay $0x1  }
0x5d: {  	s8 =	sshra.s32 s6, $0x2;
	s6 =	sadd.s32 $0x100, s6;
	v2 =	vadd.f32 v3, v2  }
0x5e: {  	v3 =	vld [tilespmem:s8+$0x18F60]  }
0x5f: {  	_ =	sdelay $0x3  }
0x60: {  	v2 =	vadd.f32 v3, v2;
	_ =	sdelay $0x1  }
0x61: {  	s8 =	simm.s32 $0x10;
	[tilespmem:$0x1A1A0] =	vst v2  }
0x62: {  	s6 =	simm.s32 $0x140;
	v2 =	vimm.f32 $0.0e+00;
	v3 =	vld [tilespmem:s8+$0x18F60]  }
.LBB2_13:
0x63: {  	p1 =	sne.s32 s6, $0x4540  }
.Ltmp6:
0x64: {  	_ = 	snop;
	(pc) =	sbr.rel @p1 .LBB2_13-.Ltmp6, $3  }
0x65: {  	_ =	sdelay $0x1  }
0x66: {  	s8 =	sshra.s32 s6, $0x2;
	s6 =	sadd.s32 $0x100, s6;
	v2 =	vadd.f32 v3, v2  }
0x67: {  	v3 =	vld [tilespmem:s8+$0x18F60]  }
0x68: {  	_ =	sdelay $0x3  }
0x69: {  	v2 =	vadd.f32 v3, v2;
	_ =	sdelay $0x1  }
0x6a: {  	s8 =	simm.s32 $0x20;
	[tilespmem:$0x1A1B0] =	vst v2  }
0x6b: {  	s6 =	simm.s32 $0x180;
	v2 =	vimm.f32 $0.0e+00;
	v3 =	vld [tilespmem:s8+$0x18F60]  }
.LBB2_15:
0x6c: {  	p1 =	sne.s32 s6, $0x4580  }
.Ltmp7:
0x6d: {  	_ = 	snop;
	(pc) =	sbr.rel @p1 .LBB2_15-.Ltmp7, $3  }
0x6e: {  	_ =	sdelay $0x1  }
0x6f: {  	s8 =	sshra.s32 s6, $0x2;
	s6 =	sadd.s32 $0x100, s6;
	v2 =	vadd.f32 v3, v2  }
0x70: {  	v3 =	vld [tilespmem:s8+$0x18F60]  }
0x71: {  	_ =	sdelay $0x3  }
0x72: {  	v2 =	vadd.f32 v3, v2;
	_ =	sdelay $0x1  }
0x73: {  	s8 =	simm.s32 $0x30;
	[tilespmem:$0x1A1C0] =	vst v2  }
0x74: {  	s6 =	simm.s32 $0x1C0;
	v2 =	vimm.f32 $0.0e+00;
	v3 =	vld [tilespmem:s8+$0x18F60]  }
.LBB2_17:
0x75: {  	p1 =	sne.s32 s6, $0x45C0  }
.Ltmp8:
0x76: {  	_ = 	snop;
	(pc) =	sbr.rel @p1 .LBB2_17-.Ltmp8, $3  }
0x77: {  	_ =	sdelay $0x1  }
0x78: {  	s8 =	sshra.s32 s6, $0x2;
	s6 =	sadd.s32 $0x100, s6;
	v2 =	vadd.f32 v3, v2  }
0x79: {  	v3 =	vld [tilespmem:s8+$0x18F60]  }
0x7a: {  	_ =	sdelay $0x3  }
0x7b: {  	v2 =	vadd.f32 v3, v2;
	_ =	sdelay $0x1  }
0x7c: {  	s6 =	simm.s32 $0x0;
	[tilespmem:$0x1A1D0] =	vst v2  }
0x7d: {  	s8 =	simm.s32 $0x100;
	v2 =	vld [tilespmem:s6+$0x960]  }
.LBB2_19:
0x7e: {  	p1 =	sne.s32 s8, $0xC700;
	v3 =	vld [tilespmem:$0x1A160];
	_ =	sdelay $0x4  }
0x7f: {  	v2 =	vadd.f32 v3, v2;
	_ =	sdelay $0x1  }
0x80: {  	[tilespmem:s6+$0x4960] =	vst v2;
	v2 =	vld [tilespmem:s6+$0x970]  }
0x81: {  	v3 =	vld [tilespmem:$0x1A170];
	_ =	sdelay $0x4  }
0x82: {  	v2 =	vadd.f32 v3, v2;
	_ =	sdelay $0x1  }
0x83: {  	[tilespmem:s6+$0x4970] =	vst v2;
	v2 =	vld [tilespmem:s6+$0x980]  }
0x84: {  	v3 =	vld [tilespmem:$0x1A180];
	_ =	sdelay $0x4  }
0x85: {  	v2 =	vadd.f32 v3, v2;
	_ =	sdelay $0x1  }
0x86: {  	[tilespmem:s6+$0x4980] =	vst v2;
	v2 =	vld [tilespmem:s6+$0x990]  }
0x87: {  	v3 =	vld [tilespmem:$0x1A190];
	_ =	sdelay $0x2  }
.Ltmp9:
0x88: {  	(pc) =	sbr.rel @p1 .LBB2_19-.Ltmp9, $4  }
0x89: {  	_ = 	snop  }
0x8a: {  	v3 =	vadd.f32 v3, v2  }
0x8b: {  	s9 =	sshra.s32 s8, $0x2  }
0x8c: {  	s8 =	sadd.s32 $0x100, s8;
	v2 =	vld [tilespmem:s9+$0x960];
	[tilespmem:s6+$0x4990] =	vst v3;
	s6 =	smov.u32 s9  }
0x8d: {  	v3 =	vld [tilespmem:$0x1A160];
	_ =	sdelay $0x4  }
0x8e: {  	v2 =	vadd.f32 v3, v2;
	_ =	sdelay $0x1  }
0x8f: {  	[tilespmem:s6+$0x4960] =	vst v2;
	v2 =	vld [tilespmem:s6+$0x970]  }
0x90: {  	v3 =	vld [tilespmem:$0x1A170];
	_ =	sdelay $0x4  }
0x91: {  	v2 =	vadd.f32 v3, v2;
	_ =	sdelay $0x1  }
0x92: {  	[tilespmem:s6+$0x4970] =	vst v2;
	v2 =	vld [tilespmem:s6+$0x980]  }
0x93: {  	v3 =	vld [tilespmem:$0x1A180];
	_ =	sdelay $0x4  }
0x94: {  	v2 =	vadd.f32 v3, v2;
	_ =	sdelay $0x1  }
0x95: {  	[tilespmem:s6+$0x4980] =	vst v2;
	v2 =	vld [tilespmem:s6+$0x990]  }
0x96: {  	v3 =	vld [tilespmem:$0x1A190];
	_ =	sdelay $0x4  }
0x97: {  	v2 =	vadd.f32 v3, v2;
	_ =	sdelay $0x1  }
0x98: {  	s28 =	rddreg [dreg:$0x7];
	[tilespmem:s6+$0x4990] =	vst v2  }
0x99: {  	[spmem:s28] =	stream.linear.scatter [tilespmem:s30], [sflag:$0x5], $0x3200, $0x38;
	[tilespmem:$0x1A1E0] =	vst v63  }
0x9a: {  	_ =	swait.ge [sflag:s10], $0x3200  }
0x9b: {  	[sflag:s10] =	ssyncset.done $0x0  }
0x9c: {  	s6 =	simm.s32 $0x0;
	[sflag:s10] =	ssyncadd.s32 $0xFFFFCE00  }
0x9d: {  	s8 =	simm.s32 $0x100;
	v2 =	vld [tilespmem:s6+$0x960]  }
.LBB2_21:
0x9e: {  	p1 =	sne.s32 s8, $0xC700;
	v3 =	vld [tilespmem:$0x1A1A0];
	_ =	sdelay $0x4  }
0x9f: {  	v2 =	vadd.f32 v3, v2;
	_ =	sdelay $0x1  }
0xa0: {  	[tilespmem:s6+$0x4960] =	vst v2;
	v2 =	vld [tilespmem:s6+$0x970]  }
0xa1: {  	v3 =	vld [tilespmem:$0x1A1B0];
	_ =	sdelay $0x4  }
0xa2: {  	v2 =	vadd.f32 v3, v2;
	_ =	sdelay $0x1  }
0xa3: {  	[tilespmem:s6+$0x4970] =	vst v2;
	v2 =	vld [tilespmem:s6+$0x980]  }
0xa4: {  	v3 =	vld [tilespmem:$0x1A1C0];
	_ =	sdelay $0x4  }
0xa5: {  	v2 =	vadd.f32 v3, v2;
	_ =	sdelay $0x1  }
0xa6: {  	[tilespmem:s6+$0x4980] =	vst v2;
	v2 =	vld [tilespmem:s6+$0x990]  }
0xa7: {  	v3 =	vld [tilespmem:$0x1A1D0];
	_ =	sdelay $0x2  }
.Ltmp10:
0xa8: {  	(pc) =	sbr.rel @p1 .LBB2_21-.Ltmp10, $4  }
0xa9: {  	_ = 	snop  }
0xaa: {  	v3 =	vadd.f32 v3, v2  }
0xab: {  	s9 =	sshra.s32 s8, $0x2  }
0xac: {  	s8 =	sadd.s32 $0x100, s8;
	v2 =	vld [tilespmem:s9+$0x960];
	[tilespmem:s6+$0x4990] =	vst v3;
	s6 =	smov.u32 s9  }
0xad: {  	v3 =	vld [tilespmem:$0x1A1A0];
	_ =	sdelay $0x4  }
0xae: {  	v2 =	vadd.f32 v3, v2;
	_ =	sdelay $0x1  }
0xaf: {  	[tilespmem:s6+$0x4960] =	vst v2;
	v2 =	vld [tilespmem:s6+$0x970]  }
0xb0: {  	v3 =	vld [tilespmem:$0x1A1B0];
	_ =	sdelay $0x4  }
0xb1: {  	v2 =	vadd.f32 v3, v2;
	_ =	sdelay $0x1  }
0xb2: {  	[tilespmem:s6+$0x4970] =	vst v2;
	v2 =	vld [tilespmem:s6+$0x980]  }
0xb3: {  	v3 =	vld [tilespmem:$0x1A1C0];
	_ =	sdelay $0x4  }
0xb4: {  	v2 =	vadd.f32 v3, v2;
	_ =	sdelay $0x1  }
0xb5: {  	[tilespmem:s6+$0x4980] =	vst v2;
	v2 =	vld [tilespmem:s6+$0x990]  }
0xb6: {  	v3 =	vld [tilespmem:$0x1A1D0];
	_ =	sdelay $0x4  }
0xb7: {  	v2 =	vadd.f32 v3, v2;
	_ =	sdelay $0x1  }
0xb8: {  	s28 =	rddreg [dreg:$0x8];
	[tilespmem:s6+$0x4990] =	vst v2  }
0xb9: {  	[spmem:s28] =	stream.linear.scatter [tilespmem:s30], [sflag:$0x5], $0x3200, $0x38;
	[tilespmem:$0x1A1E0] =	vst v63  }
0xba: {  	_ =	swait.ge [sflag:s10], $0x3200  }
0xbb: {  	[sflag:s10] =	ssyncset.done $0x0  }
0xbc: {  	[sflag:s10] =	ssyncadd.s32 $0xFFFFCE00  }
.LBB2_23:
0xbd: {  	[bflag:$0x0] =	sbarrier.arrive $0xFFFF  }
0xbe: {  	s6 =	simm.s32 $0x0;
	s8 =	rddreg [dreg:$0x9]  }
0xbf: {  	[tilespmem:s14], [sflag:$0x5] =	stream.linear.gather [hbm4b:s8+s6], $0x100, $0x38;
	[tilespmem:$0x1A1E0] =	vst v63  }
0xc0: {  	_ =	swait.ge [sflag:s10], $0x100  }
0xc1: {  	[sflag:s10] =	ssyncset.done $0x0  }
0xc2: {  	s9 =	simm.s32 $0x18B60;
	s28 =	rddreg [dreg:$0xa];
	[sflag:s10] =	ssyncadd.s32 $0xFFFFFF00  }
0xc3: {  	[tilespmem:s9], [sflag:$0x5] =	stream.linear.gather [hbm4b:s28+s6], $0x100, $0x38;
	[tilespmem:$0x1A1E0] =	vst v63  }
0xc4: {  	_ =	swait.ge [sflag:s10], $0x100  }
0xc5: {  	[sflag:s10] =	ssyncset.done $0x0  }
0xc6: {  	s6 =	simm.s32 $0x0;
	[sflag:s10] =	ssyncadd.s32 $0xFFFFFF00  }
0xc7: {  	s9 =	rddreg [dreg:$0xd];
	v3 =	vld [tilespmem:s6+$0x18B60]  }
0xc8: {  	v2 =	vor.u32 s9, v0  }
0xc9: {  	v4 =	vmulhi.u32 $0x51EB851F, v2;
	_ =	sdelay $0x1  }
0xca: {  	s8 =	simm.s32 $0x40;
	v4 =	vshrl.u32 v4, $0x6  }
.LBB2_24:
0xcb: {  	s10 =	sshra.s32 s8, $0x2;
	p1 =	sne.s32 s8, $0x3C0;
	s8 =	sadd.s32 $0x40, s8;
	v4 =	vmul.u32 $0xC8, v4;
	vm0 =	veq.s32 v3, $0x4  }
.Ltmp11:
0xcc: {  	vm1 =	veq.s32 v3, $0x3;
	s9 =	sadd.s32 $0x10, s9;
	v3 =	vld [tilespmem:s10+$0x18B60];
	v5 =	vsel vm0, $0x190, v1;
	(pc) =	sbr.rel @p1 .LBB2_24-.Ltmp11, $4  }
0xcd: {  	v4 =	vsub.s32 v2, v4;
	v2 =	vor.u32 s9, v0;
	v5 =	vsel vm1, $0xC8, v5  }
0xce: {  	v6 =	vmulhi.u32 $0x51EB851F, v2;
	v4 =	vadd.s32 v4, v5  }
0xcf: {  	[tilespmem:s6+$0x18D60] =	vst v4;
	s6 =	smov.u32 s10  }
0xd0: {  	v4 =	vshrl.u32 v6, $0x6  }
0xd1: {  	v4 =	vmul.u32 $0xC8, v4;
	vm0 =	veq.s32 v3, $0x4  }
0xd2: {  	vm1 =	veq.s32 v3, $0x3;
	v3 =	vsel vm0, $0x190, v1  }
0xd3: {  	v2 =	vsub.s32 v2, v4;
	v3 =	vsel vm1, $0xC8, v3  }
0xd4: {  	v2 =	vadd.s32 v2, v3  }
0xd5: {  	[tilespmem:s6+$0x18D60] =	vst v2  }
0xd6: {  	[tilespmem:s13], [sflag:$0x2] =	stream.indirect.gather [hbm4b:s7+s0], $0x40, s14, s0, $0xb8;
	[tilespmem:$0x1A1E0] =	vst v63  }
0xd7: {  	s23 =	simm.s32 $0x18D60;
	s8 =	simm.s32 $0x8960  }
0xd8: {  	[tilespmem:s8], [sflag:$0x3] =	stream.indirect.gather [spmem:s2], $0x40, s23, s0, $0xb8;
	[tilespmem:$0x1A1E0] =	vst v63  }
0xd9: {  	s25 =	simm.s32 $0x189E0;
	s26 =	simm.s32 $0x2960;
	s12 =	rddreg [dreg:$0xb]  }
0xda: {  	[tilespmem:s26], [sflag:$0x2] =	stream.indirect.gather [hbm4b:s7+s0], $0x40, s25, s0, $0xb8;
	[tilespmem:$0x1A1E0] =	vst v63  }
0xdb: {  	s9 =	simm.s32 $0x18DE0;
	s10 =	simm.s32 $0xA960;
	s28 =	rddreg [dreg:$0x10]  }
0xdc: {  	[tilespmem:s10], [sflag:$0x3] =	stream.indirect.gather [spmem:s2], $0x40, s9, s0, $0xb8;
	[tilespmem:$0x1A1E0] =	vst v63  }
0xdd: {  	s6 =	rddreg [dreg:$0xf];
	s26 =	simm.s32 $0x0  }
0xde: {  	[tilespmem:s11], [sflag:$0x1] =	stream.linear.gather [hbm4b:s12+s26], $0x100, $0x38;
	[tilespmem:$0x1A1E0] =	vst v63  }
0xdf: {  	s23 =	rddreg [dreg:$0xc];
	s25 =	simm.s32 $0x18C60  }
0xe0: {  	[tilespmem:s25], [sflag:$0x1] =	stream.linear.gather [hbm4b:s23+s26], $0x100, $0x38;
	[tilespmem:$0x1A1E0] =	vst v63  }
.LBB2_26:
0xe1: {  	_ =	swait.ge [sflag:s31], $0x100  }
0xe2: {  	[sflag:s31] =	ssyncset.done $0x0  }
0xe3: {  	[sflag:s31] =	ssyncadd.s32 $0xFFFFFF00  }
0xe4: {  	_ =	swait.ge [sflag:s31], $0x100  }
0xe5: {  	[sflag:s31] =	ssyncset.done $0x0  }
0xe6: {  	s9 =	simm.s32 $0x0;
	[sflag:s31] =	ssyncadd.s32 $0xFFFFFF00  }
0xe7: {  	v3 =	vld [tilespmem:s9+$0x18C60]  }
0xe8: {  	v2 =	vor.u32 s6, v0  }
0xe9: {  	v4 =	vmulhi.u32 $0x51EB851F, v2;
	_ =	sdelay $0x1  }
0xea: {  	s8 =	sshll.u32 s26, $0x9;
	s10 =	simm.s32 $0x40;
	s23 =	smov.u32 s6;
	v4 =	vshrl.u32 v4, $0x6  }
.LBB2_27:
0xeb: {  	s25 =	sshra.s32 s10, $0x2;
	p1 =	sne.s32 s10, $0x3C0;
	s10 =	sadd.s32 $0x40, s10;
	v4 =	vmul.u32 $0xC8, v4;
	vm0 =	veq.s32 v3, $0x4  }
.Ltmp12:
0xec: {  	vm1 =	veq.s32 v3, $0x3;
	s23 =	sadd.s32 $0x10, s23;
	v3 =	vld [tilespmem:s25+$0x18C60];
	v5 =	vsel vm0, $0x190, v1;
	(pc) =	sbr.rel @p1 .LBB2_27-.Ltmp12, $4  }
0xed: {  	v4 =	vsub.s32 v2, v4;
	v2 =	vor.u32 s23, v0;
	v5 =	vsel vm1, $0xC8, v5  }
0xee: {  	v6 =	vmulhi.u32 $0x51EB851F, v2;
	v4 =	vadd.s32 v4, v5  }
0xef: {  	[tilespmem:s9+$0x18E60] =	vst v4;
	s9 =	smov.u32 s25  }
0xf0: {  	v4 =	vshrl.u32 v6, $0x6  }
0xf1: {  	v4 =	vmul.u32 $0xC8, v4;
	vm0 =	veq.s32 v3, $0x4  }
0xf2: {  	vm1 =	veq.s32 v3, $0x3;
	v3 =	vsel vm0, $0x190, v1  }
0xf3: {  	v2 =	vsub.s32 v2, v4;
	v3 =	vsel vm1, $0xC8, v3  }
0xf4: {  	v2 =	vadd.s32 v2, v3  }
0xf5: {  	[tilespmem:s9+$0x18E60] =	vst v2  }
0xf6: {  	[tilespmem:s30], [sflag:$0x2] =	stream.indirect.gather [hbm4b:s7+s0], $0x40, s11, s0, $0xb8;
	[tilespmem:$0x1A1E0] =	vst v63  }
0xf7: {  	s23 =	simm.s32 $0x18E60;
	s10 =	simm.s32 $0xC960  }
0xf8: {  	[tilespmem:s10], [sflag:$0x3] =	stream.indirect.gather [spmem:s2], $0x40, s23, s0, $0xb8;
	[tilespmem:$0x1A1E0] =	vst v63  }
0xf9: {  	s25 =	simm.s32 $0x18AE0  }
0xfa: {  	[tilespmem:s15], [sflag:$0x2] =	stream.indirect.gather [hbm4b:s7+s0], $0x40, s25, s0, $0xb8;
	[tilespmem:$0x1A1E0] =	vst v63  }
0xfb: {  	_ = 	snop  }
0xfc: {  	[tilespmem:s21], [sflag:$0x3] =	stream.indirect.gather [spmem:s2], $0x40, s20, s0, $0xb8;
	[tilespmem:$0x1A1E0] =	vst v63  }
0xfd: {  	_ =	swait.ge [sflag:s29], $0x4000  }
0xfe: {  	[sflag:s29] =	ssyncset.done $0x0  }
0xff: {  	[sflag:s29] =	ssyncadd.s32 $0xFFFFC000  }
0x100: {  	_ =	swait.ge [sflag:s22], $0x4000  }
0x101: {  	p2 =	seq.s32 s26, $0x0;
	[sflag:s22] =	ssyncset.done $0x0  }
0x102: {  	s9 =	simm.s32 @!p2 $0x4;
	[sflag:s22] =	ssyncadd.s32 $0xFFFFC000  }
0x103: {  	_ =	swait.ge @!p2 [sflag:s9], $0x4000  }
0x104: {  	[sflag:s9] =	ssyncset.done @!p2 $0x0  }
0x105: {  	s10 =	simm.s32 $0x0;
	[sflag:s9] =	ssyncadd.s32 @!p2 $0xFFFFC000  }
0x106: {  	v2 =	vld [tilespmem:s10+$0xB50]  }
0x107: {  	v3 =	vld [tilespmem:s10+$0x960]  }
0x108: {  	v4 =	vld [tilespmem:s10+$0x8B50]  }
0x109: {  	v5 =	vld [tilespmem:s10+$0x970]  }
0x10a: {  	v6 =	vld [tilespmem:s10+$0x980]  }
0x10b: {  	v7 =	vld [tilespmem:s10+$0x990]  }
0x10c: {  	v8 =	vld [tilespmem:s10+$0x9A0]  }
0x10d: {  	v9 =	vld [tilespmem:s10+$0x9B0]  }
0x10e: {  	v10 =	vld [tilespmem:s10+$0x9D0]  }
0x10f: {  	v11 =	vld [tilespmem:s10+$0x9F0]  }
0x110: {  	v12 =	vld [tilespmem:s10+$0xA00]  }
0x111: {  	v13 =	vld [tilespmem:s10+$0xA10]  }
0x112: {  	v14 =	vld [tilespmem:s10+$0xA20]  }
0x113: {  	v15 =	vld [tilespmem:s10+$0xA30]  }
0x114: {  	v16 =	vld [tilespmem:s10+$0xA40]  }
0x115: {  	v17 =	vld [tilespmem:s10+$0xA50]  }
0x116: {  	v18 =	vld [tilespmem:s10+$0xA60]  }
0x117: {  	v19 =	vld [tilespmem:s10+$0xA70]  }
0x118: {  	v20 =	vld [tilespmem:s10+$0xA80]  }
0x119: {  	v21 =	vld [tilespmem:s10+$0xA90]  }
0x11a: {  	v22 =	vld [tilespmem:s10+$0xAA0]  }
0x11b: {  	v23 =	vld [tilespmem:s10+$0xAB0]  }
0x11c: {  	v24 =	vld [tilespmem:s10+$0xAC0]  }
0x11d: {  	v25 =	vld [tilespmem:s10+$0xAD0]  }
0x11e: {  	v26 =	vld [tilespmem:s10+$0xAE0]  }
0x11f: {  	v27 =	vld [tilespmem:s10+$0xAF0]  }
0x120: {  	v28 =	vld [tilespmem:s10+$0xB00]  }
0x121: {  	v29 =	vld [tilespmem:s10+$0xB10]  }
0x122: {  	v30 =	vld [tilespmem:s10+$0xB20]  }
0x123: {  	v33 =	vld [tilespmem:s10+$0x8960]  }
0x124: {  	v34 =	vld [tilespmem:s10+$0x8970]  }
0x125: {  	v35 =	vld [tilespmem:s10+$0x8980]  }
0x126: {  	v36 =	vld [tilespmem:s10+$0x8990]  }
0x127: {  	v37 =	vld [tilespmem:s10+$0x89A0];
	v2 =	vmul.f32 $8.000000000e+00, v2  }
0x128: {  	v63 =	vld [tilespmem:s10+$0x89B0];
	v3 =	vmul.f32 $8.000000000e+00, v3  }
0x129: {  	v5 =	vmul.f32 $8.000000000e+00, v5;
	v2 =	vadd.f32 v4, v2;
	v4 =	vld [tilespmem:s10+$0x9C0]  }
0x12a: {  	v38 =	vld [tilespmem:s10+$0x89C0];
	v6 =	vmul.f32 $8.000000000e+00, v6;
	v3 =	vadd.f32 v33, v3  }
0x12b: {  	v7 =	vmul.f32 $8.000000000e+00, v7;
	v5 =	vadd.f32 v34, v5;
	[tilespmem:s10+$0x10B50] =	vst v2;
	v2 =	vld [tilespmem:s10+$0x9E0]  }
0x12c: {  	v8 =	vmul.f32 $8.000000000e+00, v8;
	v6 =	vadd.f32 v35, v6;
	[tilespmem:s10+$0x10960] =	vst v3;
	v3 =	vld [tilespmem:s10+$0x89D0]  }
0x12d: {  	v9 =	vmul.f32 $8.000000000e+00, v9;
	v7 =	vadd.f32 v36, v7;
	[tilespmem:s10+$0x10970] =	vst v5;
	v5 =	vld [tilespmem:s10+$0x89E0]  }
0x12e: {  	v8 =	vadd.f32 v37, v8;
	[tilespmem:s10+$0x10980] =	vst v6;
	v6 =	vld [tilespmem:s10+$0x89F0];
	v4 =	vmul.f32 $8.000000000e+00, v4  }
0x12f: {  	v10 =	vmul.f32 $8.000000000e+00, v10;
	v9 =	vadd.f32 v63, v9;
	[tilespmem:s10+$0x10990] =	vst v7;
	v7 =	vld [tilespmem:s10+$0x8A00]  }
0x130: {  	[tilespmem:s10+$0x109A0] =	vst v8;
	v8 =	vld [tilespmem:s10+$0x8A10];
	v4 =	vadd.f32 v38, v4;
	v2 =	vmul.f32 $8.000000000e+00, v2  }
0x131: {  	[tilespmem:s10+$0x109B0] =	vst v9;
	v9 =	vld [tilespmem:s10+$0x8A20];
	v3 =	vadd.f32 v3, v10;
	v10 =	vmul.f32 $8.000000000e+00, v11  }
0x132: {  	[tilespmem:s10+$0x109C0] =	vst v4;
	v4 =	vld [tilespmem:s10+$0x8A30];
	v2 =	vadd.f32 v5, v2;
	v5 =	vmul.f32 $8.000000000e+00, v12  }
0x133: {  	[tilespmem:s10+$0x109D0] =	vst v3;
	v3 =	vld [tilespmem:s10+$0x8A40];
	v6 =	vadd.f32 v6, v10;
	v10 =	vmul.f32 $8.000000000e+00, v13  }
0x134: {  	[tilespmem:s10+$0x109E0] =	vst v2;
	v2 =	vld [tilespmem:s10+$0x8A50];
	v5 =	vadd.f32 v7, v5;
	v7 =	vmul.f32 $8.000000000e+00, v14  }
0x135: {  	[tilespmem:s10+$0x109F0] =	vst v6;
	v6 =	vld [tilespmem:s10+$0x8A60];
	v8 =	vadd.f32 v8, v10;
	v10 =	vmul.f32 $8.000000000e+00, v15  }
0x136: {  	[tilespmem:s10+$0x10A00] =	vst v5;
	v5 =	vld [tilespmem:s10+$0x8A70];
	v7 =	vadd.f32 v9, v7;
	v9 =	vmul.f32 $8.000000000e+00, v16  }
0x137: {  	v31 =	vld [tilespmem:s10+$0xB30];
	v4 =	vadd.f32 v4, v10;
	v10 =	vmul.f32 $8.000000000e+00, v17  }
0x138: {  	[tilespmem:s10+$0x10A10] =	vst v8;
	v8 =	vld [tilespmem:s10+$0x8A80];
	v3 =	vadd.f32 v3, v9  }
0x139: {  	[tilespmem:s10+$0x10A20] =	vst v7;
	v7 =	vld [tilespmem:s10+$0x8A90];
	v9 =	vmul.f32 $8.000000000e+00, v18;
	v2 =	vadd.f32 v2, v10;
	v10 =	vmul.f32 $8.000000000e+00, v19  }
0x13a: {  	[tilespmem:s10+$0x10A30] =	vst v4;
	v4 =	vld [tilespmem:s10+$0x8AA0]  }
0x13b: {  	v32 =	vld [tilespmem:s10+$0xB40];
	[tilespmem:s10+$0x10A40] =	vst v3;
	v6 =	vadd.f32 v6, v9;
	v9 =	vmul.f32 $8.000000000e+00, v20;
	v5 =	vadd.f32 v5, v10  }
0x13c: {  	v3 =	vld [tilespmem:s10+$0x8AB0];
	[tilespmem:s10+$0x10A50] =	vst v2;
	v10 =	vmul.f32 $8.000000000e+00, v21  }
0x13d: {  	v2 =	vld [tilespmem:s10+$0x8AC0];
	v8 =	vadd.f32 v8, v9;
	[tilespmem:s10+$0x10A70] =	vst v5;
	v5 =	vmul.f32 $8.000000000e+00, v22  }
0x13e: {  	[tilespmem:s10+$0x10A60] =	vst v6;
	v6 =	vld [tilespmem:s10+$0x8AD0];
	v7 =	vadd.f32 v7, v10  }
0x13f: {  	v11 =	vld [tilespmem:s10+$0x8AE0];
	[tilespmem:s10+$0x10A80] =	vst v8;
	v8 =	vmul.f32 $8.000000000e+00, v23;
	v4 =	vadd.f32 v4, v5  }
0x140: {  	v13 =	vld [tilespmem:s10+$0x8AF0];
	[tilespmem:s10+$0x10A90] =	vst v7;
	v5 =	vmul.f32 $8.000000000e+00, v24  }
0x141: {  	v7 =	vld [tilespmem:s10+$0x8B00];
	v3 =	vadd.f32 v3, v8;
	[tilespmem:s10+$0x10AA0] =	vst v4;
	v4 =	vmul.f32 $8.000000000e+00, v25  }
0x142: {  	v12 =	vmul.f32 $8.000000000e+00, v26;
	v8 =	vld [tilespmem:s10+$0x8B10];
	v2 =	vadd.f32 v2, v5  }
0x143: {  	v14 =	vmul.f32 $8.000000000e+00, v27;
	v9 =	vld [tilespmem:s10+$0x8B20];
	v5 =	vmul.f32 $8.000000000e+00, v29;
	[tilespmem:s10+$0x10AB0] =	vst v3;
	v15 =	vadd.f32 v6, v4  }
0x144: {  	v12 =	vadd.f32 v11, v12;
	v10 =	vld [tilespmem:s10+$0x8B30];
	v3 =	vmul.f32 $8.000000000e+00, v31;
	[tilespmem:s10+$0x10AC0] =	vst v2;
	v6 =	vmul.f32 $8.000000000e+00, v28  }
0x145: {  	s23 =	simm.s32 $0x1000;
	s25 =	simm.s32 $0x200;
	s9 =	sshll.u32 s26, $0x1;
	v11 =	vld [tilespmem:s10+$0x8B40];
	v13 =	vadd.f32 v13, v14;
	v4 =	vmul.f32 $8.000000000e+00, v30;
	v2 =	vmul.f32 $8.000000000e+00, v32;
	[tilespmem:s10+$0x10AD0] =	vst v15  }
.LBB2_29:
0x146: {  	p1 =	sne.s32 s23, $0xF800;
	v14 =	vld [tilespmem:s25+$0xB50];
	[tilespmem:s10+$0x10AE0] =	vst v12;
	v6 =	vadd.f32 v7, v6  }
0x147: {  	v7 =	vld [tilespmem:s25+$0x960];
	[tilespmem:s10+$0x10AF0] =	vst v13;
	v5 =	vadd.f32 v8, v5  }
0x148: {  	v8 =	vld [tilespmem:s25+$0x8B50];
	[tilespmem:s10+$0x10B00] =	vst v6;
	v4 =	vadd.f32 v9, v4  }
0x149: {  	v6 =	vld [tilespmem:s25+$0x970];
	[tilespmem:s10+$0x10B10] =	vst v5;
	v3 =	vadd.f32 v10, v3  }
0x14a: {  	v5 =	vld [tilespmem:s25+$0x980];
	[tilespmem:s10+$0x10B20] =	vst v4;
	v2 =	vadd.f32 v11, v2  }
0x14b: {  	v4 =	vld [tilespmem:s25+$0x990];
	v9 =	vmul.f32 $8.000000000e+00, v14;
	[tilespmem:s10+$0x10B30] =	vst v3  }
0x14c: {  	v7 =	vmul.f32 $8.000000000e+00, v7;
	v3 =	vld [tilespmem:s25+$0x9A0];
	[tilespmem:s10+$0x10B40] =	vst v2;
	s10 =	smov.u32 s25  }
0x14d: {  	v2 =	vld [tilespmem:s10+$0x9B0];
	v8 =	vadd.f32 v8, v9  }
0x14e: {  	v9 =	vmul.f32 $8.000000000e+00, v6;
	v6 =	vld [tilespmem:s10+$0x9C0]  }
0x14f: {  	v10 =	vmul.f32 $8.000000000e+00, v5;
	v5 =	vld [tilespmem:s10+$0x9D0];
	[tilespmem:s10+$0x10B50] =	vst v8  }
0x150: {  	v8 =	vmul.f32 $8.000000000e+00, v4;
	v4 =	vld [tilespmem:s10+$0x9E0]  }
0x151: {  	v11 =	vmul.f32 $8.000000000e+00, v3;
	v3 =	vld [tilespmem:s10+$0x9F0]  }
0x152: {  	v12 =	vmul.f32 $8.000000000e+00, v2;
	v2 =	vld [tilespmem:s10+$0xA00]  }
0x153: {  	v13 =	vmul.f32 $8.000000000e+00, v6;
	v6 =	vld [tilespmem:s10+$0xA10]  }
0x154: {  	v14 =	vmul.f32 $8.000000000e+00, v5;
	v5 =	vld [tilespmem:s10+$0xA20]  }
0x155: {  	v15 =	vmul.f32 $8.000000000e+00, v4;
	v4 =	vld [tilespmem:s10+$0xA30]  }
0x156: {  	v16 =	vmul.f32 $8.000000000e+00, v3;
	v3 =	vld [tilespmem:s10+$0xA40]  }
0x157: {  	v17 =	vmul.f32 $8.000000000e+00, v2;
	v2 =	vld [tilespmem:s10+$0xA50]  }
0x158: {  	v18 =	vmul.f32 $8.000000000e+00, v6;
	v6 =	vld [tilespmem:s10+$0xA60]  }
0x159: {  	v19 =	vmul.f32 $8.000000000e+00, v5;
	v5 =	vld [tilespmem:s10+$0xA70]  }
0x15a: {  	v20 =	vmul.f32 $8.000000000e+00, v4;
	v4 =	vld [tilespmem:s10+$0xA80]  }
0x15b: {  	v21 =	vmul.f32 $8.000000000e+00, v3;
	v3 =	vld [tilespmem:s10+$0xA90]  }
0x15c: {  	v22 =	vmul.f32 $8.000000000e+00, v2;
	v2 =	vld [tilespmem:s10+$0xAA0]  }
0x15d: {  	v23 =	vmul.f32 $8.000000000e+00, v6;
	v6 =	vld [tilespmem:s10+$0xAB0]  }
0x15e: {  	v24 =	vmul.f32 $8.000000000e+00, v5;
	v5 =	vld [tilespmem:s10+$0xAC0]  }
0x15f: {  	v25 =	vmul.f32 $8.000000000e+00, v4;
	v4 =	vld [tilespmem:s10+$0xAD0]  }
0x160: {  	v26 =	vmul.f32 $8.000000000e+00, v3;
	v3 =	vld [tilespmem:s10+$0xAE0]  }
0x161: {  	v27 =	vmul.f32 $8.000000000e+00, v2;
	v2 =	vld [tilespmem:s10+$0xAF0]  }
0x162: {  	v28 =	vmul.f32 $8.000000000e+00, v6;
	v6 =	vld [tilespmem:s10+$0xB00]  }
0x163: {  	v29 =	vmul.f32 $8.000000000e+00, v5;
	v5 =	vld [tilespmem:s10+$0xB10]  }
0x164: {  	v30 =	vmul.f32 $8.000000000e+00, v4;
	v4 =	vld [tilespmem:s10+$0xB20]  }
0x165: {  	v31 =	vmul.f32 $8.000000000e+00, v3;
	v3 =	vld [tilespmem:s10+$0xB30]  }
0x166: {  	v32 =	vmul.f32 $8.000000000e+00, v2;
	v2 =	vld [tilespmem:s10+$0xB40]  }
0x167: {  	v33 =	vld [tilespmem:s10+$0x8960];
	v6 =	vmul.f32 $8.000000000e+00, v6  }
0x168: {  	v34 =	vld [tilespmem:s10+$0x8970];
	v5 =	vmul.f32 $8.000000000e+00, v5  }
0x169: {  	v35 =	vld [tilespmem:s10+$0x8980];
	v4 =	vmul.f32 $8.000000000e+00, v4  }
0x16a: {  	v36 =	vld [tilespmem:s10+$0x8990];
	v3 =	vmul.f32 $8.000000000e+00, v3  }
0x16b: {  	v37 =	vld [tilespmem:s10+$0x89A0];
	v2 =	vmul.f32 $8.000000000e+00, v2  }
0x16c: {  	v7 =	vadd.f32 v33, v7;
	v33 =	vld [tilespmem:s10+$0x89B0]  }
0x16d: {  	v9 =	vadd.f32 v34, v9;
	v34 =	vld [tilespmem:s10+$0x89C0]  }
0x16e: {  	[tilespmem:s10+$0x10960] =	vst v7;
	v7 =	vadd.f32 v35, v10;
	v10 =	vld [tilespmem:s10+$0x89D0]  }
0x16f: {  	[tilespmem:s10+$0x10970] =	vst v9;
	v8 =	vadd.f32 v36, v8;
	v9 =	vld [tilespmem:s10+$0x89E0]  }
0x170: {  	[tilespmem:s10+$0x10980] =	vst v7;
	v7 =	vadd.f32 v37, v11;
	v11 =	vld [tilespmem:s10+$0x89F0]  }
0x171: {  	[tilespmem:s10+$0x10990] =	vst v8;
	v8 =	vadd.f32 v33, v12;
	v12 =	vld [tilespmem:s10+$0x8A00]  }
0x172: {  	[tilespmem:s10+$0x109A0] =	vst v7;
	v7 =	vadd.f32 v34, v13;
	v13 =	vld [tilespmem:s10+$0x8A10]  }
0x173: {  	[tilespmem:s10+$0x109B0] =	vst v8;
	v8 =	vadd.f32 v10, v14;
	v10 =	vld [tilespmem:s10+$0x8A20]  }
0x174: {  	[tilespmem:s10+$0x109C0] =	vst v7;
	v7 =	vadd.f32 v9, v15;
	v9 =	vld [tilespmem:s10+$0x8A30]  }
0x175: {  	[tilespmem:s10+$0x109D0] =	vst v8;
	v8 =	vadd.f32 v11, v16;
	v11 =	vld [tilespmem:s10+$0x8A40]  }
0x176: {  	[tilespmem:s10+$0x109E0] =	vst v7;
	v7 =	vadd.f32 v12, v17;
	v12 =	vld [tilespmem:s10+$0x8A50]  }
0x177: {  	[tilespmem:s10+$0x109F0] =	vst v8;
	v8 =	vadd.f32 v13, v18;
	v13 =	vld [tilespmem:s10+$0x8A60]  }
0x178: {  	[tilespmem:s10+$0x10A00] =	vst v7;
	v7 =	vadd.f32 v10, v19;
	v10 =	vld [tilespmem:s10+$0x8A70]  }
0x179: {  	[tilespmem:s10+$0x10A10] =	vst v8;
	v8 =	vadd.f32 v9, v20;
	v9 =	vld [tilespmem:s10+$0x8A80]  }
0x17a: {  	[tilespmem:s10+$0x10A20] =	vst v7;
	v7 =	vadd.f32 v11, v21;
	v11 =	vld [tilespmem:s10+$0x8A90]  }
0x17b: {  	[tilespmem:s10+$0x10A30] =	vst v8;
	v8 =	vadd.f32 v12, v22;
	v12 =	vld [tilespmem:s10+$0x8AA0]  }
0x17c: {  	[tilespmem:s10+$0x10A40] =	vst v7;
	v7 =	vadd.f32 v13, v23;
	v13 =	vld [tilespmem:s10+$0x8AB0]  }
0x17d: {  	[tilespmem:s10+$0x10A50] =	vst v8;
	v8 =	vadd.f32 v10, v24;
	v10 =	vld [tilespmem:s10+$0x8AC0]  }
0x17e: {  	[tilespmem:s10+$0x10A60] =	vst v7;
	v7 =	vadd.f32 v9, v25;
	v9 =	vld [tilespmem:s10+$0x8AD0]  }
0x17f: {  	[tilespmem:s10+$0x10A70] =	vst v8;
	v8 =	vadd.f32 v11, v26;
	v11 =	vld [tilespmem:s10+$0x8AE0]  }
0x180: {  	[tilespmem:s10+$0x10A80] =	vst v7;
	v12 =	vadd.f32 v12, v27;
	v14 =	vld [tilespmem:s10+$0x8AF0]  }
.Ltmp13:
0x181: {  	[tilespmem:s10+$0x10A90] =	vst v8;
	v13 =	vadd.f32 v13, v28;
	v7 =	vld [tilespmem:s10+$0x8B00];
	(pc) =	sbr.rel @p1 .LBB2_29-.Ltmp13, $4  }
0x182: {  	[tilespmem:s10+$0x10AA0] =	vst v12;
	v10 =	vadd.f32 v10, v29;
	v8 =	vld [tilespmem:s10+$0x8B10]  }
0x183: {  	[tilespmem:s10+$0x10AB0] =	vst v13;
	v13 =	vadd.f32 v9, v30;
	v9 =	vld [tilespmem:s10+$0x8B20]  }
0x184: {  	[tilespmem:s10+$0x10AC0] =	vst v10;
	v12 =	vadd.f32 v11, v31;
	v10 =	vld [tilespmem:s10+$0x8B30]  }
0x185: {  	s25 =	sshra.s32 s23, $0x2;
	s23 =	sadd.s32 $0x800, s23;
	[tilespmem:s10+$0x10AD0] =	vst v13;
	v13 =	vadd.f32 v14, v32;
	v11 =	vld [tilespmem:s10+$0x8B40]  }
0x186: {  	v14 =	vld [tilespmem:s25+$0xB50];
	[tilespmem:s10+$0x10AE0] =	vst v12;
	v6 =	vadd.f32 v7, v6  }
0x187: {  	v12 =	vld [tilespmem:s25+$0x960];
	[tilespmem:s10+$0x10AF0] =	vst v13;
	v5 =	vadd.f32 v8, v5  }
0x188: {  	v48 =	vld [tilespmem:s25+$0x8B50];
	[tilespmem:s10+$0x10B00] =	vst v6;
	v4 =	vadd.f32 v9, v4  }
0x189: {  	v6 =	vld [tilespmem:s25+$0x970];
	[tilespmem:s10+$0x10B10] =	vst v5;
	v3 =	vadd.f32 v10, v3  }
0x18a: {  	v5 =	vld [tilespmem:s25+$0x980];
	[tilespmem:s10+$0x10B20] =	vst v4;
	v2 =	vadd.f32 v11, v2  }
0x18b: {  	v4 =	vld [tilespmem:s25+$0x990];
	[tilespmem:s10+$0x10B30] =	vst v3  }
0x18c: {  	v3 =	vld [tilespmem:s25+$0x9A0];
	[tilespmem:s10+$0x10B40] =	vst v2  }
0x18d: {  	v2 =	vld [tilespmem:s25+$0x9B0]  }
0x18e: {  	v50 =	vld [tilespmem:s25+$0x9C0]  }
0x18f: {  	v51 =	vld [tilespmem:s25+$0x9D0]  }
0x190: {  	v52 =	vld [tilespmem:s25+$0x9E0]  }
0x191: {  	v53 =	vld [tilespmem:s25+$0x9F0]  }
0x192: {  	v54 =	vld [tilespmem:s25+$0xA00]  }
0x193: {  	v13 =	vld [tilespmem:s25+$0xA10]  }
0x194: {  	v55 =	vld [tilespmem:s25+$0xA20]  }
0x195: {  	v15 =	vld [tilespmem:s25+$0xA30]  }
0x196: {  	v16 =	vld [tilespmem:s25+$0xA40]  }
0x197: {  	v17 =	vld [tilespmem:s25+$0xA50]  }
0x198: {  	v18 =	vld [tilespmem:s25+$0xA60]  }
0x199: {  	v19 =	vld [tilespmem:s25+$0xA70]  }
0x19a: {  	v20 =	vld [tilespmem:s25+$0xA80]  }
0x19b: {  	v21 =	vld [tilespmem:s25+$0xA90]  }
0x19c: {  	v22 =	vld [tilespmem:s25+$0xAA0]  }
0x19d: {  	v23 =	vld [tilespmem:s25+$0xAB0]  }
0x19e: {  	v24 =	vld [tilespmem:s25+$0xAC0]  }
0x19f: {  	v25 =	vld [tilespmem:s25+$0xAD0]  }
0x1a0: {  	v26 =	vld [tilespmem:s25+$0xAE0]  }
0x1a1: {  	v27 =	vld [tilespmem:s25+$0xAF0]  }
0x1a2: {  	v28 =	vld [tilespmem:s25+$0xB00]  }
0x1a3: {  	v29 =	vld [tilespmem:s25+$0xB10]  }
0x1a4: {  	v30 =	vld [tilespmem:s25+$0xB20]  }
0x1a5: {  	v31 =	vld [tilespmem:s25+$0xB30]  }
0x1a6: {  	v32 =	vld [tilespmem:s25+$0xB40]  }
0x1a7: {  	v33 =	vld [tilespmem:s25+$0x8960]  }
0x1a8: {  	v34 =	vld [tilespmem:s25+$0x8970]  }
0x1a9: {  	v49 =	vmul.f32 $8.000000000e+00, v14;
	v35 =	vld [tilespmem:s25+$0x8980]  }
0x1aa: {  	v12 =	vmul.f32 $8.000000000e+00, v12;
	v36 =	vld [tilespmem:s25+$0x8990]  }
0x1ab: {  	v7 =	vadd.f32 v48, v49;
	v37 =	vld [tilespmem:s25+$0x89A0];
	v6 =	vmul.f32 $8.000000000e+00, v6  }
0x1ac: {  	v56 =	vld [tilespmem:s25+$0x89B0];
	v5 =	vmul.f32 $8.000000000e+00, v5;
	v12 =	vadd.f32 v33, v12  }
0x1ad: {  	v38 =	vld [tilespmem:s25+$0x89C0];
	[tilespmem:s25+$0x10B50] =	vst v7;
	v4 =	vmul.f32 $8.000000000e+00, v4;
	v6 =	vadd.f32 v34, v6  }
0x1ae: {  	v57 =	vld [tilespmem:s25+$0x89D0];
	v3 =	vmul.f32 $8.000000000e+00, v3;
	v5 =	vadd.f32 v35, v5;
	[tilespmem:s25+$0x10960] =	vst v12  }
0x1af: {  	v58 =	vld [tilespmem:s25+$0x89E0];
	v4 =	vadd.f32 v36, v4;
	v2 =	vmul.f32 $8.000000000e+00, v2;
	[tilespmem:s25+$0x10970] =	vst v6  }
0x1b0: {  	v59 =	vld [tilespmem:s25+$0x89F0];
	v8 =	vmul.f32 $8.000000000e+00, v50;
	v3 =	vadd.f32 v37, v3;
	[tilespmem:s25+$0x10980] =	vst v5  }
0x1b1: {  	v60 =	vld [tilespmem:s25+$0x8A00];
	v9 =	vmul.f32 $8.000000000e+00, v51;
	[tilespmem:s25+$0x10990] =	vst v4;
	v2 =	vadd.f32 v56, v2  }
0x1b2: {  	v7 =	vmul.f32 $8.000000000e+00, v52;
	v8 =	vadd.f32 v38, v8;
	[tilespmem:s25+$0x109A0] =	vst v3;
	v3 =	vld [tilespmem:s25+$0x8A10]  }
0x1b3: {  	v10 =	vmul.f32 $8.000000000e+00, v53;
	v9 =	vadd.f32 v57, v9;
	[tilespmem:s25+$0x109B0] =	vst v2;
	v2 =	vld [tilespmem:s25+$0x8A20]  }
0x1b4: {  	v61 =	vld [tilespmem:s25+$0x8A30];
	v63 =	vmul.f32 $8.000000000e+00, v54;
	v6 =	vadd.f32 v58, v7;
	[tilespmem:s25+$0x109C0] =	vst v8  }
0x1b5: {  	v62 =	vld [tilespmem:s25+$0x8A40];
	v33 =	vmul.f32 $8.000000000e+00, v13;
	v5 =	vadd.f32 v59, v10;
	[tilespmem:s25+$0x109D0] =	vst v9  }
0x1b6: {  	v34 =	vld [tilespmem:s25+$0x8A60];
	v35 =	vmul.f32 $8.000000000e+00, v55;
	v4 =	vadd.f32 v60, v63;
	[tilespmem:s25+$0x109E0] =	vst v6  }
0x1b7: {  	v36 =	vld [tilespmem:s25+$0x8A70];
	v37 =	vmul.f32 $8.000000000e+00, v15;
	[tilespmem:s25+$0x109F0] =	vst v5;
	v3 =	vadd.f32 v3, v33  }
0x1b8: {  	v40 =	vld [tilespmem:s25+$0x8AA0];
	v38 =	vmul.f32 $8.000000000e+00, v16;
	[tilespmem:s25+$0x10A00] =	vst v4;
	v2 =	vadd.f32 v2, v35  }
0x1b9: {  	v41 =	vmul.f32 $8.000000000e+00, v18;
	v8 =	vadd.f32 v61, v37;
	[tilespmem:s25+$0x10A10] =	vst v3;
	v3 =	vld [tilespmem:s25+$0x8A80]  }
0x1ba: {  	v43 =	vmul.f32 $8.000000000e+00, v19;
	v7 =	vadd.f32 v62, v38;
	[tilespmem:s25+$0x10A20] =	vst v2;
	v2 =	vld [tilespmem:s25+$0x8A90]  }
0x1bb: {  	v42 =	vld [tilespmem:s25+$0x8AB0];
	v49 =	vmul.f32 $8.000000000e+00, v22;
	v5 =	vadd.f32 v34, v41;
	[tilespmem:s25+$0x10A30] =	vst v8  }
0x1bc: {  	v45 =	vmul.f32 $8.000000000e+00, v20;
	v12 =	vld [tilespmem:s25+$0x8A50];
	v4 =	vadd.f32 v36, v43;
	[tilespmem:s25+$0x10A40] =	vst v7  }
0x1bd: {  	v46 =	vld [tilespmem:s25+$0x8AD0];
	v47 =	vmul.f32 $8.000000000e+00, v21;
	v8 =	vadd.f32 v40, v49;
	[tilespmem:s25+$0x10A60] =	vst v5  }
0x1be: {  	v48 =	vld [tilespmem:s25+$0x8AE0];
	v50 =	vmul.f32 $8.000000000e+00, v23;
	[tilespmem:s25+$0x10A70] =	vst v4;
	v3 =	vadd.f32 v3, v45  }
0x1bf: {  	v44 =	vld [tilespmem:s25+$0x8AC0];
	v39 =	vmul.f32 $8.000000000e+00, v17;
	[tilespmem:s25+$0x10AA0] =	vst v8;
	v2 =	vadd.f32 v2, v47  }
0x1c0: {  	v53 =	vmul.f32 $8.000000000e+00, v25;
	v7 =	vadd.f32 v42, v50;
	[tilespmem:s25+$0x10A80] =	vst v3;
	v3 =	vld [tilespmem:s25+$0x8AF0]  }
0x1c1: {  	v55 =	vmul.f32 $8.000000000e+00, v26;
	v6 =	vadd.f32 v12, v39;
	[tilespmem:s25+$0x10A90] =	vst v2;
	v2 =	vld [tilespmem:s25+$0x8B00]  }
0x1c2: {  	v51 =	vmul.f32 $8.000000000e+00, v24;
	v52 =	vld [tilespmem:s25+$0x8B10];
	v5 =	vadd.f32 v46, v53;
	[tilespmem:s25+$0x10AB0] =	vst v7  }
0x1c3: {  	v54 =	vld [tilespmem:s25+$0x8B20];
	v56 =	vmul.f32 $8.000000000e+00, v27;
	v4 =	vadd.f32 v48, v55;
	[tilespmem:s25+$0x10A50] =	vst v6  }
0x1c4: {  	v57 =	vld [tilespmem:s25+$0x8B30];
	v58 =	vmul.f32 $8.000000000e+00, v28;
	v6 =	vadd.f32 v44, v51;
	[tilespmem:s25+$0x10AD0] =	vst v5  }
0x1c5: {  	v59 =	vmul.f32 $8.000000000e+00, v29;
	v60 =	vld [tilespmem:s25+$0x8B40];
	[tilespmem:s25+$0x10AE0] =	vst v4;
	v3 =	vadd.f32 v3, v56  }
0x1c6: {  	v61 =	vmul.f32 $8.000000000e+00, v30;
	[tilespmem:s25+$0x10AC0] =	vst v6;
	v2 =	vadd.f32 v2, v58  }
0x1c7: {  	v62 =	vmul.f32 $8.000000000e+00, v31;
	[tilespmem:s25+$0x10AF0] =	vst v3;
	v3 =	vadd.f32 v52, v59  }
0x1c8: {  	v63 =	vmul.f32 $8.000000000e+00, v32;
	[tilespmem:s25+$0x10B00] =	vst v2;
	v2 =	vadd.f32 v54, v61  }
0x1c9: {  	p1 =	seq.s32 s26, $0x31;
	[tilespmem:s25+$0x10B10] =	vst v3;
	v3 =	vadd.f32 v57, v62  }
0x1ca: {  	s10 =	sadd.s32 @!p1 s8, s16;
	[tilespmem:s25+$0x10B20] =	vst v2;
	v2 =	vadd.f32 v60, v63  }
0x1cb: {  	s9 =	sor.u32 $0x1, s9;
	s10 =	sshrl.u32 @!p1 s10, $0x3;
	[tilespmem:s25+$0x10B30] =	vst v3  }
0x1cc: {  	s12 =	simm.s32 @!p1 $0x18960;
	s23 =	sadd.s32 @!p1 s4, s10;
	[tilespmem:s25+$0x10B40] =	vst v2;
	s25 =	simm.s32 @!p1 $0x0  }
0x1cd: {  	[tilespmem:s12], [sflag:$0x1] =	stream.linear.gather @!p1 [hbm4b:s23+s25], $0x100, $0x38;
	[tilespmem:$0x1A1E0] =	vst v63  }
0x1ce: {  	p3 =	sgt.u32 s9, $0x62;
	s10 =	sadd.s32 @!p1 s5, s10;
	s12 =	simm.s32 @!p1 $0x18B60  }
0x1cf: {  	[tilespmem:s12], [sflag:$0x1] =	stream.linear.gather @!p1 [hbm4b:s10+s25], $0x100, $0x38;
	[tilespmem:$0x1A1E0] =	vst v63  }
.Ltmp14:
0x1d0: {  	s25 =	sshll.u32 s26, $0xF;
	(pc) =	sbr.rel @p3 .LBB2_34-.Ltmp14, $4  }
0x1d1: {  	s10 =	sadd.s32 s17, s25  }
0x1d2: {  	s10 =	sshrl.u32 s10, $0x3  }
0x1d3: {  	s10 =	sadd.s32 s1, s10  }
0x1d4: {  	[hbm4b:s10+s3] =	stream.linear.scatter [tilespmem:s19], [sflag:$0x4], $0x4000, $0x38;
	[tilespmem:$0x1A1E0] =	vst v63  }
0x1d5: {  	_ =	swait.ge [sflag:s31], $0x100  }
0x1d6: {  	[sflag:s31] =	ssyncset.done $0x0  }
0x1d7: {  	[sflag:s31] =	ssyncadd.s32 $0xFFFFFF00  }
0x1d8: {  	_ =	swait.ge [sflag:s31], $0x100  }
0x1d9: {  	[sflag:s31] =	ssyncset.done $0x0  }
0x1da: {  	s10 =	simm.s32 $0x0;
	[sflag:s31] =	ssyncadd.s32 $0xFFFFFF00  }
0x1db: {  	v3 =	vld [tilespmem:s10+$0x18B60]  }
0x1dc: {  	v2 =	vor.u32 s28, v0  }
0x1dd: {  	v4 =	vmulhi.u32 $0x51EB851F, v2;
	_ =	sdelay $0x1  }
0x1de: {  	s23 =	simm.s32 $0x40;
	s25 =	smov.u32 s28;
	v4 =	vshrl.u32 v4, $0x6  }
.LBB2_32:
0x1df: {  	s12 =	sshra.s32 s23, $0x2;
	p3 =	sne.s32 s23, $0x3C0;
	s23 =	sadd.s32 $0x40, s23;
	v4 =	vmul.u32 $0xC8, v4;
	vm0 =	veq.s32 v3, $0x4  }
.Ltmp15:
0x1e0: {  	vm1 =	veq.s32 v3, $0x3;
	s25 =	sadd.s32 $0x10, s25;
	v3 =	vld [tilespmem:s12+$0x18B60];
	v5 =	vsel vm0, $0x190, v1;
	(pc) =	sbr.rel @p3 .LBB2_32-.Ltmp15, $4  }
0x1e1: {  	v4 =	vsub.s32 v2, v4;
	v2 =	vor.u32 s25, v0;
	v5 =	vsel vm1, $0xC8, v5  }
0x1e2: {  	v6 =	vmulhi.u32 $0x51EB851F, v2;
	v4 =	vadd.s32 v4, v5  }
0x1e3: {  	[tilespmem:s10+$0x18D60] =	vst v4;
	s10 =	smov.u32 s12  }
0x1e4: {  	v4 =	vshrl.u32 v6, $0x6  }
0x1e5: {  	v4 =	vmul.u32 $0xC8, v4;
	vm0 =	veq.s32 v3, $0x4  }
0x1e6: {  	vm1 =	veq.s32 v3, $0x3;
	v3 =	vsel vm0, $0x190, v1  }
0x1e7: {  	v2 =	vsub.s32 v2, v4;
	v3 =	vsel vm1, $0xC8, v3  }
0x1e8: {  	v2 =	vadd.s32 v2, v3  }
0x1e9: {  	[tilespmem:s10+$0x18D60] =	vst v2  }
0x1ea: {  	[tilespmem:s13], [sflag:$0x2] =	stream.indirect.gather [hbm4b:s7+s0], $0x40, s14, s0, $0xb8;
	[tilespmem:$0x1A1E0] =	vst v63  }
0x1eb: {  	s25 =	simm.s32 $0x18D60;
	s12 =	simm.s32 $0x8960  }
0x1ec: {  	[tilespmem:s12], [sflag:$0x3] =	stream.indirect.gather [spmem:s2], $0x40, s25, s0, $0xb8;
	[tilespmem:$0x1A1E0] =	vst v63  }
0x1ed: {  	s23 =	simm.s32 $0x189E0;
	s25 =	simm.s32 $0x2960  }
0x1ee: {  	[tilespmem:s25], [sflag:$0x2] =	stream.indirect.gather [hbm4b:s7+s0], $0x40, s23, s0, $0xb8;
	[tilespmem:$0x1A1E0] =	vst v63  }
0x1ef: {  	s23 =	simm.s32 $0x18DE0;
	s25 =	simm.s32 $0xA960  }
0x1f0: {  	[tilespmem:s25], [sflag:$0x3] =	stream.indirect.gather [spmem:s2], $0x40, s23, s0, $0xb8;
	[tilespmem:$0x1A1E0] =	vst v63  }
.LBB2_34:
0x1f1: {  	_ =	swait.ge [sflag:s29], $0x4000  }
0x1f2: {  	[sflag:s29] =	ssyncset.done $0x0  }
0x1f3: {  	[sflag:s29] =	ssyncadd.s32 $0xFFFFC000  }
0x1f4: {  	_ =	swait.ge [sflag:s22], $0x4000  }
0x1f5: {  	[sflag:s22] =	ssyncset.done $0x0  }
0x1f6: {  	s10 =	simm.s32 @!p2 $0x4;
	[sflag:s22] =	ssyncadd.s32 $0xFFFFC000  }
0x1f7: {  	_ =	swait.ge @!p2 [sflag:s10], $0x4000  }
0x1f8: {  	[sflag:s10] =	ssyncset.done @!p2 $0x0  }
0x1f9: {  	[sflag:s10] =	ssyncadd.s32 @!p2 $0xFFFFC000;
	s10 =	simm.s32 $0x0  }
0x1fa: {  	v2 =	vld [tilespmem:s10+$0x4B50]  }
0x1fb: {  	v3 =	vld [tilespmem:s10+$0x4960]  }
0x1fc: {  	v4 =	vld [tilespmem:s10+$0xCB50]  }
0x1fd: {  	v5 =	vld [tilespmem:s10+$0x4970]  }
0x1fe: {  	v6 =	vld [tilespmem:s10+$0x4980]  }
0x1ff: {  	v7 =	vld [tilespmem:s10+$0x4990]  }
0x200: {  	v8 =	vld [tilespmem:s10+$0x49A0]  }
0x201: {  	v9 =	vld [tilespmem:s10+$0x49B0]  }
0x202: {  	v10 =	vld [tilespmem:s10+$0x49D0]  }
0x203: {  	v11 =	vld [tilespmem:s10+$0x49F0]  }
0x204: {  	v12 =	vld [tilespmem:s10+$0x4A00]  }
0x205: {  	v13 =	vld [tilespmem:s10+$0x4A10]  }
0x206: {  	v14 =	vld [tilespmem:s10+$0x4A20]  }
0x207: {  	v15 =	vld [tilespmem:s10+$0x4A30]  }
0x208: {  	v16 =	vld [tilespmem:s10+$0x4A40]  }
0x209: {  	v17 =	vld [tilespmem:s10+$0x4A50]  }
0x20a: {  	v18 =	vld [tilespmem:s10+$0x4A60]  }
0x20b: {  	v19 =	vld [tilespmem:s10+$0x4A70]  }
0x20c: {  	v20 =	vld [tilespmem:s10+$0x4A80]  }
0x20d: {  	v21 =	vld [tilespmem:s10+$0x4A90]  }
0x20e: {  	v22 =	vld [tilespmem:s10+$0x4AA0]  }
0x20f: {  	v23 =	vld [tilespmem:s10+$0x4AB0]  }
0x210: {  	v24 =	vld [tilespmem:s10+$0x4AC0]  }
0x211: {  	v25 =	vld [tilespmem:s10+$0x4AD0]  }
0x212: {  	v26 =	vld [tilespmem:s10+$0x4AE0]  }
0x213: {  	v27 =	vld [tilespmem:s10+$0x4AF0]  }
0x214: {  	v28 =	vld [tilespmem:s10+$0x4B00]  }
0x215: {  	v29 =	vld [tilespmem:s10+$0x4B10]  }
0x216: {  	v30 =	vld [tilespmem:s10+$0x4B20]  }
0x217: {  	v33 =	vld [tilespmem:s10+$0xC960]  }
0x218: {  	v34 =	vld [tilespmem:s10+$0xC970]  }
0x219: {  	v35 =	vld [tilespmem:s10+$0xC980]  }
0x21a: {  	v36 =	vld [tilespmem:s10+$0xC990]  }
0x21b: {  	v37 =	vld [tilespmem:s10+$0xC9A0];
	v2 =	vmul.f32 $8.000000000e+00, v2  }
0x21c: {  	v63 =	vld [tilespmem:s10+$0xC9B0];
	v3 =	vmul.f32 $8.000000000e+00, v3  }
0x21d: {  	v5 =	vmul.f32 $8.000000000e+00, v5;
	v2 =	vadd.f32 v4, v2;
	v4 =	vld [tilespmem:s10+$0x49C0]  }
0x21e: {  	v38 =	vld [tilespmem:s10+$0xC9C0];
	v6 =	vmul.f32 $8.000000000e+00, v6;
	v3 =	vadd.f32 v33, v3  }
0x21f: {  	v7 =	vmul.f32 $8.000000000e+00, v7;
	v5 =	vadd.f32 v34, v5;
	[tilespmem:s10+$0x14B50] =	vst v2;
	v2 =	vld [tilespmem:s10+$0x49E0]  }
0x220: {  	v8 =	vmul.f32 $8.000000000e+00, v8;
	v6 =	vadd.f32 v35, v6;
	[tilespmem:s10+$0x14960] =	vst v3;
	v3 =	vld [tilespmem:s10+$0xC9D0]  }
0x221: {  	v9 =	vmul.f32 $8.000000000e+00, v9;
	v7 =	vadd.f32 v36, v7;
	[tilespmem:s10+$0x14970] =	vst v5;
	v5 =	vld [tilespmem:s10+$0xC9E0]  }
0x222: {  	v8 =	vadd.f32 v37, v8;
	[tilespmem:s10+$0x14980] =	vst v6;
	v6 =	vld [tilespmem:s10+$0xC9F0];
	v4 =	vmul.f32 $8.000000000e+00, v4  }
0x223: {  	v10 =	vmul.f32 $8.000000000e+00, v10;
	v9 =	vadd.f32 v63, v9;
	[tilespmem:s10+$0x14990] =	vst v7;
	v7 =	vld [tilespmem:s10+$0xCA00]  }
0x224: {  	[tilespmem:s10+$0x149A0] =	vst v8;
	v8 =	vld [tilespmem:s10+$0xCA10];
	v4 =	vadd.f32 v38, v4;
	v2 =	vmul.f32 $8.000000000e+00, v2  }
0x225: {  	[tilespmem:s10+$0x149B0] =	vst v9;
	v9 =	vld [tilespmem:s10+$0xCA20];
	v3 =	vadd.f32 v3, v10;
	v10 =	vmul.f32 $8.000000000e+00, v11  }
0x226: {  	[tilespmem:s10+$0x149C0] =	vst v4;
	v4 =	vld [tilespmem:s10+$0xCA30];
	v2 =	vadd.f32 v5, v2;
	v5 =	vmul.f32 $8.000000000e+00, v12  }
0x227: {  	[tilespmem:s10+$0x149D0] =	vst v3;
	v3 =	vld [tilespmem:s10+$0xCA40];
	v6 =	vadd.f32 v6, v10;
	v10 =	vmul.f32 $8.000000000e+00, v13  }
0x228: {  	[tilespmem:s10+$0x149E0] =	vst v2;
	v2 =	vld [tilespmem:s10+$0xCA50];
	v5 =	vadd.f32 v7, v5;
	v7 =	vmul.f32 $8.000000000e+00, v14  }
0x229: {  	[tilespmem:s10+$0x149F0] =	vst v6;
	v6 =	vld [tilespmem:s10+$0xCA60];
	v8 =	vadd.f32 v8, v10;
	v10 =	vmul.f32 $8.000000000e+00, v15  }
0x22a: {  	[tilespmem:s10+$0x14A00] =	vst v5;
	v5 =	vld [tilespmem:s10+$0xCA70];
	v7 =	vadd.f32 v9, v7;
	v9 =	vmul.f32 $8.000000000e+00, v16  }
0x22b: {  	v31 =	vld [tilespmem:s10+$0x4B30];
	v4 =	vadd.f32 v4, v10;
	v10 =	vmul.f32 $8.000000000e+00, v17  }
0x22c: {  	[tilespmem:s10+$0x14A10] =	vst v8;
	v8 =	vld [tilespmem:s10+$0xCA80];
	v3 =	vadd.f32 v3, v9  }
0x22d: {  	[tilespmem:s10+$0x14A20] =	vst v7;
	v7 =	vld [tilespmem:s10+$0xCA90];
	v9 =	vmul.f32 $8.000000000e+00, v18;
	v2 =	vadd.f32 v2, v10;
	v10 =	vmul.f32 $8.000000000e+00, v19  }
0x22e: {  	[tilespmem:s10+$0x14A30] =	vst v4;
	v4 =	vld [tilespmem:s10+$0xCAA0]  }
0x22f: {  	v32 =	vld [tilespmem:s10+$0x4B40];
	[tilespmem:s10+$0x14A40] =	vst v3;
	v6 =	vadd.f32 v6, v9;
	v9 =	vmul.f32 $8.000000000e+00, v20;
	v5 =	vadd.f32 v5, v10  }
0x230: {  	v3 =	vld [tilespmem:s10+$0xCAB0];
	[tilespmem:s10+$0x14A50] =	vst v2;
	v10 =	vmul.f32 $8.000000000e+00, v21  }
0x231: {  	v2 =	vld [tilespmem:s10+$0xCAC0];
	v8 =	vadd.f32 v8, v9;
	[tilespmem:s10+$0x14A70] =	vst v5;
	v5 =	vmul.f32 $8.000000000e+00, v22  }
0x232: {  	[tilespmem:s10+$0x14A60] =	vst v6;
	v6 =	vld [tilespmem:s10+$0xCAD0];
	v7 =	vadd.f32 v7, v10  }
0x233: {  	v11 =	vld [tilespmem:s10+$0xCAE0];
	[tilespmem:s10+$0x14A80] =	vst v8;
	v8 =	vmul.f32 $8.000000000e+00, v23;
	v4 =	vadd.f32 v4, v5  }
0x234: {  	v13 =	vld [tilespmem:s10+$0xCAF0];
	[tilespmem:s10+$0x14A90] =	vst v7;
	v5 =	vmul.f32 $8.000000000e+00, v24  }
0x235: {  	v7 =	vld [tilespmem:s10+$0xCB00];
	v3 =	vadd.f32 v3, v8;
	[tilespmem:s10+$0x14AA0] =	vst v4;
	v4 =	vmul.f32 $8.000000000e+00, v25  }
0x236: {  	v12 =	vmul.f32 $8.000000000e+00, v26;
	v8 =	vld [tilespmem:s10+$0xCB10];
	v2 =	vadd.f32 v2, v5  }
0x237: {  	v14 =	vmul.f32 $8.000000000e+00, v27;
	v9 =	vld [tilespmem:s10+$0xCB20];
	v5 =	vmul.f32 $8.000000000e+00, v29;
	[tilespmem:s10+$0x14AB0] =	vst v3;
	v15 =	vadd.f32 v6, v4  }
0x238: {  	v12 =	vadd.f32 v11, v12;
	v10 =	vld [tilespmem:s10+$0xCB30];
	v3 =	vmul.f32 $8.000000000e+00, v31;
	[tilespmem:s10+$0x14AC0] =	vst v2;
	v6 =	vmul.f32 $8.000000000e+00, v28  }
0x239: {  	s25 =	simm.s32 $0x200;
	s23 =	simm.s32 $0x1000;
	v11 =	vld [tilespmem:s10+$0xCB40];
	v13 =	vadd.f32 v13, v14;
	v4 =	vmul.f32 $8.000000000e+00, v30;
	v2 =	vmul.f32 $8.000000000e+00, v32;
	[tilespmem:s10+$0x14AD0] =	vst v15  }
.LBB2_35:
0x23a: {  	p2 =	sne.s32 s23, $0xF800;
	v14 =	vld [tilespmem:s25+$0x4B50];
	[tilespmem:s10+$0x14AE0] =	vst v12;
	v6 =	vadd.f32 v7, v6  }
0x23b: {  	v7 =	vld [tilespmem:s25+$0x4960];
	[tilespmem:s10+$0x14AF0] =	vst v13;
	v5 =	vadd.f32 v8, v5  }
0x23c: {  	v8 =	vld [tilespmem:s25+$0xCB50];
	[tilespmem:s10+$0x14B00] =	vst v6;
	v4 =	vadd.f32 v9, v4  }
0x23d: {  	v6 =	vld [tilespmem:s25+$0x4970];
	[tilespmem:s10+$0x14B10] =	vst v5;
	v3 =	vadd.f32 v10, v3  }
0x23e: {  	v5 =	vld [tilespmem:s25+$0x4980];
	[tilespmem:s10+$0x14B20] =	vst v4;
	v2 =	vadd.f32 v11, v2  }
0x23f: {  	v4 =	vld [tilespmem:s25+$0x4990];
	v9 =	vmul.f32 $8.000000000e+00, v14;
	[tilespmem:s10+$0x14B30] =	vst v3  }
0x240: {  	v7 =	vmul.f32 $8.000000000e+00, v7;
	v3 =	vld [tilespmem:s25+$0x49A0];
	[tilespmem:s10+$0x14B40] =	vst v2;
	s10 =	smov.u32 s25  }
0x241: {  	v2 =	vld [tilespmem:s10+$0x49B0];
	v8 =	vadd.f32 v8, v9  }
0x242: {  	v9 =	vmul.f32 $8.000000000e+00, v6;
	v6 =	vld [tilespmem:s10+$0x49C0]  }
0x243: {  	v10 =	vmul.f32 $8.000000000e+00, v5;
	v5 =	vld [tilespmem:s10+$0x49D0];
	[tilespmem:s10+$0x14B50] =	vst v8  }
0x244: {  	v8 =	vmul.f32 $8.000000000e+00, v4;
	v4 =	vld [tilespmem:s10+$0x49E0]  }
0x245: {  	v11 =	vmul.f32 $8.000000000e+00, v3;
	v3 =	vld [tilespmem:s10+$0x49F0]  }
0x246: {  	v12 =	vmul.f32 $8.000000000e+00, v2;
	v2 =	vld [tilespmem:s10+$0x4A00]  }
0x247: {  	v13 =	vmul.f32 $8.000000000e+00, v6;
	v6 =	vld [tilespmem:s10+$0x4A10]  }
0x248: {  	v14 =	vmul.f32 $8.000000000e+00, v5;
	v5 =	vld [tilespmem:s10+$0x4A20]  }
0x249: {  	v15 =	vmul.f32 $8.000000000e+00, v4;
	v4 =	vld [tilespmem:s10+$0x4A30]  }
0x24a: {  	v16 =	vmul.f32 $8.000000000e+00, v3;
	v3 =	vld [tilespmem:s10+$0x4A40]  }
0x24b: {  	v17 =	vmul.f32 $8.000000000e+00, v2;
	v2 =	vld [tilespmem:s10+$0x4A50]  }
0x24c: {  	v18 =	vmul.f32 $8.000000000e+00, v6;
	v6 =	vld [tilespmem:s10+$0x4A60]  }
0x24d: {  	v19 =	vmul.f32 $8.000000000e+00, v5;
	v5 =	vld [tilespmem:s10+$0x4A70]  }
0x24e: {  	v20 =	vmul.f32 $8.000000000e+00, v4;
	v4 =	vld [tilespmem:s10+$0x4A80]  }
0x24f: {  	v21 =	vmul.f32 $8.000000000e+00, v3;
	v3 =	vld [tilespmem:s10+$0x4A90]  }
0x250: {  	v22 =	vmul.f32 $8.000000000e+00, v2;
	v2 =	vld [tilespmem:s10+$0x4AA0]  }
0x251: {  	v23 =	vmul.f32 $8.000000000e+00, v6;
	v6 =	vld [tilespmem:s10+$0x4AB0]  }
0x252: {  	v24 =	vmul.f32 $8.000000000e+00, v5;
	v5 =	vld [tilespmem:s10+$0x4AC0]  }
0x253: {  	v25 =	vmul.f32 $8.000000000e+00, v4;
	v4 =	vld [tilespmem:s10+$0x4AD0]  }
0x254: {  	v26 =	vmul.f32 $8.000000000e+00, v3;
	v3 =	vld [tilespmem:s10+$0x4AE0]  }
0x255: {  	v27 =	vmul.f32 $8.000000000e+00, v2;
	v2 =	vld [tilespmem:s10+$0x4AF0]  }
0x256: {  	v28 =	vmul.f32 $8.000000000e+00, v6;
	v6 =	vld [tilespmem:s10+$0x4B00]  }
0x257: {  	v29 =	vmul.f32 $8.000000000e+00, v5;
	v5 =	vld [tilespmem:s10+$0x4B10]  }
0x258: {  	v30 =	vmul.f32 $8.000000000e+00, v4;
	v4 =	vld [tilespmem:s10+$0x4B20]  }
0x259: {  	v31 =	vmul.f32 $8.000000000e+00, v3;
	v3 =	vld [tilespmem:s10+$0x4B30]  }
0x25a: {  	v32 =	vmul.f32 $8.000000000e+00, v2;
	v2 =	vld [tilespmem:s10+$0x4B40]  }
0x25b: {  	v33 =	vld [tilespmem:s10+$0xC960];
	v6 =	vmul.f32 $8.000000000e+00, v6  }
0x25c: {  	v34 =	vld [tilespmem:s10+$0xC970];
	v5 =	vmul.f32 $8.000000000e+00, v5  }
0x25d: {  	v35 =	vld [tilespmem:s10+$0xC980];
	v4 =	vmul.f32 $8.000000000e+00, v4  }
0x25e: {  	v36 =	vld [tilespmem:s10+$0xC990];
	v3 =	vmul.f32 $8.000000000e+00, v3  }
0x25f: {  	v37 =	vld [tilespmem:s10+$0xC9A0];
	v2 =	vmul.f32 $8.000000000e+00, v2  }
0x260: {  	v7 =	vadd.f32 v33, v7;
	v33 =	vld [tilespmem:s10+$0xC9B0]  }
0x261: {  	v9 =	vadd.f32 v34, v9;
	v34 =	vld [tilespmem:s10+$0xC9C0]  }
0x262: {  	[tilespmem:s10+$0x14960] =	vst v7;
	v7 =	vadd.f32 v35, v10;
	v10 =	vld [tilespmem:s10+$0xC9D0]  }
0x263: {  	[tilespmem:s10+$0x14970] =	vst v9;
	v8 =	vadd.f32 v36, v8;
	v9 =	vld [tilespmem:s10+$0xC9E0]  }
0x264: {  	[tilespmem:s10+$0x14980] =	vst v7;
	v7 =	vadd.f32 v37, v11;
	v11 =	vld [tilespmem:s10+$0xC9F0]  }
0x265: {  	[tilespmem:s10+$0x14990] =	vst v8;
	v8 =	vadd.f32 v33, v12;
	v12 =	vld [tilespmem:s10+$0xCA00]  }
0x266: {  	[tilespmem:s10+$0x149A0] =	vst v7;
	v7 =	vadd.f32 v34, v13;
	v13 =	vld [tilespmem:s10+$0xCA10]  }
0x267: {  	[tilespmem:s10+$0x149B0] =	vst v8;
	v8 =	vadd.f32 v10, v14;
	v10 =	vld [tilespmem:s10+$0xCA20]  }
0x268: {  	[tilespmem:s10+$0x149C0] =	vst v7;
	v7 =	vadd.f32 v9, v15;
	v9 =	vld [tilespmem:s10+$0xCA30]  }
0x269: {  	[tilespmem:s10+$0x149D0] =	vst v8;
	v8 =	vadd.f32 v11, v16;
	v11 =	vld [tilespmem:s10+$0xCA40]  }
0x26a: {  	[tilespmem:s10+$0x149E0] =	vst v7;
	v7 =	vadd.f32 v12, v17;
	v12 =	vld [tilespmem:s10+$0xCA50]  }
0x26b: {  	[tilespmem:s10+$0x149F0] =	vst v8;
	v8 =	vadd.f32 v13, v18;
	v13 =	vld [tilespmem:s10+$0xCA60]  }
0x26c: {  	[tilespmem:s10+$0x14A00] =	vst v7;
	v7 =	vadd.f32 v10, v19;
	v10 =	vld [tilespmem:s10+$0xCA70]  }
0x26d: {  	[tilespmem:s10+$0x14A10] =	vst v8;
	v8 =	vadd.f32 v9, v20;
	v9 =	vld [tilespmem:s10+$0xCA80]  }
0x26e: {  	[tilespmem:s10+$0x14A20] =	vst v7;
	v7 =	vadd.f32 v11, v21;
	v11 =	vld [tilespmem:s10+$0xCA90]  }
0x26f: {  	[tilespmem:s10+$0x14A30] =	vst v8;
	v8 =	vadd.f32 v12, v22;
	v12 =	vld [tilespmem:s10+$0xCAA0]  }
0x270: {  	[tilespmem:s10+$0x14A40] =	vst v7;
	v7 =	vadd.f32 v13, v23;
	v13 =	vld [tilespmem:s10+$0xCAB0]  }
0x271: {  	[tilespmem:s10+$0x14A50] =	vst v8;
	v8 =	vadd.f32 v10, v24;
	v10 =	vld [tilespmem:s10+$0xCAC0]  }
0x272: {  	[tilespmem:s10+$0x14A60] =	vst v7;
	v7 =	vadd.f32 v9, v25;
	v9 =	vld [tilespmem:s10+$0xCAD0]  }
0x273: {  	[tilespmem:s10+$0x14A70] =	vst v8;
	v8 =	vadd.f32 v11, v26;
	v11 =	vld [tilespmem:s10+$0xCAE0]  }
0x274: {  	[tilespmem:s10+$0x14A80] =	vst v7;
	v12 =	vadd.f32 v12, v27;
	v14 =	vld [tilespmem:s10+$0xCAF0]  }
.Ltmp16:
0x275: {  	[tilespmem:s10+$0x14A90] =	vst v8;
	v13 =	vadd.f32 v13, v28;
	v7 =	vld [tilespmem:s10+$0xCB00];
	(pc) =	sbr.rel @p2 .LBB2_35-.Ltmp16, $4  }
0x276: {  	[tilespmem:s10+$0x14AA0] =	vst v12;
	v10 =	vadd.f32 v10, v29;
	v8 =	vld [tilespmem:s10+$0xCB10]  }
0x277: {  	[tilespmem:s10+$0x14AB0] =	vst v13;
	v13 =	vadd.f32 v9, v30;
	v9 =	vld [tilespmem:s10+$0xCB20]  }
0x278: {  	[tilespmem:s10+$0x14AC0] =	vst v10;
	v12 =	vadd.f32 v11, v31;
	v10 =	vld [tilespmem:s10+$0xCB30]  }
0x279: {  	s25 =	sshra.s32 s23, $0x2;
	s23 =	sadd.s32 $0x800, s23;
	[tilespmem:s10+$0x14AD0] =	vst v13;
	v13 =	vadd.f32 v14, v32;
	v11 =	vld [tilespmem:s10+$0xCB40]  }
0x27a: {  	v14 =	vld [tilespmem:s25+$0x4B50];
	[tilespmem:s10+$0x14AE0] =	vst v12;
	v6 =	vadd.f32 v7, v6  }
0x27b: {  	v12 =	vld [tilespmem:s25+$0x4960];
	[tilespmem:s10+$0x14AF0] =	vst v13;
	v5 =	vadd.f32 v8, v5  }
0x27c: {  	v48 =	vld [tilespmem:s25+$0xCB50];
	[tilespmem:s10+$0x14B00] =	vst v6;
	v4 =	vadd.f32 v9, v4  }
0x27d: {  	v6 =	vld [tilespmem:s25+$0x4970];
	[tilespmem:s10+$0x14B10] =	vst v5;
	v3 =	vadd.f32 v10, v3  }
0x27e: {  	v5 =	vld [tilespmem:s25+$0x4980];
	[tilespmem:s10+$0x14B20] =	vst v4;
	v2 =	vadd.f32 v11, v2  }
0x27f: {  	v4 =	vld [tilespmem:s25+$0x4990];
	[tilespmem:s10+$0x14B30] =	vst v3  }
0x280: {  	v3 =	vld [tilespmem:s25+$0x49A0];
	[tilespmem:s10+$0x14B40] =	vst v2  }
0x281: {  	v2 =	vld [tilespmem:s25+$0x49B0]  }
0x282: {  	v50 =	vld [tilespmem:s25+$0x49C0]  }
0x283: {  	v51 =	vld [tilespmem:s25+$0x49D0]  }
0x284: {  	v52 =	vld [tilespmem:s25+$0x49E0]  }
0x285: {  	v53 =	vld [tilespmem:s25+$0x49F0]  }
0x286: {  	v54 =	vld [tilespmem:s25+$0x4A00]  }
0x287: {  	v13 =	vld [tilespmem:s25+$0x4A10]  }
0x288: {  	v55 =	vld [tilespmem:s25+$0x4A20]  }
0x289: {  	v15 =	vld [tilespmem:s25+$0x4A30]  }
0x28a: {  	v16 =	vld [tilespmem:s25+$0x4A40]  }
0x28b: {  	v17 =	vld [tilespmem:s25+$0x4A50]  }
0x28c: {  	v18 =	vld [tilespmem:s25+$0x4A60]  }
0x28d: {  	v19 =	vld [tilespmem:s25+$0x4A70]  }
0x28e: {  	v20 =	vld [tilespmem:s25+$0x4A80]  }
0x28f: {  	v21 =	vld [tilespmem:s25+$0x4A90]  }
0x290: {  	v22 =	vld [tilespmem:s25+$0x4AA0]  }
0x291: {  	v23 =	vld [tilespmem:s25+$0x4AB0]  }
0x292: {  	v24 =	vld [tilespmem:s25+$0x4AC0]  }
0x293: {  	v25 =	vld [tilespmem:s25+$0x4AD0]  }
0x294: {  	v26 =	vld [tilespmem:s25+$0x4AE0]  }
0x295: {  	v27 =	vld [tilespmem:s25+$0x4AF0]  }
0x296: {  	v28 =	vld [tilespmem:s25+$0x4B00]  }
0x297: {  	v29 =	vld [tilespmem:s25+$0x4B10]  }
0x298: {  	v30 =	vld [tilespmem:s25+$0x4B20]  }
0x299: {  	v31 =	vld [tilespmem:s25+$0x4B30]  }
0x29a: {  	v32 =	vld [tilespmem:s25+$0x4B40]  }
0x29b: {  	v33 =	vld [tilespmem:s25+$0xC960]  }
0x29c: {  	v34 =	vld [tilespmem:s25+$0xC970]  }
0x29d: {  	v49 =	vmul.f32 $8.000000000e+00, v14;
	v35 =	vld [tilespmem:s25+$0xC980]  }
0x29e: {  	v12 =	vmul.f32 $8.000000000e+00, v12;
	v36 =	vld [tilespmem:s25+$0xC990]  }
0x29f: {  	v7 =	vadd.f32 v48, v49;
	v37 =	vld [tilespmem:s25+$0xC9A0];
	v6 =	vmul.f32 $8.000000000e+00, v6  }
0x2a0: {  	v56 =	vld [tilespmem:s25+$0xC9B0];
	v5 =	vmul.f32 $8.000000000e+00, v5;
	v12 =	vadd.f32 v33, v12  }
0x2a1: {  	v38 =	vld [tilespmem:s25+$0xC9C0];
	[tilespmem:s25+$0x14B50] =	vst v7;
	v4 =	vmul.f32 $8.000000000e+00, v4;
	v6 =	vadd.f32 v34, v6  }
0x2a2: {  	v57 =	vld [tilespmem:s25+$0xC9D0];
	v3 =	vmul.f32 $8.000000000e+00, v3;
	v5 =	vadd.f32 v35, v5;
	[tilespmem:s25+$0x14960] =	vst v12  }
0x2a3: {  	v58 =	vld [tilespmem:s25+$0xC9E0];
	v4 =	vadd.f32 v36, v4;
	v2 =	vmul.f32 $8.000000000e+00, v2;
	[tilespmem:s25+$0x14970] =	vst v6  }
0x2a4: {  	v59 =	vld [tilespmem:s25+$0xC9F0];
	v8 =	vmul.f32 $8.000000000e+00, v50;
	v3 =	vadd.f32 v37, v3;
	[tilespmem:s25+$0x14980] =	vst v5  }
0x2a5: {  	v60 =	vld [tilespmem:s25+$0xCA00];
	v9 =	vmul.f32 $8.000000000e+00, v51;
	[tilespmem:s25+$0x14990] =	vst v4;
	v2 =	vadd.f32 v56, v2  }
0x2a6: {  	v7 =	vmul.f32 $8.000000000e+00, v52;
	v8 =	vadd.f32 v38, v8;
	[tilespmem:s25+$0x149A0] =	vst v3;
	v3 =	vld [tilespmem:s25+$0xCA10]  }
0x2a7: {  	v10 =	vmul.f32 $8.000000000e+00, v53;
	v9 =	vadd.f32 v57, v9;
	[tilespmem:s25+$0x149B0] =	vst v2;
	v2 =	vld [tilespmem:s25+$0xCA20]  }
0x2a8: {  	v61 =	vld [tilespmem:s25+$0xCA30];
	v63 =	vmul.f32 $8.000000000e+00, v54;
	v6 =	vadd.f32 v58, v7;
	[tilespmem:s25+$0x149C0] =	vst v8  }
0x2a9: {  	v62 =	vld [tilespmem:s25+$0xCA40];
	v33 =	vmul.f32 $8.000000000e+00, v13;
	v5 =	vadd.f32 v59, v10;
	[tilespmem:s25+$0x149D0] =	vst v9  }
0x2aa: {  	v34 =	vld [tilespmem:s25+$0xCA60];
	v35 =	vmul.f32 $8.000000000e+00, v55;
	v4 =	vadd.f32 v60, v63;
	[tilespmem:s25+$0x149E0] =	vst v6  }
0x2ab: {  	v36 =	vld [tilespmem:s25+$0xCA70];
	v37 =	vmul.f32 $8.000000000e+00, v15;
	[tilespmem:s25+$0x149F0] =	vst v5;
	v3 =	vadd.f32 v3, v33  }
0x2ac: {  	v40 =	vld [tilespmem:s25+$0xCAA0];
	v38 =	vmul.f32 $8.000000000e+00, v16;
	[tilespmem:s25+$0x14A00] =	vst v4;
	v2 =	vadd.f32 v2, v35  }
0x2ad: {  	v41 =	vmul.f32 $8.000000000e+00, v18;
	v8 =	vadd.f32 v61, v37;
	[tilespmem:s25+$0x14A10] =	vst v3;
	v3 =	vld [tilespmem:s25+$0xCA80]  }
0x2ae: {  	v43 =	vmul.f32 $8.000000000e+00, v19;
	v7 =	vadd.f32 v62, v38;
	[tilespmem:s25+$0x14A20] =	vst v2;
	v2 =	vld [tilespmem:s25+$0xCA90]  }
0x2af: {  	v42 =	vld [tilespmem:s25+$0xCAB0];
	v49 =	vmul.f32 $8.000000000e+00, v22;
	v5 =	vadd.f32 v34, v41;
	[tilespmem:s25+$0x14A30] =	vst v8  }
0x2b0: {  	v45 =	vmul.f32 $8.000000000e+00, v20;
	v12 =	vld [tilespmem:s25+$0xCA50];
	v4 =	vadd.f32 v36, v43;
	[tilespmem:s25+$0x14A40] =	vst v7  }
0x2b1: {  	v46 =	vld [tilespmem:s25+$0xCAD0];
	v47 =	vmul.f32 $8.000000000e+00, v21;
	v8 =	vadd.f32 v40, v49;
	[tilespmem:s25+$0x14A60] =	vst v5  }
0x2b2: {  	v48 =	vld [tilespmem:s25+$0xCAE0];
	v50 =	vmul.f32 $8.000000000e+00, v23;
	[tilespmem:s25+$0x14A70] =	vst v4;
	v3 =	vadd.f32 v3, v45  }
0x2b3: {  	v44 =	vld [tilespmem:s25+$0xCAC0];
	v39 =	vmul.f32 $8.000000000e+00, v17;
	[tilespmem:s25+$0x14AA0] =	vst v8;
	v2 =	vadd.f32 v2, v47  }
0x2b4: {  	v53 =	vmul.f32 $8.000000000e+00, v25;
	v7 =	vadd.f32 v42, v50;
	[tilespmem:s25+$0x14A80] =	vst v3;
	v3 =	vld [tilespmem:s25+$0xCAF0]  }
0x2b5: {  	v55 =	vmul.f32 $8.000000000e+00, v26;
	v6 =	vadd.f32 v12, v39;
	[tilespmem:s25+$0x14A90] =	vst v2;
	v2 =	vld [tilespmem:s25+$0xCB00]  }
0x2b6: {  	v51 =	vmul.f32 $8.000000000e+00, v24;
	v52 =	vld [tilespmem:s25+$0xCB10];
	v5 =	vadd.f32 v46, v53;
	[tilespmem:s25+$0x14AB0] =	vst v7  }
0x2b7: {  	v54 =	vld [tilespmem:s25+$0xCB20];
	v56 =	vmul.f32 $8.000000000e+00, v27;
	v4 =	vadd.f32 v48, v55;
	[tilespmem:s25+$0x14A50] =	vst v6  }
0x2b8: {  	v57 =	vld [tilespmem:s25+$0xCB30];
	v58 =	vmul.f32 $8.000000000e+00, v28;
	v6 =	vadd.f32 v44, v51;
	[tilespmem:s25+$0x14AD0] =	vst v5  }
0x2b9: {  	v59 =	vmul.f32 $8.000000000e+00, v29;
	v60 =	vld [tilespmem:s25+$0xCB40];
	[tilespmem:s25+$0x14AE0] =	vst v4;
	v3 =	vadd.f32 v3, v56  }
0x2ba: {  	v61 =	vmul.f32 $8.000000000e+00, v30;
	[tilespmem:s25+$0x14AC0] =	vst v6;
	v2 =	vadd.f32 v2, v58  }
0x2bb: {  	v62 =	vmul.f32 $8.000000000e+00, v31;
	[tilespmem:s25+$0x14AF0] =	vst v3;
	v3 =	vadd.f32 v52, v59  }
0x2bc: {  	v63 =	vmul.f32 $8.000000000e+00, v32;
	[tilespmem:s25+$0x14B00] =	vst v2;
	v2 =	vadd.f32 v54, v61  }
0x2bd: {  	[tilespmem:s25+$0x14B10] =	vst v3;
	v3 =	vadd.f32 v57, v62  }
0x2be: {  	s8 =	sadd.s32 @!p1 s8, s18;
	[tilespmem:s25+$0x14B20] =	vst v2;
	v2 =	vadd.f32 v60, v63  }
0x2bf: {  	s8 =	sshrl.u32 @!p1 s8, $0x3;
	[tilespmem:s25+$0x14B30] =	vst v3  }
0x2c0: {  	s12 =	simm.s32 @!p1 $0x0;
	s23 =	simm.s32 @!p1 $0x18A60;
	s10 =	sadd.s32 @!p1 s4, s8;
	[tilespmem:s25+$0x14B40] =	vst v2  }
0x2c1: {  	[tilespmem:s23], [sflag:$0x1] =	stream.linear.gather @!p1 [hbm4b:s10+s12], $0x100, $0x38;
	[tilespmem:$0x1A1E0] =	vst v63  }
0x2c2: {  	s26 =	sadd.s32 $0x1, s26;
	s8 =	sadd.s32 @!p1 s5, s8;
	s10 =	simm.s32 @!p1 $0x18C60  }
0x2c3: {  	[tilespmem:s10], [sflag:$0x1] =	stream.linear.gather @!p1 [hbm4b:s8+s12], $0x100, $0x38;
	[tilespmem:$0x1A1E0] =	vst v63  }
0x2c4: {  	p1 =	sne.s32 s26, $0x32  }
.Ltmp17:
0x2c5: {  	s25 =	sshll.u32 s9, $0xE;
	(pc) =	sbr.rel @p1 .LBB2_26-.Ltmp17, $4  }
0x2c6: {  	s8 =	sadd.s32 s17, s25  }
0x2c7: {  	s8 =	sshrl.u32 s8, $0x3  }
0x2c8: {  	s6 =	sadd.s32 $0x200, s6;
	s28 =	sadd.s32 $0x200, s28;
	s8 =	sadd.s32 s1, s8  }
0x2c9: {  	[hbm4b:s8+s3] =	stream.linear.scatter [tilespmem:s24], [sflag:$0x4], $0x4000, $0x38;
	[tilespmem:$0x1A1E0] =	vst v63  }
0x2ca: {  	s8 =	simm.s32 $0x4  }
0x2cb: {  	_ =	swait.ge [sflag:s8], $0x4000  }
0x2cc: {  	[sflag:s8] =	ssyncset.done $0x0  }
0x2cd: {  	[sflag:s8] =	ssyncadd.s32 $0xFFFFC000  }
0x2ce: {  	_ =	swait.ge [sflag:s8], $0x4000  }
0x2cf: {  	s9 =	rddreg [dreg:$0x11]  }
0x2d0: {  	s6 =	rddreg [dreg:$0xe];
	s9 =	sadd.s32 $0x1, s9  }
0x2d1: {  	p1 =	sne.s32 s9, s6  }
.Ltmp18:
0x2d2: {  	_ = 	snop;
	(pc) =	sbr.rel @p1 .LBB2_1-.Ltmp18, $3  }
0x2d3: {  	_ =	sdelay $0x1  }
0x2d4: {  	[sflag:s8] =	ssyncset.done $0x0  }
0x2d5: {  	s10 =	simm.s32 $0x5;
	[sflag:s8] =	ssyncadd.s32 $0xFFFFC000  }
0x2d6: {  	_ =	sfence.sel $0x180000  }
0x2d7: {  	[bflag:$0x0] =	sbarrier.arrive $0xFFFF  }
0x2d8: {  	_ =	strace $0x90000047  }
0x2d9: {  	[bflag:$0x2] =	sbarrier.arrive $0xFFFF  }
0x2da: {  	s0 =	rddreg [dreg:$0x3]  }
0x2db: {  	s0 =	sadd.s32 @!p0 $0x100000, s0  }
0x2dc: {  	[sflag:s0] =	ssyncadd.tile.s32 @!p0 $0x1;
	_ =	shalt  }
.Lfunc_end2:
_tile_overlayer_lowered:
.L_overlay_start_2:
0x2dd: {  	(tag) =	ssettag $0x2  }
0x2de: {  	s0 =	rddreg [dreg:$0x0];
	s2 =	stileid.u32  }
0x2df: {  	s1 =	rddreg [dreg:$0x1];
	p0 =	sne.s32 s2, $0x0  }
0x2e0: {  	s3 =	rddreg [dreg:$0x2];
	[bflag:$0x3] =	sbarrier.arrive $0xFFFF;
	s2 =	simm.s32 @!p0 $0x1C05  }
0x2e1: {  	[timem:s3], [sflag:s2] =	dma.local @!p0 [hbm:s0], s1  }
0x2e2: {  	s0 =	simm.s32 @!p0 $0x5  }
0x2e3: {  	_ =	swait.ge @!p0 [sflag:s0], s1  }
0x2e4: {  	s1 =	ssub.s32 @!p0 $0x0, s1;
	[sflag:s0] =	ssyncset.done @!p0 $0x0  }
0x2e5: {  	[sflag:s0] =	ssyncadd.s32 @!p0 s1  }
0x2e6: {  	[bflag:$0x3] =	sbarrier.arrive $0xFFFF  }
0x2e7: {  	_ =	shalt  }

// kernel: sparse-core-data-format-call.cloned.1.call-start
scs
called_computation_lowered:
.L_overlay_start_0:
0x0: {  	s2 =	sld [smem:$0x3FD9]  }
0x1: {  	s3 =	sld [smem:$0x3FFE];
	_ =	sdelay $0x1  }
0x2: {  	s1 =	srdreg.scid  }
0x3: {  	s0 =	sand.u32 $0x1, s1  }
0x4: {  	s18 =	sshll.u32 s0, $0xA;
	s2 =	sadd.s32 s3, s2  }
0x5: {  	s2 =	sadd.s32 s2, s18  }
0x6: {  	[smem:$0x3FC3] =	sst s2  }
0x7: {  	_ = 	snop  }
0x8: {  	s2 =	sld [smem:$0x3FD0];
	(tm) =	ssettm $0x1  }
0x9: {  	s19 =	sld [smem:$0x3FFB];
	_ =	sdelay $0x3  }
0xa: {  	_ =	strace s19  }
0xb: {  	s3 =	sld [smem:$0x3FFC];
	_ =	sdelay $0x3  }
0xc: {  	_ =	strace s3  }
0xd: {  	s3 =	sld [smem:$0x3FFD];
	_ =	sdelay $0x3  }
0xe: {  	_ =	strace s3  }
0xf: {  	_ =	strace $0x8FFFFFFF  }
0x10: {  	s20 =	sld [smem:$0x3FDB];
	_ =	sdelay $0x1  }
0x11: {  	s4 =	simm.s32 $_scs_section_size  }
0x12: {  	s5 =	simm.s32 $_size__tile_overlayer_lowered;
	s6 =	simm.s32 $_tile_overlayer_lowered  }
0x13: {  	s23 =	simm.s32 $0x1BFF;
	s22 =	sshll.u32 s6, $0x1;
	s3 =	sadd.s32 s4, s20  }
0x14: {  	s7 =	simm.s32 $0x0;
	s21 =	sshll.u32 s5, $0x1;
	s5 =	sadd.s32 s22, s3  }
0x15: {  	[timem:s7], [sflag:s23] =	dma.local [hbm:s5], s21  }
0x16: {  	_ =	swait.ge [sflag:s23], s21  }
0x17: {  	s4 =	ssub.s32 $0x0, s21;
	[sflag:s23] =	ssyncset.done $0x0  }
0x18: {  	[sflag:s23] =	ssyncadd.s32 s4;
	_ =	sdelay $0x1  }
0x19: {  	s24 =	simm.s32 $0x1B8B  }
0x1a: {  	_ =	swait.ge [sflag:s24], $0x1  }
0x1b: {  	[sflag:s24] =	ssyncset.done $0x0  }
0x1c: {  	s26 =	simm.s32 $0x1B8E;
	s25 =	sld [smem:$0x3FFE];
	[sflag:s24] =	ssyncadd.s32 $0xFFFFFFFF  }
0x1d: {  	s27 =	simm.s32 $execute0_lowered;
	[smem:$0x3FD2] =	sst s26  }
0x1e: {  	s5 =	sshll.u32 s27, $0x1;
	_ =	strace $0x80000049;
	[dreg:$0x1] =	wrdreg $0xFFFFFFFF  }
0x1f: {  	s28 =	simm.s32 $_size_execute0_lowered;
	s3 =	sadd.s32 s3, s5;
	[dreg:$0x0] =	wrdreg $0x0  }
0x20: {  	s5 =	sshll.u32 s28, $0x1;
	[dreg:$0x2] =	wrdreg s3  }
0x21: {  	[dreg:$0x3] =	wrdreg s5  }
0x22: {  	[dreg:$0x4] =	wrdreg $0xC0  }
0x23: {  	_ =	task [dreg:s7], $0x5FFFF  }
0x24: {  	[dreg:$0x1] =	wrdreg $0xFFFFFFFF  }
0x25: {  	[dreg:$0x0] =	wrdreg $0x60  }
0x26: {  	[dreg:$0x2] =	wrdreg s25  }
0x27: {  	[dreg:$0x3] =	wrdreg s2  }
0x28: {  	[dreg:$0x4] =	wrdreg $0x9  }
0x29: {  	_ =	task.clear_ibuf [dreg:s7], $0x5FFFF;
	_ =	strace $0x90000049  }
0x2a: {  	s29 =	simm.s32 $0x9;
	_ =	strace $0x8000004B  }
0x2b: {  	_ =	swait.ge [sflag:s29], $0x1  }
0x2c: {  	[sflag:s29] =	ssyncadd.s32 $0xFFFFFFFF  }
0x2d: {  	_ =	strace $0x9000004B  }
0x2e: {  	_ =	sfence  }
0x2f: {  	s30 =	sld [smem:$0x0];
	_ =	sdelay $0x2  }
0x30: {  	s31 =	sshll.u32 s1, $0xD;
	s1 =	sshrl.u32 s1, $0x2  }
0x31: {  	s3 =	sand.u32 $0x4000, s31;
	s1 =	sadd.s32 s1, s30  }
0x32: {  	s0 =	sor.u32 s3, s0;
	s1 =	sshll.u32 s1, $0x11  }
0x33: {  	s0 =	sor.u32 s1, s0  }
0x34: {  	s0 =	sadd.s32 $0x8F2B, s0  }
0x35: {  	[sflag:s0] =	ssyncadd.remote.s32 $0x1  }
0x36: {  	_ =	sfence.sel $0xFFFF  }
0x37: {  	[dreg:$0x0] =	wrdreg $0xFFFFFFFF;
	(pc) =	sbr.abs _section_cstart, $3  }
0x38: {  	[dreg:$0x1] =	wrdreg $0xFFFFFFFF  }
0x39: {  	_ =	task.clear_ibuf [dreg:s7], $0x2FFFF;
	_ =	strace $0x9FFFFFFF  }
0x3a: {  	(tm) =	ssettm $0x7FFFFFFF  }
0x3b: {  	_ =	shalt  }
tec
execute0_lowered:
.L_overlay_start_1:
0x0: {  	(tag) =	ssettag $0x1  }
0x1: {  	s0 =	srdreg.scid  }
0x2: {  	s1 =	sshll.u32 s0, $0x4  }
0x3: {  	s0 =	stileid.u32;
	s1 =	sand.u32 $0x10, s1  }
0x4: {  	s1 =	sor.u32 s0, s1  }
0x5: {  	s6 =	rddreg [dreg:$0x0];
	s4 =	simm.s32 $0x1;
	s2 =	sshll.u32 s1, $0x7  }
0x6: {  	s7 =	simm.s32 $0x2;
	s12 =	simm.s32 $0x0;
	s1 =	ssub.s32 $0x1000, s2  }
0x7: {  	s8 =	simm.s32 $0x8000;
	s13 =	simm.s32 $0x0;
	s3 =	sand.u32 $0xF80, s1  }
0x8: {  	s9 =	simm.s32 $0x0;
	s5 =	sshrl.u32 s1, $0xC;
	p0 =	sne.s32 s3, $0x0  }
.Ltmp0:
0x9: {  	s1 =	rddreg [dreg:$0x2];
	s4 =	simm.s32 @!p0 $0x0;
	(pc) =	sbr.rel .LBB1_1-.Ltmp0, $4  }
0xa: {  	s11 =	simm.s32 $0x0;
	s3 =	rddreg [dreg:$0x1];
	s5 =	sadd.s32 s4, s5  }
0xb: {  	_ =	strace $0x8000004A;
	s4 =	simm.s32 $0x1;
	s5 =	smul.u32 $0xC8, s5  }
0xc: {  	s6 =	sadd.s32 $0xE00, s6;
	s10 =	smov.u32 s2;
	[sflag:s4] =	ssyncpa.u1 $0x0  }
0xd: {  	p0 =	por $0x0, $0x0;
	[sflag:s7] =	ssyncpa.u1 $0x0;
	s7 =	sor.u32 $0x1, s5  }
.LBB1_4:
0xe: {  	s16 =	sshll.u32 s13, $0x3;
	s17 =	sand.u32 $0x78, s13  }
0xf: {  	s30 =	sand.u32 $0x7E00, s13;
	s12 =	sshll.u32 s12, $0xF;
	s16 =	sand.u32 $0xC00, s16  }
0x10: {  	[tilespmem:s15+$0x810 ss:$0x81] =	vst.msk $0xffff, v2;
	s31 =	sand.u32 $0x7, s13;
	s16 =	sor.u32 s17, s16;
	s17 =	sadd.s32 s3, s30  }
0x11: {  	[tilespmem:s15+$0x1020 ss:$0x81] =	vst.msk $0xffff, v0;
	s13 =	sshll.u32 s31, $0x12;
	s12 =	sadd.s32 s12, s17;
	s16 =	sshrl.u32 s16, $0x3  }
0x12: {  	[tilespmem:s15+$0x0 ss:$0x81] =	vst.msk $0xffff, v1;
	s13 =	sor.u32 $0x400, s13;
	s12 =	sadd.s32 s16, s12  }
0x13: {  	[hbm4b:s12+s13] =	stream.strided.scatter [tilespmem:s14], [sflag:$0x2], $0x2000, s8, s13, $0x20;
	[tilespmem:$0x8080] =	vst v63  }
.LBB1_5:
0x14: {  	s14 =	sadd.s32 $0x1, s9  }
0x15: {  	s12 =	sadd.s32 $0x1000, s10;
	s16 =	smov.u32 s10;
	p2 =	sgt.s32 s14, $0xC7  }
0x16: {  	s16 =	smov.u32 @p2 s12  }
0x17: {  	s14 =	simm.s32 @p2 $0x0;
	p2 =	sgt.s32 s16, $0xFFF  }
0x18: {  	s16 =	smov.u32 @p2 s2;
	p2 =	sne.s32 s11, s7  }
.Ltmp1:
0x19: {  	p1 =	slt.u32 s11, $0x2;
	(pc) =	sbr.rel @!p2 .LBB1_6-.Ltmp1, $4  }
0x1a: {  	s15 =	simm.s32 @!p1 $0x2  }
0x1b: {  	s13 =	smov.u32 s10;
	p0 =	por !p0, !p0;
	_ =	swait.ge @!p1 [sflag:s15], $0x2000  }
0x1c: {  	s12 =	smov.u32 s9;
	[sflag:s15] =	ssyncset.done @!p1 $0x0;
	s9 =	smov.u32 s14  }
0x1d: {  	s11 =	sadd.s32 $0x1, s11;
	[sflag:s15] =	ssyncadd.s32 @!p1 $0xFFFFE000;
	s10 =	smov.u32 s16  }
.LBB1_1:
0x1e: {  	p1 =	sge.u32 s11, s5  }
0x1f: {  	s14 =	sand.u32 @!p1 $0x1FFFFFF, s9  }
0x20: {  	s15 =	smulhi.u32 @!p1 $0x147AE15, s14;
	_ =	sdelay $0x1  }
0x21: {  	s15 =	smul.u32 @!p1 $0xC8, s15  }
0x22: {  	s16 =	sxor.u32 @!p1 $0xFFFFFFFF, s11;
	s17 =	smul.u32 @!p1 $0xC80, s10  }
0x23: {  	s31 =	sadd.s32 $0xFFFFFFFF, s11;
	s16 =	sshll.u32 @!p1 s16, $0xD;
	s14 =	ssub.s32 @!p1 s14, s15  }
0x24: {  	s15 =	sand.u32 @!p1 $0x2000, s16;
	s16 =	sadd.s32 @!p1 s6, s17;
	s14 =	sshll.u32 @!p1 s14, $0x4  }
0x25: {  	s17 =	simm.s32 @!p1 $0x6400;
	s14 =	sadd.s32 @!p1 s14, s16;
	s16 =	simm.s32 @!p1 $0x40  }
0x26: {  	[tilespmem:s15], [sflag:$0x1] =	stream.strided.gather @!p1 [hbm4b:s14+s16], $0x2000, s17, s16, $0x38;
	[tilespmem:$0x8080] =	vst v63  }
0x27: {  	p1 =	sge.u32 s31, s5  }
.Ltmp2:
0x28: {  	_ = 	snop;
	(pc) =	sbr.rel @p1 .LBB1_5-.Ltmp2, $1  }
0x29: {  	_ =	sdelay $0x3  }
0x2a: {  	s14 =	simm.s32 $0x1  }
0x2b: {  	_ =	swait.ge [sflag:s4], $0x2000;
	s14 =	simm.s32 @!p0 $0x0  }
0x2c: {  	[sflag:s4] =	ssyncset.done $0x0;
	s15 =	sshll.u32 s14, $0xD  }
0x2d: {  	[sflag:s4] =	ssyncadd.s32 $0xFFFFE000;
	s18 =	sor.u32 $0x20, s15  }
0x2e: {  	s14 =	smul.u32 $0x8100, s14;
	v3 =	vld [tilespmem:s18+$0x10]  }
0x2f: {  	s30 =	sand.u32 $0x1, s11;
	v2 =	vld [tilespmem:s18+$0xFFFFFFF0]  }
0x30: {  	s15 =	smul.u32 $0x8100, s30;
	s14 =	sshrl.u32 s14, $0x2;
	v0 =	vld [tilespmem:s18+$0x0]  }
0x31: {  	v1 =	vld [tilespmem:s18+$0xFFFFFFE0];
	s16 =	sor.u32 $0x4000, s14  }
0x32: {  	s31 =	sshrl.u32 s15, $0x2;
	s15 =	sadd.s32 $0x0, s16  }
0x33: {  	s17 =	simm.s32 $0x4;
	s18 =	sadd.s32 $0x40, s18;
	s14 =	sor.u32 $0x4000, s31;
	[tilespmem:s15+$0x1830 ss:$0x81] =	vst.msk $0xffff, v3  }
.LBB1_3:
0x34: {  	v3 =	vld [tilespmem:s18+$0x10];
	p1 =	sne.s32 s17, $0x1FC;
	[tilespmem:s15+$0x810 ss:$0x81] =	vst.msk $0xffff, v2;
	s19 =	smov.u32 s17;
	s17 =	sadd.s32 $0x4, s17  }
.Ltmp3:
0x35: {  	v2 =	vld [tilespmem:s18+$0xFFFFFFF0];
	[tilespmem:s15+$0x1020 ss:$0x81] =	vst.msk $0xffff, v0;
	(pc) =	sbr.rel @p1 .LBB1_3-.Ltmp3, $4  }
0x36: {  	v0 =	vld [tilespmem:s18+$0x0];
	[tilespmem:s15+$0x0 ss:$0x81] =	vst.msk $0xffff, v1  }
0x37: {  	s15 =	sshra.s32 s19, $0x2;
	v1 =	vld [tilespmem:s18+$0xFFFFFFE0]  }
0x38: {  	s15 =	sadd.s32 s15, s16  }
0x39: {  	s18 =	sadd.s32 $0x40, s18;
	[tilespmem:s15+$0x1830 ss:$0x81] =	vst.msk $0xffff, v3  }
.Ltmp4:
0x3a: {  	_ = 	snop;
	(pc) =	sbr.rel .LBB1_4-.Ltmp4, $1  }
0x3b: {  	_ =	sdelay $0x3  }
.LBB1_6:
0x3c: {  	_ =	sfence.sel $0x180000  }
0x3d: {  	s2 =	simm.s32 $0x1;
	[bflag:$0x0] =	sbarrier.arrive $0xFFFF  }
0x3e: {  	s31 =	simm.s32 $0x2;
	[sflag:s2] =	ssyncpa.u1 $0x1  }
0x3f: {  	[sflag:s31] =	ssyncpa.u1 $0x1  }
0x40: {  	p0 =	sne.s32 s0, $0x0;
	_ =	strace $0x9000004A  }
0x41: {  	s0 =	sadd.s32 @!p0 $0x100000, s1;
	[bflag:$0x2] =	sbarrier.arrive $0xFFFF  }
0x42: {  	[sflag:s0] =	ssyncadd.tile.s32 @!p0 $0x1;
	_ =	shalt  }
.Lfunc_end1:
_tile_overlayer_lowered:
.L_overlay_start_2:
0x43: {  	(tag) =	ssettag $0x2  }
0x44: {  	s0 =	rddreg [dreg:$0x0];
	s2 =	stileid.u32  }
0x45: {  	s1 =	rddreg [dreg:$0x1];
	p0 =	sne.s32 s2, $0x0  }
0x46: {  	s3 =	rddreg [dreg:$0x2];
	[bflag:$0x3] =	sbarrier.arrive $0xFFFF;
	s2 =	simm.s32 @!p0 $0x1C01  }
0x47: {  	[timem:s3], [sflag:s2] =	dma.local @!p0 [hbm:s0], s1  }
0x48: {  	s0 =	simm.s32 @!p0 $0x1  }
0x49: {  	_ =	swait.ge @!p0 [sflag:s0], s1  }
0x4a: {  	s1 =	ssub.s32 @!p0 $0x0, s1;
	[sflag:s0] =	ssyncset.done @!p0 $0x0  }
0x4b: {  	[sflag:s0] =	ssyncadd.s32 @!p0 s1  }
0x4c: {  	[bflag:$0x3] =	sbarrier.arrive $0xFFFF  }
0x4d: {  	_ =	shalt  }

</sc_bundles>
